<compile_context>
chip_gen: v7x
topology: tpu7x:2x2x1
jax: 0.10.2.dev20260603
libtpu: 0.0.44.dev20260713+nightly
codegen_flags: <defaults>
</compile_context>

<pallas_src>
import functools

import jax
import jax.numpy as jnp
from jax import lax
from jax.experimental import pallas as pl
from jax.experimental.pallas import tpu as pltpu
from jax.experimental.pallas import tpu_sc as plsc

NC = 2
NS = 16
L = 16
NW = NC * NS
V = 1000000
VPAD = 1000064
CW = 512
SHARD = 31360
NCHUNK_MAX = 64
CAP = 48
SROWS = 16392


def _pass1(user_ids, item_ids, user_emb_t, item_emb_t, B, F):
    mesh = plsc.VectorSubcoreMesh(core_axis_name="c", subcore_axis_name="s")

    @functools.partial(
        pl.kernel,
        out_type=(jax.ShapeDtypeStruct((SROWS, 128), jnp.float32),
                  jax.ShapeDtypeStruct((SROWS, 128), jnp.float32)),
        mesh=mesh,
        compiler_params=pltpu.CompilerParams(
            needs_layout_passes=False, use_tc_tiling_on_sc=True),
        scratch_types=[
            pltpu.VMEM((B,), jnp.int32),
            pltpu.VMEM((2, F, CW + 1), jnp.float32),
            pltpu.VMEM((NCHUNK_MAX * CAP,), jnp.int32),
            pltpu.VMEM((NCHUNK_MAX * CAP,), jnp.int32),
            pltpu.VMEM((NCHUNK_MAX,), jnp.int32),
            pltpu.VMEM((L,), jnp.int32),
            pltpu.VMEM((L,), jnp.int32),
            pltpu.VMEM((L * 129,), jnp.float32),
            pltpu.VMEM((2, L, 128), jnp.float32),
            pltpu.SemaphoreType.DMA,
            pltpu.SemaphoreType.DMA,
            pltpu.SemaphoreType.DMA,
        ],
    )
    def p1(uids_hbm, iids_hbm, uemb_t, iemb_t, stag_u, stag_i,
           ids_v, cb, ent_id, ent_b, cnts, vs_id, vs_b, tp, td,
           csem, ssem, lsem):
        wid = lax.axis_index("s") * NC + lax.axis_index("c")
        lo = wid * SHARD
        hi = jnp.minimum(lo + SHARD, V)
        nch = (hi - lo + CW - 1) // CW
        lane = lax.iota(jnp.int32, L)
        zeros16 = jnp.zeros((L,), jnp.int32)
        ones16 = jnp.ones((L,), jnp.int32)
        lane0 = lane < 1

        for tb in range(2):
            ids_hbm = uids_hbm if tb == 0 else iids_hbm
            emb = uemb_t if tb == 0 else iemb_t
            stag = stag_u if tb == 0 else stag_i

            def fire(c):
                coff = jnp.minimum(lo + c * CW, VPAD - CW)
                coff = pl.multiple_of(coff, 128)
                return pltpu.async_copy(
                    emb.at[pl.ds(0, F), pl.ds(coff, CW)],
                    cb.at[c % 2, pl.ds(0, F), pl.ds(0, CW)], csem)

            fire(0)

            pltpu.sync_copy(ids_hbm, ids_v)
            for i in range(NCHUNK_MAX // L):
                cnts[pl.ds(i * L, L)] = zeros16

            def scan(g, carry):
                idv = ids_v[pl.ds(g * L, L)]
                m = (idv >= lo) & (idv < hi)
                vs_id[pl.ds(0, L)] = idv
                vs_b[pl.ds(0, L)] = g * L + lane

                def wcond(mm):
                    return plsc.all_reduce_population_count(mm)[0] > 0

                def wbody(mm):
                    j = plsc.all_reduce_ffs(mm)
                    id_j = plsc.load_gather(vs_id, [j])[0]
                    b_j = plsc.load_gather(vs_b, [j])[0]
                    c_e = (id_j - lo) // CW
                    cl = plsc.load_gather(cnts, [jnp.full((L,), c_e,
                                                          jnp.int32)])[0]
                    addr = c_e * CAP + jnp.minimum(cl, CAP - 1)
                    av = jnp.full((L,), addr, jnp.int32)
                    plsc.store_scatter(ent_id, [av],
                                       jnp.full((L,), id_j, jnp.int32),
                                       mask=lane0)
                    plsc.store_scatter(ent_b, [av],
                                       jnp.full((L,), b_j, jnp.int32),
                                       mask=lane0)
                    plsc.addupdate_scatter(
                        cnts, [jnp.full((L,), c_e, jnp.int32)], ones16,
                        mask=lane0)
                    return mm & (lane != j)

                lax.while_loop(wcond, wbody, m)
                return carry

            lax.fori_loop(0, B // L, scan, 0)

            def chunk(c, gidx):
                @pl.when(c + 1 < nch)
                def _():
                    fire(c + 1)

                pltpu.make_async_copy(
                    emb.at[pl.ds(0, F), pl.ds(0, CW)],
                    cb.at[0, pl.ds(0, F), pl.ds(0, CW)], csem).wait()

                coff = jnp.minimum(lo + c * CW, VPAD - CW)
                cnt = plsc.load_gather(
                    cnts, [jnp.full((L,), c, jnp.int32)])[0]

                def group(eg, gi):
                    @pl.when(gi >= 2)
                    def _():
                        pltpu.make_async_copy(
                            stag.at[pl.ds(0, L)],
                            td.at[0, pl.ds(0, L), pl.ds(0, 128)],
                            ssem).wait()

                    base_e = c * CAP + eg * L
                    idv = ent_id[pl.ds(base_e, L)]
                    bv = ent_b[pl.ds(base_e, L)]
                    em = (eg * L + lane) < cnt
                    sv = jnp.clip(idv - coff, 0, CW - 1)
                    pvec = jnp.full((L,), c % 2, jnp.int32)
                    addr0 = lane * 129
                    for f in range(F):
                        vals = plsc.load_gather(
                            cb, [pvec, jnp.full((L,), f, jnp.int32), sv])
                        plsc.store_scatter(tp, [addr0 + f], vals)
                    slot = gi % 2
                    for j in range(L):
                        td[slot, j, pl.ds(0, L)] = tp[pl.ds(j * 129, L)]
                        td[slot, j, pl.ds(L, L)] = tp[pl.ds(j * 129 + L, L)]
                    b_sel = jnp.where(em, bv, jnp.full((L,), SROWS - 2,
                                                       jnp.int32))
                    pltpu.async_copy(
                        td.at[slot, pl.ds(0, L), pl.ds(0, 128)],
                        stag.at[b_sel], ssem)
                    return gi + 1

                return lax.fori_loop(0, (cnt + L - 1) // L, group, gidx)

            gidx = lax.fori_loop(0, nch, chunk, 0)

            @pl.when(gidx >= 1)
            def _():
                pltpu.make_async_copy(
                    stag.at[pl.ds(0, L)],
                    td.at[0, pl.ds(0, L), pl.ds(0, 128)], ssem).wait()

            @pl.when(gidx >= 2)
            def _():
                pltpu.make_async_copy(
                    stag.at[pl.ds(0, L)],
                    td.at[0, pl.ds(0, L), pl.ds(0, 128)], ssem).wait()

    return p1(user_ids, item_ids, user_emb_t, item_emb_t)


def _pass2_body(su_ref, si_ref, o_ref):
    prod = su_ref[...] * si_ref[...]
    o_ref[...] = jnp.maximum(jnp.sum(prod[:, :32], axis=1), 0.0)


def _pass2(stag_u, stag_i, B):
    blk = 2048
    return pl.pallas_call(
        _pass2_body,
        grid=(B // blk,),
        in_specs=[
            pl.BlockSpec((blk, 128), lambda i: (i, 0)),
            pl.BlockSpec((blk, 128), lambda i: (i, 0)),
        ],
        out_specs=pl.BlockSpec((blk,), lambda i: (i,)),
        out_shape=jax.ShapeDtypeStruct((B,), jnp.float32),
    )(stag_u, stag_i)


@functools.partial(jax.jit, static_argnames=("B", "F"))
def _gmf(user_ids, item_ids, user_emb_t, item_emb_t, *, B, F):
    stag_u, stag_i = _pass1(user_ids, item_ids, user_emb_t, item_emb_t, B, F)
    return _pass2(stag_u, stag_i, B)


def kernel(user_ids, item_ids, user_emb, item_emb):
    B = user_ids.shape[0]
    F = user_emb.shape[1]
    return _gmf(user_ids.astype(jnp.int32), item_ids.astype(jnp.int32),
                user_emb.T, item_emb.T, B=B, F=F)

# --- scband reference (transcript-rebuilt; emitter-appended) ---
"""Pipeline reference for scband-gmf-49804440764562 (READ-ONLY COPY).

The authoritative reference and input builder live on the scoring server;
editing this copy changes nothing except your own understanding.
"""

import jax, jax.numpy as jnp
import numpy as np

NUM_USERS = 1000000
NUM_ITEMS = 1000000
NUM_FACTORS = 32
BATCH = 16384

def setup_inputs(seed: int = 0) -> dict:
    key = jax.random.key(seed)
    k1, k2, k3, k4 = jax.random.split(key, 4)
    user_ids = jax.random.randint(k1, (BATCH,), 0, NUM_USERS, dtype=jnp.int64 if jax.config.jax_enable_x64 else jnp.int32)
    item_ids = jax.random.randint(k2, (BATCH,), 0, NUM_ITEMS, dtype=jnp.int64 if jax.config.jax_enable_x64 else jnp.int32)
    user_emb = jax.random.normal(k3, (NUM_USERS, NUM_FACTORS), dtype=jnp.float32) * 0.01
    item_emb = jax.random.normal(k4, (NUM_ITEMS, NUM_FACTORS), dtype=jnp.float32) * 0.01
    return {"user_ids": user_ids, "item_ids": item_ids, "user_emb": user_emb, "item_emb": item_emb}

def reference(user_ids, item_ids, user_emb, item_emb):
    # Embedding lookups (gather)
    user_embedding = jnp.take(user_emb, user_ids, axis=0)  # [B, F]
    item_embedding = jnp.take(item_emb, item_ids, axis=0)  # [B, F]
    output = (user_embedding * item_embedding).sum(axis=1)  # [B]
    return jax.nn.relu(output)

if __name__ == "__main__":
    import jax
    _d = setup_inputs()
    print(jax.jit(kernel)(*tuple(_d.values())))

</pallas_src>

<mosaic_0001>
#map = affine_map<(d0, d1) -> (0)>
#map1 = affine_map<(d0, d1) -> (0, 0)>
module attributes {stable_mosaic.version = 14 : i64} {
  func.func @p1(%arg0: i32, %arg1: i32, %arg2: memref<16384xi32, #tpu.memory_space<hbm>>, %arg3: memref<16384xi32, #tpu.memory_space<hbm>>, %arg4: memref<32x1000000xf32, #tpu.memory_space<hbm>>, %arg5: memref<32x1000000xf32, #tpu.memory_space<hbm>>, %arg6: memref<16392x128xf32, #tpu.memory_space<hbm>>, %arg7: memref<16392x128xf32, #tpu.memory_space<hbm>>, %arg8: memref<16384xi32, #tpu.memory_space<vmem>>, %arg9: memref<2x32x513xf32, #tpu.memory_space<vmem>>, %arg10: memref<3072xi32, #tpu.memory_space<vmem>>, %arg11: memref<3072xi32, #tpu.memory_space<vmem>>, %arg12: memref<64xi32, #tpu.memory_space<vmem>>, %arg13: memref<16xi32, #tpu.memory_space<vmem>>, %arg14: memref<16xi32, #tpu.memory_space<vmem>>, %arg15: memref<2064xf32, #tpu.memory_space<vmem>>, %arg16: memref<2x16x128xf32, #tpu.memory_space<vmem>>, %arg17: memref<!tpu.dma_semaphore, #tpu.memory_space<semaphore_mem>>, %arg18: memref<!tpu.dma_semaphore, #tpu.memory_space<semaphore_mem>>, %arg19: memref<!tpu.dma_semaphore, #tpu.memory_space<semaphore_mem>>) attributes {dimension_semantics = [#tpu.dimension_semantics<core_parallel>, #tpu.dimension_semantics<subcore_parallel>], iteration_bounds = array<i64: 2, 16>, scalar_prefetch = 0 : i64, scratch_operands = 12 : i64, tpu.core_type = #tpu.core_type<sc_vector_subcore>, window_params = [{transform_indices = #map}, {transform_indices = #map}, {transform_indices = #map1}, {transform_indices = #map1}, {transform_indices = #map1}, {transform_indices = #map1}]} {
    %mul3A = arith.constant 2 : i32
    %mul3A_0 = arith.muli %arg1, %mul3A : i32
    %add3A = arith.addi %mul3A_0, %arg0 : i32
    %mul3A_1 = arith.constant 31360 : i32
    %mul3A_2 = arith.muli %add3A, %mul3A_1 : i32
    %add3A_3 = arith.constant 31360 : i32
    %add3A_4 = arith.addi %mul3A_2, %add3A_3 : i32
    %min3A = arith.constant 1000000 : i32
    %min3A_5 = arith.minsi %add3A_4, %min3A : i32
    %sub3A = arith.subi %min3A_5, %mul3A_2 : i32
    %add3A_6 = arith.constant 512 : i32
    %add3A_7 = arith.addi %sub3A, %add3A_6 : i32
    %sub3A_8 = arith.constant 1 : i32
    %sub3A_9 = arith.subi %add3A_7, %sub3A_8 : i32
    %jit3A = arith.constant 512 : i32
    %div3A = arith.divsi %sub3A_9, %jit3A : i32
    %sign3A = arith.constant 0 : i32
    %sign3A_10 = arith.cmpi sgt, %sub3A_9, %sign3A : i32
    %sign3A_11 = arith.extui %sign3A_10 : i1 to i32
    %sign3A_12 = arith.constant 0 : i32
    %sign3A_13 = arith.cmpi slt, %sub3A_9, %sign3A_12 : i32
    %sign3A_14 = arith.extui %sign3A_13 : i1 to i32
    %sign3A_15 = arith.subi %sign3A_11, %sign3A_14 : i32
    %sign3A_16 = arith.constant 0 : i32
    %sign3A_17 = arith.cmpi sgt, %jit3A, %sign3A_16 : i32
    %sign3A_18 = arith.extui %sign3A_17 : i1 to i32
    %sign3A_19 = arith.constant 0 : i32
    %sign3A_20 = arith.cmpi slt, %jit3A, %sign3A_19 : i32
    %sign3A_21 = arith.extui %sign3A_20 : i1 to i32
    %sign3A_22 = arith.subi %sign3A_18, %sign3A_21 : i32
    %ne3A = arith.cmpi ne, %sign3A_15, %sign3A_22 : i32
    %rem3A = arith.remsi %sub3A_9, %jit3A : i32
    %ne3A_23 = arith.constant 0 : i32
    %ne3A_24 = arith.cmpi ne, %rem3A, %ne3A_23 : i32
    %and3A = arith.andi %ne3A, %ne3A_24 : i1
    %sub3A_25 = arith.constant 1 : i32
    %sub3A_26 = arith.subi %div3A, %sub3A_25 : i32
    %select_n3A = arith.select %and3A, %sub3A_26, %div3A : i32
    %iota3A = tpu.iota {dimensions = array<i32: 0>} : vector<16xi32>
    %broadcast_in_dim3A = arith.constant 0 : i32
    %broadcast_in_dim3A_27 = vector.broadcast %broadcast_in_dim3A : i32 to vector<16xi32>
    %broadcast_in_dim3A_28 = arith.constant 1 : i32
    %broadcast_in_dim3A_29 = vector.broadcast %broadcast_in_dim3A_28 : i32 to vector<16xi32>
    %lt3A = arith.constant 1 : i32
    %lt3A_30 = vector.broadcast %lt3A : i32 to vector<16xi32>
    %lt3A_31 = arith.cmpi slt, %iota3A, %lt3A_30 : vector<16xi32>
    %add3A_32 = arith.constant 0 : i32
    %add3A_33 = arith.addi %mul3A_2, %add3A_32 : i32
    %min3A_34 = arith.constant 999552 : i32
    %min3A_35 = arith.minsi %add3A_33, %min3A_34 : i32
    %multiple_of3A = tpu.assume_multiple %min3A_35, 128 : i32
    %dma_start3A = arith.constant 0 : i32
    %dma_start3A_36 = arith.constant 0 : i32
    %dma_start3A_37 = arith.constant 0 : i32
    %dma_start3A_38 = tpu.memref_slice %arg9[%dma_start3A, %dma_start3A_36, %dma_start3A_37] : memref<2x32x513xf32, #tpu.memory_space<vmem>> -> memref<1x32x512xf32, #tpu.memory_space<vmem>>
    %dma_start3A_39 = tpu.memref_squeeze %dma_start3A_38 : memref<1x32x512xf32, #tpu.memory_space<vmem>> -> memref<32x512xf32, #tpu.memory_space<vmem>>
    %dma_start3A_40 = arith.constant 0 : i32
    %dma_start3A_41 = tpu.memref_slice %arg4[%dma_start3A_40, %multiple_of3A] : memref<32x1000000xf32, #tpu.memory_space<hbm>> -> memref<32x512xf32, #tpu.memory_space<hbm>>
    %dma_start3A_42 = arith.constant 0 : i32
    %dma_start3A_43 = arith.constant 0 : i32
    %dma_start3A_44 = tpu.memref_slice %arg9[%dma_start3A, %dma_start3A_42, %dma_start3A_43] : memref<2x32x513xf32, #tpu.memory_space<vmem>> -> memref<1x32x512xf32, #tpu.memory_space<vmem>>
    %dma_start3A_45 = tpu.memref_squeeze %dma_start3A_44 : memref<1x32x512xf32, #tpu.memory_space<vmem>> -> memref<32x512xf32, #tpu.memory_space<vmem>>
    %dma_start3A_46 = arith.constant 0 : i32
    %dma_start3A_47 = tpu.memref_slice %arg4[%dma_start3A_46, %multiple_of3A] : memref<32x1000000xf32, #tpu.memory_space<hbm>> -> memref<32x512xf32, #tpu.memory_space<hbm>>
    tpu.enqueue_dma source(%dma_start3A_47 : memref<32x512xf32, #tpu.memory_space<hbm>>) target(%dma_start3A_45 : memref<32x512xf32, #tpu.memory_space<vmem>>) target_semaphore(%arg17 : memref<!tpu.dma_semaphore, #tpu.memory_space<semaphore_mem>>)
    "tpu.region"() ({
      %run_scoped3A = tpu.sem_alloc : memref<!tpu.dma_semaphore, #tpu.memory_space<semaphore_mem>>
      tpu.enqueue_dma source(%arg2 : memref<16384xi32, #tpu.memory_space<hbm>>) target(%arg8 : memref<16384xi32, #tpu.memory_space<vmem>>) target_semaphore(%run_scoped3A : memref<!tpu.dma_semaphore, #tpu.memory_space<semaphore_mem>>)
      tpu.wait_dma2 semaphore(%run_scoped3A : memref<!tpu.dma_semaphore, #tpu.memory_space<semaphore_mem>>) src(%arg2 : memref<16384xi32, #tpu.memory_space<hbm>>) dst(%arg8 : memref<16384xi32, #tpu.memory_space<vmem>>)
      tpu.yield
    }) : () -> ()
    %swap3A = arith.constant 0 : index
    %swap3A_48 = tpu.vector_load %arg12[%swap3A] {strides = array<i32>} : memref<64xi32, #tpu.memory_space<vmem>>, vector<16xi32>,
    tpu.vector_store %arg12[%swap3A], %broadcast_in_dim3A_27 {strides = array<i32>} : memref<64xi32, #tpu.memory_space<vmem>>, vector<16xi32>,
    %swap3A_49 = arith.constant 16 : index
    %swap3A_50 = tpu.vector_load %arg12[%swap3A_49] {strides = array<i32>} : memref<64xi32, #tpu.memory_space<vmem>>, vector<16xi32>,
    tpu.vector_store %arg12[%swap3A_49], %broadcast_in_dim3A_27 {strides = array<i32>} : memref<64xi32, #tpu.memory_space<vmem>>, vector<16xi32>,
    %swap3A_51 = arith.constant 32 : index
    %swap3A_52 = tpu.vector_load %arg12[%swap3A_51] {strides = array<i32>} : memref<64xi32, #tpu.memory_space<vmem>>, vector<16xi32>,
    tpu.vector_store %arg12[%swap3A_51], %broadcast_in_dim3A_27 {strides = array<i32>} : memref<64xi32, #tpu.memory_space<vmem>>, vector<16xi32>,
    %swap3A_53 = arith.constant 48 : index
    %swap3A_54 = tpu.vector_load %arg12[%swap3A_53] {strides = array<i32>} : memref<64xi32, #tpu.memory_space<vmem>>, vector<16xi32>,
    tpu.vector_store %arg12[%swap3A_53], %broadcast_in_dim3A_27 {strides = array<i32>} : memref<64xi32, #tpu.memory_space<vmem>>, vector<16xi32>,
    %scan3A = arith.constant 0 : i32
    %scan3A_55 = arith.constant 0 : i32
    %scan3A_56 = arith.constant 1024 : i32
    %scan3A_57 = arith.addi %scan3A_55, %scan3A_56 : i32
    %scan3A_58 = arith.constant 1 : i32
    scf.for %scan3A_132 = %scan3A_55 to %scan3A_57 step %scan3A_58  : i32 {
      %mul3A_133 = arith.constant 16 : i32
      %mul3A_134 = arith.muli %scan3A_132, %mul3A_133 : i32
      %get3A = arith.index_cast %mul3A_134 : i32 to index
      %get3A_135 = tpu.vector_load %arg8[%get3A] {strides = array<i32>} : memref<16384xi32, #tpu.memory_space<vmem>>, vector<16xi32>,
      %ge3A_136 = vector.broadcast %mul3A_2 : i32 to vector<16xi32>
      %ge3A_137 = arith.cmpi sge, %get3A_135, %ge3A_136 : vector<16xi32>
      %lt3A_138 = vector.broadcast %min3A_5 : i32 to vector<16xi32>
      %lt3A_139 = arith.cmpi slt, %get3A_135, %lt3A_138 : vector<16xi32>
      %and3A_140 = arith.andi %ge3A_137, %lt3A_139 : vector<16xi1>
      %swap3A_141 = arith.constant 0 : index
      %swap3A_142 = tpu.vector_load %arg13[%swap3A_141] {strides = array<i32>} : memref<16xi32, #tpu.memory_space<vmem>>, vector<16xi32>,
      tpu.vector_store %arg13[%swap3A_141], %get3A_135 {strides = array<i32>} : memref<16xi32, #tpu.memory_space<vmem>>, vector<16xi32>,
      %mul3A_143 = arith.constant 16 : i32
      %mul3A_144 = arith.muli %scan3A_132, %mul3A_143 : i32
      %add3A_145 = vector.broadcast %mul3A_144 : i32 to vector<16xi32>
      %add3A_146 = arith.addi %add3A_145, %iota3A : vector<16xi32>
      %swap3A_147 = arith.constant 0 : index
      %swap3A_148 = tpu.vector_load %arg14[%swap3A_147] {strides = array<i32>} : memref<16xi32, #tpu.memory_space<vmem>>, vector<16xi32>,
      tpu.vector_store %arg14[%swap3A_147], %add3A_146 {strides = array<i32>} : memref<16xi32, #tpu.memory_space<vmem>>, vector<16xi32>,
      %while3A_149 = scf.while (%while3A_150 = %and3A_140) : (vector<16xi1>) -> vector<16xi1> {
        %all_reduce_population_count3A = tpu.all_reduce %while3A_150 {dim = 0 : i64, kind = #tpu.reduction_kind<sum>} : vector<16xi1> -> vector<16xi32>
        %slice3A = vector.extract_strided_slice %all_reduce_population_count3A {offsets = [0], sizes = [1], strides = [1]} : vector<16xi32> to vector<1xi32>
        %squeeze3A = vector.extract %slice3A[0] : i32 from vector<1xi32>
        %gt3A = arith.constant 0 : i32
        %gt3A_151 = arith.cmpi sgt, %squeeze3A, %gt3A : i32
        scf.condition(%gt3A_151) %while3A_150 : vector<16xi1>
      } do {
      ^bb0(%while3A_150: vector<16xi1>):
        %all_reduce_ffs3A = tpu.all_reduce %while3A_150 {dim = 0 : i64, kind = #tpu.reduction_kind<find_first_set>} : vector<16xi1> -> vector<16xi32>
        %gather3A = tpu.vector_load_idx %arg13[%all_reduce_ffs3A] : memref<16xi32, #tpu.memory_space<vmem>>[vector<16xi32>], vector<16xi32>,
        %slice3A = vector.extract_strided_slice %gather3A {offsets = [0], sizes = [1], strides = [1]} : vector<16xi32> to vector<1xi32>
        %squeeze3A = vector.extract %slice3A[0] : i32 from vector<1xi32>
        %gather3A_151 = tpu.vector_load_idx %arg14[%all_reduce_ffs3A] : memref<16xi32, #tpu.memory_space<vmem>>[vector<16xi32>], vector<16xi32>,
        %slice3A_152 = vector.extract_strided_slice %gather3A_151 {offsets = [0], sizes = [1], strides = [1]} : vector<16xi32> to vector<1xi32>
        %squeeze3A_153 = vector.extract %slice3A_152[0] : i32 from vector<1xi32>
        %sub3A_154 = arith.subi %squeeze3A, %mul3A_2 : i32
        %jit3A_155 = arith.constant 512 : i32
        %div3A_156 = arith.divsi %sub3A_154, %jit3A_155 : i32
        %sign3A_157 = arith.constant 0 : i32
        %sign3A_158 = arith.cmpi sgt, %sub3A_154, %sign3A_157 : i32
        %sign3A_159 = arith.extui %sign3A_158 : i1 to i32
        %sign3A_160 = arith.constant 0 : i32
        %sign3A_161 = arith.cmpi slt, %sub3A_154, %sign3A_160 : i32
        %sign3A_162 = arith.extui %sign3A_161 : i1 to i32
        %sign3A_163 = arith.subi %sign3A_159, %sign3A_162 : i32
        %sign3A_164 = arith.constant 0 : i32
        %sign3A_165 = arith.cmpi sgt, %jit3A_155, %sign3A_164 : i32
        %sign3A_166 = arith.extui %sign3A_165 : i1 to i32
        %sign3A_167 = arith.constant 0 : i32
        %sign3A_168 = arith.cmpi slt, %jit3A_155, %sign3A_167 : i32
        %sign3A_169 = arith.extui %sign3A_168 : i1 to i32
        %sign3A_170 = arith.subi %sign3A_166, %sign3A_169 : i32
        %ne3A_171 = arith.cmpi ne, %sign3A_163, %sign3A_170 : i32
        %rem3A_172 = arith.remsi %sub3A_154, %jit3A_155 : i32
        %ne3A_173 = arith.constant 0 : i32
        %ne3A_174 = arith.cmpi ne, %rem3A_172, %ne3A_173 : i32
        %and3A_175 = arith.andi %ne3A_171, %ne3A_174 : i1
        %sub3A_176 = arith.constant 1 : i32
        %sub3A_177 = arith.subi %div3A_156, %sub3A_176 : i32
        %select_n3A_178 = arith.select %and3A_175, %sub3A_177, %div3A_156 : i32
        %broadcast_in_dim3A_179 = vector.broadcast %select_n3A_178 : i32 to vector<16xi32>
        %gather3A_180 = tpu.vector_load_idx %arg12[%broadcast_in_dim3A_179] : memref<64xi32, #tpu.memory_space<vmem>>[vector<16xi32>], vector<16xi32>,
        %slice3A_181 = vector.extract_strided_slice %gather3A_180 {offsets = [0], sizes = [1], strides = [1]} : vector<16xi32> to vector<1xi32>
        %squeeze3A_182 = vector.extract %slice3A_181[0] : i32 from vector<1xi32>
        %mul3A_183 = arith.constant 48 : i32
        %mul3A_184 = arith.muli %select_n3A_178, %mul3A_183 : i32
        %min3A_185 = arith.constant 47 : i32
        %min3A_186 = arith.minsi %squeeze3A_182, %min3A_185 : i32
        %add3A_187 = arith.addi %mul3A_184, %min3A_186 : i32
        %broadcast_in_dim3A_188 = vector.broadcast %add3A_187 : i32 to vector<16xi32>
        %broadcast_in_dim3A_189 = vector.broadcast %squeeze3A : i32 to vector<16xi32>
        tpu.vector_store_idx %arg10[%broadcast_in_dim3A_188], %broadcast_in_dim3A_189 masked %lt3A_31 : memref<3072xi32, #tpu.memory_space<vmem>>[vector<16xi32>], vector<16xi32>, vector<16xi1>
        %broadcast_in_dim3A_190 = vector.broadcast %squeeze3A_153 : i32 to vector<16xi32>
        tpu.vector_store_idx %arg11[%broadcast_in_dim3A_188], %broadcast_in_dim3A_190 masked %lt3A_31 : memref<3072xi32, #tpu.memory_space<vmem>>[vector<16xi32>], vector<16xi32>, vector<16xi1>
        %broadcast_in_dim3A_191 = vector.broadcast %select_n3A_178 : i32 to vector<16xi32>
        tpu.vector_store_idx %arg12[%broadcast_in_dim3A_191], %broadcast_in_dim3A_29 masked %lt3A_31 {add = true} : memref<64xi32, #tpu.memory_space<vmem>>[vector<16xi32>], vector<16xi32>, vector<16xi1>
        %ne3A_192 = arith.cmpi ne, %iota3A, %all_reduce_ffs3A : vector<16xi32>
        %and3A_193 = arith.andi %while3A_150, %ne3A_192 : vector<16xi1>
        scf.yield %and3A_193 : vector<16xi1>
      }
    }
    %scan3A_59 = arith.constant 1024 : i32
    %while3A = arith.constant 0 : i32
    %while3A_60 = arith.constant 0 : i32
    %while3A_61 = arith.subi %select_n3A, %while3A : i32
    %while3A_62 = arith.addi %while3A, %while3A_61 : i32
    %while3A_63 = arith.constant 1 : i32
    %while3A_64 = arith.divsi %while3A_61, %while3A_63 : i32
    %while3A_65 = arith.muli %while3A_64, %while3A_63 : i32
    %while3A_66 = arith.addi %while3A, %while3A_65 : i32
    %while3A_67 = arith.constant 1 : i32
    %while3A_68 = scf.for %while3A_132 = %while3A to %while3A_66 step %while3A_67 iter_args(%while3A_133 = %while3A_60) -> (i32)  : i32 {
      %add3A_134 = arith.constant 1 : i32
      %add3A_135 = arith.addi %while3A_132, %add3A_134 : i32
      %lt3A_136 = arith.cmpi slt, %add3A_135, %select_n3A : i32
      %convert_element_type3A_137 = arith.extui %lt3A_136 : i1 to i32
      %cond3A_138 = arith.constant 0 : i32
      %cond3A_139 = arith.cmpi ne, %convert_element_type3A_137, %cond3A_138 : i32
      scf.if %cond3A_139 {
        %add3A_199 = arith.constant 1 : i32
        %add3A_200 = arith.addi %while3A_132, %add3A_199 : i32
        %mul3A_201 = arith.constant 512 : i32
        %mul3A_202 = arith.muli %add3A_200, %mul3A_201 : i32
        %add3A_203 = arith.addi %mul3A_2, %mul3A_202 : i32
        %min3A_204 = arith.constant 999552 : i32
        %min3A_205 = arith.minsi %add3A_203, %min3A_204 : i32
        %multiple_of3A_206 = tpu.assume_multiple %min3A_205, 128 : i32
        %jit3A_207 = arith.constant 2 : i32
        %eq3A = arith.constant 0 : i32
        %eq3A_208 = arith.cmpi eq, %jit3A_207, %eq3A : i32
        %jit3A_209 = arith.constant 1 : i32
        %select_n3A_210 = arith.select %eq3A_208, %jit3A_209, %jit3A_207 : i32
        %rem3A_211 = arith.remsi %add3A_200, %select_n3A_210 : i32
        %ne3A_212 = arith.constant 0 : i32
        %ne3A_213 = arith.cmpi ne, %rem3A_211, %ne3A_212 : i32
        %lt3A_214 = arith.constant 0 : i32
        %lt3A_215 = arith.cmpi slt, %rem3A_211, %lt3A_214 : i32
        %lt3A_216 = arith.constant 0 : i32
        %lt3A_217 = arith.cmpi slt, %select_n3A_210, %lt3A_216 : i32
        %ne3A_218 = arith.xori %lt3A_215, %lt3A_217 : i1
        %and3A_219 = arith.andi %ne3A_218, %ne3A_213 : i1
        %add3A_220 = arith.addi %rem3A_211, %select_n3A_210 : i32
        %select_n3A_221 = arith.select %and3A_219, %add3A_220, %rem3A_211 : i32
        %dma_start3A_222 = arith.constant 0 : i32
        %dma_start3A_223 = arith.constant 0 : i32
        %dma_start3A_224 = tpu.memref_slice %arg9[%select_n3A_221, %dma_start3A_222, %dma_start3A_223] : memref<2x32x513xf32, #tpu.memory_space<vmem>> -> memref<1x32x512xf32, #tpu.memory_space<vmem>>
        %dma_start3A_225 = tpu.memref_squeeze %dma_start3A_224 : memref<1x32x512xf32, #tpu.memory_space<vmem>> -> memref<32x512xf32, #tpu.memory_space<vmem>>
        %dma_start3A_226 = arith.constant 0 : i32
        %dma_start3A_227 = tpu.memref_slice %arg4[%dma_start3A_226, %multiple_of3A_206] : memref<32x1000000xf32, #tpu.memory_space<hbm>> -> memref<32x512xf32, #tpu.memory_space<hbm>>
        %dma_start3A_228 = arith.constant 0 : i32
        %dma_start3A_229 = arith.constant 0 : i32
        %dma_start3A_230 = tpu.memref_slice %arg9[%select_n3A_221, %dma_start3A_228, %dma_start3A_229] : memref<2x32x513xf32, #tpu.memory_space<vmem>> -> memref<1x32x512xf32, #tpu.memory_space<vmem>>
        %dma_start3A_231 = tpu.memref_squeeze %dma_start3A_230 : memref<1x32x512xf32, #tpu.memory_space<vmem>> -> memref<32x512xf32, #tpu.memory_space<vmem>>
        %dma_start3A_232 = arith.constant 0 : i32
        %dma_start3A_233 = tpu.memref_slice %arg4[%dma_start3A_232, %multiple_of3A_206] : memref<32x1000000xf32, #tpu.memory_space<hbm>> -> memref<32x512xf32, #tpu.memory_space<hbm>>
        tpu.enqueue_dma source(%dma_start3A_233 : memref<32x512xf32, #tpu.memory_space<hbm>>) target(%dma_start3A_231 : memref<32x512xf32, #tpu.memory_space<vmem>>) target_semaphore(%arg17 : memref<!tpu.dma_semaphore, #tpu.memory_space<semaphore_mem>>)
      } else {
      }
      %dma_wait3A = arith.constant 0 : i32
      %dma_wait3A_140 = arith.constant 0 : i32
      %dma_wait3A_141 = arith.constant 0 : i32
      %dma_wait3A_142 = tpu.memref_slice %arg9[%dma_wait3A, %dma_wait3A_140, %dma_wait3A_141] : memref<2x32x513xf32, #tpu.memory_space<vmem>> -> memref<1x32x512xf32, #tpu.memory_space<vmem>>
      %dma_wait3A_143 = tpu.memref_squeeze %dma_wait3A_142 : memref<1x32x512xf32, #tpu.memory_space<vmem>> -> memref<32x512xf32, #tpu.memory_space<vmem>>
      %dma_wait3A_144 = arith.constant 0 : i32
      %dma_wait3A_145 = arith.constant 0 : i32
      %dma_wait3A_146 = tpu.memref_slice %arg4[%dma_wait3A_144, %dma_wait3A_145] : memref<32x1000000xf32, #tpu.memory_space<hbm>> -> memref<32x512xf32, #tpu.memory_space<hbm>>
      %dma_wait3A_147 = arith.constant 0 : i32
      %dma_wait3A_148 = arith.constant 0 : i32
      %dma_wait3A_149 = tpu.memref_slice %arg9[%dma_wait3A, %dma_wait3A_147, %dma_wait3A_148] : memref<2x32x513xf32, #tpu.memory_space<vmem>> -> memref<1x32x512xf32, #tpu.memory_space<vmem>>
      %dma_wait3A_150 = tpu.memref_squeeze %dma_wait3A_149 : memref<1x32x512xf32, #tpu.memory_space<vmem>> -> memref<32x512xf32, #tpu.memory_space<vmem>>
      %dma_wait3A_151 = arith.constant 0 : i32
      %dma_wait3A_152 = arith.constant 0 : i32
      %dma_wait3A_153 = tpu.memref_slice %arg4[%dma_wait3A_151, %dma_wait3A_152] : memref<32x1000000xf32, #tpu.memory_space<hbm>> -> memref<32x512xf32, #tpu.memory_space<hbm>>
      tpu.wait_dma2 semaphore(%arg17 : memref<!tpu.dma_semaphore, #tpu.memory_space<semaphore_mem>>) src(%dma_wait3A_153 : memref<32x512xf32, #tpu.memory_space<hbm>>) dst(%dma_wait3A_150 : memref<32x512xf32, #tpu.memory_space<vmem>>)
      %mul3A_154 = arith.constant 512 : i32
      %mul3A_155 = arith.muli %while3A_132, %mul3A_154 : i32
      %add3A_156 = arith.addi %mul3A_2, %mul3A_155 : i32
      %min3A_157 = arith.constant 999552 : i32
      %min3A_158 = arith.minsi %add3A_156, %min3A_157 : i32
      %broadcast_in_dim3A_159 = vector.broadcast %while3A_132 : i32 to vector<16xi32>
      %gather3A = tpu.vector_load_idx %arg12[%broadcast_in_dim3A_159] : memref<64xi32, #tpu.memory_space<vmem>>[vector<16xi32>], vector<16xi32>,
      %slice3A = vector.extract_strided_slice %gather3A {offsets = [0], sizes = [1], strides = [1]} : vector<16xi32> to vector<1xi32>
      %squeeze3A = vector.extract %slice3A[0] : i32 from vector<1xi32>
      %add3A_160 = arith.constant 16 : i32
      %add3A_161 = arith.addi %squeeze3A, %add3A_160 : i32
      %sub3A_162 = arith.constant 1 : i32
      %sub3A_163 = arith.subi %add3A_161, %sub3A_162 : i32
      %jit3A_164 = arith.constant 16 : i32
      %div3A_165 = arith.divsi %sub3A_163, %jit3A_164 : i32
      %sign3A_166 = arith.constant 0 : i32
      %sign3A_167 = arith.cmpi sgt, %sub3A_163, %sign3A_166 : i32
      %sign3A_168 = arith.extui %sign3A_167 : i1 to i32
      %sign3A_169 = arith.constant 0 : i32
      %sign3A_170 = arith.cmpi slt, %sub3A_163, %sign3A_169 : i32
      %sign3A_171 = arith.extui %sign3A_170 : i1 to i32
      %sign3A_172 = arith.subi %sign3A_168, %sign3A_171 : i32
      %sign3A_173 = arith.constant 0 : i32
      %sign3A_174 = arith.cmpi sgt, %jit3A_164, %sign3A_173 : i32
      %sign3A_175 = arith.extui %sign3A_174 : i1 to i32
      %sign3A_176 = arith.constant 0 : i32
      %sign3A_177 = arith.cmpi slt, %jit3A_164, %sign3A_176 : i32
      %sign3A_178 = arith.extui %sign3A_177 : i1 to i32
      %sign3A_179 = arith.subi %sign3A_175, %sign3A_178 : i32
      %ne3A_180 = arith.cmpi ne, %sign3A_172, %sign3A_179 : i32
      %rem3A_181 = arith.remsi %sub3A_163, %jit3A_164 : i32
      %ne3A_182 = arith.constant 0 : i32
      %ne3A_183 = arith.cmpi ne, %rem3A_181, %ne3A_182 : i32
      %and3A_184 = arith.andi %ne3A_180, %ne3A_183 : i1
      %sub3A_185 = arith.constant 1 : i32
      %sub3A_186 = arith.subi %div3A_165, %sub3A_185 : i32
      %select_n3A_187 = arith.select %and3A_184, %sub3A_186, %div3A_165 : i32
      %while3A_188 = arith.constant 0 : i32
      %while3A_189 = arith.subi %select_n3A_187, %while3A_188 : i32
      %while3A_190 = arith.addi %while3A_188, %while3A_189 : i32
      %while3A_191 = arith.constant 1 : i32
      %while3A_192 = arith.divsi %while3A_189, %while3A_191 : i32
      %while3A_193 = arith.muli %while3A_192, %while3A_191 : i32
      %while3A_194 = arith.addi %while3A_188, %while3A_193 : i32
      %while3A_195 = arith.constant 1 : i32
      %while3A_196 = scf.for %while3A_199 = %while3A_188 to %while3A_194 step %while3A_195 iter_args(%while3A_200 = %while3A_133) -> (i32)  : i32 {
        %ge3A_201 = arith.constant 2 : i32
        %ge3A_202 = arith.cmpi sge, %while3A_200, %ge3A_201 : i32
        %convert_element_type3A_203 = arith.extui %ge3A_202 : i1 to i32
        %cond3A_204 = arith.constant 0 : i32
        %cond3A_205 = arith.cmpi ne, %convert_element_type3A_203, %cond3A_204 : i32
        scf.if %cond3A_205 {
          %dma_wait3A_690 = arith.constant 0 : i32
          %dma_wait3A_691 = arith.constant 0 : i32
          %dma_wait3A_692 = arith.constant 0 : i32
          %dma_wait3A_693 = tpu.memref_slice %arg16[%dma_wait3A_690, %dma_wait3A_691, %dma_wait3A_692] : memref<2x16x128xf32, #tpu.memory_space<vmem>> -> memref<1x16x128xf32, #tpu.memory_space<vmem>>
          %dma_wait3A_694 = tpu.memref_squeeze %dma_wait3A_693 : memref<1x16x128xf32, #tpu.memory_space<vmem>> -> memref<16x128xf32, #tpu.memory_space<vmem>>
          %dma_wait3A_695 = arith.constant 0 : i32
          %dma_wait3A_696 = arith.constant 0 : i32
          %dma_wait3A_697 = tpu.memref_slice %arg6[%dma_wait3A_695, %dma_wait3A_696] : memref<16392x128xf32, #tpu.memory_space<hbm>> -> memref<16x128xf32, #tpu.memory_space<hbm>>
          %dma_wait3A_698 = arith.constant 0 : i32
          %dma_wait3A_699 = arith.constant 0 : i32
          %dma_wait3A_700 = tpu.memref_slice %arg16[%dma_wait3A_690, %dma_wait3A_698, %dma_wait3A_699] : memref<2x16x128xf32, #tpu.memory_space<vmem>> -> memref<1x16x128xf32, #tpu.memory_space<vmem>>
          %dma_wait3A_701 = tpu.memref_squeeze %dma_wait3A_700 : memref<1x16x128xf32, #tpu.memory_space<vmem>> -> memref<16x128xf32, #tpu.memory_space<vmem>>
          %dma_wait3A_702 = arith.constant 0 : i32
          %dma_wait3A_703 = arith.constant 0 : i32
          %dma_wait3A_704 = tpu.memref_slice %arg6[%dma_wait3A_702, %dma_wait3A_703] : memref<16392x128xf32, #tpu.memory_space<hbm>> -> memref<16x128xf32, #tpu.memory_space<hbm>>
          tpu.wait_dma2 semaphore(%arg18 : memref<!tpu.dma_semaphore, #tpu.memory_space<semaphore_mem>>) src(%dma_wait3A_704 : memref<16x128xf32, #tpu.memory_space<hbm>>) dst(%dma_wait3A_701 : memref<16x128xf32, #tpu.memory_space<vmem>>)
        } else {
        }
        %mul3A_206 = arith.constant 48 : i32
        %mul3A_207 = arith.muli %while3A_132, %mul3A_206 : i32
        %mul3A_208 = arith.constant 16 : i32
        %mul3A_209 = arith.muli %while3A_199, %mul3A_208 : i32
        %add3A_210 = arith.addi %mul3A_207, %mul3A_209 : i32
        %get3A = arith.index_cast %add3A_210 : i32 to index
        %get3A_211 = tpu.vector_load %arg10[%get3A] {strides = array<i32>} : memref<3072xi32, #tpu.memory_space<vmem>>, vector<16xi32>,
        %get3A_212 = arith.index_cast %add3A_210 : i32 to index
        %get3A_213 = tpu.vector_load %arg11[%get3A_212] {strides = array<i32>} : memref<3072xi32, #tpu.memory_space<vmem>>, vector<16xi32>,
        %mul3A_214 = arith.constant 16 : i32
        %mul3A_215 = arith.muli %while3A_199, %mul3A_214 : i32
        %add3A_216 = vector.broadcast %mul3A_215 : i32 to vector<16xi32>
        %add3A_217 = arith.addi %add3A_216, %iota3A : vector<16xi32>
        %lt3A_218 = vector.broadcast %squeeze3A : i32 to vector<16xi32>
        %lt3A_219 = arith.cmpi slt, %add3A_217, %lt3A_218 : vector<16xi32>
        %sub3A_220 = vector.broadcast %min3A_158 : i32 to vector<16xi32>
        %sub3A_221 = arith.subi %get3A_211, %sub3A_220 : vector<16xi32>
        %jit3A_222 = arith.constant 0 : i32
        %jit3A_223 = arith.constant 511 : i32
        %max3A = vector.broadcast %jit3A_222 : i32 to vector<16xi32>
        %max3A_224 = arith.maxsi %max3A, %sub3A_221 : vector<16xi32>
        %min3A_225 = vector.broadcast %jit3A_223 : i32 to vector<16xi32>
        %min3A_226 = arith.minsi %min3A_225, %max3A_224 : vector<16xi32>
        %jit3A_227 = arith.constant 2 : i32
        %eq3A = arith.constant 0 : i32
        %eq3A_228 = arith.cmpi eq, %jit3A_227, %eq3A : i32
        %jit3A_229 = arith.constant 1 : i32
        %select_n3A_230 = arith.select %eq3A_228, %jit3A_229, %jit3A_227 : i32
        %rem3A_231 = arith.remsi %while3A_132, %select_n3A_230 : i32
        %ne3A_232 = arith.constant 0 : i32
        %ne3A_233 = arith.cmpi ne, %rem3A_231, %ne3A_232 : i32
        %lt3A_234 = arith.constant 0 : i32
        %lt3A_235 = arith.cmpi slt, %rem3A_231, %lt3A_234 : i32
        %lt3A_236 = arith.constant 0 : i32
        %lt3A_237 = arith.cmpi slt, %select_n3A_230, %lt3A_236 : i32
        %ne3A_238 = arith.xori %lt3A_235, %lt3A_237 : i1
        %and3A_239 = arith.andi %ne3A_238, %ne3A_233 : i1
        %add3A_240 = arith.addi %rem3A_231, %select_n3A_230 : i32
        %select_n3A_241 = arith.select %and3A_239, %add3A_240, %rem3A_231 : i32
        %broadcast_in_dim3A_242 = vector.broadcast %select_n3A_241 : i32 to vector<16xi32>
        %mul3A_243 = arith.constant 129 : i32
        %mul3A_244 = vector.broadcast %mul3A_243 : i32 to vector<16xi32>
        %mul3A_245 = arith.muli %iota3A, %mul3A_244 : vector<16xi32>
        %broadcast_in_dim3A_246 = arith.constant 0 : i32
        %broadcast_in_dim3A_247 = vector.broadcast %broadcast_in_dim3A_246 : i32 to vector<16xi32>
        %gather3A_248 = tpu.vector_load_idx %arg9[%broadcast_in_dim3A_242, %broadcast_in_dim3A_247, %min3A_226] : memref<2x32x513xf32, #tpu.memory_space<vmem>>[vector<16xi32>, vector<16xi32>, vector<16xi32>], vector<16xf32>,
        %add3A_249 = arith.constant 0 : i32
        %add3A_250 = vector.broadcast %add3A_249 : i32 to vector<16xi32>
        %add3A_251 = arith.addi %mul3A_245, %add3A_250 : vector<16xi32>
        tpu.vector_store_idx %arg15[%add3A_251], %gather3A_248 : memref<2064xf32, #tpu.memory_space<vmem>>[vector<16xi32>], vector<16xf32>,
        %broadcast_in_dim3A_252 = arith.constant 1 : i32
        %broadcast_in_dim3A_253 = vector.broadcast %broadcast_in_dim3A_252 : i32 to vector<16xi32>
        %gather3A_254 = tpu.vector_load_idx %arg9[%broadcast_in_dim3A_242, %broadcast_in_dim3A_253, %min3A_226] : memref<2x32x513xf32, #tpu.memory_space<vmem>>[vector<16xi32>, vector<16xi32>, vector<16xi32>], vector<16xf32>,
        %add3A_255 = arith.constant 1 : i32
        %add3A_256 = vector.broadcast %add3A_255 : i32 to vector<16xi32>
        %add3A_257 = arith.addi %mul3A_245, %add3A_256 : vector<16xi32>
        tpu.vector_store_idx %arg15[%add3A_257], %gather3A_254 : memref<2064xf32, #tpu.memory_space<vmem>>[vector<16xi32>], vector<16xf32>,
        %broadcast_in_dim3A_258 = arith.constant 2 : i32
        %broadcast_in_dim3A_259 = vector.broadcast %broadcast_in_dim3A_258 : i32 to vector<16xi32>
        %gather3A_260 = tpu.vector_load_idx %arg9[%broadcast_in_dim3A_242, %broadcast_in_dim3A_259, %min3A_226] : memref<2x32x513xf32, #tpu.memory_space<vmem>>[vector<16xi32>, vector<16xi32>, vector<16xi32>], vector<16xf32>,
        %add3A_261 = arith.constant 2 : i32
        %add3A_262 = vector.broadcast %add3A_261 : i32 to vector<16xi32>
        %add3A_263 = arith.addi %mul3A_245, %add3A_262 : vector<16xi32>
        tpu.vector_store_idx %arg15[%add3A_263], %gather3A_260 : memref<2064xf32, #tpu.memory_space<vmem>>[vector<16xi32>], vector<16xf32>,
        %broadcast_in_dim3A_264 = arith.constant 3 : i32
        %broadcast_in_dim3A_265 = vector.broadcast %broadcast_in_dim3A_264 : i32 to vector<16xi32>
        %gather3A_266 = tpu.vector_load_idx %arg9[%broadcast_in_dim3A_242, %broadcast_in_dim3A_265, %min3A_226] : memref<2x32x513xf32, #tpu.memory_space<vmem>>[vector<16xi32>, vector<16xi32>, vector<16xi32>], vector<16xf32>,
        %add3A_267 = arith.constant 3 : i32
        %add3A_268 = vector.broadcast %add3A_267 : i32 to vector<16xi32>
        %add3A_269 = arith.addi %mul3A_245, %add3A_268 : vector<16xi32>
        tpu.vector_store_idx %arg15[%add3A_269], %gather3A_266 : memref<2064xf32, #tpu.memory_space<vmem>>[vector<16xi32>], vector<16xf32>,
        %broadcast_in_dim3A_270 = arith.constant 4 : i32
        %broadcast_in_dim3A_271 = vector.broadcast %broadcast_in_dim3A_270 : i32 to vector<16xi32>
        %gather3A_272 = tpu.vector_load_idx %arg9[%broadcast_in_dim3A_242, %broadcast_in_dim3A_271, %min3A_226] : memref<2x32x513xf32, #tpu.memory_space<vmem>>[vector<16xi32>, vector<16xi32>, vector<16xi32>], vector<16xf32>,
        %add3A_273 = arith.constant 4 : i32
        %add3A_274 = vector.broadcast %add3A_273 : i32 to vector<16xi32>
        %add3A_275 = arith.addi %mul3A_245, %add3A_274 : vector<16xi32>
        tpu.vector_store_idx %arg15[%add3A_275], %gather3A_272 : memref<2064xf32, #tpu.memory_space<vmem>>[vector<16xi32>], vector<16xf32>,
        %broadcast_in_dim3A_276 = arith.constant 5 : i32
        %broadcast_in_dim3A_277 = vector.broadcast %broadcast_in_dim3A_276 : i32 to vector<16xi32>
        %gather3A_278 = tpu.vector_load_idx %arg9[%broadcast_in_dim3A_242, %broadcast_in_dim3A_277, %min3A_226] : memref<2x32x513xf32, #tpu.memory_space<vmem>>[vector<16xi32>, vector<16xi32>, vector<16xi32>], vector<16xf32>,
        %add3A_279 = arith.constant 5 : i32
        %add3A_280 = vector.broadcast %add3A_279 : i32 to vector<16xi32>
        %add3A_281 = arith.addi %mul3A_245, %add3A_280 : vector<16xi32>
        tpu.vector_store_idx %arg15[%add3A_281], %gather3A_278 : memref<2064xf32, #tpu.memory_space<vmem>>[vector<16xi32>], vector<16xf32>,
        %broadcast_in_dim3A_282 = arith.constant 6 : i32
        %broadcast_in_dim3A_283 = vector.broadcast %broadcast_in_dim3A_282 : i32 to vector<16xi32>
        %gather3A_284 = tpu.vector_load_idx %arg9[%broadcast_in_dim3A_242, %broadcast_in_dim3A_283, %min3A_226] : memref<2x32x513xf32, #tpu.memory_space<vmem>>[vector<16xi32>, vector<16xi32>, vector<16xi32>], vector<16xf32>,
        %add3A_285 = arith.constant 6 : i32
        %add3A_286 = vector.broadcast %add3A_285 : i32 to vector<16xi32>
        %add3A_287 = arith.addi %mul3A_245, %add3A_286 : vector<16xi32>
        tpu.vector_store_idx %arg15[%add3A_287], %gather3A_284 : memref<2064xf32, #tpu.memory_space<vmem>>[vector<16xi32>], vector<16xf32>,
        %broadcast_in_dim3A_288 = arith.constant 7 : i32
        %broadcast_in_dim3A_289 = vector.broadcast %broadcast_in_dim3A_288 : i32 to vector<16xi32>
        %gather3A_290 = tpu.vector_load_idx %arg9[%broadcast_in_dim3A_242, %broadcast_in_dim3A_289, %min3A_226] : memref<2x32x513xf32, #tpu.memory_space<vmem>>[vector<16xi32>, vector<16xi32>, vector<16xi32>], vector<16xf32>,
        %add3A_291 = arith.constant 7 : i32
        %add3A_292 = vector.broadcast %add3A_291 : i32 to vector<16xi32>
        %add3A_293 = arith.addi %mul3A_245, %add3A_292 : vector<16xi32>
        tpu.vector_store_idx %arg15[%add3A_293], %gather3A_290 : memref<2064xf32, #tpu.memory_space<vmem>>[vector<16xi32>], vector<16xf32>,
        %broadcast_in_dim3A_294 = arith.constant 8 : i32
        %broadcast_in_dim3A_295 = vector.broadcast %broadcast_in_dim3A_294 : i32 to vector<16xi32>
        %gather3A_296 = tpu.vector_load_idx %arg9[%broadcast_in_dim3A_242, %broadcast_in_dim3A_295, %min3A_226] : memref<2x32x513xf32, #tpu.memory_space<vmem>>[vector<16xi32>, vector<16xi32>, vector<16xi32>], vector<16xf32>,
        %add3A_297 = arith.constant 8 : i32
        %add3A_298 = vector.broadcast %add3A_297 : i32 to vector<16xi32>
        %add3A_299 = arith.addi %mul3A_245, %add3A_298 : vector<16xi32>
        tpu.vector_store_idx %arg15[%add3A_299], %gather3A_296 : memref<2064xf32, #tpu.memory_space<vmem>>[vector<16xi32>], vector<16xf32>,
        %broadcast_in_dim3A_300 = arith.constant 9 : i32
        %broadcast_in_dim3A_301 = vector.broadcast %broadcast_in_dim3A_300 : i32 to vector<16xi32>
        %gather3A_302 = tpu.vector_load_idx %arg9[%broadcast_in_dim3A_242, %broadcast_in_dim3A_301, %min3A_226] : memref<2x32x513xf32, #tpu.memory_space<vmem>>[vector<16xi32>, vector<16xi32>, vector<16xi32>], vector<16xf32>,
        %add3A_303 = arith.constant 9 : i32
        %add3A_304 = vector.broadcast %add3A_303 : i32 to vector<16xi32>
        %add3A_305 = arith.addi %mul3A_245, %add3A_304 : vector<16xi32>
        tpu.vector_store_idx %arg15[%add3A_305], %gather3A_302 : memref<2064xf32, #tpu.memory_space<vmem>>[vector<16xi32>], vector<16xf32>,
        %broadcast_in_dim3A_306 = arith.constant 10 : i32
        %broadcast_in_dim3A_307 = vector.broadcast %broadcast_in_dim3A_306 : i32 to vector<16xi32>
        %gather3A_308 = tpu.vector_load_idx %arg9[%broadcast_in_dim3A_242, %broadcast_in_dim3A_307, %min3A_226] : memref<2x32x513xf32, #tpu.memory_space<vmem>>[vector<16xi32>, vector<16xi32>, vector<16xi32>], vector<16xf32>,
        %add3A_309 = arith.constant 10 : i32
        %add3A_310 = vector.broadcast %add3A_309 : i32 to vector<16xi32>
        %add3A_311 = arith.addi %mul3A_245, %add3A_310 : vector<16xi32>
        tpu.vector_store_idx %arg15[%add3A_311], %gather3A_308 : memref<2064xf32, #tpu.memory_space<vmem>>[vector<16xi32>], vector<16xf32>,
        %broadcast_in_dim3A_312 = arith.constant 11 : i32
        %broadcast_in_dim3A_313 = vector.broadcast %broadcast_in_dim3A_312 : i32 to vector<16xi32>
        %gather3A_314 = tpu.vector_load_idx %arg9[%broadcast_in_dim3A_242, %broadcast_in_dim3A_313, %min3A_226] : memref<2x32x513xf32, #tpu.memory_space<vmem>>[vector<16xi32>, vector<16xi32>, vector<16xi32>], vector<16xf32>,
        %add3A_315 = arith.constant 11 : i32
        %add3A_316 = vector.broadcast %add3A_315 : i32 to vector<16xi32>
        %add3A_317 = arith.addi %mul3A_245, %add3A_316 : vector<16xi32>
        tpu.vector_store_idx %arg15[%add3A_317], %gather3A_314 : memref<2064xf32, #tpu.memory_space<vmem>>[vector<16xi32>], vector<16xf32>,
        %broadcast_in_dim3A_318 = arith.constant 12 : i32
        %broadcast_in_dim3A_319 = vector.broadcast %broadcast_in_dim3A_318 : i32 to vector<16xi32>
        %gather3A_320 = tpu.vector_load_idx %arg9[%broadcast_in_dim3A_242, %broadcast_in_dim3A_319, %min3A_226] : memref<2x32x513xf32, #tpu.memory_space<vmem>>[vector<16xi32>, vector<16xi32>, vector<16xi32>], vector<16xf32>,
        %add3A_321 = arith.constant 12 : i32
        %add3A_322 = vector.broadcast %add3A_321 : i32 to vector<16xi32>
        %add3A_323 = arith.addi %mul3A_245, %add3A_322 : vector<16xi32>
        tpu.vector_store_idx %arg15[%add3A_323], %gather3A_320 : memref<2064xf32, #tpu.memory_space<vmem>>[vector<16xi32>], vector<16xf32>,
        %broadcast_in_dim3A_324 = arith.constant 13 : i32
        %broadcast_in_dim3A_325 = vector.broadcast %broadcast_in_dim3A_324 : i32 to vector<16xi32>
        %gather3A_326 = tpu.vector_load_idx %arg9[%broadcast_in_dim3A_242, %broadcast_in_dim3A_325, %min3A_226] : memref<2x32x513xf32, #tpu.memory_space<vmem>>[vector<16xi32>, vector<16xi32>, vector<16xi32>], vector<16xf32>,
        %add3A_327 = arith.constant 13 : i32
        %add3A_328 = vector.broadcast %add3A_327 : i32 to vector<16xi32>
        %add3A_329 = arith.addi %mul3A_245, %add3A_328 : vector<16xi32>
        tpu.vector_store_idx %arg15[%add3A_329], %gather3A_326 : memref<2064xf32, #tpu.memory_space<vmem>>[vector<16xi32>], vector<16xf32>,
        %broadcast_in_dim3A_330 = arith.constant 14 : i32
        %broadcast_in_dim3A_331 = vector.broadcast %broadcast_in_dim3A_330 : i32 to vector<16xi32>
        %gather3A_332 = tpu.vector_load_idx %arg9[%broadcast_in_dim3A_242, %broadcast_in_dim3A_331, %min3A_226] : memref<2x32x513xf32, #tpu.memory_space<vmem>>[vector<16xi32>, vector<16xi32>, vector<16xi32>], vector<16xf32>,
        %add3A_333 = arith.constant 14 : i32
        %add3A_334 = vector.broadcast %add3A_333 : i32 to vector<16xi32>
        %add3A_335 = arith.addi %mul3A_245, %add3A_334 : vector<16xi32>
        tpu.vector_store_idx %arg15[%add3A_335], %gather3A_332 : memref<2064xf32, #tpu.memory_space<vmem>>[vector<16xi32>], vector<16xf32>,
        %broadcast_in_dim3A_336 = arith.constant 15 : i32
        %broadcast_in_dim3A_337 = vector.broadcast %broadcast_in_dim3A_336 : i32 to vector<16xi32>
        %gather3A_338 = tpu.vector_load_idx %arg9[%broadcast_in_dim3A_242, %broadcast_in_dim3A_337, %min3A_226] : memref<2x32x513xf32, #tpu.memory_space<vmem>>[vector<16xi32>, vector<16xi32>, vector<16xi32>], vector<16xf32>,
        %add3A_339 = arith.constant 15 : i32
        %add3A_340 = vector.broadcast %add3A_339 : i32 to vector<16xi32>
        %add3A_341 = arith.addi %mul3A_245, %add3A_340 : vector<16xi32>
        tpu.vector_store_idx %arg15[%add3A_341], %gather3A_338 : memref<2064xf32, #tpu.memory_space<vmem>>[vector<16xi32>], vector<16xf32>,
        %broadcast_in_dim3A_342 = arith.constant 16 : i32
        %broadcast_in_dim3A_343 = vector.broadcast %broadcast_in_dim3A_342 : i32 to vector<16xi32>
        %gather3A_344 = tpu.vector_load_idx %arg9[%broadcast_in_dim3A_242, %broadcast_in_dim3A_343, %min3A_226] : memref<2x32x513xf32, #tpu.memory_space<vmem>>[vector<16xi32>, vector<16xi32>, vector<16xi32>], vector<16xf32>,
        %add3A_345 = arith.constant 16 : i32
        %add3A_346 = vector.broadcast %add3A_345 : i32 to vector<16xi32>
        %add3A_347 = arith.addi %mul3A_245, %add3A_346 : vector<16xi32>
        tpu.vector_store_idx %arg15[%add3A_347], %gather3A_344 : memref<2064xf32, #tpu.memory_space<vmem>>[vector<16xi32>], vector<16xf32>,
        %broadcast_in_dim3A_348 = arith.constant 17 : i32
        %broadcast_in_dim3A_349 = vector.broadcast %broadcast_in_dim3A_348 : i32 to vector<16xi32>
        %gather3A_350 = tpu.vector_load_idx %arg9[%broadcast_in_dim3A_242, %broadcast_in_dim3A_349, %min3A_226] : memref<2x32x513xf32, #tpu.memory_space<vmem>>[vector<16xi32>, vector<16xi32>, vector<16xi32>], vector<16xf32>,
        %add3A_351 = arith.constant 17 : i32
        %add3A_352 = vector.broadcast %add3A_351 : i32 to vector<16xi32>
        %add3A_353 = arith.addi %mul3A_245, %add3A_352 : vector<16xi32>
        tpu.vector_store_idx %arg15[%add3A_353], %gather3A_350 : memref<2064xf32, #tpu.memory_space<vmem>>[vector<16xi32>], vector<16xf32>,
        %broadcast_in_dim3A_354 = arith.constant 18 : i32
        %broadcast_in_dim3A_355 = vector.broadcast %broadcast_in_dim3A_354 : i32 to vector<16xi32>
        %gather3A_356 = tpu.vector_load_idx %arg9[%broadcast_in_dim3A_242, %broadcast_in_dim3A_355, %min3A_226] : memref<2x32x513xf32, #tpu.memory_space<vmem>>[vector<16xi32>, vector<16xi32>, vector<16xi32>], vector<16xf32>,
        %add3A_357 = arith.constant 18 : i32
        %add3A_358 = vector.broadcast %add3A_357 : i32 to vector<16xi32>
        %add3A_359 = arith.addi %mul3A_245, %add3A_358 : vector<16xi32>
        tpu.vector_store_idx %arg15[%add3A_359], %gather3A_356 : memref<2064xf32, #tpu.memory_space<vmem>>[vector<16xi32>], vector<16xf32>,
        %broadcast_in_dim3A_360 = arith.constant 19 : i32
        %broadcast_in_dim3A_361 = vector.broadcast %broadcast_in_dim3A_360 : i32 to vector<16xi32>
        %gather3A_362 = tpu.vector_load_idx %arg9[%broadcast_in_dim3A_242, %broadcast_in_dim3A_361, %min3A_226] : memref<2x32x513xf32, #tpu.memory_space<vmem>>[vector<16xi32>, vector<16xi32>, vector<16xi32>], vector<16xf32>,
        %add3A_363 = arith.constant 19 : i32
        %add3A_364 = vector.broadcast %add3A_363 : i32 to vector<16xi32>
        %add3A_365 = arith.addi %mul3A_245, %add3A_364 : vector<16xi32>
        tpu.vector_store_idx %arg15[%add3A_365], %gather3A_362 : memref<2064xf32, #tpu.memory_space<vmem>>[vector<16xi32>], vector<16xf32>,
        %broadcast_in_dim3A_366 = arith.constant 20 : i32
        %broadcast_in_dim3A_367 = vector.broadcast %broadcast_in_dim3A_366 : i32 to vector<16xi32>
        %gather3A_368 = tpu.vector_load_idx %arg9[%broadcast_in_dim3A_242, %broadcast_in_dim3A_367, %min3A_226] : memref<2x32x513xf32, #tpu.memory_space<vmem>>[vector<16xi32>, vector<16xi32>, vector<16xi32>], vector<16xf32>,
        %add3A_369 = arith.constant 20 : i32
        %add3A_370 = vector.broadcast %add3A_369 : i32 to vector<16xi32>
        %add3A_371 = arith.addi %mul3A_245, %add3A_370 : vector<16xi32>
        tpu.vector_store_idx %arg15[%add3A_371], %gather3A_368 : memref<2064xf32, #tpu.memory_space<vmem>>[vector<16xi32>], vector<16xf32>,
        %broadcast_in_dim3A_372 = arith.constant 21 : i32
        %broadcast_in_dim3A_373 = vector.broadcast %broadcast_in_dim3A_372 : i32 to vector<16xi32>
        %gather3A_374 = tpu.vector_load_idx %arg9[%broadcast_in_dim3A_242, %broadcast_in_dim3A_373, %min3A_226] : memref<2x32x513xf32, #tpu.memory_space<vmem>>[vector<16xi32>, vector<16xi32>, vector<16xi32>], vector<16xf32>,
        %add3A_375 = arith.constant 21 : i32
        %add3A_376 = vector.broadcast %add3A_375 : i32 to vector<16xi32>
        %add3A_377 = arith.addi %mul3A_245, %add3A_376 : vector<16xi32>
        tpu.vector_store_idx %arg15[%add3A_377], %gather3A_374 : memref<2064xf32, #tpu.memory_space<vmem>>[vector<16xi32>], vector<16xf32>,
        %broadcast_in_dim3A_378 = arith.constant 22 : i32
        %broadcast_in_dim3A_379 = vector.broadcast %broadcast_in_dim3A_378 : i32 to vector<16xi32>
        %gather3A_380 = tpu.vector_load_idx %arg9[%broadcast_in_dim3A_242, %broadcast_in_dim3A_379, %min3A_226] : memref<2x32x513xf32, #tpu.memory_space<vmem>>[vector<16xi32>, vector<16xi32>, vector<16xi32>], vector<16xf32>,
        %add3A_381 = arith.constant 22 : i32
        %add3A_382 = vector.broadcast %add3A_381 : i32 to vector<16xi32>
        %add3A_383 = arith.addi %mul3A_245, %add3A_382 : vector<16xi32>
        tpu.vector_store_idx %arg15[%add3A_383], %gather3A_380 : memref<2064xf32, #tpu.memory_space<vmem>>[vector<16xi32>], vector<16xf32>,
        %broadcast_in_dim3A_384 = arith.constant 23 : i32
        %broadcast_in_dim3A_385 = vector.broadcast %broadcast_in_dim3A_384 : i32 to vector<16xi32>
        %gather3A_386 = tpu.vector_load_idx %arg9[%broadcast_in_dim3A_242, %broadcast_in_dim3A_385, %min3A_226] : memref<2x32x513xf32, #tpu.memory_space<vmem>>[vector<16xi32>, vector<16xi32>, vector<16xi32>], vector<16xf32>,
        %add3A_387 = arith.constant 23 : i32
        %add3A_388 = vector.broadcast %add3A_387 : i32 to vector<16xi32>
        %add3A_389 = arith.addi %mul3A_245, %add3A_388 : vector<16xi32>
        tpu.vector_store_idx %arg15[%add3A_389], %gather3A_386 : memref<2064xf32, #tpu.memory_space<vmem>>[vector<16xi32>], vector<16xf32>,
        %broadcast_in_dim3A_390 = arith.constant 24 : i32
        %broadcast_in_dim3A_391 = vector.broadcast %broadcast_in_dim3A_390 : i32 to vector<16xi32>
        %gather3A_392 = tpu.vector_load_idx %arg9[%broadcast_in_dim3A_242, %broadcast_in_dim3A_391, %min3A_226] : memref<2x32x513xf32, #tpu.memory_space<vmem>>[vector<16xi32>, vector<16xi32>, vector<16xi32>], vector<16xf32>,
        %add3A_393 = arith.constant 24 : i32
        %add3A_394 = vector.broadcast %add3A_393 : i32 to vector<16xi32>
        %add3A_395 = arith.addi %mul3A_245, %add3A_394 : vector<16xi32>
        tpu.vector_store_idx %arg15[%add3A_395], %gather3A_392 : memref<2064xf32, #tpu.memory_space<vmem>>[vector<16xi32>], vector<16xf32>,
        %broadcast_in_dim3A_396 = arith.constant 25 : i32
        %broadcast_in_dim3A_397 = vector.broadcast %broadcast_in_dim3A_396 : i32 to vector<16xi32>
        %gather3A_398 = tpu.vector_load_idx %arg9[%broadcast_in_dim3A_242, %broadcast_in_dim3A_397, %min3A_226] : memref<2x32x513xf32, #tpu.memory_space<vmem>>[vector<16xi32>, vector<16xi32>, vector<16xi32>], vector<16xf32>,
        %add3A_399 = arith.constant 25 : i32
        %add3A_400 = vector.broadcast %add3A_399 : i32 to vector<16xi32>
        %add3A_401 = arith.addi %mul3A_245, %add3A_400 : vector<16xi32>
        tpu.vector_store_idx %arg15[%add3A_401], %gather3A_398 : memref<2064xf32, #tpu.memory_space<vmem>>[vector<16xi32>], vector<16xf32>,
        %broadcast_in_dim3A_402 = arith.constant 26 : i32
        %broadcast_in_dim3A_403 = vector.broadcast %broadcast_in_dim3A_402 : i32 to vector<16xi32>
        %gather3A_404 = tpu.vector_load_idx %arg9[%broadcast_in_dim3A_242, %broadcast_in_dim3A_403, %min3A_226] : memref<2x32x513xf32, #tpu.memory_space<vmem>>[vector<16xi32>, vector<16xi32>, vector<16xi32>], vector<16xf32>,
        %add3A_405 = arith.constant 26 : i32
        %add3A_406 = vector.broadcast %add3A_405 : i32 to vector<16xi32>
        %add3A_407 = arith.addi %mul3A_245, %add3A_406 : vector<16xi32>
        tpu.vector_store_idx %arg15[%add3A_407], %gather3A_404 : memref<2064xf32, #tpu.memory_space<vmem>>[vector<16xi32>], vector<16xf32>,
        %broadcast_in_dim3A_408 = arith.constant 27 : i32
        %broadcast_in_dim3A_409 = vector.broadcast %broadcast_in_dim3A_408 : i32 to vector<16xi32>
        %gather3A_410 = tpu.vector_load_idx %arg9[%broadcast_in_dim3A_242, %broadcast_in_dim3A_409, %min3A_226] : memref<2x32x513xf32, #tpu.memory_space<vmem>>[vector<16xi32>, vector<16xi32>, vector<16xi32>], vector<16xf32>,
        %add3A_411 = arith.constant 27 : i32
        %add3A_412 = vector.broadcast %add3A_411 : i32 to vector<16xi32>
        %add3A_413 = arith.addi %mul3A_245, %add3A_412 : vector<16xi32>
        tpu.vector_store_idx %arg15[%add3A_413], %gather3A_410 : memref<2064xf32, #tpu.memory_space<vmem>>[vector<16xi32>], vector<16xf32>,
        %broadcast_in_dim3A_414 = arith.constant 28 : i32
        %broadcast_in_dim3A_415 = vector.broadcast %broadcast_in_dim3A_414 : i32 to vector<16xi32>
        %gather3A_416 = tpu.vector_load_idx %arg9[%broadcast_in_dim3A_242, %broadcast_in_dim3A_415, %min3A_226] : memref<2x32x513xf32, #tpu.memory_space<vmem>>[vector<16xi32>, vector<16xi32>, vector<16xi32>], vector<16xf32>,
        %add3A_417 = arith.constant 28 : i32
        %add3A_418 = vector.broadcast %add3A_417 : i32 to vector<16xi32>
        %add3A_419 = arith.addi %mul3A_245, %add3A_418 : vector<16xi32>
        tpu.vector_store_idx %arg15[%add3A_419], %gather3A_416 : memref<2064xf32, #tpu.memory_space<vmem>>[vector<16xi32>], vector<16xf32>,
        %broadcast_in_dim3A_420 = arith.constant 29 : i32
        %broadcast_in_dim3A_421 = vector.broadcast %broadcast_in_dim3A_420 : i32 to vector<16xi32>
        %gather3A_422 = tpu.vector_load_idx %arg9[%broadcast_in_dim3A_242, %broadcast_in_dim3A_421, %min3A_226] : memref<2x32x513xf32, #tpu.memory_space<vmem>>[vector<16xi32>, vector<16xi32>, vector<16xi32>], vector<16xf32>,
        %add3A_423 = arith.constant 29 : i32
        %add3A_424 = vector.broadcast %add3A_423 : i32 to vector<16xi32>
        %add3A_425 = arith.addi %mul3A_245, %add3A_424 : vector<16xi32>
        tpu.vector_store_idx %arg15[%add3A_425], %gather3A_422 : memref<2064xf32, #tpu.memory_space<vmem>>[vector<16xi32>], vector<16xf32>,
        %broadcast_in_dim3A_426 = arith.constant 30 : i32
        %broadcast_in_dim3A_427 = vector.broadcast %broadcast_in_dim3A_426 : i32 to vector<16xi32>
        %gather3A_428 = tpu.vector_load_idx %arg9[%broadcast_in_dim3A_242, %broadcast_in_dim3A_427, %min3A_226] : memref<2x32x513xf32, #tpu.memory_space<vmem>>[vector<16xi32>, vector<16xi32>, vector<16xi32>], vector<16xf32>,
        %add3A_429 = arith.constant 30 : i32
        %add3A_430 = vector.broadcast %add3A_429 : i32 to vector<16xi32>
        %add3A_431 = arith.addi %mul3A_245, %add3A_430 : vector<16xi32>
        tpu.vector_store_idx %arg15[%add3A_431], %gather3A_428 : memref<2064xf32, #tpu.memory_space<vmem>>[vector<16xi32>], vector<16xf32>,
        %broadcast_in_dim3A_432 = arith.constant 31 : i32
        %broadcast_in_dim3A_433 = vector.broadcast %broadcast_in_dim3A_432 : i32 to vector<16xi32>
        %gather3A_434 = tpu.vector_load_idx %arg9[%broadcast_in_dim3A_242, %broadcast_in_dim3A_433, %min3A_226] : memref<2x32x513xf32, #tpu.memory_space<vmem>>[vector<16xi32>, vector<16xi32>, vector<16xi32>], vector<16xf32>,
        %add3A_435 = arith.constant 31 : i32
        %add3A_436 = vector.broadcast %add3A_435 : i32 to vector<16xi32>
        %add3A_437 = arith.addi %mul3A_245, %add3A_436 : vector<16xi32>
        tpu.vector_store_idx %arg15[%add3A_437], %gather3A_434 : memref<2064xf32, #tpu.memory_space<vmem>>[vector<16xi32>], vector<16xf32>,
        %jit3A_438 = arith.constant 2 : i32
        %eq3A_439 = arith.constant 0 : i32
        %eq3A_440 = arith.cmpi eq, %jit3A_438, %eq3A_439 : i32
        %jit3A_441 = arith.constant 1 : i32
        %select_n3A_442 = arith.select %eq3A_440, %jit3A_441, %jit3A_438 : i32
        %rem3A_443 = arith.remsi %while3A_200, %select_n3A_442 : i32
        %ne3A_444 = arith.constant 0 : i32
        %ne3A_445 = arith.cmpi ne, %rem3A_443, %ne3A_444 : i32
        %lt3A_446 = arith.constant 0 : i32
        %lt3A_447 = arith.cmpi slt, %rem3A_443, %lt3A_446 : i32
        %lt3A_448 = arith.constant 0 : i32
        %lt3A_449 = arith.cmpi slt, %select_n3A_442, %lt3A_448 : i32
        %ne3A_450 = arith.xori %lt3A_447, %lt3A_449 : i1
        %and3A_451 = arith.andi %ne3A_450, %ne3A_445 : i1
        %add3A_452 = arith.addi %rem3A_443, %select_n3A_442 : i32
        %select_n3A_453 = arith.select %and3A_451, %add3A_452, %rem3A_443 : i32
        %get3A_454 = arith.constant 0 : index
        %get3A_455 = tpu.vector_load %arg15[%get3A_454] {strides = array<i32>} : memref<2064xf32, #tpu.memory_space<vmem>>, vector<16xf32>,
        %swap3A_456 = arith.constant 0 : i32
        %swap3A_457 = arith.index_cast %select_n3A_453 : i32 to index
        %swap3A_458 = arith.index_cast %swap3A_456 : i32 to index
        %swap3A_459 = arith.constant 0 : index
        %swap3A_460 = tpu.vector_load %arg16[%swap3A_457, %swap3A_458, %swap3A_459] {strides = array<i32>} : memref<2x16x128xf32, #tpu.memory_space<vmem>>, vector<16xf32>,
        tpu.vector_store %arg16[%swap3A_457, %swap3A_458, %swap3A_459], %get3A_455 {strides = array<i32>} : memref<2x16x128xf32, #tpu.memory_space<vmem>>, vector<16xf32>,
        %get3A_461 = arith.constant 16 : index
        %get3A_462 = tpu.vector_load %arg15[%get3A_461] {strides = array<i32>} : memref<2064xf32, #tpu.memory_space<vmem>>, vector<16xf32>,
        %swap3A_463 = arith.constant 0 : i32
        %swap3A_464 = arith.index_cast %select_n3A_453 : i32 to index
        %swap3A_465 = arith.index_cast %swap3A_463 : i32 to index
        %swap3A_466 = arith.constant 16 : index
        %swap3A_467 = tpu.vector_load %arg16[%swap3A_464, %swap3A_465, %swap3A_466] {strides = array<i32>} : memref<2x16x128xf32, #tpu.memory_space<vmem>>, vector<16xf32>,
        tpu.vector_store %arg16[%swap3A_464, %swap3A_465, %swap3A_466], %get3A_462 {strides = array<i32>} : memref<2x16x128xf32, #tpu.memory_space<vmem>>, vector<16xf32>,
        %get3A_468 = arith.constant 129 : index
        %get3A_469 = tpu.vector_load %arg15[%get3A_468] {strides = array<i32>} : memref<2064xf32, #tpu.memory_space<vmem>>, vector<16xf32>,
        %swap3A_470 = arith.constant 1 : i32
        %swap3A_471 = arith.index_cast %select_n3A_453 : i32 to index
        %swap3A_472 = arith.index_cast %swap3A_470 : i32 to index
        %swap3A_473 = arith.constant 0 : index
        %swap3A_474 = tpu.vector_load %arg16[%swap3A_471, %swap3A_472, %swap3A_473] {strides = array<i32>} : memref<2x16x128xf32, #tpu.memory_space<vmem>>, vector<16xf32>,
        tpu.vector_store %arg16[%swap3A_471, %swap3A_472, %swap3A_473], %get3A_469 {strides = array<i32>} : memref<2x16x128xf32, #tpu.memory_space<vmem>>, vector<16xf32>,
        %get3A_475 = arith.constant 145 : index
        %get3A_476 = tpu.vector_load %arg15[%get3A_475] {strides = array<i32>} : memref<2064xf32, #tpu.memory_space<vmem>>, vector<16xf32>,
        %swap3A_477 = arith.constant 1 : i32
        %swap3A_478 = arith.index_cast %select_n3A_453 : i32 to index
        %swap3A_479 = arith.index_cast %swap3A_477 : i32 to index
        %swap3A_480 = arith.constant 16 : index
        %swap3A_481 = tpu.vector_load %arg16[%swap3A_478, %swap3A_479, %swap3A_480] {strides = array<i32>} : memref<2x16x128xf32, #tpu.memory_space<vmem>>, vector<16xf32>,
        tpu.vector_store %arg16[%swap3A_478, %swap3A_479, %swap3A_480], %get3A_476 {strides = array<i32>} : memref<2x16x128xf32, #tpu.memory_space<vmem>>, vector<16xf32>,
        %get3A_482 = arith.constant 258 : index
        %get3A_483 = tpu.vector_load %arg15[%get3A_482] {strides = array<i32>} : memref<2064xf32, #tpu.memory_space<vmem>>, vector<16xf32>,
        %swap3A_484 = arith.constant 2 : i32
        %swap3A_485 = arith.index_cast %select_n3A_453 : i32 to index
        %swap3A_486 = arith.index_cast %swap3A_484 : i32 to index
        %swap3A_487 = arith.constant 0 : index
        %swap3A_488 = tpu.vector_load %arg16[%swap3A_485, %swap3A_486, %swap3A_487] {strides = array<i32>} : memref<2x16x128xf32, #tpu.memory_space<vmem>>, vector<16xf32>,
        tpu.vector_store %arg16[%swap3A_485, %swap3A_486, %swap3A_487], %get3A_483 {strides = array<i32>} : memref<2x16x128xf32, #tpu.memory_space<vmem>>, vector<16xf32>,
        %get3A_489 = arith.constant 274 : index
        %get3A_490 = tpu.vector_load %arg15[%get3A_489] {strides = array<i32>} : memref<2064xf32, #tpu.memory_space<vmem>>, vector<16xf32>,
        %swap3A_491 = arith.constant 2 : i32
        %swap3A_492 = arith.index_cast %select_n3A_453 : i32 to index
        %swap3A_493 = arith.index_cast %swap3A_491 : i32 to index
        %swap3A_494 = arith.constant 16 : index
        %swap3A_495 = tpu.vector_load %arg16[%swap3A_492, %swap3A_493, %swap3A_494] {strides = array<i32>} : memref<2x16x128xf32, #tpu.memory_space<vmem>>, vector<16xf32>,
        tpu.vector_store %arg16[%swap3A_492, %swap3A_493, %swap3A_494], %get3A_490 {strides = array<i32>} : memref<2x16x128xf32, #tpu.memory_space<vmem>>, vector<16xf32>,
        %get3A_496 = arith.constant 387 : index
        %get3A_497 = tpu.vector_load %arg15[%get3A_496] {strides = array<i32>} : memref<2064xf32, #tpu.memory_space<vmem>>, vector<16xf32>,
        %swap3A_498 = arith.constant 3 : i32
        %swap3A_499 = arith.index_cast %select_n3A_453 : i32 to index
        %swap3A_500 = arith.index_cast %swap3A_498 : i32 to index
        %swap3A_501 = arith.constant 0 : index
        %swap3A_502 = tpu.vector_load %arg16[%swap3A_499, %swap3A_500, %swap3A_501] {strides = array<i32>} : memref<2x16x128xf32, #tpu.memory_space<vmem>>, vector<16xf32>,
        tpu.vector_store %arg16[%swap3A_499, %swap3A_500, %swap3A_501], %get3A_497 {strides = array<i32>} : memref<2x16x128xf32, #tpu.memory_space<vmem>>, vector<16xf32>,
        %get3A_503 = arith.constant 403 : index
        %get3A_504 = tpu.vector_load %arg15[%get3A_503] {strides = array<i32>} : memref<2064xf32, #tpu.memory_space<vmem>>, vector<16xf32>,
        %swap3A_505 = arith.constant 3 : i32
        %swap3A_506 = arith.index_cast %select_n3A_453 : i32 to index
        %swap3A_507 = arith.index_cast %swap3A_505 : i32 to index
        %swap3A_508 = arith.constant 16 : index
        %swap3A_509 = tpu.vector_load %arg16[%swap3A_506, %swap3A_507, %swap3A_508] {strides = array<i32>} : memref<2x16x128xf32, #tpu.memory_space<vmem>>, vector<16xf32>,
        tpu.vector_store %arg16[%swap3A_506, %swap3A_507, %swap3A_508], %get3A_504 {strides = array<i32>} : memref<2x16x128xf32, #tpu.memory_space<vmem>>, vector<16xf32>,
        %get3A_510 = arith.constant 516 : index
        %get3A_511 = tpu.vector_load %arg15[%get3A_510] {strides = array<i32>} : memref<2064xf32, #tpu.memory_space<vmem>>, vector<16xf32>,
        %swap3A_512 = arith.constant 4 : i32
        %swap3A_513 = arith.index_cast %select_n3A_453 : i32 to index
        %swap3A_514 = arith.index_cast %swap3A_512 : i32 to index
        %swap3A_515 = arith.constant 0 : index
        %swap3A_516 = tpu.vector_load %arg16[%swap3A_513, %swap3A_514, %swap3A_515] {strides = array<i32>} : memref<2x16x128xf32, #tpu.memory_space<vmem>>, vector<16xf32>,
        tpu.vector_store %arg16[%swap3A_513, %swap3A_514, %swap3A_515], %get3A_511 {strides = array<i32>} : memref<2x16x128xf32, #tpu.memory_space<vmem>>, vector<16xf32>,
        %get3A_517 = arith.constant 532 : index
        %get3A_518 = tpu.vector_load %arg15[%get3A_517] {strides = array<i32>} : memref<2064xf32, #tpu.memory_space<vmem>>, vector<16xf32>,
        %swap3A_519 = arith.constant 4 : i32
        %swap3A_520 = arith.index_cast %select_n3A_453 : i32 to index
        %swap3A_521 = arith.index_cast %swap3A_519 : i32 to index
        %swap3A_522 = arith.constant 16 : index
        %swap3A_523 = tpu.vector_load %arg16[%swap3A_520, %swap3A_521, %swap3A_522] {strides = array<i32>} : memref<2x16x128xf32, #tpu.memory_space<vmem>>, vector<16xf32>,
        tpu.vector_store %arg16[%swap3A_520, %swap3A_521, %swap3A_522], %get3A_518 {strides = array<i32>} : memref<2x16x128xf32, #tpu.memory_space<vmem>>, vector<16xf32>,
        %get3A_524 = arith.constant 645 : index
        %get3A_525 = tpu.vector_load %arg15[%get3A_524] {strides = array<i32>} : memref<2064xf32, #tpu.memory_space<vmem>>, vector<16xf32>,
        %swap3A_526 = arith.constant 5 : i32
        %swap3A_527 = arith.index_cast %select_n3A_453 : i32 to index
        %swap3A_528 = arith.index_cast %swap3A_526 : i32 to index
        %swap3A_529 = arith.constant 0 : index
        %swap3A_530 = tpu.vector_load %arg16[%swap3A_527, %swap3A_528, %swap3A_529] {strides = array<i32>} : memref<2x16x128xf32, #tpu.memory_space<vmem>>, vector<16xf32>,
        tpu.vector_store %arg16[%swap3A_527, %swap3A_528, %swap3A_529], %get3A_525 {strides = array<i32>} : memref<2x16x128xf32, #tpu.memory_space<vmem>>, vector<16xf32>,
        %get3A_531 = arith.constant 661 : index
        %get3A_532 = tpu.vector_load %arg15[%get3A_531] {strides = array<i32>} : memref<2064xf32, #tpu.memory_space<vmem>>, vector<16xf32>,
        %swap3A_533 = arith.constant 5 : i32
        %swap3A_534 = arith.index_cast %select_n3A_453 : i32 to index
        %swap3A_535 = arith.index_cast %swap3A_533 : i32 to index
        %swap3A_536 = arith.constant 16 : index
        %swap3A_537 = tpu.vector_load %arg16[%swap3A_534, %swap3A_535, %swap3A_536] {strides = array<i32>} : memref<2x16x128xf32, #tpu.memory_space<vmem>>, vector<16xf32>,
        tpu.vector_store %arg16[%swap3A_534, %swap3A_535, %swap3A_536], %get3A_532 {strides = array<i32>} : memref<2x16x128xf32, #tpu.memory_space<vmem>>, vector<16xf32>,
        %get3A_538 = arith.constant 774 : index
        %get3A_539 = tpu.vector_load %arg15[%get3A_538] {strides = array<i32>} : memref<2064xf32, #tpu.memory_space<vmem>>, vector<16xf32>,
        %swap3A_540 = arith.constant 6 : i32
        %swap3A_541 = arith.index_cast %select_n3A_453 : i32 to index
        %swap3A_542 = arith.index_cast %swap3A_540 : i32 to index
        %swap3A_543 = arith.constant 0 : index
        %swap3A_544 = tpu.vector_load %arg16[%swap3A_541, %swap3A_542, %swap3A_543] {strides = array<i32>} : memref<2x16x128xf32, #tpu.memory_space<vmem>>, vector<16xf32>,
        tpu.vector_store %arg16[%swap3A_541, %swap3A_542, %swap3A_543], %get3A_539 {strides = array<i32>} : memref<2x16x128xf32, #tpu.memory_space<vmem>>, vector<16xf32>,
        %get3A_545 = arith.constant 790 : index
        %get3A_546 = tpu.vector_load %arg15[%get3A_545] {strides = array<i32>} : memref<2064xf32, #tpu.memory_space<vmem>>, vector<16xf32>,
        %swap3A_547 = arith.constant 6 : i32
        %swap3A_548 = arith.index_cast %select_n3A_453 : i32 to index
        %swap3A_549 = arith.index_cast %swap3A_547 : i32 to index
        %swap3A_550 = arith.constant 16 : index
        %swap3A_551 = tpu.vector_load %arg16[%swap3A_548, %swap3A_549, %swap3A_550] {strides = array<i32>} : memref<2x16x128xf32, #tpu.memory_space<vmem>>, vector<16xf32>,
        tpu.vector_store %arg16[%swap3A_548, %swap3A_549, %swap3A_550], %get3A_546 {strides = array<i32>} : memref<2x16x128xf32, #tpu.memory_space<vmem>>, vector<16xf32>,
        %get3A_552 = arith.constant 903 : index
        %get3A_553 = tpu.vector_load %arg15[%get3A_552] {strides = array<i32>} : memref<2064xf32, #tpu.memory_space<vmem>>, vector<16xf32>,
        %swap3A_554 = arith.constant 7 : i32
        %swap3A_555 = arith.index_cast %select_n3A_453 : i32 to index
        %swap3A_556 = arith.index_cast %swap3A_554 : i32 to index
        %swap3A_557 = arith.constant 0 : index
        %swap3A_558 = tpu.vector_load %arg16[%swap3A_555, %swap3A_556, %swap3A_557] {strides = array<i32>} : memref<2x16x128xf32, #tpu.memory_space<vmem>>, vector<16xf32>,
        tpu.vector_store %arg16[%swap3A_555, %swap3A_556, %swap3A_557], %get3A_553 {strides = array<i32>} : memref<2x16x128xf32, #tpu.memory_space<vmem>>, vector<16xf32>,
        %get3A_559 = arith.constant 919 : index
        %get3A_560 = tpu.vector_load %arg15[%get3A_559] {strides = array<i32>} : memref<2064xf32, #tpu.memory_space<vmem>>, vector<16xf32>,
        %swap3A_561 = arith.constant 7 : i32
        %swap3A_562 = arith.index_cast %select_n3A_453 : i32 to index
        %swap3A_563 = arith.index_cast %swap3A_561 : i32 to index
        %swap3A_564 = arith.constant 16 : index
        %swap3A_565 = tpu.vector_load %arg16[%swap3A_562, %swap3A_563, %swap3A_564] {strides = array<i32>} : memref<2x16x128xf32, #tpu.memory_space<vmem>>, vector<16xf32>,
        tpu.vector_store %arg16[%swap3A_562, %swap3A_563, %swap3A_564], %get3A_560 {strides = array<i32>} : memref<2x16x128xf32, #tpu.memory_space<vmem>>, vector<16xf32>,
        %get3A_566 = arith.constant 1032 : index
        %get3A_567 = tpu.vector_load %arg15[%get3A_566] {strides = array<i32>} : memref<2064xf32, #tpu.memory_space<vmem>>, vector<16xf32>,
        %swap3A_568 = arith.constant 8 : i32
        %swap3A_569 = arith.index_cast %select_n3A_453 : i32 to index
        %swap3A_570 = arith.index_cast %swap3A_568 : i32 to index
        %swap3A_571 = arith.constant 0 : index
        %swap3A_572 = tpu.vector_load %arg16[%swap3A_569, %swap3A_570, %swap3A_571] {strides = array<i32>} : memref<2x16x128xf32, #tpu.memory_space<vmem>>, vector<16xf32>,
        tpu.vector_store %arg16[%swap3A_569, %swap3A_570, %swap3A_571], %get3A_567 {strides = array<i32>} : memref<2x16x128xf32, #tpu.memory_space<vmem>>, vector<16xf32>,
        %get3A_573 = arith.constant 1048 : index
        %get3A_574 = tpu.vector_load %arg15[%get3A_573] {strides = array<i32>} : memref<2064xf32, #tpu.memory_space<vmem>>, vector<16xf32>,
        %swap3A_575 = arith.constant 8 : i32
        %swap3A_576 = arith.index_cast %select_n3A_453 : i32 to index
        %swap3A_577 = arith.index_cast %swap3A_575 : i32 to index
        %swap3A_578 = arith.constant 16 : index
        %swap3A_579 = tpu.vector_load %arg16[%swap3A_576, %swap3A_577, %swap3A_578] {strides = array<i32>} : memref<2x16x128xf32, #tpu.memory_space<vmem>>, vector<16xf32>,
        tpu.vector_store %arg16[%swap3A_576, %swap3A_577, %swap3A_578], %get3A_574 {strides = array<i32>} : memref<2x16x128xf32, #tpu.memory_space<vmem>>, vector<16xf32>,
        %get3A_580 = arith.constant 1161 : index
        %get3A_581 = tpu.vector_load %arg15[%get3A_580] {strides = array<i32>} : memref<2064xf32, #tpu.memory_space<vmem>>, vector<16xf32>,
        %swap3A_582 = arith.constant 9 : i32
        %swap3A_583 = arith.index_cast %select_n3A_453 : i32 to index
        %swap3A_584 = arith.index_cast %swap3A_582 : i32 to index
        %swap3A_585 = arith.constant 0 : index
        %swap3A_586 = tpu.vector_load %arg16[%swap3A_583, %swap3A_584, %swap3A_585] {strides = array<i32>} : memref<2x16x128xf32, #tpu.memory_space<vmem>>, vector<16xf32>,
        tpu.vector_store %arg16[%swap3A_583, %swap3A_584, %swap3A_585], %get3A_581 {strides = array<i32>} : memref<2x16x128xf32, #tpu.memory_space<vmem>>, vector<16xf32>,
        %get3A_587 = arith.constant 1177 : index
        %get3A_588 = tpu.vector_load %arg15[%get3A_587] {strides = array<i32>} : memref<2064xf32, #tpu.memory_space<vmem>>, vector<16xf32>,
        %swap3A_589 = arith.constant 9 : i32
        %swap3A_590 = arith.index_cast %select_n3A_453 : i32 to index
        %swap3A_591 = arith.index_cast %swap3A_589 : i32 to index
        %swap3A_592 = arith.constant 16 : index
        %swap3A_593 = tpu.vector_load %arg16[%swap3A_590, %swap3A_591, %swap3A_592] {strides = array<i32>} : memref<2x16x128xf32, #tpu.memory_space<vmem>>, vector<16xf32>,
        tpu.vector_store %arg16[%swap3A_590, %swap3A_591, %swap3A_592], %get3A_588 {strides = array<i32>} : memref<2x16x128xf32, #tpu.memory_space<vmem>>, vector<16xf32>,
        %get3A_594 = arith.constant 1290 : index
        %get3A_595 = tpu.vector_load %arg15[%get3A_594] {strides = array<i32>} : memref<2064xf32, #tpu.memory_space<vmem>>, vector<16xf32>,
        %swap3A_596 = arith.constant 10 : i32
        %swap3A_597 = arith.index_cast %select_n3A_453 : i32 to index
        %swap3A_598 = arith.index_cast %swap3A_596 : i32 to index
        %swap3A_599 = arith.constant 0 : index
        %swap3A_600 = tpu.vector_load %arg16[%swap3A_597, %swap3A_598, %swap3A_599] {strides = array<i32>} : memref<2x16x128xf32, #tpu.memory_space<vmem>>, vector<16xf32>,
        tpu.vector_store %arg16[%swap3A_597, %swap3A_598, %swap3A_599], %get3A_595 {strides = array<i32>} : memref<2x16x128xf32, #tpu.memory_space<vmem>>, vector<16xf32>,
        %get3A_601 = arith.constant 1306 : index
        %get3A_602 = tpu.vector_load %arg15[%get3A_601] {strides = array<i32>} : memref<2064xf32, #tpu.memory_space<vmem>>, vector<16xf32>,
        %swap3A_603 = arith.constant 10 : i32
        %swap3A_604 = arith.index_cast %select_n3A_453 : i32 to index
        %swap3A_605 = arith.index_cast %swap3A_603 : i32 to index
        %swap3A_606 = arith.constant 16 : index
        %swap3A_607 = tpu.vector_load %arg16[%swap3A_604, %swap3A_605, %swap3A_606] {strides = array<i32>} : memref<2x16x128xf32, #tpu.memory_space<vmem>>, vector<16xf32>,
        tpu.vector_store %arg16[%swap3A_604, %swap3A_605, %swap3A_606], %get3A_602 {strides = array<i32>} : memref<2x16x128xf32, #tpu.memory_space<vmem>>, vector<16xf32>,
        %get3A_608 = arith.constant 1419 : index
        %get3A_609 = tpu.vector_load %arg15[%get3A_608] {strides = array<i32>} : memref<2064xf32, #tpu.memory_space<vmem>>, vector<16xf32>,
        %swap3A_610 = arith.constant 11 : i32
        %swap3A_611 = arith.index_cast %select_n3A_453 : i32 to index
        %swap3A_612 = arith.index_cast %swap3A_610 : i32 to index
        %swap3A_613 = arith.constant 0 : index
        %swap3A_614 = tpu.vector_load %arg16[%swap3A_611, %swap3A_612, %swap3A_613] {strides = array<i32>} : memref<2x16x128xf32, #tpu.memory_space<vmem>>, vector<16xf32>,
        tpu.vector_store %arg16[%swap3A_611, %swap3A_612, %swap3A_613], %get3A_609 {strides = array<i32>} : memref<2x16x128xf32, #tpu.memory_space<vmem>>, vector<16xf32>,
        %get3A_615 = arith.constant 1435 : index
        %get3A_616 = tpu.vector_load %arg15[%get3A_615] {strides = array<i32>} : memref<2064xf32, #tpu.memory_space<vmem>>, vector<16xf32>,
        %swap3A_617 = arith.constant 11 : i32
        %swap3A_618 = arith.index_cast %select_n3A_453 : i32 to index
        %swap3A_619 = arith.index_cast %swap3A_617 : i32 to index
        %swap3A_620 = arith.constant 16 : index
        %swap3A_621 = tpu.vector_load %arg16[%swap3A_618, %swap3A_619, %swap3A_620] {strides = array<i32>} : memref<2x16x128xf32, #tpu.memory_space<vmem>>, vector<16xf32>,
        tpu.vector_store %arg16[%swap3A_618, %swap3A_619, %swap3A_620], %get3A_616 {strides = array<i32>} : memref<2x16x128xf32, #tpu.memory_space<vmem>>, vector<16xf32>,
        %get3A_622 = arith.constant 1548 : index
        %get3A_623 = tpu.vector_load %arg15[%get3A_622] {strides = array<i32>} : memref<2064xf32, #tpu.memory_space<vmem>>, vector<16xf32>,
        %swap3A_624 = arith.constant 12 : i32
        %swap3A_625 = arith.index_cast %select_n3A_453 : i32 to index
        %swap3A_626 = arith.index_cast %swap3A_624 : i32 to index
        %swap3A_627 = arith.constant 0 : index
        %swap3A_628 = tpu.vector_load %arg16[%swap3A_625, %swap3A_626, %swap3A_627] {strides = array<i32>} : memref<2x16x128xf32, #tpu.memory_space<vmem>>, vector<16xf32>,
        tpu.vector_store %arg16[%swap3A_625, %swap3A_626, %swap3A_627], %get3A_623 {strides = array<i32>} : memref<2x16x128xf32, #tpu.memory_space<vmem>>, vector<16xf32>,
        %get3A_629 = arith.constant 1564 : index
        %get3A_630 = tpu.vector_load %arg15[%get3A_629] {strides = array<i32>} : memref<2064xf32, #tpu.memory_space<vmem>>, vector<16xf32>,
        %swap3A_631 = arith.constant 12 : i32
        %swap3A_632 = arith.index_cast %select_n3A_453 : i32 to index
        %swap3A_633 = arith.index_cast %swap3A_631 : i32 to index
        %swap3A_634 = arith.constant 16 : index
        %swap3A_635 = tpu.vector_load %arg16[%swap3A_632, %swap3A_633, %swap3A_634] {strides = array<i32>} : memref<2x16x128xf32, #tpu.memory_space<vmem>>, vector<16xf32>,
        tpu.vector_store %arg16[%swap3A_632, %swap3A_633, %swap3A_634], %get3A_630 {strides = array<i32>} : memref<2x16x128xf32, #tpu.memory_space<vmem>>, vector<16xf32>,
        %get3A_636 = arith.constant 1677 : index
        %get3A_637 = tpu.vector_load %arg15[%get3A_636] {strides = array<i32>} : memref<2064xf32, #tpu.memory_space<vmem>>, vector<16xf32>,
        %swap3A_638 = arith.constant 13 : i32
        %swap3A_639 = arith.index_cast %select_n3A_453 : i32 to index
        %swap3A_640 = arith.index_cast %swap3A_638 : i32 to index
        %swap3A_641 = arith.constant 0 : index
        %swap3A_642 = tpu.vector_load %arg16[%swap3A_639, %swap3A_640, %swap3A_641] {strides = array<i32>} : memref<2x16x128xf32, #tpu.memory_space<vmem>>, vector<16xf32>,
        tpu.vector_store %arg16[%swap3A_639, %swap3A_640, %swap3A_641], %get3A_637 {strides = array<i32>} : memref<2x16x128xf32, #tpu.memory_space<vmem>>, vector<16xf32>,
        %get3A_643 = arith.constant 1693 : index
        %get3A_644 = tpu.vector_load %arg15[%get3A_643] {strides = array<i32>} : memref<2064xf32, #tpu.memory_space<vmem>>, vector<16xf32>,
        %swap3A_645 = arith.constant 13 : i32
        %swap3A_646 = arith.index_cast %select_n3A_453 : i32 to index
        %swap3A_647 = arith.index_cast %swap3A_645 : i32 to index
        %swap3A_648 = arith.constant 16 : index
        %swap3A_649 = tpu.vector_load %arg16[%swap3A_646, %swap3A_647, %swap3A_648] {strides = array<i32>} : memref<2x16x128xf32, #tpu.memory_space<vmem>>, vector<16xf32>,
        tpu.vector_store %arg16[%swap3A_646, %swap3A_647, %swap3A_648], %get3A_644 {strides = array<i32>} : memref<2x16x128xf32, #tpu.memory_space<vmem>>, vector<16xf32>,
        %get3A_650 = arith.constant 1806 : index
        %get3A_651 = tpu.vector_load %arg15[%get3A_650] {strides = array<i32>} : memref<2064xf32, #tpu.memory_space<vmem>>, vector<16xf32>,
        %swap3A_652 = arith.constant 14 : i32
        %swap3A_653 = arith.index_cast %select_n3A_453 : i32 to index
        %swap3A_654 = arith.index_cast %swap3A_652 : i32 to index
        %swap3A_655 = arith.constant 0 : index
        %swap3A_656 = tpu.vector_load %arg16[%swap3A_653, %swap3A_654, %swap3A_655] {strides = array<i32>} : memref<2x16x128xf32, #tpu.memory_space<vmem>>, vector<16xf32>,
        tpu.vector_store %arg16[%swap3A_653, %swap3A_654, %swap3A_655], %get3A_651 {strides = array<i32>} : memref<2x16x128xf32, #tpu.memory_space<vmem>>, vector<16xf32>,
        %get3A_657 = arith.constant 1822 : index
        %get3A_658 = tpu.vector_load %arg15[%get3A_657] {strides = array<i32>} : memref<2064xf32, #tpu.memory_space<vmem>>, vector<16xf32>,
        %swap3A_659 = arith.constant 14 : i32
        %swap3A_660 = arith.index_cast %select_n3A_453 : i32 to index
        %swap3A_661 = arith.index_cast %swap3A_659 : i32 to index
        %swap3A_662 = arith.constant 16 : index
        %swap3A_663 = tpu.vector_load %arg16[%swap3A_660, %swap3A_661, %swap3A_662] {strides = array<i32>} : memref<2x16x128xf32, #tpu.memory_space<vmem>>, vector<16xf32>,
        tpu.vector_store %arg16[%swap3A_660, %swap3A_661, %swap3A_662], %get3A_658 {strides = array<i32>} : memref<2x16x128xf32, #tpu.memory_space<vmem>>, vector<16xf32>,
        %get3A_664 = arith.constant 1935 : index
        %get3A_665 = tpu.vector_load %arg15[%get3A_664] {strides = array<i32>} : memref<2064xf32, #tpu.memory_space<vmem>>, vector<16xf32>,
        %swap3A_666 = arith.constant 15 : i32
        %swap3A_667 = arith.index_cast %select_n3A_453 : i32 to index
        %swap3A_668 = arith.index_cast %swap3A_666 : i32 to index
        %swap3A_669 = arith.constant 0 : index
        %swap3A_670 = tpu.vector_load %arg16[%swap3A_667, %swap3A_668, %swap3A_669] {strides = array<i32>} : memref<2x16x128xf32, #tpu.memory_space<vmem>>, vector<16xf32>,
        tpu.vector_store %arg16[%swap3A_667, %swap3A_668, %swap3A_669], %get3A_665 {strides = array<i32>} : memref<2x16x128xf32, #tpu.memory_space<vmem>>, vector<16xf32>,
        %get3A_671 = arith.constant 1951 : index
        %get3A_672 = tpu.vector_load %arg15[%get3A_671] {strides = array<i32>} : memref<2064xf32, #tpu.memory_space<vmem>>, vector<16xf32>,
        %swap3A_673 = arith.constant 15 : i32
        %swap3A_674 = arith.index_cast %select_n3A_453 : i32 to index
        %swap3A_675 = arith.index_cast %swap3A_673 : i32 to index
        %swap3A_676 = arith.constant 16 : index
        %swap3A_677 = tpu.vector_load %arg16[%swap3A_674, %swap3A_675, %swap3A_676] {strides = array<i32>} : memref<2x16x128xf32, #tpu.memory_space<vmem>>, vector<16xf32>,
        tpu.vector_store %arg16[%swap3A_674, %swap3A_675, %swap3A_676], %get3A_672 {strides = array<i32>} : memref<2x16x128xf32, #tpu.memory_space<vmem>>, vector<16xf32>,
        %broadcast_in_dim3A_678 = arith.constant 16390 : i32
        %broadcast_in_dim3A_679 = vector.broadcast %broadcast_in_dim3A_678 : i32 to vector<16xi32>
        %select_n3A_680 = arith.select %lt3A_219, %get3A_213, %broadcast_in_dim3A_679 : vector<16xi1>, vector<16xi32>
        %dma_start3A_681 = arith.constant 0 : i32
        %dma_start3A_682 = arith.constant 0 : i32
        %dma_start3A_683 = tpu.memref_slice %arg16[%select_n3A_453, %dma_start3A_681, %dma_start3A_682] : memref<2x16x128xf32, #tpu.memory_space<vmem>> -> memref<1x16x128xf32, #tpu.memory_space<vmem>>
        %dma_start3A_684 = tpu.memref_squeeze %dma_start3A_683 : memref<1x16x128xf32, #tpu.memory_space<vmem>> -> memref<16x128xf32, #tpu.memory_space<vmem>>
        %dma_start3A_685 = arith.constant 0 : i32
        %dma_start3A_686 = arith.constant 0 : i32
        %dma_start3A_687 = tpu.memref_slice %arg6[%dma_start3A_685, %dma_start3A_686] : memref<16392x128xf32, #tpu.memory_space<hbm>> -> memref<16392x128xf32, #tpu.memory_space<hbm>>
        tpu.enqueue_indirect_dma source(%dma_start3A_684 : memref<16x128xf32, #tpu.memory_space<vmem>>) target(%dma_start3A_687 : memref<16392x128xf32, #tpu.memory_space<hbm>>) offsets(%select_n3A_680 : vector<16xi32>) semaphore(%arg18 : memref<!tpu.dma_semaphore, #tpu.memory_space<semaphore_mem>>)
        %add3A_688 = arith.constant 1 : i32
        %add3A_689 = arith.addi %while3A_200, %add3A_688 : i32
        scf.yield %add3A_689 : i32
      }
      %while3A_197 = arith.constant 1 : i32
      %while3A_198 = scf.for %while3A_199 = %while3A_194 to %while3A_190 step %while3A_197 iter_args(%while3A_200 = %while3A_196) -> (i32)  : i32 {
        %ge3A_201 = arith.constant 2 : i32
        %ge3A_202 = arith.cmpi sge, %while3A_200, %ge3A_201 : i32
        %convert_element_type3A_203 = arith.extui %ge3A_202 : i1 to i32
        %cond3A_204 = arith.constant 0 : i32
        %cond3A_205 = arith.cmpi ne, %convert_element_type3A_203, %cond3A_204 : i32
        scf.if %cond3A_205 {
          %dma_wait3A_690 = arith.constant 0 : i32
          %dma_wait3A_691 = arith.constant 0 : i32
          %dma_wait3A_692 = arith.constant 0 : i32
          %dma_wait3A_693 = tpu.memref_slice %arg16[%dma_wait3A_690, %dma_wait3A_691, %dma_wait3A_692] : memref<2x16x128xf32, #tpu.memory_space<vmem>> -> memref<1x16x128xf32, #tpu.memory_space<vmem>>
          %dma_wait3A_694 = tpu.memref_squeeze %dma_wait3A_693 : memref<1x16x128xf32, #tpu.memory_space<vmem>> -> memref<16x128xf32, #tpu.memory_space<vmem>>
          %dma_wait3A_695 = arith.constant 0 : i32
          %dma_wait3A_696 = arith.constant 0 : i32
          %dma_wait3A_697 = tpu.memref_slice %arg6[%dma_wait3A_695, %dma_wait3A_696] : memref<16392x128xf32, #tpu.memory_space<hbm>> -> memref<16x128xf32, #tpu.memory_space<hbm>>
          %dma_wait3A_698 = arith.constant 0 : i32
          %dma_wait3A_699 = arith.constant 0 : i32
          %dma_wait3A_700 = tpu.memref_slice %arg16[%dma_wait3A_690, %dma_wait3A_698, %dma_wait3A_699] : memref<2x16x128xf32, #tpu.memory_space<vmem>> -> memref<1x16x128xf32, #tpu.memory_space<vmem>>
          %dma_wait3A_701 = tpu.memref_squeeze %dma_wait3A_700 : memref<1x16x128xf32, #tpu.memory_space<vmem>> -> memref<16x128xf32, #tpu.memory_space<vmem>>
          %dma_wait3A_702 = arith.constant 0 : i32
          %dma_wait3A_703 = arith.constant 0 : i32
          %dma_wait3A_704 = tpu.memref_slice %arg6[%dma_wait3A_702, %dma_wait3A_703] : memref<16392x128xf32, #tpu.memory_space<hbm>> -> memref<16x128xf32, #tpu.memory_space<hbm>>
          tpu.wait_dma2 semaphore(%arg18 : memref<!tpu.dma_semaphore, #tpu.memory_space<semaphore_mem>>) src(%dma_wait3A_704 : memref<16x128xf32, #tpu.memory_space<hbm>>) dst(%dma_wait3A_701 : memref<16x128xf32, #tpu.memory_space<vmem>>)
        } else {
        }
        %mul3A_206 = arith.constant 48 : i32
        %mul3A_207 = arith.muli %while3A_132, %mul3A_206 : i32
        %mul3A_208 = arith.constant 16 : i32
        %mul3A_209 = arith.muli %while3A_199, %mul3A_208 : i32
        %add3A_210 = arith.addi %mul3A_207, %mul3A_209 : i32
        %get3A = arith.index_cast %add3A_210 : i32 to index
        %get3A_211 = tpu.vector_load %arg10[%get3A] {strides = array<i32>} : memref<3072xi32, #tpu.memory_space<vmem>>, vector<16xi32>,
        %get3A_212 = arith.index_cast %add3A_210 : i32 to index
        %get3A_213 = tpu.vector_load %arg11[%get3A_212] {strides = array<i32>} : memref<3072xi32, #tpu.memory_space<vmem>>, vector<16xi32>,
        %mul3A_214 = arith.constant 16 : i32
        %mul3A_215 = arith.muli %while3A_199, %mul3A_214 : i32
        %add3A_216 = vector.broadcast %mul3A_215 : i32 to vector<16xi32>
        %add3A_217 = arith.addi %add3A_216, %iota3A : vector<16xi32>
        %lt3A_218 = vector.broadcast %squeeze3A : i32 to vector<16xi32>
        %lt3A_219 = arith.cmpi slt, %add3A_217, %lt3A_218 : vector<16xi32>
        %sub3A_220 = vector.broadcast %min3A_158 : i32 to vector<16xi32>
        %sub3A_221 = arith.subi %get3A_211, %sub3A_220 : vector<16xi32>
        %jit3A_222 = arith.constant 0 : i32
        %jit3A_223 = arith.constant 511 : i32
        %max3A = vector.broadcast %jit3A_222 : i32 to vector<16xi32>
        %max3A_224 = arith.maxsi %max3A, %sub3A_221 : vector<16xi32>
        %min3A_225 = vector.broadcast %jit3A_223 : i32 to vector<16xi32>
        %min3A_226 = arith.minsi %min3A_225, %max3A_224 : vector<16xi32>
        %jit3A_227 = arith.constant 2 : i32
        %eq3A = arith.constant 0 : i32
        %eq3A_228 = arith.cmpi eq, %jit3A_227, %eq3A : i32
        %jit3A_229 = arith.constant 1 : i32
        %select_n3A_230 = arith.select %eq3A_228, %jit3A_229, %jit3A_227 : i32
        %rem3A_231 = arith.remsi %while3A_132, %select_n3A_230 : i32
        %ne3A_232 = arith.constant 0 : i32
        %ne3A_233 = arith.cmpi ne, %rem3A_231, %ne3A_232 : i32
        %lt3A_234 = arith.constant 0 : i32
        %lt3A_235 = arith.cmpi slt, %rem3A_231, %lt3A_234 : i32
        %lt3A_236 = arith.constant 0 : i32
        %lt3A_237 = arith.cmpi slt, %select_n3A_230, %lt3A_236 : i32
        %ne3A_238 = arith.xori %lt3A_235, %lt3A_237 : i1
        %and3A_239 = arith.andi %ne3A_238, %ne3A_233 : i1
        %add3A_240 = arith.addi %rem3A_231, %select_n3A_230 : i32
        %select_n3A_241 = arith.select %and3A_239, %add3A_240, %rem3A_231 : i32
        %broadcast_in_dim3A_242 = vector.broadcast %select_n3A_241 : i32 to vector<16xi32>
        %mul3A_243 = arith.constant 129 : i32
        %mul3A_244 = vector.broadcast %mul3A_243 : i32 to vector<16xi32>
        %mul3A_245 = arith.muli %iota3A, %mul3A_244 : vector<16xi32>
        %broadcast_in_dim3A_246 = arith.constant 0 : i32
        %broadcast_in_dim3A_247 = vector.broadcast %broadcast_in_dim3A_246 : i32 to vector<16xi32>
        %gather3A_248 = tpu.vector_load_idx %arg9[%broadcast_in_dim3A_242, %broadcast_in_dim3A_247, %min3A_226] : memref<2x32x513xf32, #tpu.memory_space<vmem>>[vector<16xi32>, vector<16xi32>, vector<16xi32>], vector<16xf32>,
        %add3A_249 = arith.constant 0 : i32
        %add3A_250 = vector.broadcast %add3A_249 : i32 to vector<16xi32>
        %add3A_251 = arith.addi %mul3A_245, %add3A_250 : vector<16xi32>
        tpu.vector_store_idx %arg15[%add3A_251], %gather3A_248 : memref<2064xf32, #tpu.memory_space<vmem>>[vector<16xi32>], vector<16xf32>,
        %broadcast_in_dim3A_252 = arith.constant 1 : i32
        %broadcast_in_dim3A_253 = vector.broadcast %broadcast_in_dim3A_252 : i32 to vector<16xi32>
        %gather3A_254 = tpu.vector_load_idx %arg9[%broadcast_in_dim3A_242, %broadcast_in_dim3A_253, %min3A_226] : memref<2x32x513xf32, #tpu.memory_space<vmem>>[vector<16xi32>, vector<16xi32>, vector<16xi32>], vector<16xf32>,
        %add3A_255 = arith.constant 1 : i32
        %add3A_256 = vector.broadcast %add3A_255 : i32 to vector<16xi32>
        %add3A_257 = arith.addi %mul3A_245, %add3A_256 : vector<16xi32>
        tpu.vector_store_idx %arg15[%add3A_257], %gather3A_254 : memref<2064xf32, #tpu.memory_space<vmem>>[vector<16xi32>], vector<16xf32>,
        %broadcast_in_dim3A_258 = arith.constant 2 : i32
        %broadcast_in_dim3A_259 = vector.broadcast %broadcast_in_dim3A_258 : i32 to vector<16xi32>
        %gather3A_260 = tpu.vector_load_idx %arg9[%broadcast_in_dim3A_242, %broadcast_in_dim3A_259, %min3A_226] : memref<2x32x513xf32, #tpu.memory_space<vmem>>[vector<16xi32>, vector<16xi32>, vector<16xi32>], vector<16xf32>,
        %add3A_261 = arith.constant 2 : i32
        %add3A_262 = vector.broadcast %add3A_261 : i32 to vector<16xi32>
        %add3A_263 = arith.addi %mul3A_245, %add3A_262 : vector<16xi32>
        tpu.vector_store_idx %arg15[%add3A_263], %gather3A_260 : memref<2064xf32, #tpu.memory_space<vmem>>[vector<16xi32>], vector<16xf32>,
        %broadcast_in_dim3A_264 = arith.constant 3 : i32
        %broadcast_in_dim3A_265 = vector.broadcast %broadcast_in_dim3A_264 : i32 to vector<16xi32>
        %gather3A_266 = tpu.vector_load_idx %arg9[%broadcast_in_dim3A_242, %broadcast_in_dim3A_265, %min3A_226] : memref<2x32x513xf32, #tpu.memory_space<vmem>>[vector<16xi32>, vector<16xi32>, vector<16xi32>], vector<16xf32>,
        %add3A_267 = arith.constant 3 : i32
        %add3A_268 = vector.broadcast %add3A_267 : i32 to vector<16xi32>
        %add3A_269 = arith.addi %mul3A_245, %add3A_268 : vector<16xi32>
        tpu.vector_store_idx %arg15[%add3A_269], %gather3A_266 : memref<2064xf32, #tpu.memory_space<vmem>>[vector<16xi32>], vector<16xf32>,
        %broadcast_in_dim3A_270 = arith.constant 4 : i32
        %broadcast_in_dim3A_271 = vector.broadcast %broadcast_in_dim3A_270 : i32 to vector<16xi32>
        %gather3A_272 = tpu.vector_load_idx %arg9[%broadcast_in_dim3A_242, %broadcast_in_dim3A_271, %min3A_226] : memref<2x32x513xf32, #tpu.memory_space<vmem>>[vector<16xi32>, vector<16xi32>, vector<16xi32>], vector<16xf32>,
        %add3A_273 = arith.constant 4 : i32
        %add3A_274 = vector.broadcast %add3A_273 : i32 to vector<16xi32>
        %add3A_275 = arith.addi %mul3A_245, %add3A_274 : vector<16xi32>
        tpu.vector_store_idx %arg15[%add3A_275], %gather3A_272 : memref<2064xf32, #tpu.memory_space<vmem>>[vector<16xi32>], vector<16xf32>,
        %broadcast_in_dim3A_276 = arith.constant 5 : i32
        %broadcast_in_dim3A_277 = vector.broadcast %broadcast_in_dim3A_276 : i32 to vector<16xi32>
        %gather3A_278 = tpu.vector_load_idx %arg9[%broadcast_in_dim3A_242, %broadcast_in_dim3A_277, %min3A_226] : memref<2x32x513xf32, #tpu.memory_space<vmem>>[vector<16xi32>, vector<16xi32>, vector<16xi32>], vector<16xf32>,
        %add3A_279 = arith.constant 5 : i32
        %add3A_280 = vector.broadcast %add3A_279 : i32 to vector<16xi32>
        %add3A_281 = arith.addi %mul3A_245, %add3A_280 : vector<16xi32>
        tpu.vector_store_idx %arg15[%add3A_281], %gather3A_278 : memref<2064xf32, #tpu.memory_space<vmem>>[vector<16xi32>], vector<16xf32>,
        %broadcast_in_dim3A_282 = arith.constant 6 : i32
        %broadcast_in_dim3A_283 = vector.broadcast %broadcast_in_dim3A_282 : i32 to vector<16xi32>
        %gather3A_284 = tpu.vector_load_idx %arg9[%broadcast_in_dim3A_242, %broadcast_in_dim3A_283, %min3A_226] : memref<2x32x513xf32, #tpu.memory_space<vmem>>[vector<16xi32>, vector<16xi32>, vector<16xi32>], vector<16xf32>,
        %add3A_285 = arith.constant 6 : i32
        %add3A_286 = vector.broadcast %add3A_285 : i32 to vector<16xi32>
        %add3A_287 = arith.addi %mul3A_245, %add3A_286 : vector<16xi32>
        tpu.vector_store_idx %arg15[%add3A_287], %gather3A_284 : memref<2064xf32, #tpu.memory_space<vmem>>[vector<16xi32>], vector<16xf32>,
        %broadcast_in_dim3A_288 = arith.constant 7 : i32
        %broadcast_in_dim3A_289 = vector.broadcast %broadcast_in_dim3A_288 : i32 to vector<16xi32>
        %gather3A_290 = tpu.vector_load_idx %arg9[%broadcast_in_dim3A_242, %broadcast_in_dim3A_289, %min3A_226] : memref<2x32x513xf32, #tpu.memory_space<vmem>>[vector<16xi32>, vector<16xi32>, vector<16xi32>], vector<16xf32>,
        %add3A_291 = arith.constant 7 : i32
        %add3A_292 = vector.broadcast %add3A_291 : i32 to vector<16xi32>
        %add3A_293 = arith.addi %mul3A_245, %add3A_292 : vector<16xi32>
        tpu.vector_store_idx %arg15[%add3A_293], %gather3A_290 : memref<2064xf32, #tpu.memory_space<vmem>>[vector<16xi32>], vector<16xf32>,
        %broadcast_in_dim3A_294 = arith.constant 8 : i32
        %broadcast_in_dim3A_295 = vector.broadcast %broadcast_in_dim3A_294 : i32 to vector<16xi32>
        %gather3A_296 = tpu.vector_load_idx %arg9[%broadcast_in_dim3A_242, %broadcast_in_dim3A_295, %min3A_226] : memref<2x32x513xf32, #tpu.memory_space<vmem>>[vector<16xi32>, vector<16xi32>, vector<16xi32>], vector<16xf32>,
        %add3A_297 = arith.constant 8 : i32
        %add3A_298 = vector.broadcast %add3A_297 : i32 to vector<16xi32>
        %add3A_299 = arith.addi %mul3A_245, %add3A_298 : vector<16xi32>
        tpu.vector_store_idx %arg15[%add3A_299], %gather3A_296 : memref<2064xf32, #tpu.memory_space<vmem>>[vector<16xi32>], vector<16xf32>,
        %broadcast_in_dim3A_300 = arith.constant 9 : i32
        %broadcast_in_dim3A_301 = vector.broadcast %broadcast_in_dim3A_300 : i32 to vector<16xi32>
        %gather3A_302 = tpu.vector_load_idx %arg9[%broadcast_in_dim3A_242, %broadcast_in_dim3A_301, %min3A_226] : memref<2x32x513xf32, #tpu.memory_space<vmem>>[vector<16xi32>, vector<16xi32>, vector<16xi32>], vector<16xf32>,
        %add3A_303 = arith.constant 9 : i32
        %add3A_304 = vector.broadcast %add3A_303 : i32 to vector<16xi32>
        %add3A_305 = arith.addi %mul3A_245, %add3A_304 : vector<16xi32>
        tpu.vector_store_idx %arg15[%add3A_305], %gather3A_302 : memref<2064xf32, #tpu.memory_space<vmem>>[vector<16xi32>], vector<16xf32>,
        %broadcast_in_dim3A_306 = arith.constant 10 : i32
        %broadcast_in_dim3A_307 = vector.broadcast %broadcast_in_dim3A_306 : i32 to vector<16xi32>
        %gather3A_308 = tpu.vector_load_idx %arg9[%broadcast_in_dim3A_242, %broadcast_in_dim3A_307, %min3A_226] : memref<2x32x513xf32, #tpu.memory_space<vmem>>[vector<16xi32>, vector<16xi32>, vector<16xi32>], vector<16xf32>,
        %add3A_309 = arith.constant 10 : i32
        %add3A_310 = vector.broadcast %add3A_309 : i32 to vector<16xi32>
        %add3A_311 = arith.addi %mul3A_245, %add3A_310 : vector<16xi32>
        tpu.vector_store_idx %arg15[%add3A_311], %gather3A_308 : memref<2064xf32, #tpu.memory_space<vmem>>[vector<16xi32>], vector<16xf32>,
        %broadcast_in_dim3A_312 = arith.constant 11 : i32
        %broadcast_in_dim3A_313 = vector.broadcast %broadcast_in_dim3A_312 : i32 to vector<16xi32>
        %gather3A_314 = tpu.vector_load_idx %arg9[%broadcast_in_dim3A_242, %broadcast_in_dim3A_313, %min3A_226] : memref<2x32x513xf32, #tpu.memory_space<vmem>>[vector<16xi32>, vector<16xi32>, vector<16xi32>], vector<16xf32>,
        %add3A_315 = arith.constant 11 : i32
        %add3A_316 = vector.broadcast %add3A_315 : i32 to vector<16xi32>
        %add3A_317 = arith.addi %mul3A_245, %add3A_316 : vector<16xi32>
        tpu.vector_store_idx %arg15[%add3A_317], %gather3A_314 : memref<2064xf32, #tpu.memory_space<vmem>>[vector<16xi32>], vector<16xf32>,
        %broadcast_in_dim3A_318 = arith.constant 12 : i32
        %broadcast_in_dim3A_319 = vector.broadcast %broadcast_in_dim3A_318 : i32 to vector<16xi32>
        %gather3A_320 = tpu.vector_load_idx %arg9[%broadcast_in_dim3A_242, %broadcast_in_dim3A_319, %min3A_226] : memref<2x32x513xf32, #tpu.memory_space<vmem>>[vector<16xi32>, vector<16xi32>, vector<16xi32>], vector<16xf32>,
        %add3A_321 = arith.constant 12 : i32
        %add3A_322 = vector.broadcast %add3A_321 : i32 to vector<16xi32>
        %add3A_323 = arith.addi %mul3A_245, %add3A_322 : vector<16xi32>
        tpu.vector_store_idx %arg15[%add3A_323], %gather3A_320 : memref<2064xf32, #tpu.memory_space<vmem>>[vector<16xi32>], vector<16xf32>,
        %broadcast_in_dim3A_324 = arith.constant 13 : i32
        %broadcast_in_dim3A_325 = vector.broadcast %broadcast_in_dim3A_324 : i32 to vector<16xi32>
        %gather3A_326 = tpu.vector_load_idx %arg9[%broadcast_in_dim3A_242, %broadcast_in_dim3A_325, %min3A_226] : memref<2x32x513xf32, #tpu.memory_space<vmem>>[vector<16xi32>, vector<16xi32>, vector<16xi32>], vector<16xf32>,
        %add3A_327 = arith.constant 13 : i32
        %add3A_328 = vector.broadcast %add3A_327 : i32 to vector<16xi32>
        %add3A_329 = arith.addi %mul3A_245, %add3A_328 : vector<16xi32>
        tpu.vector_store_idx %arg15[%add3A_329], %gather3A_326 : memref<2064xf32, #tpu.memory_space<vmem>>[vector<16xi32>], vector<16xf32>,
        %broadcast_in_dim3A_330 = arith.constant 14 : i32
        %broadcast_in_dim3A_331 = vector.broadcast %broadcast_in_dim3A_330 : i32 to vector<16xi32>
        %gather3A_332 = tpu.vector_load_idx %arg9[%broadcast_in_dim3A_242, %broadcast_in_dim3A_331, %min3A_226] : memref<2x32x513xf32, #tpu.memory_space<vmem>>[vector<16xi32>, vector<16xi32>, vector<16xi32>], vector<16xf32>,
        %add3A_333 = arith.constant 14 : i32
        %add3A_334 = vector.broadcast %add3A_333 : i32 to vector<16xi32>
        %add3A_335 = arith.addi %mul3A_245, %add3A_334 : vector<16xi32>
        tpu.vector_store_idx %arg15[%add3A_335], %gather3A_332 : memref<2064xf32, #tpu.memory_space<vmem>>[vector<16xi32>], vector<16xf32>,
        %broadcast_in_dim3A_336 = arith.constant 15 : i32
        %broadcast_in_dim3A_337 = vector.broadcast %broadcast_in_dim3A_336 : i32 to vector<16xi32>
        %gather3A_338 = tpu.vector_load_idx %arg9[%broadcast_in_dim3A_242, %broadcast_in_dim3A_337, %min3A_226] : memref<2x32x513xf32, #tpu.memory_space<vmem>>[vector<16xi32>, vector<16xi32>, vector<16xi32>], vector<16xf32>,
        %add3A_339 = arith.constant 15 : i32
        %add3A_340 = vector.broadcast %add3A_339 : i32 to vector<16xi32>
        %add3A_341 = arith.addi %mul3A_245, %add3A_340 : vector<16xi32>
        tpu.vector_store_idx %arg15[%add3A_341], %gather3A_338 : memref<2064xf32, #tpu.memory_space<vmem>>[vector<16xi32>], vector<16xf32>,
        %broadcast_in_dim3A_342 = arith.constant 16 : i32
        %broadcast_in_dim3A_343 = vector.broadcast %broadcast_in_dim3A_342 : i32 to vector<16xi32>
        %gather3A_344 = tpu.vector_load_idx %arg9[%broadcast_in_dim3A_242, %broadcast_in_dim3A_343, %min3A_226] : memref<2x32x513xf32, #tpu.memory_space<vmem>>[vector<16xi32>, vector<16xi32>, vector<16xi32>], vector<16xf32>,
        %add3A_345 = arith.constant 16 : i32
        %add3A_346 = vector.broadcast %add3A_345 : i32 to vector<16xi32>
        %add3A_347 = arith.addi %mul3A_245, %add3A_346 : vector<16xi32>
        tpu.vector_store_idx %arg15[%add3A_347], %gather3A_344 : memref<2064xf32, #tpu.memory_space<vmem>>[vector<16xi32>], vector<16xf32>,
        %broadcast_in_dim3A_348 = arith.constant 17 : i32
        %broadcast_in_dim3A_349 = vector.broadcast %broadcast_in_dim3A_348 : i32 to vector<16xi32>
        %gather3A_350 = tpu.vector_load_idx %arg9[%broadcast_in_dim3A_242, %broadcast_in_dim3A_349, %min3A_226] : memref<2x32x513xf32, #tpu.memory_space<vmem>>[vector<16xi32>, vector<16xi32>, vector<16xi32>], vector<16xf32>,
        %add3A_351 = arith.constant 17 : i32
        %add3A_352 = vector.broadcast %add3A_351 : i32 to vector<16xi32>
        %add3A_353 = arith.addi %mul3A_245, %add3A_352 : vector<16xi32>
        tpu.vector_store_idx %arg15[%add3A_353], %gather3A_350 : memref<2064xf32, #tpu.memory_space<vmem>>[vector<16xi32>], vector<16xf32>,
        %broadcast_in_dim3A_354 = arith.constant 18 : i32
        %broadcast_in_dim3A_355 = vector.broadcast %broadcast_in_dim3A_354 : i32 to vector<16xi32>
        %gather3A_356 = tpu.vector_load_idx %arg9[%broadcast_in_dim3A_242, %broadcast_in_dim3A_355, %min3A_226] : memref<2x32x513xf32, #tpu.memory_space<vmem>>[vector<16xi32>, vector<16xi32>, vector<16xi32>], vector<16xf32>,
        %add3A_357 = arith.constant 18 : i32
        %add3A_358 = vector.broadcast %add3A_357 : i32 to vector<16xi32>
        %add3A_359 = arith.addi %mul3A_245, %add3A_358 : vector<16xi32>
        tpu.vector_store_idx %arg15[%add3A_359], %gather3A_356 : memref<2064xf32, #tpu.memory_space<vmem>>[vector<16xi32>], vector<16xf32>,
        %broadcast_in_dim3A_360 = arith.constant 19 : i32
        %broadcast_in_dim3A_361 = vector.broadcast %broadcast_in_dim3A_360 : i32 to vector<16xi32>
        %gather3A_362 = tpu.vector_load_idx %arg9[%broadcast_in_dim3A_242, %broadcast_in_dim3A_361, %min3A_226] : memref<2x32x513xf32, #tpu.memory_space<vmem>>[vector<16xi32>, vector<16xi32>, vector<16xi32>], vector<16xf32>,
        %add3A_363 = arith.constant 19 : i32
        %add3A_364 = vector.broadcast %add3A_363 : i32 to vector<16xi32>
        %add3A_365 = arith.addi %mul3A_245, %add3A_364 : vector<16xi32>
        tpu.vector_store_idx %arg15[%add3A_365], %gather3A_362 : memref<2064xf32, #tpu.memory_space<vmem>>[vector<16xi32>], vector<16xf32>,
        %broadcast_in_dim3A_366 = arith.constant 20 : i32
        %broadcast_in_dim3A_367 = vector.broadcast %broadcast_in_dim3A_366 : i32 to vector<16xi32>
        %gather3A_368 = tpu.vector_load_idx %arg9[%broadcast_in_dim3A_242, %broadcast_in_dim3A_367, %min3A_226] : memref<2x32x513xf32, #tpu.memory_space<vmem>>[vector<16xi32>, vector<16xi32>, vector<16xi32>], vector<16xf32>,
        %add3A_369 = arith.constant 20 : i32
        %add3A_370 = vector.broadcast %add3A_369 : i32 to vector<16xi32>
        %add3A_371 = arith.addi %mul3A_245, %add3A_370 : vector<16xi32>
        tpu.vector_store_idx %arg15[%add3A_371], %gather3A_368 : memref<2064xf32, #tpu.memory_space<vmem>>[vector<16xi32>], vector<16xf32>,
        %broadcast_in_dim3A_372 = arith.constant 21 : i32
        %broadcast_in_dim3A_373 = vector.broadcast %broadcast_in_dim3A_372 : i32 to vector<16xi32>
        %gather3A_374 = tpu.vector_load_idx %arg9[%broadcast_in_dim3A_242, %broadcast_in_dim3A_373, %min3A_226] : memref<2x32x513xf32, #tpu.memory_space<vmem>>[vector<16xi32>, vector<16xi32>, vector<16xi32>], vector<16xf32>,
        %add3A_375 = arith.constant 21 : i32
        %add3A_376 = vector.broadcast %add3A_375 : i32 to vector<16xi32>
        %add3A_377 = arith.addi %mul3A_245, %add3A_376 : vector<16xi32>
        tpu.vector_store_idx %arg15[%add3A_377], %gather3A_374 : memref<2064xf32, #tpu.memory_space<vmem>>[vector<16xi32>], vector<16xf32>,
        %broadcast_in_dim3A_378 = arith.constant 22 : i32
        %broadcast_in_dim3A_379 = vector.broadcast %broadcast_in_dim3A_378 : i32 to vector<16xi32>
        %gather3A_380 = tpu.vector_load_idx %arg9[%broadcast_in_dim3A_242, %broadcast_in_dim3A_379, %min3A_226] : memref<2x32x513xf32, #tpu.memory_space<vmem>>[vector<16xi32>, vector<16xi32>, vector<16xi32>], vector<16xf32>,
        %add3A_381 = arith.constant 22 : i32
        %add3A_382 = vector.broadcast %add3A_381 : i32 to vector<16xi32>
        %add3A_383 = arith.addi %mul3A_245, %add3A_382 : vector<16xi32>
        tpu.vector_store_idx %arg15[%add3A_383], %gather3A_380 : memref<2064xf32, #tpu.memory_space<vmem>>[vector<16xi32>], vector<16xf32>,
        %broadcast_in_dim3A_384 = arith.constant 23 : i32
        %broadcast_in_dim3A_385 = vector.broadcast %broadcast_in_dim3A_384 : i32 to vector<16xi32>
        %gather3A_386 = tpu.vector_load_idx %arg9[%broadcast_in_dim3A_242, %broadcast_in_dim3A_385, %min3A_226] : memref<2x32x513xf32, #tpu.memory_space<vmem>>[vector<16xi32>, vector<16xi32>, vector<16xi32>], vector<16xf32>,
        %add3A_387 = arith.constant 23 : i32
        %add3A_388 = vector.broadcast %add3A_387 : i32 to vector<16xi32>
        %add3A_389 = arith.addi %mul3A_245, %add3A_388 : vector<16xi32>
        tpu.vector_store_idx %arg15[%add3A_389], %gather3A_386 : memref<2064xf32, #tpu.memory_space<vmem>>[vector<16xi32>], vector<16xf32>,
        %broadcast_in_dim3A_390 = arith.constant 24 : i32
        %broadcast_in_dim3A_391 = vector.broadcast %broadcast_in_dim3A_390 : i32 to vector<16xi32>
        %gather3A_392 = tpu.vector_load_idx %arg9[%broadcast_in_dim3A_242, %broadcast_in_dim3A_391, %min3A_226] : memref<2x32x513xf32, #tpu.memory_space<vmem>>[vector<16xi32>, vector<16xi32>, vector<16xi32>], vector<16xf32>,
        %add3A_393 = arith.constant 24 : i32
        %add3A_394 = vector.broadcast %add3A_393 : i32 to vector<16xi32>
        %add3A_395 = arith.addi %mul3A_245, %add3A_394 : vector<16xi32>
        tpu.vector_store_idx %arg15[%add3A_395], %gather3A_392 : memref<2064xf32, #tpu.memory_space<vmem>>[vector<16xi32>], vector<16xf32>,
        %broadcast_in_dim3A_396 = arith.constant 25 : i32
        %broadcast_in_dim3A_397 = vector.broadcast %broadcast_in_dim3A_396 : i32 to vector<16xi32>
        %gather3A_398 = tpu.vector_load_idx %arg9[%broadcast_in_dim3A_242, %broadcast_in_dim3A_397, %min3A_226] : memref<2x32x513xf32, #tpu.memory_space<vmem>>[vector<16xi32>, vector<16xi32>, vector<16xi32>], vector<16xf32>,
        %add3A_399 = arith.constant 25 : i32
        %add3A_400 = vector.broadcast %add3A_399 : i32 to vector<16xi32>
        %add3A_401 = arith.addi %mul3A_245, %add3A_400 : vector<16xi32>
        tpu.vector_store_idx %arg15[%add3A_401], %gather3A_398 : memref<2064xf32, #tpu.memory_space<vmem>>[vector<16xi32>], vector<16xf32>,
        %broadcast_in_dim3A_402 = arith.constant 26 : i32
        %broadcast_in_dim3A_403 = vector.broadcast %broadcast_in_dim3A_402 : i32 to vector<16xi32>
        %gather3A_404 = tpu.vector_load_idx %arg9[%broadcast_in_dim3A_242, %broadcast_in_dim3A_403, %min3A_226] : memref<2x32x513xf32, #tpu.memory_space<vmem>>[vector<16xi32>, vector<16xi32>, vector<16xi32>], vector<16xf32>,
        %add3A_405 = arith.constant 26 : i32
        %add3A_406 = vector.broadcast %add3A_405 : i32 to vector<16xi32>
        %add3A_407 = arith.addi %mul3A_245, %add3A_406 : vector<16xi32>
        tpu.vector_store_idx %arg15[%add3A_407], %gather3A_404 : memref<2064xf32, #tpu.memory_space<vmem>>[vector<16xi32>], vector<16xf32>,
        %broadcast_in_dim3A_408 = arith.constant 27 : i32
        %broadcast_in_dim3A_409 = vector.broadcast %broadcast_in_dim3A_408 : i32 to vector<16xi32>
        %gather3A_410 = tpu.vector_load_idx %arg9[%broadcast_in_dim3A_242, %broadcast_in_dim3A_409, %min3A_226] : memref<2x32x513xf32, #tpu.memory_space<vmem>>[vector<16xi32>, vector<16xi32>, vector<16xi32>], vector<16xf32>,
        %add3A_411 = arith.constant 27 : i32
        %add3A_412 = vector.broadcast %add3A_411 : i32 to vector<16xi32>
        %add3A_413 = arith.addi %mul3A_245, %add3A_412 : vector<16xi32>
        tpu.vector_store_idx %arg15[%add3A_413], %gather3A_410 : memref<2064xf32, #tpu.memory_space<vmem>>[vector<16xi32>], vector<16xf32>,
        %broadcast_in_dim3A_414 = arith.constant 28 : i32
        %broadcast_in_dim3A_415 = vector.broadcast %broadcast_in_dim3A_414 : i32 to vector<16xi32>
        %gather3A_416 = tpu.vector_load_idx %arg9[%broadcast_in_dim3A_242, %broadcast_in_dim3A_415, %min3A_226] : memref<2x32x513xf32, #tpu.memory_space<vmem>>[vector<16xi32>, vector<16xi32>, vector<16xi32>], vector<16xf32>,
        %add3A_417 = arith.constant 28 : i32
        %add3A_418 = vector.broadcast %add3A_417 : i32 to vector<16xi32>
        %add3A_419 = arith.addi %mul3A_245, %add3A_418 : vector<16xi32>
        tpu.vector_store_idx %arg15[%add3A_419], %gather3A_416 : memref<2064xf32, #tpu.memory_space<vmem>>[vector<16xi32>], vector<16xf32>,
        %broadcast_in_dim3A_420 = arith.constant 29 : i32
        %broadcast_in_dim3A_421 = vector.broadcast %broadcast_in_dim3A_420 : i32 to vector<16xi32>
        %gather3A_422 = tpu.vector_load_idx %arg9[%broadcast_in_dim3A_242, %broadcast_in_dim3A_421, %min3A_226] : memref<2x32x513xf32, #tpu.memory_space<vmem>>[vector<16xi32>, vector<16xi32>, vector<16xi32>], vector<16xf32>,
        %add3A_423 = arith.constant 29 : i32
        %add3A_424 = vector.broadcast %add3A_423 : i32 to vector<16xi32>
        %add3A_425 = arith.addi %mul3A_245, %add3A_424 : vector<16xi32>
        tpu.vector_store_idx %arg15[%add3A_425], %gather3A_422 : memref<2064xf32, #tpu.memory_space<vmem>>[vector<16xi32>], vector<16xf32>,
        %broadcast_in_dim3A_426 = arith.constant 30 : i32
        %broadcast_in_dim3A_427 = vector.broadcast %broadcast_in_dim3A_426 : i32 to vector<16xi32>
        %gather3A_428 = tpu.vector_load_idx %arg9[%broadcast_in_dim3A_242, %broadcast_in_dim3A_427, %min3A_226] : memref<2x32x513xf32, #tpu.memory_space<vmem>>[vector<16xi32>, vector<16xi32>, vector<16xi32>], vector<16xf32>,
        %add3A_429 = arith.constant 30 : i32
        %add3A_430 = vector.broadcast %add3A_429 : i32 to vector<16xi32>
        %add3A_431 = arith.addi %mul3A_245, %add3A_430 : vector<16xi32>
        tpu.vector_store_idx %arg15[%add3A_431], %gather3A_428 : memref<2064xf32, #tpu.memory_space<vmem>>[vector<16xi32>], vector<16xf32>,
        %broadcast_in_dim3A_432 = arith.constant 31 : i32
        %broadcast_in_dim3A_433 = vector.broadcast %broadcast_in_dim3A_432 : i32 to vector<16xi32>
        %gather3A_434 = tpu.vector_load_idx %arg9[%broadcast_in_dim3A_242, %broadcast_in_dim3A_433, %min3A_226] : memref<2x32x513xf32, #tpu.memory_space<vmem>>[vector<16xi32>, vector<16xi32>, vector<16xi32>], vector<16xf32>,
        %add3A_435 = arith.constant 31 : i32
        %add3A_436 = vector.broadcast %add3A_435 : i32 to vector<16xi32>
        %add3A_437 = arith.addi %mul3A_245, %add3A_436 : vector<16xi32>
        tpu.vector_store_idx %arg15[%add3A_437], %gather3A_434 : memref<2064xf32, #tpu.memory_space<vmem>>[vector<16xi32>], vector<16xf32>,
        %jit3A_438 = arith.constant 2 : i32
        %eq3A_439 = arith.constant 0 : i32
        %eq3A_440 = arith.cmpi eq, %jit3A_438, %eq3A_439 : i32
        %jit3A_441 = arith.constant 1 : i32
        %select_n3A_442 = arith.select %eq3A_440, %jit3A_441, %jit3A_438 : i32
        %rem3A_443 = arith.remsi %while3A_200, %select_n3A_442 : i32
        %ne3A_444 = arith.constant 0 : i32
        %ne3A_445 = arith.cmpi ne, %rem3A_443, %ne3A_444 : i32
        %lt3A_446 = arith.constant 0 : i32
        %lt3A_447 = arith.cmpi slt, %rem3A_443, %lt3A_446 : i32
        %lt3A_448 = arith.constant 0 : i32
        %lt3A_449 = arith.cmpi slt, %select_n3A_442, %lt3A_448 : i32
        %ne3A_450 = arith.xori %lt3A_447, %lt3A_449 : i1
        %and3A_451 = arith.andi %ne3A_450, %ne3A_445 : i1
        %add3A_452 = arith.addi %rem3A_443, %select_n3A_442 : i32
        %select_n3A_453 = arith.select %and3A_451, %add3A_452, %rem3A_443 : i32
        %get3A_454 = arith.constant 0 : index
        %get3A_455 = tpu.vector_load %arg15[%get3A_454] {strides = array<i32>} : memref<2064xf32, #tpu.memory_space<vmem>>, vector<16xf32>,
        %swap3A_456 = arith.constant 0 : i32
        %swap3A_457 = arith.index_cast %select_n3A_453 : i32 to index
        %swap3A_458 = arith.index_cast %swap3A_456 : i32 to index
        %swap3A_459 = arith.constant 0 : index
        %swap3A_460 = tpu.vector_load %arg16[%swap3A_457, %swap3A_458, %swap3A_459] {strides = array<i32>} : memref<2x16x128xf32, #tpu.memory_space<vmem>>, vector<16xf32>,
        tpu.vector_store %arg16[%swap3A_457, %swap3A_458, %swap3A_459], %get3A_455 {strides = array<i32>} : memref<2x16x128xf32, #tpu.memory_space<vmem>>, vector<16xf32>,
        %get3A_461 = arith.constant 16 : index
        %get3A_462 = tpu.vector_load %arg15[%get3A_461] {strides = array<i32>} : memref<2064xf32, #tpu.memory_space<vmem>>, vector<16xf32>,
        %swap3A_463 = arith.constant 0 : i32
        %swap3A_464 = arith.index_cast %select_n3A_453 : i32 to index
        %swap3A_465 = arith.index_cast %swap3A_463 : i32 to index
        %swap3A_466 = arith.constant 16 : index
        %swap3A_467 = tpu.vector_load %arg16[%swap3A_464, %swap3A_465, %swap3A_466] {strides = array<i32>} : memref<2x16x128xf32, #tpu.memory_space<vmem>>, vector<16xf32>,
        tpu.vector_store %arg16[%swap3A_464, %swap3A_465, %swap3A_466], %get3A_462 {strides = array<i32>} : memref<2x16x128xf32, #tpu.memory_space<vmem>>, vector<16xf32>,
        %get3A_468 = arith.constant 129 : index
        %get3A_469 = tpu.vector_load %arg15[%get3A_468] {strides = array<i32>} : memref<2064xf32, #tpu.memory_space<vmem>>, vector<16xf32>,
        %swap3A_470 = arith.constant 1 : i32
        %swap3A_471 = arith.index_cast %select_n3A_453 : i32 to index
        %swap3A_472 = arith.index_cast %swap3A_470 : i32 to index
        %swap3A_473 = arith.constant 0 : index
        %swap3A_474 = tpu.vector_load %arg16[%swap3A_471, %swap3A_472, %swap3A_473] {strides = array<i32>} : memref<2x16x128xf32, #tpu.memory_space<vmem>>, vector<16xf32>,
        tpu.vector_store %arg16[%swap3A_471, %swap3A_472, %swap3A_473], %get3A_469 {strides = array<i32>} : memref<2x16x128xf32, #tpu.memory_space<vmem>>, vector<16xf32>,
        %get3A_475 = arith.constant 145 : index
        %get3A_476 = tpu.vector_load %arg15[%get3A_475] {strides = array<i32>} : memref<2064xf32, #tpu.memory_space<vmem>>, vector<16xf32>,
        %swap3A_477 = arith.constant 1 : i32
        %swap3A_478 = arith.index_cast %select_n3A_453 : i32 to index
        %swap3A_479 = arith.index_cast %swap3A_477 : i32 to index
        %swap3A_480 = arith.constant 16 : index
        %swap3A_481 = tpu.vector_load %arg16[%swap3A_478, %swap3A_479, %swap3A_480] {strides = array<i32>} : memref<2x16x128xf32, #tpu.memory_space<vmem>>, vector<16xf32>,
        tpu.vector_store %arg16[%swap3A_478, %swap3A_479, %swap3A_480], %get3A_476 {strides = array<i32>} : memref<2x16x128xf32, #tpu.memory_space<vmem>>, vector<16xf32>,
        %get3A_482 = arith.constant 258 : index
        %get3A_483 = tpu.vector_load %arg15[%get3A_482] {strides = array<i32>} : memref<2064xf32, #tpu.memory_space<vmem>>, vector<16xf32>,
        %swap3A_484 = arith.constant 2 : i32
        %swap3A_485 = arith.index_cast %select_n3A_453 : i32 to index
        %swap3A_486 = arith.index_cast %swap3A_484 : i32 to index
        %swap3A_487 = arith.constant 0 : index
        %swap3A_488 = tpu.vector_load %arg16[%swap3A_485, %swap3A_486, %swap3A_487] {strides = array<i32>} : memref<2x16x128xf32, #tpu.memory_space<vmem>>, vector<16xf32>,
        tpu.vector_store %arg16[%swap3A_485, %swap3A_486, %swap3A_487], %get3A_483 {strides = array<i32>} : memref<2x16x128xf32, #tpu.memory_space<vmem>>, vector<16xf32>,
        %get3A_489 = arith.constant 274 : index
        %get3A_490 = tpu.vector_load %arg15[%get3A_489] {strides = array<i32>} : memref<2064xf32, #tpu.memory_space<vmem>>, vector<16xf32>,
        %swap3A_491 = arith.constant 2 : i32
        %swap3A_492 = arith.index_cast %select_n3A_453 : i32 to index
        %swap3A_493 = arith.index_cast %swap3A_491 : i32 to index
        %swap3A_494 = arith.constant 16 : index
        %swap3A_495 = tpu.vector_load %arg16[%swap3A_492, %swap3A_493, %swap3A_494] {strides = array<i32>} : memref<2x16x128xf32, #tpu.memory_space<vmem>>, vector<16xf32>,
        tpu.vector_store %arg16[%swap3A_492, %swap3A_493, %swap3A_494], %get3A_490 {strides = array<i32>} : memref<2x16x128xf32, #tpu.memory_space<vmem>>, vector<16xf32>,
        %get3A_496 = arith.constant 387 : index
        %get3A_497 = tpu.vector_load %arg15[%get3A_496] {strides = array<i32>} : memref<2064xf32, #tpu.memory_space<vmem>>, vector<16xf32>,
        %swap3A_498 = arith.constant 3 : i32
        %swap3A_499 = arith.index_cast %select_n3A_453 : i32 to index
        %swap3A_500 = arith.index_cast %swap3A_498 : i32 to index
        %swap3A_501 = arith.constant 0 : index
        %swap3A_502 = tpu.vector_load %arg16[%swap3A_499, %swap3A_500, %swap3A_501] {strides = array<i32>} : memref<2x16x128xf32, #tpu.memory_space<vmem>>, vector<16xf32>,
        tpu.vector_store %arg16[%swap3A_499, %swap3A_500, %swap3A_501], %get3A_497 {strides = array<i32>} : memref<2x16x128xf32, #tpu.memory_space<vmem>>, vector<16xf32>,
        %get3A_503 = arith.constant 403 : index
        %get3A_504 = tpu.vector_load %arg15[%get3A_503] {strides = array<i32>} : memref<2064xf32, #tpu.memory_space<vmem>>, vector<16xf32>,
        %swap3A_505 = arith.constant 3 : i32
        %swap3A_506 = arith.index_cast %select_n3A_453 : i32 to index
        %swap3A_507 = arith.index_cast %swap3A_505 : i32 to index
        %swap3A_508 = arith.constant 16 : index
        %swap3A_509 = tpu.vector_load %arg16[%swap3A_506, %swap3A_507, %swap3A_508] {strides = array<i32>} : memref<2x16x128xf32, #tpu.memory_space<vmem>>, vector<16xf32>,
        tpu.vector_store %arg16[%swap3A_506, %swap3A_507, %swap3A_508], %get3A_504 {strides = array<i32>} : memref<2x16x128xf32, #tpu.memory_space<vmem>>, vector<16xf32>,
        %get3A_510 = arith.constant 516 : index
        %get3A_511 = tpu.vector_load %arg15[%get3A_510] {strides = array<i32>} : memref<2064xf32, #tpu.memory_space<vmem>>, vector<16xf32>,
        %swap3A_512 = arith.constant 4 : i32
        %swap3A_513 = arith.index_cast %select_n3A_453 : i32 to index
        %swap3A_514 = arith.index_cast %swap3A_512 : i32 to index
        %swap3A_515 = arith.constant 0 : index
        %swap3A_516 = tpu.vector_load %arg16[%swap3A_513, %swap3A_514, %swap3A_515] {strides = array<i32>} : memref<2x16x128xf32, #tpu.memory_space<vmem>>, vector<16xf32>,
        tpu.vector_store %arg16[%swap3A_513, %swap3A_514, %swap3A_515], %get3A_511 {strides = array<i32>} : memref<2x16x128xf32, #tpu.memory_space<vmem>>, vector<16xf32>,
        %get3A_517 = arith.constant 532 : index
        %get3A_518 = tpu.vector_load %arg15[%get3A_517] {strides = array<i32>} : memref<2064xf32, #tpu.memory_space<vmem>>, vector<16xf32>,
        %swap3A_519 = arith.constant 4 : i32
        %swap3A_520 = arith.index_cast %select_n3A_453 : i32 to index
        %swap3A_521 = arith.index_cast %swap3A_519 : i32 to index
        %swap3A_522 = arith.constant 16 : index
        %swap3A_523 = tpu.vector_load %arg16[%swap3A_520, %swap3A_521, %swap3A_522] {strides = array<i32>} : memref<2x16x128xf32, #tpu.memory_space<vmem>>, vector<16xf32>,
        tpu.vector_store %arg16[%swap3A_520, %swap3A_521, %swap3A_522], %get3A_518 {strides = array<i32>} : memref<2x16x128xf32, #tpu.memory_space<vmem>>, vector<16xf32>,
        %get3A_524 = arith.constant 645 : index
        %get3A_525 = tpu.vector_load %arg15[%get3A_524] {strides = array<i32>} : memref<2064xf32, #tpu.memory_space<vmem>>, vector<16xf32>,
        %swap3A_526 = arith.constant 5 : i32
        %swap3A_527 = arith.index_cast %select_n3A_453 : i32 to index
        %swap3A_528 = arith.index_cast %swap3A_526 : i32 to index
        %swap3A_529 = arith.constant 0 : index
        %swap3A_530 = tpu.vector_load %arg16[%swap3A_527, %swap3A_528, %swap3A_529] {strides = array<i32>} : memref<2x16x128xf32, #tpu.memory_space<vmem>>, vector<16xf32>,
        tpu.vector_store %arg16[%swap3A_527, %swap3A_528, %swap3A_529], %get3A_525 {strides = array<i32>} : memref<2x16x128xf32, #tpu.memory_space<vmem>>, vector<16xf32>,
        %get3A_531 = arith.constant 661 : index
        %get3A_532 = tpu.vector_load %arg15[%get3A_531] {strides = array<i32>} : memref<2064xf32, #tpu.memory_space<vmem>>, vector<16xf32>,
        %swap3A_533 = arith.constant 5 : i32
        %swap3A_534 = arith.index_cast %select_n3A_453 : i32 to index
        %swap3A_535 = arith.index_cast %swap3A_533 : i32 to index
        %swap3A_536 = arith.constant 16 : index
        %swap3A_537 = tpu.vector_load %arg16[%swap3A_534, %swap3A_535, %swap3A_536] {strides = array<i32>} : memref<2x16x128xf32, #tpu.memory_space<vmem>>, vector<16xf32>,
        tpu.vector_store %arg16[%swap3A_534, %swap3A_535, %swap3A_536], %get3A_532 {strides = array<i32>} : memref<2x16x128xf32, #tpu.memory_space<vmem>>, vector<16xf32>,
        %get3A_538 = arith.constant 774 : index
        %get3A_539 = tpu.vector_load %arg15[%get3A_538] {strides = array<i32>} : memref<2064xf32, #tpu.memory_space<vmem>>, vector<16xf32>,
        %swap3A_540 = arith.constant 6 : i32
        %swap3A_541 = arith.index_cast %select_n3A_453 : i32 to index
        %swap3A_542 = arith.index_cast %swap3A_540 : i32 to index
        %swap3A_543 = arith.constant 0 : index
        %swap3A_544 = tpu.vector_load %arg16[%swap3A_541, %swap3A_542, %swap3A_543] {strides = array<i32>} : memref<2x16x128xf32, #tpu.memory_space<vmem>>, vector<16xf32>,
        tpu.vector_store %arg16[%swap3A_541, %swap3A_542, %swap3A_543], %get3A_539 {strides = array<i32>} : memref<2x16x128xf32, #tpu.memory_space<vmem>>, vector<16xf32>,
        %get3A_545 = arith.constant 790 : index
        %get3A_546 = tpu.vector_load %arg15[%get3A_545] {strides = array<i32>} : memref<2064xf32, #tpu.memory_space<vmem>>, vector<16xf32>,
        %swap3A_547 = arith.constant 6 : i32
        %swap3A_548 = arith.index_cast %select_n3A_453 : i32 to index
        %swap3A_549 = arith.index_cast %swap3A_547 : i32 to index
        %swap3A_550 = arith.constant 16 : index
        %swap3A_551 = tpu.vector_load %arg16[%swap3A_548, %swap3A_549, %swap3A_550] {strides = array<i32>} : memref<2x16x128xf32, #tpu.memory_space<vmem>>, vector<16xf32>,
        tpu.vector_store %arg16[%swap3A_548, %swap3A_549, %swap3A_550], %get3A_546 {strides = array<i32>} : memref<2x16x128xf32, #tpu.memory_space<vmem>>, vector<16xf32>,
        %get3A_552 = arith.constant 903 : index
        %get3A_553 = tpu.vector_load %arg15[%get3A_552] {strides = array<i32>} : memref<2064xf32, #tpu.memory_space<vmem>>, vector<16xf32>,
        %swap3A_554 = arith.constant 7 : i32
        %swap3A_555 = arith.index_cast %select_n3A_453 : i32 to index
        %swap3A_556 = arith.index_cast %swap3A_554 : i32 to index
        %swap3A_557 = arith.constant 0 : index
        %swap3A_558 = tpu.vector_load %arg16[%swap3A_555, %swap3A_556, %swap3A_557] {strides = array<i32>} : memref<2x16x128xf32, #tpu.memory_space<vmem>>, vector<16xf32>,
        tpu.vector_store %arg16[%swap3A_555, %swap3A_556, %swap3A_557], %get3A_553 {strides = array<i32>} : memref<2x16x128xf32, #tpu.memory_space<vmem>>, vector<16xf32>,
        %get3A_559 = arith.constant 919 : index
        %get3A_560 = tpu.vector_load %arg15[%get3A_559] {strides = array<i32>} : memref<2064xf32, #tpu.memory_space<vmem>>, vector<16xf32>,
        %swap3A_561 = arith.constant 7 : i32
        %swap3A_562 = arith.index_cast %select_n3A_453 : i32 to index
        %swap3A_563 = arith.index_cast %swap3A_561 : i32 to index
        %swap3A_564 = arith.constant 16 : index
        %swap3A_565 = tpu.vector_load %arg16[%swap3A_562, %swap3A_563, %swap3A_564] {strides = array<i32>} : memref<2x16x128xf32, #tpu.memory_space<vmem>>, vector<16xf32>,
        tpu.vector_store %arg16[%swap3A_562, %swap3A_563, %swap3A_564], %get3A_560 {strides = array<i32>} : memref<2x16x128xf32, #tpu.memory_space<vmem>>, vector<16xf32>,
        %get3A_566 = arith.constant 1032 : index
        %get3A_567 = tpu.vector_load %arg15[%get3A_566] {strides = array<i32>} : memref<2064xf32, #tpu.memory_space<vmem>>, vector<16xf32>,
        %swap3A_568 = arith.constant 8 : i32
        %swap3A_569 = arith.index_cast %select_n3A_453 : i32 to index
        %swap3A_570 = arith.index_cast %swap3A_568 : i32 to index
        %swap3A_571 = arith.constant 0 : index
        %swap3A_572 = tpu.vector_load %arg16[%swap3A_569, %swap3A_570, %swap3A_571] {strides = array<i32>} : memref<2x16x128xf32, #tpu.memory_space<vmem>>, vector<16xf32>,
        tpu.vector_store %arg16[%swap3A_569, %swap3A_570, %swap3A_571], %get3A_567 {strides = array<i32>} : memref<2x16x128xf32, #tpu.memory_space<vmem>>, vector<16xf32>,
        %get3A_573 = arith.constant 1048 : index
        %get3A_574 = tpu.vector_load %arg15[%get3A_573] {strides = array<i32>} : memref<2064xf32, #tpu.memory_space<vmem>>, vector<16xf32>,
        %swap3A_575 = arith.constant 8 : i32
        %swap3A_576 = arith.index_cast %select_n3A_453 : i32 to index
        %swap3A_577 = arith.index_cast %swap3A_575 : i32 to index
        %swap3A_578 = arith.constant 16 : index
        %swap3A_579 = tpu.vector_load %arg16[%swap3A_576, %swap3A_577, %swap3A_578] {strides = array<i32>} : memref<2x16x128xf32, #tpu.memory_space<vmem>>, vector<16xf32>,
        tpu.vector_store %arg16[%swap3A_576, %swap3A_577, %swap3A_578], %get3A_574 {strides = array<i32>} : memref<2x16x128xf32, #tpu.memory_space<vmem>>, vector<16xf32>,
        %get3A_580 = arith.constant 1161 : index
        %get3A_581 = tpu.vector_load %arg15[%get3A_580] {strides = array<i32>} : memref<2064xf32, #tpu.memory_space<vmem>>, vector<16xf32>,
        %swap3A_582 = arith.constant 9 : i32
        %swap3A_583 = arith.index_cast %select_n3A_453 : i32 to index
        %swap3A_584 = arith.index_cast %swap3A_582 : i32 to index
        %swap3A_585 = arith.constant 0 : index
        %swap3A_586 = tpu.vector_load %arg16[%swap3A_583, %swap3A_584, %swap3A_585] {strides = array<i32>} : memref<2x16x128xf32, #tpu.memory_space<vmem>>, vector<16xf32>,
        tpu.vector_store %arg16[%swap3A_583, %swap3A_584, %swap3A_585], %get3A_581 {strides = array<i32>} : memref<2x16x128xf32, #tpu.memory_space<vmem>>, vector<16xf32>,
        %get3A_587 = arith.constant 1177 : index
        %get3A_588 = tpu.vector_load %arg15[%get3A_587] {strides = array<i32>} : memref<2064xf32, #tpu.memory_space<vmem>>, vector<16xf32>,
        %swap3A_589 = arith.constant 9 : i32
        %swap3A_590 = arith.index_cast %select_n3A_453 : i32 to index
        %swap3A_591 = arith.index_cast %swap3A_589 : i32 to index
        %swap3A_592 = arith.constant 16 : index
        %swap3A_593 = tpu.vector_load %arg16[%swap3A_590, %swap3A_591, %swap3A_592] {strides = array<i32>} : memref<2x16x128xf32, #tpu.memory_space<vmem>>, vector<16xf32>,
        tpu.vector_store %arg16[%swap3A_590, %swap3A_591, %swap3A_592], %get3A_588 {strides = array<i32>} : memref<2x16x128xf32, #tpu.memory_space<vmem>>, vector<16xf32>,
        %get3A_594 = arith.constant 1290 : index
        %get3A_595 = tpu.vector_load %arg15[%get3A_594] {strides = array<i32>} : memref<2064xf32, #tpu.memory_space<vmem>>, vector<16xf32>,
        %swap3A_596 = arith.constant 10 : i32
        %swap3A_597 = arith.index_cast %select_n3A_453 : i32 to index
        %swap3A_598 = arith.index_cast %swap3A_596 : i32 to index
        %swap3A_599 = arith.constant 0 : index
        %swap3A_600 = tpu.vector_load %arg16[%swap3A_597, %swap3A_598, %swap3A_599] {strides = array<i32>} : memref<2x16x128xf32, #tpu.memory_space<vmem>>, vector<16xf32>,
        tpu.vector_store %arg16[%swap3A_597, %swap3A_598, %swap3A_599], %get3A_595 {strides = array<i32>} : memref<2x16x128xf32, #tpu.memory_space<vmem>>, vector<16xf32>,
        %get3A_601 = arith.constant 1306 : index
        %get3A_602 = tpu.vector_load %arg15[%get3A_601] {strides = array<i32>} : memref<2064xf32, #tpu.memory_space<vmem>>, vector<16xf32>,
        %swap3A_603 = arith.constant 10 : i32
        %swap3A_604 = arith.index_cast %select_n3A_453 : i32 to index
        %swap3A_605 = arith.index_cast %swap3A_603 : i32 to index
        %swap3A_606 = arith.constant 16 : index
        %swap3A_607 = tpu.vector_load %arg16[%swap3A_604, %swap3A_605, %swap3A_606] {strides = array<i32>} : memref<2x16x128xf32, #tpu.memory_space<vmem>>, vector<16xf32>,
        tpu.vector_store %arg16[%swap3A_604, %swap3A_605, %swap3A_606], %get3A_602 {strides = array<i32>} : memref<2x16x128xf32, #tpu.memory_space<vmem>>, vector<16xf32>,
        %get3A_608 = arith.constant 1419 : index
        %get3A_609 = tpu.vector_load %arg15[%get3A_608] {strides = array<i32>} : memref<2064xf32, #tpu.memory_space<vmem>>, vector<16xf32>,
        %swap3A_610 = arith.constant 11 : i32
        %swap3A_611 = arith.index_cast %select_n3A_453 : i32 to index
        %swap3A_612 = arith.index_cast %swap3A_610 : i32 to index
        %swap3A_613 = arith.constant 0 : index
        %swap3A_614 = tpu.vector_load %arg16[%swap3A_611, %swap3A_612, %swap3A_613] {strides = array<i32>} : memref<2x16x128xf32, #tpu.memory_space<vmem>>, vector<16xf32>,
        tpu.vector_store %arg16[%swap3A_611, %swap3A_612, %swap3A_613], %get3A_609 {strides = array<i32>} : memref<2x16x128xf32, #tpu.memory_space<vmem>>, vector<16xf32>,
        %get3A_615 = arith.constant 1435 : index
        %get3A_616 = tpu.vector_load %arg15[%get3A_615] {strides = array<i32>} : memref<2064xf32, #tpu.memory_space<vmem>>, vector<16xf32>,
        %swap3A_617 = arith.constant 11 : i32
        %swap3A_618 = arith.index_cast %select_n3A_453 : i32 to index
        %swap3A_619 = arith.index_cast %swap3A_617 : i32 to index
        %swap3A_620 = arith.constant 16 : index
        %swap3A_621 = tpu.vector_load %arg16[%swap3A_618, %swap3A_619, %swap3A_620] {strides = array<i32>} : memref<2x16x128xf32, #tpu.memory_space<vmem>>, vector<16xf32>,
        tpu.vector_store %arg16[%swap3A_618, %swap3A_619, %swap3A_620], %get3A_616 {strides = array<i32>} : memref<2x16x128xf32, #tpu.memory_space<vmem>>, vector<16xf32>,
        %get3A_622 = arith.constant 1548 : index
        %get3A_623 = tpu.vector_load %arg15[%get3A_622] {strides = array<i32>} : memref<2064xf32, #tpu.memory_space<vmem>>, vector<16xf32>,
        %swap3A_624 = arith.constant 12 : i32
        %swap3A_625 = arith.index_cast %select_n3A_453 : i32 to index
        %swap3A_626 = arith.index_cast %swap3A_624 : i32 to index
        %swap3A_627 = arith.constant 0 : index
        %swap3A_628 = tpu.vector_load %arg16[%swap3A_625, %swap3A_626, %swap3A_627] {strides = array<i32>} : memref<2x16x128xf32, #tpu.memory_space<vmem>>, vector<16xf32>,
        tpu.vector_store %arg16[%swap3A_625, %swap3A_626, %swap3A_627], %get3A_623 {strides = array<i32>} : memref<2x16x128xf32, #tpu.memory_space<vmem>>, vector<16xf32>,
        %get3A_629 = arith.constant 1564 : index
        %get3A_630 = tpu.vector_load %arg15[%get3A_629] {strides = array<i32>} : memref<2064xf32, #tpu.memory_space<vmem>>, vector<16xf32>,
        %swap3A_631 = arith.constant 12 : i32
        %swap3A_632 = arith.index_cast %select_n3A_453 : i32 to index
        %swap3A_633 = arith.index_cast %swap3A_631 : i32 to index
        %swap3A_634 = arith.constant 16 : index
        %swap3A_635 = tpu.vector_load %arg16[%swap3A_632, %swap3A_633, %swap3A_634] {strides = array<i32>} : memref<2x16x128xf32, #tpu.memory_space<vmem>>, vector<16xf32>,
        tpu.vector_store %arg16[%swap3A_632, %swap3A_633, %swap3A_634], %get3A_630 {strides = array<i32>} : memref<2x16x128xf32, #tpu.memory_space<vmem>>, vector<16xf32>,
        %get3A_636 = arith.constant 1677 : index
        %get3A_637 = tpu.vector_load %arg15[%get3A_636] {strides = array<i32>} : memref<2064xf32, #tpu.memory_space<vmem>>, vector<16xf32>,
        %swap3A_638 = arith.constant 13 : i32
        %swap3A_639 = arith.index_cast %select_n3A_453 : i32 to index
        %swap3A_640 = arith.index_cast %swap3A_638 : i32 to index
        %swap3A_641 = arith.constant 0 : index
        %swap3A_642 = tpu.vector_load %arg16[%swap3A_639, %swap3A_640, %swap3A_641] {strides = array<i32>} : memref<2x16x128xf32, #tpu.memory_space<vmem>>, vector<16xf32>,
        tpu.vector_store %arg16[%swap3A_639, %swap3A_640, %swap3A_641], %get3A_637 {strides = array<i32>} : memref<2x16x128xf32, #tpu.memory_space<vmem>>, vector<16xf32>,
        %get3A_643 = arith.constant 1693 : index
        %get3A_644 = tpu.vector_load %arg15[%get3A_643] {strides = array<i32>} : memref<2064xf32, #tpu.memory_space<vmem>>, vector<16xf32>,
        %swap3A_645 = arith.constant 13 : i32
        %swap3A_646 = arith.index_cast %select_n3A_453 : i32 to index
        %swap3A_647 = arith.index_cast %swap3A_645 : i32 to index
        %swap3A_648 = arith.constant 16 : index
        %swap3A_649 = tpu.vector_load %arg16[%swap3A_646, %swap3A_647, %swap3A_648] {strides = array<i32>} : memref<2x16x128xf32, #tpu.memory_space<vmem>>, vector<16xf32>,
        tpu.vector_store %arg16[%swap3A_646, %swap3A_647, %swap3A_648], %get3A_644 {strides = array<i32>} : memref<2x16x128xf32, #tpu.memory_space<vmem>>, vector<16xf32>,
        %get3A_650 = arith.constant 1806 : index
        %get3A_651 = tpu.vector_load %arg15[%get3A_650] {strides = array<i32>} : memref<2064xf32, #tpu.memory_space<vmem>>, vector<16xf32>,
        %swap3A_652 = arith.constant 14 : i32
        %swap3A_653 = arith.index_cast %select_n3A_453 : i32 to index
        %swap3A_654 = arith.index_cast %swap3A_652 : i32 to index
        %swap3A_655 = arith.constant 0 : index
        %swap3A_656 = tpu.vector_load %arg16[%swap3A_653, %swap3A_654, %swap3A_655] {strides = array<i32>} : memref<2x16x128xf32, #tpu.memory_space<vmem>>, vector<16xf32>,
        tpu.vector_store %arg16[%swap3A_653, %swap3A_654, %swap3A_655], %get3A_651 {strides = array<i32>} : memref<2x16x128xf32, #tpu.memory_space<vmem>>, vector<16xf32>,
        %get3A_657 = arith.constant 1822 : index
        %get3A_658 = tpu.vector_load %arg15[%get3A_657] {strides = array<i32>} : memref<2064xf32, #tpu.memory_space<vmem>>, vector<16xf32>,
        %swap3A_659 = arith.constant 14 : i32
        %swap3A_660 = arith.index_cast %select_n3A_453 : i32 to index
        %swap3A_661 = arith.index_cast %swap3A_659 : i32 to index
        %swap3A_662 = arith.constant 16 : index
        %swap3A_663 = tpu.vector_load %arg16[%swap3A_660, %swap3A_661, %swap3A_662] {strides = array<i32>} : memref<2x16x128xf32, #tpu.memory_space<vmem>>, vector<16xf32>,
        tpu.vector_store %arg16[%swap3A_660, %swap3A_661, %swap3A_662], %get3A_658 {strides = array<i32>} : memref<2x16x128xf32, #tpu.memory_space<vmem>>, vector<16xf32>,
        %get3A_664 = arith.constant 1935 : index
        %get3A_665 = tpu.vector_load %arg15[%get3A_664] {strides = array<i32>} : memref<2064xf32, #tpu.memory_space<vmem>>, vector<16xf32>,
        %swap3A_666 = arith.constant 15 : i32
        %swap3A_667 = arith.index_cast %select_n3A_453 : i32 to index
        %swap3A_668 = arith.index_cast %swap3A_666 : i32 to index
        %swap3A_669 = arith.constant 0 : index
        %swap3A_670 = tpu.vector_load %arg16[%swap3A_667, %swap3A_668, %swap3A_669] {strides = array<i32>} : memref<2x16x128xf32, #tpu.memory_space<vmem>>, vector<16xf32>,
        tpu.vector_store %arg16[%swap3A_667, %swap3A_668, %swap3A_669], %get3A_665 {strides = array<i32>} : memref<2x16x128xf32, #tpu.memory_space<vmem>>, vector<16xf32>,
        %get3A_671 = arith.constant 1951 : index
        %get3A_672 = tpu.vector_load %arg15[%get3A_671] {strides = array<i32>} : memref<2064xf32, #tpu.memory_space<vmem>>, vector<16xf32>,
        %swap3A_673 = arith.constant 15 : i32
        %swap3A_674 = arith.index_cast %select_n3A_453 : i32 to index
        %swap3A_675 = arith.index_cast %swap3A_673 : i32 to index
        %swap3A_676 = arith.constant 16 : index
        %swap3A_677 = tpu.vector_load %arg16[%swap3A_674, %swap3A_675, %swap3A_676] {strides = array<i32>} : memref<2x16x128xf32, #tpu.memory_space<vmem>>, vector<16xf32>,
        tpu.vector_store %arg16[%swap3A_674, %swap3A_675, %swap3A_676], %get3A_672 {strides = array<i32>} : memref<2x16x128xf32, #tpu.memory_space<vmem>>, vector<16xf32>,
        %broadcast_in_dim3A_678 = arith.constant 16390 : i32
        %broadcast_in_dim3A_679 = vector.broadcast %broadcast_in_dim3A_678 : i32 to vector<16xi32>
        %select_n3A_680 = arith.select %lt3A_219, %get3A_213, %broadcast_in_dim3A_679 : vector<16xi1>, vector<16xi32>
        %dma_start3A_681 = arith.constant 0 : i32
        %dma_start3A_682 = arith.constant 0 : i32
        %dma_start3A_683 = tpu.memref_slice %arg16[%select_n3A_453, %dma_start3A_681, %dma_start3A_682] : memref<2x16x128xf32, #tpu.memory_space<vmem>> -> memref<1x16x128xf32, #tpu.memory_space<vmem>>
        %dma_start3A_684 = tpu.memref_squeeze %dma_start3A_683 : memref<1x16x128xf32, #tpu.memory_space<vmem>> -> memref<16x128xf32, #tpu.memory_space<vmem>>
        %dma_start3A_685 = arith.constant 0 : i32
        %dma_start3A_686 = arith.constant 0 : i32
        %dma_start3A_687 = tpu.memref_slice %arg6[%dma_start3A_685, %dma_start3A_686] : memref<16392x128xf32, #tpu.memory_space<hbm>> -> memref<16392x128xf32, #tpu.memory_space<hbm>>
        tpu.enqueue_indirect_dma source(%dma_start3A_684 : memref<16x128xf32, #tpu.memory_space<vmem>>) target(%dma_start3A_687 : memref<16392x128xf32, #tpu.memory_space<hbm>>) offsets(%select_n3A_680 : vector<16xi32>) semaphore(%arg18 : memref<!tpu.dma_semaphore, #tpu.memory_space<semaphore_mem>>)
        %add3A_688 = arith.constant 1 : i32
        %add3A_689 = arith.addi %while3A_200, %add3A_688 : i32
        scf.yield %add3A_689 : i32
      }
      scf.yield %while3A_198 : i32
    }
    %while3A_69 = arith.constant 1 : i32
    %while3A_70 = scf.for %while3A_132 = %while3A_66 to %while3A_62 step %while3A_69 iter_args(%while3A_133 = %while3A_68) -> (i32)  : i32 {
      %add3A_134 = arith.constant 1 : i32
      %add3A_135 = arith.addi %while3A_132, %add3A_134 : i32
      %lt3A_136 = arith.cmpi slt, %add3A_135, %select_n3A : i32
      %convert_element_type3A_137 = arith.extui %lt3A_136 : i1 to i32
      %cond3A_138 = arith.constant 0 : i32
      %cond3A_139 = arith.cmpi ne, %convert_element_type3A_137, %cond3A_138 : i32
      scf.if %cond3A_139 {
        %add3A_199 = arith.constant 1 : i32
        %add3A_200 = arith.addi %while3A_132, %add3A_199 : i32
        %mul3A_201 = arith.constant 512 : i32
        %mul3A_202 = arith.muli %add3A_200, %mul3A_201 : i32
        %add3A_203 = arith.addi %mul3A_2, %mul3A_202 : i32
        %min3A_204 = arith.constant 999552 : i32
        %min3A_205 = arith.minsi %add3A_203, %min3A_204 : i32
        %multiple_of3A_206 = tpu.assume_multiple %min3A_205, 128 : i32
        %jit3A_207 = arith.constant 2 : i32
        %eq3A = arith.constant 0 : i32
        %eq3A_208 = arith.cmpi eq, %jit3A_207, %eq3A : i32
        %jit3A_209 = arith.constant 1 : i32
        %select_n3A_210 = arith.select %eq3A_208, %jit3A_209, %jit3A_207 : i32
        %rem3A_211 = arith.remsi %add3A_200, %select_n3A_210 : i32
        %ne3A_212 = arith.constant 0 : i32
        %ne3A_213 = arith.cmpi ne, %rem3A_211, %ne3A_212 : i32
        %lt3A_214 = arith.constant 0 : i32
        %lt3A_215 = arith.cmpi slt, %rem3A_211, %lt3A_214 : i32
        %lt3A_216 = arith.constant 0 : i32
        %lt3A_217 = arith.cmpi slt, %select_n3A_210, %lt3A_216 : i32
        %ne3A_218 = arith.xori %lt3A_215, %lt3A_217 : i1
        %and3A_219 = arith.andi %ne3A_218, %ne3A_213 : i1
        %add3A_220 = arith.addi %rem3A_211, %select_n3A_210 : i32
        %select_n3A_221 = arith.select %and3A_219, %add3A_220, %rem3A_211 : i32
        %dma_start3A_222 = arith.constant 0 : i32
        %dma_start3A_223 = arith.constant 0 : i32
        %dma_start3A_224 = tpu.memref_slice %arg9[%select_n3A_221, %dma_start3A_222, %dma_start3A_223] : memref<2x32x513xf32, #tpu.memory_space<vmem>> -> memref<1x32x512xf32, #tpu.memory_space<vmem>>
        %dma_start3A_225 = tpu.memref_squeeze %dma_start3A_224 : memref<1x32x512xf32, #tpu.memory_space<vmem>> -> memref<32x512xf32, #tpu.memory_space<vmem>>
        %dma_start3A_226 = arith.constant 0 : i32
        %dma_start3A_227 = tpu.memref_slice %arg4[%dma_start3A_226, %multiple_of3A_206] : memref<32x1000000xf32, #tpu.memory_space<hbm>> -> memref<32x512xf32, #tpu.memory_space<hbm>>
        %dma_start3A_228 = arith.constant 0 : i32
        %dma_start3A_229 = arith.constant 0 : i32
        %dma_start3A_230 = tpu.memref_slice %arg9[%select_n3A_221, %dma_start3A_228, %dma_start3A_229] : memref<2x32x513xf32, #tpu.memory_space<vmem>> -> memref<1x32x512xf32, #tpu.memory_space<vmem>>
        %dma_start3A_231 = tpu.memref_squeeze %dma_start3A_230 : memref<1x32x512xf32, #tpu.memory_space<vmem>> -> memref<32x512xf32, #tpu.memory_space<vmem>>
        %dma_start3A_232 = arith.constant 0 : i32
        %dma_start3A_233 = tpu.memref_slice %arg4[%dma_start3A_232, %multiple_of3A_206] : memref<32x1000000xf32, #tpu.memory_space<hbm>> -> memref<32x512xf32, #tpu.memory_space<hbm>>
        tpu.enqueue_dma source(%dma_start3A_233 : memref<32x512xf32, #tpu.memory_space<hbm>>) target(%dma_start3A_231 : memref<32x512xf32, #tpu.memory_space<vmem>>) target_semaphore(%arg17 : memref<!tpu.dma_semaphore, #tpu.memory_space<semaphore_mem>>)
      } else {
      }
      %dma_wait3A = arith.constant 0 : i32
      %dma_wait3A_140 = arith.constant 0 : i32
      %dma_wait3A_141 = arith.constant 0 : i32
      %dma_wait3A_142 = tpu.memref_slice %arg9[%dma_wait3A, %dma_wait3A_140, %dma_wait3A_141] : memref<2x32x513xf32, #tpu.memory_space<vmem>> -> memref<1x32x512xf32, #tpu.memory_space<vmem>>
      %dma_wait3A_143 = tpu.memref_squeeze %dma_wait3A_142 : memref<1x32x512xf32, #tpu.memory_space<vmem>> -> memref<32x512xf32, #tpu.memory_space<vmem>>
      %dma_wait3A_144 = arith.constant 0 : i32
      %dma_wait3A_145 = arith.constant 0 : i32
      %dma_wait3A_146 = tpu.memref_slice %arg4[%dma_wait3A_144, %dma_wait3A_145] : memref<32x1000000xf32, #tpu.memory_space<hbm>> -> memref<32x512xf32, #tpu.memory_space<hbm>>
      %dma_wait3A_147 = arith.constant 0 : i32
      %dma_wait3A_148 = arith.constant 0 : i32
      %dma_wait3A_149 = tpu.memref_slice %arg9[%dma_wait3A, %dma_wait3A_147, %dma_wait3A_148] : memref<2x32x513xf32, #tpu.memory_space<vmem>> -> memref<1x32x512xf32, #tpu.memory_space<vmem>>
      %dma_wait3A_150 = tpu.memref_squeeze %dma_wait3A_149 : memref<1x32x512xf32, #tpu.memory_space<vmem>> -> memref<32x512xf32, #tpu.memory_space<vmem>>
      %dma_wait3A_151 = arith.constant 0 : i32
      %dma_wait3A_152 = arith.constant 0 : i32
      %dma_wait3A_153 = tpu.memref_slice %arg4[%dma_wait3A_151, %dma_wait3A_152] : memref<32x1000000xf32, #tpu.memory_space<hbm>> -> memref<32x512xf32, #tpu.memory_space<hbm>>
      tpu.wait_dma2 semaphore(%arg17 : memref<!tpu.dma_semaphore, #tpu.memory_space<semaphore_mem>>) src(%dma_wait3A_153 : memref<32x512xf32, #tpu.memory_space<hbm>>) dst(%dma_wait3A_150 : memref<32x512xf32, #tpu.memory_space<vmem>>)
      %mul3A_154 = arith.constant 512 : i32
      %mul3A_155 = arith.muli %while3A_132, %mul3A_154 : i32
      %add3A_156 = arith.addi %mul3A_2, %mul3A_155 : i32
      %min3A_157 = arith.constant 999552 : i32
      %min3A_158 = arith.minsi %add3A_156, %min3A_157 : i32
      %broadcast_in_dim3A_159 = vector.broadcast %while3A_132 : i32 to vector<16xi32>
      %gather3A = tpu.vector_load_idx %arg12[%broadcast_in_dim3A_159] : memref<64xi32, #tpu.memory_space<vmem>>[vector<16xi32>], vector<16xi32>,
      %slice3A = vector.extract_strided_slice %gather3A {offsets = [0], sizes = [1], strides = [1]} : vector<16xi32> to vector<1xi32>
      %squeeze3A = vector.extract %slice3A[0] : i32 from vector<1xi32>
      %add3A_160 = arith.constant 16 : i32
      %add3A_161 = arith.addi %squeeze3A, %add3A_160 : i32
      %sub3A_162 = arith.constant 1 : i32
      %sub3A_163 = arith.subi %add3A_161, %sub3A_162 : i32
      %jit3A_164 = arith.constant 16 : i32
      %div3A_165 = arith.divsi %sub3A_163, %jit3A_164 : i32
      %sign3A_166 = arith.constant 0 : i32
      %sign3A_167 = arith.cmpi sgt, %sub3A_163, %sign3A_166 : i32
      %sign3A_168 = arith.extui %sign3A_167 : i1 to i32
      %sign3A_169 = arith.constant 0 : i32
      %sign3A_170 = arith.cmpi slt, %sub3A_163, %sign3A_169 : i32
      %sign3A_171 = arith.extui %sign3A_170 : i1 to i32
      %sign3A_172 = arith.subi %sign3A_168, %sign3A_171 : i32
      %sign3A_173 = arith.constant 0 : i32
      %sign3A_174 = arith.cmpi sgt, %jit3A_164, %sign3A_173 : i32
      %sign3A_175 = arith.extui %sign3A_174 : i1 to i32
      %sign3A_176 = arith.constant 0 : i32
      %sign3A_177 = arith.cmpi slt, %jit3A_164, %sign3A_176 : i32
      %sign3A_178 = arith.extui %sign3A_177 : i1 to i32
      %sign3A_179 = arith.subi %sign3A_175, %sign3A_178 : i32
      %ne3A_180 = arith.cmpi ne, %sign3A_172, %sign3A_179 : i32
      %rem3A_181 = arith.remsi %sub3A_163, %jit3A_164 : i32
      %ne3A_182 = arith.constant 0 : i32
      %ne3A_183 = arith.cmpi ne, %rem3A_181, %ne3A_182 : i32
      %and3A_184 = arith.andi %ne3A_180, %ne3A_183 : i1
      %sub3A_185 = arith.constant 1 : i32
      %sub3A_186 = arith.subi %div3A_165, %sub3A_185 : i32
      %select_n3A_187 = arith.select %and3A_184, %sub3A_186, %div3A_165 : i32
      %while3A_188 = arith.constant 0 : i32
      %while3A_189 = arith.subi %select_n3A_187, %while3A_188 : i32
      %while3A_190 = arith.addi %while3A_188, %while3A_189 : i32
      %while3A_191 = arith.constant 1 : i32
      %while3A_192 = arith.divsi %while3A_189, %while3A_191 : i32
      %while3A_193 = arith.muli %while3A_192, %while3A_191 : i32
      %while3A_194 = arith.addi %while3A_188, %while3A_193 : i32
      %while3A_195 = arith.constant 1 : i32
      %while3A_196 = scf.for %while3A_199 = %while3A_188 to %while3A_194 step %while3A_195 iter_args(%while3A_200 = %while3A_133) -> (i32)  : i32 {
        %ge3A_201 = arith.constant 2 : i32
        %ge3A_202 = arith.cmpi sge, %while3A_200, %ge3A_201 : i32
        %convert_element_type3A_203 = arith.extui %ge3A_202 : i1 to i32
        %cond3A_204 = arith.constant 0 : i32
        %cond3A_205 = arith.cmpi ne, %convert_element_type3A_203, %cond3A_204 : i32
        scf.if %cond3A_205 {
          %dma_wait3A_690 = arith.constant 0 : i32
          %dma_wait3A_691 = arith.constant 0 : i32
          %dma_wait3A_692 = arith.constant 0 : i32
          %dma_wait3A_693 = tpu.memref_slice %arg16[%dma_wait3A_690, %dma_wait3A_691, %dma_wait3A_692] : memref<2x16x128xf32, #tpu.memory_space<vmem>> -> memref<1x16x128xf32, #tpu.memory_space<vmem>>
          %dma_wait3A_694 = tpu.memref_squeeze %dma_wait3A_693 : memref<1x16x128xf32, #tpu.memory_space<vmem>> -> memref<16x128xf32, #tpu.memory_space<vmem>>
          %dma_wait3A_695 = arith.constant 0 : i32
          %dma_wait3A_696 = arith.constant 0 : i32
          %dma_wait3A_697 = tpu.memref_slice %arg6[%dma_wait3A_695, %dma_wait3A_696] : memref<16392x128xf32, #tpu.memory_space<hbm>> -> memref<16x128xf32, #tpu.memory_space<hbm>>
          %dma_wait3A_698 = arith.constant 0 : i32
          %dma_wait3A_699 = arith.constant 0 : i32
          %dma_wait3A_700 = tpu.memref_slice %arg16[%dma_wait3A_690, %dma_wait3A_698, %dma_wait3A_699] : memref<2x16x128xf32, #tpu.memory_space<vmem>> -> memref<1x16x128xf32, #tpu.memory_space<vmem>>
          %dma_wait3A_701 = tpu.memref_squeeze %dma_wait3A_700 : memref<1x16x128xf32, #tpu.memory_space<vmem>> -> memref<16x128xf32, #tpu.memory_space<vmem>>
          %dma_wait3A_702 = arith.constant 0 : i32
          %dma_wait3A_703 = arith.constant 0 : i32
          %dma_wait3A_704 = tpu.memref_slice %arg6[%dma_wait3A_702, %dma_wait3A_703] : memref<16392x128xf32, #tpu.memory_space<hbm>> -> memref<16x128xf32, #tpu.memory_space<hbm>>
          tpu.wait_dma2 semaphore(%arg18 : memref<!tpu.dma_semaphore, #tpu.memory_space<semaphore_mem>>) src(%dma_wait3A_704 : memref<16x128xf32, #tpu.memory_space<hbm>>) dst(%dma_wait3A_701 : memref<16x128xf32, #tpu.memory_space<vmem>>)
        } else {
        }
        %mul3A_206 = arith.constant 48 : i32
        %mul3A_207 = arith.muli %while3A_132, %mul3A_206 : i32
        %mul3A_208 = arith.constant 16 : i32
        %mul3A_209 = arith.muli %while3A_199, %mul3A_208 : i32
        %add3A_210 = arith.addi %mul3A_207, %mul3A_209 : i32
        %get3A = arith.index_cast %add3A_210 : i32 to index
        %get3A_211 = tpu.vector_load %arg10[%get3A] {strides = array<i32>} : memref<3072xi32, #tpu.memory_space<vmem>>, vector<16xi32>,
        %get3A_212 = arith.index_cast %add3A_210 : i32 to index
        %get3A_213 = tpu.vector_load %arg11[%get3A_212] {strides = array<i32>} : memref<3072xi32, #tpu.memory_space<vmem>>, vector<16xi32>,
        %mul3A_214 = arith.constant 16 : i32
        %mul3A_215 = arith.muli %while3A_199, %mul3A_214 : i32
        %add3A_216 = vector.broadcast %mul3A_215 : i32 to vector<16xi32>
        %add3A_217 = arith.addi %add3A_216, %iota3A : vector<16xi32>
        %lt3A_218 = vector.broadcast %squeeze3A : i32 to vector<16xi32>
        %lt3A_219 = arith.cmpi slt, %add3A_217, %lt3A_218 : vector<16xi32>
        %sub3A_220 = vector.broadcast %min3A_158 : i32 to vector<16xi32>
        %sub3A_221 = arith.subi %get3A_211, %sub3A_220 : vector<16xi32>
        %jit3A_222 = arith.constant 0 : i32
        %jit3A_223 = arith.constant 511 : i32
        %max3A = vector.broadcast %jit3A_222 : i32 to vector<16xi32>
        %max3A_224 = arith.maxsi %max3A, %sub3A_221 : vector<16xi32>
        %min3A_225 = vector.broadcast %jit3A_223 : i32 to vector<16xi32>
        %min3A_226 = arith.minsi %min3A_225, %max3A_224 : vector<16xi32>
        %jit3A_227 = arith.constant 2 : i32
        %eq3A = arith.constant 0 : i32
        %eq3A_228 = arith.cmpi eq, %jit3A_227, %eq3A : i32
        %jit3A_229 = arith.constant 1 : i32
        %select_n3A_230 = arith.select %eq3A_228, %jit3A_229, %jit3A_227 : i32
        %rem3A_231 = arith.remsi %while3A_132, %select_n3A_230 : i32
        %ne3A_232 = arith.constant 0 : i32
        %ne3A_233 = arith.cmpi ne, %rem3A_231, %ne3A_232 : i32
        %lt3A_234 = arith.constant 0 : i32
        %lt3A_235 = arith.cmpi slt, %rem3A_231, %lt3A_234 : i32
        %lt3A_236 = arith.constant 0 : i32
        %lt3A_237 = arith.cmpi slt, %select_n3A_230, %lt3A_236 : i32
        %ne3A_238 = arith.xori %lt3A_235, %lt3A_237 : i1
        %and3A_239 = arith.andi %ne3A_238, %ne3A_233 : i1
        %add3A_240 = arith.addi %rem3A_231, %select_n3A_230 : i32
        %select_n3A_241 = arith.select %and3A_239, %add3A_240, %rem3A_231 : i32
        %broadcast_in_dim3A_242 = vector.broadcast %select_n3A_241 : i32 to vector<16xi32>
        %mul3A_243 = arith.constant 129 : i32
        %mul3A_244 = vector.broadcast %mul3A_243 : i32 to vector<16xi32>
        %mul3A_245 = arith.muli %iota3A, %mul3A_244 : vector<16xi32>
        %broadcast_in_dim3A_246 = arith.constant 0 : i32
        %broadcast_in_dim3A_247 = vector.broadcast %broadcast_in_dim3A_246 : i32 to vector<16xi32>
        %gather3A_248 = tpu.vector_load_idx %arg9[%broadcast_in_dim3A_242, %broadcast_in_dim3A_247, %min3A_226] : memref<2x32x513xf32, #tpu.memory_space<vmem>>[vector<16xi32>, vector<16xi32>, vector<16xi32>], vector<16xf32>,
        %add3A_249 = arith.constant 0 : i32
        %add3A_250 = vector.broadcast %add3A_249 : i32 to vector<16xi32>
        %add3A_251 = arith.addi %mul3A_245, %add3A_250 : vector<16xi32>
        tpu.vector_store_idx %arg15[%add3A_251], %gather3A_248 : memref<2064xf32, #tpu.memory_space<vmem>>[vector<16xi32>], vector<16xf32>,
        %broadcast_in_dim3A_252 = arith.constant 1 : i32
        %broadcast_in_dim3A_253 = vector.broadcast %broadcast_in_dim3A_252 : i32 to vector<16xi32>
        %gather3A_254 = tpu.vector_load_idx %arg9[%broadcast_in_dim3A_242, %broadcast_in_dim3A_253, %min3A_226] : memref<2x32x513xf32, #tpu.memory_space<vmem>>[vector<16xi32>, vector<16xi32>, vector<16xi32>], vector<16xf32>,
        %add3A_255 = arith.constant 1 : i32
        %add3A_256 = vector.broadcast %add3A_255 : i32 to vector<16xi32>
        %add3A_257 = arith.addi %mul3A_245, %add3A_256 : vector<16xi32>
        tpu.vector_store_idx %arg15[%add3A_257], %gather3A_254 : memref<2064xf32, #tpu.memory_space<vmem>>[vector<16xi32>], vector<16xf32>,
        %broadcast_in_dim3A_258 = arith.constant 2 : i32
        %broadcast_in_dim3A_259 = vector.broadcast %broadcast_in_dim3A_258 : i32 to vector<16xi32>
        %gather3A_260 = tpu.vector_load_idx %arg9[%broadcast_in_dim3A_242, %broadcast_in_dim3A_259, %min3A_226] : memref<2x32x513xf32, #tpu.memory_space<vmem>>[vector<16xi32>, vector<16xi32>, vector<16xi32>], vector<16xf32>,
        %add3A_261 = arith.constant 2 : i32
        %add3A_262 = vector.broadcast %add3A_261 : i32 to vector<16xi32>
        %add3A_263 = arith.addi %mul3A_245, %add3A_262 : vector<16xi32>
        tpu.vector_store_idx %arg15[%add3A_263], %gather3A_260 : memref<2064xf32, #tpu.memory_space<vmem>>[vector<16xi32>], vector<16xf32>,
        %broadcast_in_dim3A_264 = arith.constant 3 : i32
        %broadcast_in_dim3A_265 = vector.broadcast %broadcast_in_dim3A_264 : i32 to vector<16xi32>
        %gather3A_266 = tpu.vector_load_idx %arg9[%broadcast_in_dim3A_242, %broadcast_in_dim3A_265, %min3A_226] : memref<2x32x513xf32, #tpu.memory_space<vmem>>[vector<16xi32>, vector<16xi32>, vector<16xi32>], vector<16xf32>,
        %add3A_267 = arith.constant 3 : i32
        %add3A_268 = vector.broadcast %add3A_267 : i32 to vector<16xi32>
        %add3A_269 = arith.addi %mul3A_245, %add3A_268 : vector<16xi32>
        tpu.vector_store_idx %arg15[%add3A_269], %gather3A_266 : memref<2064xf32, #tpu.memory_space<vmem>>[vector<16xi32>], vector<16xf32>,
        %broadcast_in_dim3A_270 = arith.constant 4 : i32
        %broadcast_in_dim3A_271 = vector.broadcast %broadcast_in_dim3A_270 : i32 to vector<16xi32>
        %gather3A_272 = tpu.vector_load_idx %arg9[%broadcast_in_dim3A_242, %broadcast_in_dim3A_271, %min3A_226] : memref<2x32x513xf32, #tpu.memory_space<vmem>>[vector<16xi32>, vector<16xi32>, vector<16xi32>], vector<16xf32>,
        %add3A_273 = arith.constant 4 : i32
        %add3A_274 = vector.broadcast %add3A_273 : i32 to vector<16xi32>
        %add3A_275 = arith.addi %mul3A_245, %add3A_274 : vector<16xi32>
        tpu.vector_store_idx %arg15[%add3A_275], %gather3A_272 : memref<2064xf32, #tpu.memory_space<vmem>>[vector<16xi32>], vector<16xf32>,
        %broadcast_in_dim3A_276 = arith.constant 5 : i32
        %broadcast_in_dim3A_277 = vector.broadcast %broadcast_in_dim3A_276 : i32 to vector<16xi32>
        %gather3A_278 = tpu.vector_load_idx %arg9[%broadcast_in_dim3A_242, %broadcast_in_dim3A_277, %min3A_226] : memref<2x32x513xf32, #tpu.memory_space<vmem>>[vector<16xi32>, vector<16xi32>, vector<16xi32>], vector<16xf32>,
        %add3A_279 = arith.constant 5 : i32
        %add3A_280 = vector.broadcast %add3A_279 : i32 to vector<16xi32>
        %add3A_281 = arith.addi %mul3A_245, %add3A_280 : vector<16xi32>
        tpu.vector_store_idx %arg15[%add3A_281], %gather3A_278 : memref<2064xf32, #tpu.memory_space<vmem>>[vector<16xi32>], vector<16xf32>,
        %broadcast_in_dim3A_282 = arith.constant 6 : i32
        %broadcast_in_dim3A_283 = vector.broadcast %broadcast_in_dim3A_282 : i32 to vector<16xi32>
        %gather3A_284 = tpu.vector_load_idx %arg9[%broadcast_in_dim3A_242, %broadcast_in_dim3A_283, %min3A_226] : memref<2x32x513xf32, #tpu.memory_space<vmem>>[vector<16xi32>, vector<16xi32>, vector<16xi32>], vector<16xf32>,
        %add3A_285 = arith.constant 6 : i32
        %add3A_286 = vector.broadcast %add3A_285 : i32 to vector<16xi32>
        %add3A_287 = arith.addi %mul3A_245, %add3A_286 : vector<16xi32>
        tpu.vector_store_idx %arg15[%add3A_287], %gather3A_284 : memref<2064xf32, #tpu.memory_space<vmem>>[vector<16xi32>], vector<16xf32>,
        %broadcast_in_dim3A_288 = arith.constant 7 : i32
        %broadcast_in_dim3A_289 = vector.broadcast %broadcast_in_dim3A_288 : i32 to vector<16xi32>
        %gather3A_290 = tpu.vector_load_idx %arg9[%broadcast_in_dim3A_242, %broadcast_in_dim3A_289, %min3A_226] : memref<2x32x513xf32, #tpu.memory_space<vmem>>[vector<16xi32>, vector<16xi32>, vector<16xi32>], vector<16xf32>,
        %add3A_291 = arith.constant 7 : i32
        %add3A_292 = vector.broadcast %add3A_291 : i32 to vector<16xi32>
        %add3A_293 = arith.addi %mul3A_245, %add3A_292 : vector<16xi32>
        tpu.vector_store_idx %arg15[%add3A_293], %gather3A_290 : memref<2064xf32, #tpu.memory_space<vmem>>[vector<16xi32>], vector<16xf32>,
        %broadcast_in_dim3A_294 = arith.constant 8 : i32
        %broadcast_in_dim3A_295 = vector.broadcast %broadcast_in_dim3A_294 : i32 to vector<16xi32>
        %gather3A_296 = tpu.vector_load_idx %arg9[%broadcast_in_dim3A_242, %broadcast_in_dim3A_295, %min3A_226] : memref<2x32x513xf32, #tpu.memory_space<vmem>>[vector<16xi32>, vector<16xi32>, vector<16xi32>], vector<16xf32>,
        %add3A_297 = arith.constant 8 : i32
        %add3A_298 = vector.broadcast %add3A_297 : i32 to vector<16xi32>
        %add3A_299 = arith.addi %mul3A_245, %add3A_298 : vector<16xi32>
        tpu.vector_store_idx %arg15[%add3A_299], %gather3A_296 : memref<2064xf32, #tpu.memory_space<vmem>>[vector<16xi32>], vector<16xf32>,
        %broadcast_in_dim3A_300 = arith.constant 9 : i32
        %broadcast_in_dim3A_301 = vector.broadcast %broadcast_in_dim3A_300 : i32 to vector<16xi32>
        %gather3A_302 = tpu.vector_load_idx %arg9[%broadcast_in_dim3A_242, %broadcast_in_dim3A_301, %min3A_226] : memref<2x32x513xf32, #tpu.memory_space<vmem>>[vector<16xi32>, vector<16xi32>, vector<16xi32>], vector<16xf32>,
        %add3A_303 = arith.constant 9 : i32
        %add3A_304 = vector.broadcast %add3A_303 : i32 to vector<16xi32>
        %add3A_305 = arith.addi %mul3A_245, %add3A_304 : vector<16xi32>
        tpu.vector_store_idx %arg15[%add3A_305], %gather3A_302 : memref<2064xf32, #tpu.memory_space<vmem>>[vector<16xi32>], vector<16xf32>,
        %broadcast_in_dim3A_306 = arith.constant 10 : i32
        %broadcast_in_dim3A_307 = vector.broadcast %broadcast_in_dim3A_306 : i32 to vector<16xi32>
        %gather3A_308 = tpu.vector_load_idx %arg9[%broadcast_in_dim3A_242, %broadcast_in_dim3A_307, %min3A_226] : memref<2x32x513xf32, #tpu.memory_space<vmem>>[vector<16xi32>, vector<16xi32>, vector<16xi32>], vector<16xf32>,
        %add3A_309 = arith.constant 10 : i32
        %add3A_310 = vector.broadcast %add3A_309 : i32 to vector<16xi32>
        %add3A_311 = arith.addi %mul3A_245, %add3A_310 : vector<16xi32>
        tpu.vector_store_idx %arg15[%add3A_311], %gather3A_308 : memref<2064xf32, #tpu.memory_space<vmem>>[vector<16xi32>], vector<16xf32>,
        %broadcast_in_dim3A_312 = arith.constant 11 : i32
        %broadcast_in_dim3A_313 = vector.broadcast %broadcast_in_dim3A_312 : i32 to vector<16xi32>
        %gather3A_314 = tpu.vector_load_idx %arg9[%broadcast_in_dim3A_242, %broadcast_in_dim3A_313, %min3A_226] : memref<2x32x513xf32, #tpu.memory_space<vmem>>[vector<16xi32>, vector<16xi32>, vector<16xi32>], vector<16xf32>,
        %add3A_315 = arith.constant 11 : i32
        %add3A_316 = vector.broadcast %add3A_315 : i32 to vector<16xi32>
        %add3A_317 = arith.addi %mul3A_245, %add3A_316 : vector<16xi32>
        tpu.vector_store_idx %arg15[%add3A_317], %gather3A_314 : memref<2064xf32, #tpu.memory_space<vmem>>[vector<16xi32>], vector<16xf32>,
        %broadcast_in_dim3A_318 = arith.constant 12 : i32
        %broadcast_in_dim3A_319 = vector.broadcast %broadcast_in_dim3A_318 : i32 to vector<16xi32>
        %gather3A_320 = tpu.vector_load_idx %arg9[%broadcast_in_dim3A_242, %broadcast_in_dim3A_319, %min3A_226] : memref<2x32x513xf32, #tpu.memory_space<vmem>>[vector<16xi32>, vector<16xi32>, vector<16xi32>], vector<16xf32>,
        %add3A_321 = arith.constant 12 : i32
        %add3A_322 = vector.broadcast %add3A_321 : i32 to vector<16xi32>
        %add3A_323 = arith.addi %mul3A_245, %add3A_322 : vector<16xi32>
        tpu.vector_store_idx %arg15[%add3A_323], %gather3A_320 : memref<2064xf32, #tpu.memory_space<vmem>>[vector<16xi32>], vector<16xf32>,
        %broadcast_in_dim3A_324 = arith.constant 13 : i32
        %broadcast_in_dim3A_325 = vector.broadcast %broadcast_in_dim3A_324 : i32 to vector<16xi32>
        %gather3A_326 = tpu.vector_load_idx %arg9[%broadcast_in_dim3A_242, %broadcast_in_dim3A_325, %min3A_226] : memref<2x32x513xf32, #tpu.memory_space<vmem>>[vector<16xi32>, vector<16xi32>, vector<16xi32>], vector<16xf32>,
        %add3A_327 = arith.constant 13 : i32
        %add3A_328 = vector.broadcast %add3A_327 : i32 to vector<16xi32>
        %add3A_329 = arith.addi %mul3A_245, %add3A_328 : vector<16xi32>
        tpu.vector_store_idx %arg15[%add3A_329], %gather3A_326 : memref<2064xf32, #tpu.memory_space<vmem>>[vector<16xi32>], vector<16xf32>,
        %broadcast_in_dim3A_330 = arith.constant 14 : i32
        %broadcast_in_dim3A_331 = vector.broadcast %broadcast_in_dim3A_330 : i32 to vector<16xi32>
        %gather3A_332 = tpu.vector_load_idx %arg9[%broadcast_in_dim3A_242, %broadcast_in_dim3A_331, %min3A_226] : memref<2x32x513xf32, #tpu.memory_space<vmem>>[vector<16xi32>, vector<16xi32>, vector<16xi32>], vector<16xf32>,
        %add3A_333 = arith.constant 14 : i32
        %add3A_334 = vector.broadcast %add3A_333 : i32 to vector<16xi32>
        %add3A_335 = arith.addi %mul3A_245, %add3A_334 : vector<16xi32>
        tpu.vector_store_idx %arg15[%add3A_335], %gather3A_332 : memref<2064xf32, #tpu.memory_space<vmem>>[vector<16xi32>], vector<16xf32>,
        %broadcast_in_dim3A_336 = arith.constant 15 : i32
        %broadcast_in_dim3A_337 = vector.broadcast %broadcast_in_dim3A_336 : i32 to vector<16xi32>
        %gather3A_338 = tpu.vector_load_idx %arg9[%broadcast_in_dim3A_242, %broadcast_in_dim3A_337, %min3A_226] : memref<2x32x513xf32, #tpu.memory_space<vmem>>[vector<16xi32>, vector<16xi32>, vector<16xi32>], vector<16xf32>,
        %add3A_339 = arith.constant 15 : i32
        %add3A_340 = vector.broadcast %add3A_339 : i32 to vector<16xi32>
        %add3A_341 = arith.addi %mul3A_245, %add3A_340 : vector<16xi32>
        tpu.vector_store_idx %arg15[%add3A_341], %gather3A_338 : memref<2064xf32, #tpu.memory_space<vmem>>[vector<16xi32>], vector<16xf32>,
        %broadcast_in_dim3A_342 = arith.constant 16 : i32
        %broadcast_in_dim3A_343 = vector.broadcast %broadcast_in_dim3A_342 : i32 to vector<16xi32>
        %gather3A_344 = tpu.vector_load_idx %arg9[%broadcast_in_dim3A_242, %broadcast_in_dim3A_343, %min3A_226] : memref<2x32x513xf32, #tpu.memory_space<vmem>>[vector<16xi32>, vector<16xi32>, vector<16xi32>], vector<16xf32>,
        %add3A_345 = arith.constant 16 : i32
        %add3A_346 = vector.broadcast %add3A_345 : i32 to vector<16xi32>
        %add3A_347 = arith.addi %mul3A_245, %add3A_346 : vector<16xi32>
        tpu.vector_store_idx %arg15[%add3A_347], %gather3A_344 : memref<2064xf32, #tpu.memory_space<vmem>>[vector<16xi32>], vector<16xf32>,
        %broadcast_in_dim3A_348 = arith.constant 17 : i32
        %broadcast_in_dim3A_349 = vector.broadcast %broadcast_in_dim3A_348 : i32 to vector<16xi32>
        %gather3A_350 = tpu.vector_load_idx %arg9[%broadcast_in_dim3A_242, %broadcast_in_dim3A_349, %min3A_226] : memref<2x32x513xf32, #tpu.memory_space<vmem>>[vector<16xi32>, vector<16xi32>, vector<16xi32>], vector<16xf32>,
        %add3A_351 = arith.constant 17 : i32
        %add3A_352 = vector.broadcast %add3A_351 : i32 to vector<16xi32>
        %add3A_353 = arith.addi %mul3A_245, %add3A_352 : vector<16xi32>
        tpu.vector_store_idx %arg15[%add3A_353], %gather3A_350 : memref<2064xf32, #tpu.memory_space<vmem>>[vector<16xi32>], vector<16xf32>,
        %broadcast_in_dim3A_354 = arith.constant 18 : i32
        %broadcast_in_dim3A_355 = vector.broadcast %broadcast_in_dim3A_354 : i32 to vector<16xi32>
        %gather3A_356 = tpu.vector_load_idx %arg9[%broadcast_in_dim3A_242, %broadcast_in_dim3A_355, %min3A_226] : memref<2x32x513xf32, #tpu.memory_space<vmem>>[vector<16xi32>, vector<16xi32>, vector<16xi32>], vector<16xf32>,
        %add3A_357 = arith.constant 18 : i32
        %add3A_358 = vector.broadcast %add3A_357 : i32 to vector<16xi32>
        %add3A_359 = arith.addi %mul3A_245, %add3A_358 : vector<16xi32>
        tpu.vector_store_idx %arg15[%add3A_359], %gather3A_356 : memref<2064xf32, #tpu.memory_space<vmem>>[vector<16xi32>], vector<16xf32>,
        %broadcast_in_dim3A_360 = arith.constant 19 : i32
        %broadcast_in_dim3A_361 = vector.broadcast %broadcast_in_dim3A_360 : i32 to vector<16xi32>
        %gather3A_362 = tpu.vector_load_idx %arg9[%broadcast_in_dim3A_242, %broadcast_in_dim3A_361, %min3A_226] : memref<2x32x513xf32, #tpu.memory_space<vmem>>[vector<16xi32>, vector<16xi32>, vector<16xi32>], vector<16xf32>,
        %add3A_363 = arith.constant 19 : i32
        %add3A_364 = vector.broadcast %add3A_363 : i32 to vector<16xi32>
        %add3A_365 = arith.addi %mul3A_245, %add3A_364 : vector<16xi32>
        tpu.vector_store_idx %arg15[%add3A_365], %gather3A_362 : memref<2064xf32, #tpu.memory_space<vmem>>[vector<16xi32>], vector<16xf32>,
        %broadcast_in_dim3A_366 = arith.constant 20 : i32
        %broadcast_in_dim3A_367 = vector.broadcast %broadcast_in_dim3A_366 : i32 to vector<16xi32>
        %gather3A_368 = tpu.vector_load_idx %arg9[%broadcast_in_dim3A_242, %broadcast_in_dim3A_367, %min3A_226] : memref<2x32x513xf32, #tpu.memory_space<vmem>>[vector<16xi32>, vector<16xi32>, vector<16xi32>], vector<16xf32>,
        %add3A_369 = arith.constant 20 : i32
        %add3A_370 = vector.broadcast %add3A_369 : i32 to vector<16xi32>
        %add3A_371 = arith.addi %mul3A_245, %add3A_370 : vector<16xi32>
        tpu.vector_store_idx %arg15[%add3A_371], %gather3A_368 : memref<2064xf32, #tpu.memory_space<vmem>>[vector<16xi32>], vector<16xf32>,
        %broadcast_in_dim3A_372 = arith.constant 21 : i32
        %broadcast_in_dim3A_373 = vector.broadcast %broadcast_in_dim3A_372 : i32 to vector<16xi32>
        %gather3A_374 = tpu.vector_load_idx %arg9[%broadcast_in_dim3A_242, %broadcast_in_dim3A_373, %min3A_226] : memref<2x32x513xf32, #tpu.memory_space<vmem>>[vector<16xi32>, vector<16xi32>, vector<16xi32>], vector<16xf32>,
        %add3A_375 = arith.constant 21 : i32
        %add3A_376 = vector.broadcast %add3A_375 : i32 to vector<16xi32>
        %add3A_377 = arith.addi %mul3A_245, %add3A_376 : vector<16xi32>
        tpu.vector_store_idx %arg15[%add3A_377], %gather3A_374 : memref<2064xf32, #tpu.memory_space<vmem>>[vector<16xi32>], vector<16xf32>,
        %broadcast_in_dim3A_378 = arith.constant 22 : i32
        %broadcast_in_dim3A_379 = vector.broadcast %broadcast_in_dim3A_378 : i32 to vector<16xi32>
        %gather3A_380 = tpu.vector_load_idx %arg9[%broadcast_in_dim3A_242, %broadcast_in_dim3A_379, %min3A_226] : memref<2x32x513xf32, #tpu.memory_space<vmem>>[vector<16xi32>, vector<16xi32>, vector<16xi32>], vector<16xf32>,
        %add3A_381 = arith.constant 22 : i32
        %add3A_382 = vector.broadcast %add3A_381 : i32 to vector<16xi32>
        %add3A_383 = arith.addi %mul3A_245, %add3A_382 : vector<16xi32>
        tpu.vector_store_idx %arg15[%add3A_383], %gather3A_380 : memref<2064xf32, #tpu.memory_space<vmem>>[vector<16xi32>], vector<16xf32>,
        %broadcast_in_dim3A_384 = arith.constant 23 : i32
        %broadcast_in_dim3A_385 = vector.broadcast %broadcast_in_dim3A_384 : i32 to vector<16xi32>
        %gather3A_386 = tpu.vector_load_idx %arg9[%broadcast_in_dim3A_242, %broadcast_in_dim3A_385, %min3A_226] : memref<2x32x513xf32, #tpu.memory_space<vmem>>[vector<16xi32>, vector<16xi32>, vector<16xi32>], vector<16xf32>,
        %add3A_387 = arith.constant 23 : i32
        %add3A_388 = vector.broadcast %add3A_387 : i32 to vector<16xi32>
        %add3A_389 = arith.addi %mul3A_245, %add3A_388 : vector<16xi32>
        tpu.vector_store_idx %arg15[%add3A_389], %gather3A_386 : memref<2064xf32, #tpu.memory_space<vmem>>[vector<16xi32>], vector<16xf32>,
        %broadcast_in_dim3A_390 = arith.constant 24 : i32
        %broadcast_in_dim3A_391 = vector.broadcast %broadcast_in_dim3A_390 : i32 to vector<16xi32>
        %gather3A_392 = tpu.vector_load_idx %arg9[%broadcast_in_dim3A_242, %broadcast_in_dim3A_391, %min3A_226] : memref<2x32x513xf32, #tpu.memory_space<vmem>>[vector<16xi32>, vector<16xi32>, vector<16xi32>], vector<16xf32>,
        %add3A_393 = arith.constant 24 : i32
        %add3A_394 = vector.broadcast %add3A_393 : i32 to vector<16xi32>
        %add3A_395 = arith.addi %mul3A_245, %add3A_394 : vector<16xi32>
        tpu.vector_store_idx %arg15[%add3A_395], %gather3A_392 : memref<2064xf32, #tpu.memory_space<vmem>>[vector<16xi32>], vector<16xf32>,
        %broadcast_in_dim3A_396 = arith.constant 25 : i32
        %broadcast_in_dim3A_397 = vector.broadcast %broadcast_in_dim3A_396 : i32 to vector<16xi32>
        %gather3A_398 = tpu.vector_load_idx %arg9[%broadcast_in_dim3A_242, %broadcast_in_dim3A_397, %min3A_226] : memref<2x32x513xf32, #tpu.memory_space<vmem>>[vector<16xi32>, vector<16xi32>, vector<16xi32>], vector<16xf32>,
        %add3A_399 = arith.constant 25 : i32
        %add3A_400 = vector.broadcast %add3A_399 : i32 to vector<16xi32>
        %add3A_401 = arith.addi %mul3A_245, %add3A_400 : vector<16xi32>
        tpu.vector_store_idx %arg15[%add3A_401], %gather3A_398 : memref<2064xf32, #tpu.memory_space<vmem>>[vector<16xi32>], vector<16xf32>,
        %broadcast_in_dim3A_402 = arith.constant 26 : i32
        %broadcast_in_dim3A_403 = vector.broadcast %broadcast_in_dim3A_402 : i32 to vector<16xi32>
        %gather3A_404 = tpu.vector_load_idx %arg9[%broadcast_in_dim3A_242, %broadcast_in_dim3A_403, %min3A_226] : memref<2x32x513xf32, #tpu.memory_space<vmem>>[vector<16xi32>, vector<16xi32>, vector<16xi32>], vector<16xf32>,
        %add3A_405 = arith.constant 26 : i32
        %add3A_406 = vector.broadcast %add3A_405 : i32 to vector<16xi32>
        %add3A_407 = arith.addi %mul3A_245, %add3A_406 : vector<16xi32>
        tpu.vector_store_idx %arg15[%add3A_407], %gather3A_404 : memref<2064xf32, #tpu.memory_space<vmem>>[vector<16xi32>], vector<16xf32>,
        %broadcast_in_dim3A_408 = arith.constant 27 : i32
        %broadcast_in_dim3A_409 = vector.broadcast %broadcast_in_dim3A_408 : i32 to vector<16xi32>
        %gather3A_410 = tpu.vector_load_idx %arg9[%broadcast_in_dim3A_242, %broadcast_in_dim3A_409, %min3A_226] : memref<2x32x513xf32, #tpu.memory_space<vmem>>[vector<16xi32>, vector<16xi32>, vector<16xi32>], vector<16xf32>,
        %add3A_411 = arith.constant 27 : i32
        %add3A_412 = vector.broadcast %add3A_411 : i32 to vector<16xi32>
        %add3A_413 = arith.addi %mul3A_245, %add3A_412 : vector<16xi32>
        tpu.vector_store_idx %arg15[%add3A_413], %gather3A_410 : memref<2064xf32, #tpu.memory_space<vmem>>[vector<16xi32>], vector<16xf32>,
        %broadcast_in_dim3A_414 = arith.constant 28 : i32
        %broadcast_in_dim3A_415 = vector.broadcast %broadcast_in_dim3A_414 : i32 to vector<16xi32>
        %gather3A_416 = tpu.vector_load_idx %arg9[%broadcast_in_dim3A_242, %broadcast_in_dim3A_415, %min3A_226] : memref<2x32x513xf32, #tpu.memory_space<vmem>>[vector<16xi32>, vector<16xi32>, vector<16xi32>], vector<16xf32>,
        %add3A_417 = arith.constant 28 : i32
        %add3A_418 = vector.broadcast %add3A_417 : i32 to vector<16xi32>
        %add3A_419 = arith.addi %mul3A_245, %add3A_418 : vector<16xi32>
        tpu.vector_store_idx %arg15[%add3A_419], %gather3A_416 : memref<2064xf32, #tpu.memory_space<vmem>>[vector<16xi32>], vector<16xf32>,
        %broadcast_in_dim3A_420 = arith.constant 29 : i32
        %broadcast_in_dim3A_421 = vector.broadcast %broadcast_in_dim3A_420 : i32 to vector<16xi32>
        %gather3A_422 = tpu.vector_load_idx %arg9[%broadcast_in_dim3A_242, %broadcast_in_dim3A_421, %min3A_226] : memref<2x32x513xf32, #tpu.memory_space<vmem>>[vector<16xi32>, vector<16xi32>, vector<16xi32>], vector<16xf32>,
        %add3A_423 = arith.constant 29 : i32
        %add3A_424 = vector.broadcast %add3A_423 : i32 to vector<16xi32>
        %add3A_425 = arith.addi %mul3A_245, %add3A_424 : vector<16xi32>
        tpu.vector_store_idx %arg15[%add3A_425], %gather3A_422 : memref<2064xf32, #tpu.memory_space<vmem>>[vector<16xi32>], vector<16xf32>,
        %broadcast_in_dim3A_426 = arith.constant 30 : i32
        %broadcast_in_dim3A_427 = vector.broadcast %broadcast_in_dim3A_426 : i32 to vector<16xi32>
        %gather3A_428 = tpu.vector_load_idx %arg9[%broadcast_in_dim3A_242, %broadcast_in_dim3A_427, %min3A_226] : memref<2x32x513xf32, #tpu.memory_space<vmem>>[vector<16xi32>, vector<16xi32>, vector<16xi32>], vector<16xf32>,
        %add3A_429 = arith.constant 30 : i32
        %add3A_430 = vector.broadcast %add3A_429 : i32 to vector<16xi32>
        %add3A_431 = arith.addi %mul3A_245, %add3A_430 : vector<16xi32>
        tpu.vector_store_idx %arg15[%add3A_431], %gather3A_428 : memref<2064xf32, #tpu.memory_space<vmem>>[vector<16xi32>], vector<16xf32>,
        %broadcast_in_dim3A_432 = arith.constant 31 : i32
        %broadcast_in_dim3A_433 = vector.broadcast %broadcast_in_dim3A_432 : i32 to vector<16xi32>
        %gather3A_434 = tpu.vector_load_idx %arg9[%broadcast_in_dim3A_242, %broadcast_in_dim3A_433, %min3A_226] : memref<2x32x513xf32, #tpu.memory_space<vmem>>[vector<16xi32>, vector<16xi32>, vector<16xi32>], vector<16xf32>,
        %add3A_435 = arith.constant 31 : i32
        %add3A_436 = vector.broadcast %add3A_435 : i32 to vector<16xi32>
        %add3A_437 = arith.addi %mul3A_245, %add3A_436 : vector<16xi32>
        tpu.vector_store_idx %arg15[%add3A_437], %gather3A_434 : memref<2064xf32, #tpu.memory_space<vmem>>[vector<16xi32>], vector<16xf32>,
        %jit3A_438 = arith.constant 2 : i32
        %eq3A_439 = arith.constant 0 : i32
        %eq3A_440 = arith.cmpi eq, %jit3A_438, %eq3A_439 : i32
        %jit3A_441 = arith.constant 1 : i32
        %select_n3A_442 = arith.select %eq3A_440, %jit3A_441, %jit3A_438 : i32
        %rem3A_443 = arith.remsi %while3A_200, %select_n3A_442 : i32
        %ne3A_444 = arith.constant 0 : i32
        %ne3A_445 = arith.cmpi ne, %rem3A_443, %ne3A_444 : i32
        %lt3A_446 = arith.constant 0 : i32
        %lt3A_447 = arith.cmpi slt, %rem3A_443, %lt3A_446 : i32
        %lt3A_448 = arith.constant 0 : i32
        %lt3A_449 = arith.cmpi slt, %select_n3A_442, %lt3A_448 : i32
        %ne3A_450 = arith.xori %lt3A_447, %lt3A_449 : i1
        %and3A_451 = arith.andi %ne3A_450, %ne3A_445 : i1
        %add3A_452 = arith.addi %rem3A_443, %select_n3A_442 : i32
        %select_n3A_453 = arith.select %and3A_451, %add3A_452, %rem3A_443 : i32
        %get3A_454 = arith.constant 0 : index
        %get3A_455 = tpu.vector_load %arg15[%get3A_454] {strides = array<i32>} : memref<2064xf32, #tpu.memory_space<vmem>>, vector<16xf32>,
        %swap3A_456 = arith.constant 0 : i32
        %swap3A_457 = arith.index_cast %select_n3A_453 : i32 to index
        %swap3A_458 = arith.index_cast %swap3A_456 : i32 to index
        %swap3A_459 = arith.constant 0 : index
        %swap3A_460 = tpu.vector_load %arg16[%swap3A_457, %swap3A_458, %swap3A_459] {strides = array<i32>} : memref<2x16x128xf32, #tpu.memory_space<vmem>>, vector<16xf32>,
        tpu.vector_store %arg16[%swap3A_457, %swap3A_458, %swap3A_459], %get3A_455 {strides = array<i32>} : memref<2x16x128xf32, #tpu.memory_space<vmem>>, vector<16xf32>,
        %get3A_461 = arith.constant 16 : index
        %get3A_462 = tpu.vector_load %arg15[%get3A_461] {strides = array<i32>} : memref<2064xf32, #tpu.memory_space<vmem>>, vector<16xf32>,
        %swap3A_463 = arith.constant 0 : i32
        %swap3A_464 = arith.index_cast %select_n3A_453 : i32 to index
        %swap3A_465 = arith.index_cast %swap3A_463 : i32 to index
        %swap3A_466 = arith.constant 16 : index
        %swap3A_467 = tpu.vector_load %arg16[%swap3A_464, %swap3A_465, %swap3A_466] {strides = array<i32>} : memref<2x16x128xf32, #tpu.memory_space<vmem>>, vector<16xf32>,
        tpu.vector_store %arg16[%swap3A_464, %swap3A_465, %swap3A_466], %get3A_462 {strides = array<i32>} : memref<2x16x128xf32, #tpu.memory_space<vmem>>, vector<16xf32>,
        %get3A_468 = arith.constant 129 : index
        %get3A_469 = tpu.vector_load %arg15[%get3A_468] {strides = array<i32>} : memref<2064xf32, #tpu.memory_space<vmem>>, vector<16xf32>,
        %swap3A_470 = arith.constant 1 : i32
        %swap3A_471 = arith.index_cast %select_n3A_453 : i32 to index
        %swap3A_472 = arith.index_cast %swap3A_470 : i32 to index
        %swap3A_473 = arith.constant 0 : index
        %swap3A_474 = tpu.vector_load %arg16[%swap3A_471, %swap3A_472, %swap3A_473] {strides = array<i32>} : memref<2x16x128xf32, #tpu.memory_space<vmem>>, vector<16xf32>,
        tpu.vector_store %arg16[%swap3A_471, %swap3A_472, %swap3A_473], %get3A_469 {strides = array<i32>} : memref<2x16x128xf32, #tpu.memory_space<vmem>>, vector<16xf32>,
        %get3A_475 = arith.constant 145 : index
        %get3A_476 = tpu.vector_load %arg15[%get3A_475] {strides = array<i32>} : memref<2064xf32, #tpu.memory_space<vmem>>, vector<16xf32>,
        %swap3A_477 = arith.constant 1 : i32
        %swap3A_478 = arith.index_cast %select_n3A_453 : i32 to index
        %swap3A_479 = arith.index_cast %swap3A_477 : i32 to index
        %swap3A_480 = arith.constant 16 : index
        %swap3A_481 = tpu.vector_load %arg16[%swap3A_478, %swap3A_479, %swap3A_480] {strides = array<i32>} : memref<2x16x128xf32, #tpu.memory_space<vmem>>, vector<16xf32>,
        tpu.vector_store %arg16[%swap3A_478, %swap3A_479, %swap3A_480], %get3A_476 {strides = array<i32>} : memref<2x16x128xf32, #tpu.memory_space<vmem>>, vector<16xf32>,
        %get3A_482 = arith.constant 258 : index
        %get3A_483 = tpu.vector_load %arg15[%get3A_482] {strides = array<i32>} : memref<2064xf32, #tpu.memory_space<vmem>>, vector<16xf32>,
        %swap3A_484 = arith.constant 2 : i32
        %swap3A_485 = arith.index_cast %select_n3A_453 : i32 to index
        %swap3A_486 = arith.index_cast %swap3A_484 : i32 to index
        %swap3A_487 = arith.constant 0 : index
        %swap3A_488 = tpu.vector_load %arg16[%swap3A_485, %swap3A_486, %swap3A_487] {strides = array<i32>} : memref<2x16x128xf32, #tpu.memory_space<vmem>>, vector<16xf32>,
        tpu.vector_store %arg16[%swap3A_485, %swap3A_486, %swap3A_487], %get3A_483 {strides = array<i32>} : memref<2x16x128xf32, #tpu.memory_space<vmem>>, vector<16xf32>,
        %get3A_489 = arith.constant 274 : index
        %get3A_490 = tpu.vector_load %arg15[%get3A_489] {strides = array<i32>} : memref<2064xf32, #tpu.memory_space<vmem>>, vector<16xf32>,
        %swap3A_491 = arith.constant 2 : i32
        %swap3A_492 = arith.index_cast %select_n3A_453 : i32 to index
        %swap3A_493 = arith.index_cast %swap3A_491 : i32 to index
        %swap3A_494 = arith.constant 16 : index
        %swap3A_495 = tpu.vector_load %arg16[%swap3A_492, %swap3A_493, %swap3A_494] {strides = array<i32>} : memref<2x16x128xf32, #tpu.memory_space<vmem>>, vector<16xf32>,
        tpu.vector_store %arg16[%swap3A_492, %swap3A_493, %swap3A_494], %get3A_490 {strides = array<i32>} : memref<2x16x128xf32, #tpu.memory_space<vmem>>, vector<16xf32>,
        %get3A_496 = arith.constant 387 : index
        %get3A_497 = tpu.vector_load %arg15[%get3A_496] {strides = array<i32>} : memref<2064xf32, #tpu.memory_space<vmem>>, vector<16xf32>,
        %swap3A_498 = arith.constant 3 : i32
        %swap3A_499 = arith.index_cast %select_n3A_453 : i32 to index
        %swap3A_500 = arith.index_cast %swap3A_498 : i32 to index
        %swap3A_501 = arith.constant 0 : index
        %swap3A_502 = tpu.vector_load %arg16[%swap3A_499, %swap3A_500, %swap3A_501] {strides = array<i32>} : memref<2x16x128xf32, #tpu.memory_space<vmem>>, vector<16xf32>,
        tpu.vector_store %arg16[%swap3A_499, %swap3A_500, %swap3A_501], %get3A_497 {strides = array<i32>} : memref<2x16x128xf32, #tpu.memory_space<vmem>>, vector<16xf32>,
        %get3A_503 = arith.constant 403 : index
        %get3A_504 = tpu.vector_load %arg15[%get3A_503] {strides = array<i32>} : memref<2064xf32, #tpu.memory_space<vmem>>, vector<16xf32>,
        %swap3A_505 = arith.constant 3 : i32
        %swap3A_506 = arith.index_cast %select_n3A_453 : i32 to index
        %swap3A_507 = arith.index_cast %swap3A_505 : i32 to index
        %swap3A_508 = arith.constant 16 : index
        %swap3A_509 = tpu.vector_load %arg16[%swap3A_506, %swap3A_507, %swap3A_508] {strides = array<i32>} : memref<2x16x128xf32, #tpu.memory_space<vmem>>, vector<16xf32>,
        tpu.vector_store %arg16[%swap3A_506, %swap3A_507, %swap3A_508], %get3A_504 {strides = array<i32>} : memref<2x16x128xf32, #tpu.memory_space<vmem>>, vector<16xf32>,
        %get3A_510 = arith.constant 516 : index
        %get3A_511 = tpu.vector_load %arg15[%get3A_510] {strides = array<i32>} : memref<2064xf32, #tpu.memory_space<vmem>>, vector<16xf32>,
        %swap3A_512 = arith.constant 4 : i32
        %swap3A_513 = arith.index_cast %select_n3A_453 : i32 to index
        %swap3A_514 = arith.index_cast %swap3A_512 : i32 to index
        %swap3A_515 = arith.constant 0 : index
        %swap3A_516 = tpu.vector_load %arg16[%swap3A_513, %swap3A_514, %swap3A_515] {strides = array<i32>} : memref<2x16x128xf32, #tpu.memory_space<vmem>>, vector<16xf32>,
        tpu.vector_store %arg16[%swap3A_513, %swap3A_514, %swap3A_515], %get3A_511 {strides = array<i32>} : memref<2x16x128xf32, #tpu.memory_space<vmem>>, vector<16xf32>,
        %get3A_517 = arith.constant 532 : index
        %get3A_518 = tpu.vector_load %arg15[%get3A_517] {strides = array<i32>} : memref<2064xf32, #tpu.memory_space<vmem>>, vector<16xf32>,
        %swap3A_519 = arith.constant 4 : i32
        %swap3A_520 = arith.index_cast %select_n3A_453 : i32 to index
        %swap3A_521 = arith.index_cast %swap3A_519 : i32 to index
        %swap3A_522 = arith.constant 16 : index
        %swap3A_523 = tpu.vector_load %arg16[%swap3A_520, %swap3A_521, %swap3A_522] {strides = array<i32>} : memref<2x16x128xf32, #tpu.memory_space<vmem>>, vector<16xf32>,
        tpu.vector_store %arg16[%swap3A_520, %swap3A_521, %swap3A_522], %get3A_518 {strides = array<i32>} : memref<2x16x128xf32, #tpu.memory_space<vmem>>, vector<16xf32>,
        %get3A_524 = arith.constant 645 : index
        %get3A_525 = tpu.vector_load %arg15[%get3A_524] {strides = array<i32>} : memref<2064xf32, #tpu.memory_space<vmem>>, vector<16xf32>,
        %swap3A_526 = arith.constant 5 : i32
        %swap3A_527 = arith.index_cast %select_n3A_453 : i32 to index
        %swap3A_528 = arith.index_cast %swap3A_526 : i32 to index
        %swap3A_529 = arith.constant 0 : index
        %swap3A_530 = tpu.vector_load %arg16[%swap3A_527, %swap3A_528, %swap3A_529] {strides = array<i32>} : memref<2x16x128xf32, #tpu.memory_space<vmem>>, vector<16xf32>,
        tpu.vector_store %arg16[%swap3A_527, %swap3A_528, %swap3A_529], %get3A_525 {strides = array<i32>} : memref<2x16x128xf32, #tpu.memory_space<vmem>>, vector<16xf32>,
        %get3A_531 = arith.constant 661 : index
        %get3A_532 = tpu.vector_load %arg15[%get3A_531] {strides = array<i32>} : memref<2064xf32, #tpu.memory_space<vmem>>, vector<16xf32>,
        %swap3A_533 = arith.constant 5 : i32
        %swap3A_534 = arith.index_cast %select_n3A_453 : i32 to index
        %swap3A_535 = arith.index_cast %swap3A_533 : i32 to index
        %swap3A_536 = arith.constant 16 : index
        %swap3A_537 = tpu.vector_load %arg16[%swap3A_534, %swap3A_535, %swap3A_536] {strides = array<i32>} : memref<2x16x128xf32, #tpu.memory_space<vmem>>, vector<16xf32>,
        tpu.vector_store %arg16[%swap3A_534, %swap3A_535, %swap3A_536], %get3A_532 {strides = array<i32>} : memref<2x16x128xf32, #tpu.memory_space<vmem>>, vector<16xf32>,
        %get3A_538 = arith.constant 774 : index
        %get3A_539 = tpu.vector_load %arg15[%get3A_538] {strides = array<i32>} : memref<2064xf32, #tpu.memory_space<vmem>>, vector<16xf32>,
        %swap3A_540 = arith.constant 6 : i32
        %swap3A_541 = arith.index_cast %select_n3A_453 : i32 to index
        %swap3A_542 = arith.index_cast %swap3A_540 : i32 to index
        %swap3A_543 = arith.constant 0 : index
        %swap3A_544 = tpu.vector_load %arg16[%swap3A_541, %swap3A_542, %swap3A_543] {strides = array<i32>} : memref<2x16x128xf32, #tpu.memory_space<vmem>>, vector<16xf32>,
        tpu.vector_store %arg16[%swap3A_541, %swap3A_542, %swap3A_543], %get3A_539 {strides = array<i32>} : memref<2x16x128xf32, #tpu.memory_space<vmem>>, vector<16xf32>,
        %get3A_545 = arith.constant 790 : index
        %get3A_546 = tpu.vector_load %arg15[%get3A_545] {strides = array<i32>} : memref<2064xf32, #tpu.memory_space<vmem>>, vector<16xf32>,
        %swap3A_547 = arith.constant 6 : i32
        %swap3A_548 = arith.index_cast %select_n3A_453 : i32 to index
        %swap3A_549 = arith.index_cast %swap3A_547 : i32 to index
        %swap3A_550 = arith.constant 16 : index
        %swap3A_551 = tpu.vector_load %arg16[%swap3A_548, %swap3A_549, %swap3A_550] {strides = array<i32>} : memref<2x16x128xf32, #tpu.memory_space<vmem>>, vector<16xf32>,
        tpu.vector_store %arg16[%swap3A_548, %swap3A_549, %swap3A_550], %get3A_546 {strides = array<i32>} : memref<2x16x128xf32, #tpu.memory_space<vmem>>, vector<16xf32>,
        %get3A_552 = arith.constant 903 : index
        %get3A_553 = tpu.vector_load %arg15[%get3A_552] {strides = array<i32>} : memref<2064xf32, #tpu.memory_space<vmem>>, vector<16xf32>,
        %swap3A_554 = arith.constant 7 : i32
        %swap3A_555 = arith.index_cast %select_n3A_453 : i32 to index
        %swap3A_556 = arith.index_cast %swap3A_554 : i32 to index
        %swap3A_557 = arith.constant 0 : index
        %swap3A_558 = tpu.vector_load %arg16[%swap3A_555, %swap3A_556, %swap3A_557] {strides = array<i32>} : memref<2x16x128xf32, #tpu.memory_space<vmem>>, vector<16xf32>,
        tpu.vector_store %arg16[%swap3A_555, %swap3A_556, %swap3A_557], %get3A_553 {strides = array<i32>} : memref<2x16x128xf32, #tpu.memory_space<vmem>>, vector<16xf32>,
        %get3A_559 = arith.constant 919 : index
        %get3A_560 = tpu.vector_load %arg15[%get3A_559] {strides = array<i32>} : memref<2064xf32, #tpu.memory_space<vmem>>, vector<16xf32>,
        %swap3A_561 = arith.constant 7 : i32
        %swap3A_562 = arith.index_cast %select_n3A_453 : i32 to index
        %swap3A_563 = arith.index_cast %swap3A_561 : i32 to index
        %swap3A_564 = arith.constant 16 : index
        %swap3A_565 = tpu.vector_load %arg16[%swap3A_562, %swap3A_563, %swap3A_564] {strides = array<i32>} : memref<2x16x128xf32, #tpu.memory_space<vmem>>, vector<16xf32>,
        tpu.vector_store %arg16[%swap3A_562, %swap3A_563, %swap3A_564], %get3A_560 {strides = array<i32>} : memref<2x16x128xf32, #tpu.memory_space<vmem>>, vector<16xf32>,
        %get3A_566 = arith.constant 1032 : index
        %get3A_567 = tpu.vector_load %arg15[%get3A_566] {strides = array<i32>} : memref<2064xf32, #tpu.memory_space<vmem>>, vector<16xf32>,
        %swap3A_568 = arith.constant 8 : i32
        %swap3A_569 = arith.index_cast %select_n3A_453 : i32 to index
        %swap3A_570 = arith.index_cast %swap3A_568 : i32 to index
        %swap3A_571 = arith.constant 0 : index
        %swap3A_572 = tpu.vector_load %arg16[%swap3A_569, %swap3A_570, %swap3A_571] {strides = array<i32>} : memref<2x16x128xf32, #tpu.memory_space<vmem>>, vector<16xf32>,
        tpu.vector_store %arg16[%swap3A_569, %swap3A_570, %swap3A_571], %get3A_567 {strides = array<i32>} : memref<2x16x128xf32, #tpu.memory_space<vmem>>, vector<16xf32>,
        %get3A_573 = arith.constant 1048 : index
        %get3A_574 = tpu.vector_load %arg15[%get3A_573] {strides = array<i32>} : memref<2064xf32, #tpu.memory_space<vmem>>, vector<16xf32>,
        %swap3A_575 = arith.constant 8 : i32
        %swap3A_576 = arith.index_cast %select_n3A_453 : i32 to index
        %swap3A_577 = arith.index_cast %swap3A_575 : i32 to index
        %swap3A_578 = arith.constant 16 : index
        %swap3A_579 = tpu.vector_load %arg16[%swap3A_576, %swap3A_577, %swap3A_578] {strides = array<i32>} : memref<2x16x128xf32, #tpu.memory_space<vmem>>, vector<16xf32>,
        tpu.vector_store %arg16[%swap3A_576, %swap3A_577, %swap3A_578], %get3A_574 {strides = array<i32>} : memref<2x16x128xf32, #tpu.memory_space<vmem>>, vector<16xf32>,
        %get3A_580 = arith.constant 1161 : index
        %get3A_581 = tpu.vector_load %arg15[%get3A_580] {strides = array<i32>} : memref<2064xf32, #tpu.memory_space<vmem>>, vector<16xf32>,
        %swap3A_582 = arith.constant 9 : i32
        %swap3A_583 = arith.index_cast %select_n3A_453 : i32 to index
        %swap3A_584 = arith.index_cast %swap3A_582 : i32 to index
        %swap3A_585 = arith.constant 0 : index
        %swap3A_586 = tpu.vector_load %arg16[%swap3A_583, %swap3A_584, %swap3A_585] {strides = array<i32>} : memref<2x16x128xf32, #tpu.memory_space<vmem>>, vector<16xf32>,
        tpu.vector_store %arg16[%swap3A_583, %swap3A_584, %swap3A_585], %get3A_581 {strides = array<i32>} : memref<2x16x128xf32, #tpu.memory_space<vmem>>, vector<16xf32>,
        %get3A_587 = arith.constant 1177 : index
        %get3A_588 = tpu.vector_load %arg15[%get3A_587] {strides = array<i32>} : memref<2064xf32, #tpu.memory_space<vmem>>, vector<16xf32>,
        %swap3A_589 = arith.constant 9 : i32
        %swap3A_590 = arith.index_cast %select_n3A_453 : i32 to index
        %swap3A_591 = arith.index_cast %swap3A_589 : i32 to index
        %swap3A_592 = arith.constant 16 : index
        %swap3A_593 = tpu.vector_load %arg16[%swap3A_590, %swap3A_591, %swap3A_592] {strides = array<i32>} : memref<2x16x128xf32, #tpu.memory_space<vmem>>, vector<16xf32>,
        tpu.vector_store %arg16[%swap3A_590, %swap3A_591, %swap3A_592], %get3A_588 {strides = array<i32>} : memref<2x16x128xf32, #tpu.memory_space<vmem>>, vector<16xf32>,
        %get3A_594 = arith.constant 1290 : index
        %get3A_595 = tpu.vector_load %arg15[%get3A_594] {strides = array<i32>} : memref<2064xf32, #tpu.memory_space<vmem>>, vector<16xf32>,
        %swap3A_596 = arith.constant 10 : i32
        %swap3A_597 = arith.index_cast %select_n3A_453 : i32 to index
        %swap3A_598 = arith.index_cast %swap3A_596 : i32 to index
        %swap3A_599 = arith.constant 0 : index
        %swap3A_600 = tpu.vector_load %arg16[%swap3A_597, %swap3A_598, %swap3A_599] {strides = array<i32>} : memref<2x16x128xf32, #tpu.memory_space<vmem>>, vector<16xf32>,
        tpu.vector_store %arg16[%swap3A_597, %swap3A_598, %swap3A_599], %get3A_595 {strides = array<i32>} : memref<2x16x128xf32, #tpu.memory_space<vmem>>, vector<16xf32>,
        %get3A_601 = arith.constant 1306 : index
        %get3A_602 = tpu.vector_load %arg15[%get3A_601] {strides = array<i32>} : memref<2064xf32, #tpu.memory_space<vmem>>, vector<16xf32>,
        %swap3A_603 = arith.constant 10 : i32
        %swap3A_604 = arith.index_cast %select_n3A_453 : i32 to index
        %swap3A_605 = arith.index_cast %swap3A_603 : i32 to index
        %swap3A_606 = arith.constant 16 : index
        %swap3A_607 = tpu.vector_load %arg16[%swap3A_604, %swap3A_605, %swap3A_606] {strides = array<i32>} : memref<2x16x128xf32, #tpu.memory_space<vmem>>, vector<16xf32>,
        tpu.vector_store %arg16[%swap3A_604, %swap3A_605, %swap3A_606], %get3A_602 {strides = array<i32>} : memref<2x16x128xf32, #tpu.memory_space<vmem>>, vector<16xf32>,
        %get3A_608 = arith.constant 1419 : index
        %get3A_609 = tpu.vector_load %arg15[%get3A_608] {strides = array<i32>} : memref<2064xf32, #tpu.memory_space<vmem>>, vector<16xf32>,
        %swap3A_610 = arith.constant 11 : i32
        %swap3A_611 = arith.index_cast %select_n3A_453 : i32 to index
        %swap3A_612 = arith.index_cast %swap3A_610 : i32 to index
        %swap3A_613 = arith.constant 0 : index
        %swap3A_614 = tpu.vector_load %arg16[%swap3A_611, %swap3A_612, %swap3A_613] {strides = array<i32>} : memref<2x16x128xf32, #tpu.memory_space<vmem>>, vector<16xf32>,
        tpu.vector_store %arg16[%swap3A_611, %swap3A_612, %swap3A_613], %get3A_609 {strides = array<i32>} : memref<2x16x128xf32, #tpu.memory_space<vmem>>, vector<16xf32>,
        %get3A_615 = arith.constant 1435 : index
        %get3A_616 = tpu.vector_load %arg15[%get3A_615] {strides = array<i32>} : memref<2064xf32, #tpu.memory_space<vmem>>, vector<16xf32>,
        %swap3A_617 = arith.constant 11 : i32
        %swap3A_618 = arith.index_cast %select_n3A_453 : i32 to index
        %swap3A_619 = arith.index_cast %swap3A_617 : i32 to index
        %swap3A_620 = arith.constant 16 : index
        %swap3A_621 = tpu.vector_load %arg16[%swap3A_618, %swap3A_619, %swap3A_620] {strides = array<i32>} : memref<2x16x128xf32, #tpu.memory_space<vmem>>, vector<16xf32>,
        tpu.vector_store %arg16[%swap3A_618, %swap3A_619, %swap3A_620], %get3A_616 {strides = array<i32>} : memref<2x16x128xf32, #tpu.memory_space<vmem>>, vector<16xf32>,
        %get3A_622 = arith.constant 1548 : index
        %get3A_623 = tpu.vector_load %arg15[%get3A_622] {strides = array<i32>} : memref<2064xf32, #tpu.memory_space<vmem>>, vector<16xf32>,
        %swap3A_624 = arith.constant 12 : i32
        %swap3A_625 = arith.index_cast %select_n3A_453 : i32 to index
        %swap3A_626 = arith.index_cast %swap3A_624 : i32 to index
        %swap3A_627 = arith.constant 0 : index
        %swap3A_628 = tpu.vector_load %arg16[%swap3A_625, %swap3A_626, %swap3A_627] {strides = array<i32>} : memref<2x16x128xf32, #tpu.memory_space<vmem>>, vector<16xf32>,
        tpu.vector_store %arg16[%swap3A_625, %swap3A_626, %swap3A_627], %get3A_623 {strides = array<i32>} : memref<2x16x128xf32, #tpu.memory_space<vmem>>, vector<16xf32>,
        %get3A_629 = arith.constant 1564 : index
        %get3A_630 = tpu.vector_load %arg15[%get3A_629] {strides = array<i32>} : memref<2064xf32, #tpu.memory_space<vmem>>, vector<16xf32>,
        %swap3A_631 = arith.constant 12 : i32
        %swap3A_632 = arith.index_cast %select_n3A_453 : i32 to index
        %swap3A_633 = arith.index_cast %swap3A_631 : i32 to index
        %swap3A_634 = arith.constant 16 : index
        %swap3A_635 = tpu.vector_load %arg16[%swap3A_632, %swap3A_633, %swap3A_634] {strides = array<i32>} : memref<2x16x128xf32, #tpu.memory_space<vmem>>, vector<16xf32>,
        tpu.vector_store %arg16[%swap3A_632, %swap3A_633, %swap3A_634], %get3A_630 {strides = array<i32>} : memref<2x16x128xf32, #tpu.memory_space<vmem>>, vector<16xf32>,
        %get3A_636 = arith.constant 1677 : index
        %get3A_637 = tpu.vector_load %arg15[%get3A_636] {strides = array<i32>} : memref<2064xf32, #tpu.memory_space<vmem>>, vector<16xf32>,
        %swap3A_638 = arith.constant 13 : i32
        %swap3A_639 = arith.index_cast %select_n3A_453 : i32 to index
        %swap3A_640 = arith.index_cast %swap3A_638 : i32 to index
        %swap3A_641 = arith.constant 0 : index
        %swap3A_642 = tpu.vector_load %arg16[%swap3A_639, %swap3A_640, %swap3A_641] {strides = array<i32>} : memref<2x16x128xf32, #tpu.memory_space<vmem>>, vector<16xf32>,
        tpu.vector_store %arg16[%swap3A_639, %swap3A_640, %swap3A_641], %get3A_637 {strides = array<i32>} : memref<2x16x128xf32, #tpu.memory_space<vmem>>, vector<16xf32>,
        %get3A_643 = arith.constant 1693 : index
        %get3A_644 = tpu.vector_load %arg15[%get3A_643] {strides = array<i32>} : memref<2064xf32, #tpu.memory_space<vmem>>, vector<16xf32>,
        %swap3A_645 = arith.constant 13 : i32
        %swap3A_646 = arith.index_cast %select_n3A_453 : i32 to index
        %swap3A_647 = arith.index_cast %swap3A_645 : i32 to index
        %swap3A_648 = arith.constant 16 : index
        %swap3A_649 = tpu.vector_load %arg16[%swap3A_646, %swap3A_647, %swap3A_648] {strides = array<i32>} : memref<2x16x128xf32, #tpu.memory_space<vmem>>, vector<16xf32>,
        tpu.vector_store %arg16[%swap3A_646, %swap3A_647, %swap3A_648], %get3A_644 {strides = array<i32>} : memref<2x16x128xf32, #tpu.memory_space<vmem>>, vector<16xf32>,
        %get3A_650 = arith.constant 1806 : index
        %get3A_651 = tpu.vector_load %arg15[%get3A_650] {strides = array<i32>} : memref<2064xf32, #tpu.memory_space<vmem>>, vector<16xf32>,
        %swap3A_652 = arith.constant 14 : i32
        %swap3A_653 = arith.index_cast %select_n3A_453 : i32 to index
        %swap3A_654 = arith.index_cast %swap3A_652 : i32 to index
        %swap3A_655 = arith.constant 0 : index
        %swap3A_656 = tpu.vector_load %arg16[%swap3A_653, %swap3A_654, %swap3A_655] {strides = array<i32>} : memref<2x16x128xf32, #tpu.memory_space<vmem>>, vector<16xf32>,
        tpu.vector_store %arg16[%swap3A_653, %swap3A_654, %swap3A_655], %get3A_651 {strides = array<i32>} : memref<2x16x128xf32, #tpu.memory_space<vmem>>, vector<16xf32>,
        %get3A_657 = arith.constant 1822 : index
        %get3A_658 = tpu.vector_load %arg15[%get3A_657] {strides = array<i32>} : memref<2064xf32, #tpu.memory_space<vmem>>, vector<16xf32>,
        %swap3A_659 = arith.constant 14 : i32
        %swap3A_660 = arith.index_cast %select_n3A_453 : i32 to index
        %swap3A_661 = arith.index_cast %swap3A_659 : i32 to index
        %swap3A_662 = arith.constant 16 : index
        %swap3A_663 = tpu.vector_load %arg16[%swap3A_660, %swap3A_661, %swap3A_662] {strides = array<i32>} : memref<2x16x128xf32, #tpu.memory_space<vmem>>, vector<16xf32>,
        tpu.vector_store %arg16[%swap3A_660, %swap3A_661, %swap3A_662], %get3A_658 {strides = array<i32>} : memref<2x16x128xf32, #tpu.memory_space<vmem>>, vector<16xf32>,
        %get3A_664 = arith.constant 1935 : index
        %get3A_665 = tpu.vector_load %arg15[%get3A_664] {strides = array<i32>} : memref<2064xf32, #tpu.memory_space<vmem>>, vector<16xf32>,
        %swap3A_666 = arith.constant 15 : i32
        %swap3A_667 = arith.index_cast %select_n3A_453 : i32 to index
        %swap3A_668 = arith.index_cast %swap3A_666 : i32 to index
        %swap3A_669 = arith.constant 0 : index
        %swap3A_670 = tpu.vector_load %arg16[%swap3A_667, %swap3A_668, %swap3A_669] {strides = array<i32>} : memref<2x16x128xf32, #tpu.memory_space<vmem>>, vector<16xf32>,
        tpu.vector_store %arg16[%swap3A_667, %swap3A_668, %swap3A_669], %get3A_665 {strides = array<i32>} : memref<2x16x128xf32, #tpu.memory_space<vmem>>, vector<16xf32>,
        %get3A_671 = arith.constant 1951 : index
        %get3A_672 = tpu.vector_load %arg15[%get3A_671] {strides = array<i32>} : memref<2064xf32, #tpu.memory_space<vmem>>, vector<16xf32>,
        %swap3A_673 = arith.constant 15 : i32
        %swap3A_674 = arith.index_cast %select_n3A_453 : i32 to index
        %swap3A_675 = arith.index_cast %swap3A_673 : i32 to index
        %swap3A_676 = arith.constant 16 : index
        %swap3A_677 = tpu.vector_load %arg16[%swap3A_674, %swap3A_675, %swap3A_676] {strides = array<i32>} : memref<2x16x128xf32, #tpu.memory_space<vmem>>, vector<16xf32>,
        tpu.vector_store %arg16[%swap3A_674, %swap3A_675, %swap3A_676], %get3A_672 {strides = array<i32>} : memref<2x16x128xf32, #tpu.memory_space<vmem>>, vector<16xf32>,
        %broadcast_in_dim3A_678 = arith.constant 16390 : i32
        %broadcast_in_dim3A_679 = vector.broadcast %broadcast_in_dim3A_678 : i32 to vector<16xi32>
        %select_n3A_680 = arith.select %lt3A_219, %get3A_213, %broadcast_in_dim3A_679 : vector<16xi1>, vector<16xi32>
        %dma_start3A_681 = arith.constant 0 : i32
        %dma_start3A_682 = arith.constant 0 : i32
        %dma_start3A_683 = tpu.memref_slice %arg16[%select_n3A_453, %dma_start3A_681, %dma_start3A_682] : memref<2x16x128xf32, #tpu.memory_space<vmem>> -> memref<1x16x128xf32, #tpu.memory_space<vmem>>
        %dma_start3A_684 = tpu.memref_squeeze %dma_start3A_683 : memref<1x16x128xf32, #tpu.memory_space<vmem>> -> memref<16x128xf32, #tpu.memory_space<vmem>>
        %dma_start3A_685 = arith.constant 0 : i32
        %dma_start3A_686 = arith.constant 0 : i32
        %dma_start3A_687 = tpu.memref_slice %arg6[%dma_start3A_685, %dma_start3A_686] : memref<16392x128xf32, #tpu.memory_space<hbm>> -> memref<16392x128xf32, #tpu.memory_space<hbm>>
        tpu.enqueue_indirect_dma source(%dma_start3A_684 : memref<16x128xf32, #tpu.memory_space<vmem>>) target(%dma_start3A_687 : memref<16392x128xf32, #tpu.memory_space<hbm>>) offsets(%select_n3A_680 : vector<16xi32>) semaphore(%arg18 : memref<!tpu.dma_semaphore, #tpu.memory_space<semaphore_mem>>)
        %add3A_688 = arith.constant 1 : i32
        %add3A_689 = arith.addi %while3A_200, %add3A_688 : i32
        scf.yield %add3A_689 : i32
      }
      %while3A_197 = arith.constant 1 : i32
      %while3A_198 = scf.for %while3A_199 = %while3A_194 to %while3A_190 step %while3A_197 iter_args(%while3A_200 = %while3A_196) -> (i32)  : i32 {
        %ge3A_201 = arith.constant 2 : i32
        %ge3A_202 = arith.cmpi sge, %while3A_200, %ge3A_201 : i32
        %convert_element_type3A_203 = arith.extui %ge3A_202 : i1 to i32
        %cond3A_204 = arith.constant 0 : i32
        %cond3A_205 = arith.cmpi ne, %convert_element_type3A_203, %cond3A_204 : i32
        scf.if %cond3A_205 {
          %dma_wait3A_690 = arith.constant 0 : i32
          %dma_wait3A_691 = arith.constant 0 : i32
          %dma_wait3A_692 = arith.constant 0 : i32
          %dma_wait3A_693 = tpu.memref_slice %arg16[%dma_wait3A_690, %dma_wait3A_691, %dma_wait3A_692] : memref<2x16x128xf32, #tpu.memory_space<vmem>> -> memref<1x16x128xf32, #tpu.memory_space<vmem>>
          %dma_wait3A_694 = tpu.memref_squeeze %dma_wait3A_693 : memref<1x16x128xf32, #tpu.memory_space<vmem>> -> memref<16x128xf32, #tpu.memory_space<vmem>>
          %dma_wait3A_695 = arith.constant 0 : i32
          %dma_wait3A_696 = arith.constant 0 : i32
          %dma_wait3A_697 = tpu.memref_slice %arg6[%dma_wait3A_695, %dma_wait3A_696] : memref<16392x128xf32, #tpu.memory_space<hbm>> -> memref<16x128xf32, #tpu.memory_space<hbm>>
          %dma_wait3A_698 = arith.constant 0 : i32
          %dma_wait3A_699 = arith.constant 0 : i32
          %dma_wait3A_700 = tpu.memref_slice %arg16[%dma_wait3A_690, %dma_wait3A_698, %dma_wait3A_699] : memref<2x16x128xf32, #tpu.memory_space<vmem>> -> memref<1x16x128xf32, #tpu.memory_space<vmem>>
          %dma_wait3A_701 = tpu.memref_squeeze %dma_wait3A_700 : memref<1x16x128xf32, #tpu.memory_space<vmem>> -> memref<16x128xf32, #tpu.memory_space<vmem>>
          %dma_wait3A_702 = arith.constant 0 : i32
          %dma_wait3A_703 = arith.constant 0 : i32
          %dma_wait3A_704 = tpu.memref_slice %arg6[%dma_wait3A_702, %dma_wait3A_703] : memref<16392x128xf32, #tpu.memory_space<hbm>> -> memref<16x128xf32, #tpu.memory_space<hbm>>
          tpu.wait_dma2 semaphore(%arg18 : memref<!tpu.dma_semaphore, #tpu.memory_space<semaphore_mem>>) src(%dma_wait3A_704 : memref<16x128xf32, #tpu.memory_space<hbm>>) dst(%dma_wait3A_701 : memref<16x128xf32, #tpu.memory_space<vmem>>)
        } else {
        }
        %mul3A_206 = arith.constant 48 : i32
        %mul3A_207 = arith.muli %while3A_132, %mul3A_206 : i32
        %mul3A_208 = arith.constant 16 : i32
        %mul3A_209 = arith.muli %while3A_199, %mul3A_208 : i32
        %add3A_210 = arith.addi %mul3A_207, %mul3A_209 : i32
        %get3A = arith.index_cast %add3A_210 : i32 to index
        %get3A_211 = tpu.vector_load %arg10[%get3A] {strides = array<i32>} : memref<3072xi32, #tpu.memory_space<vmem>>, vector<16xi32>,
        %get3A_212 = arith.index_cast %add3A_210 : i32 to index
        %get3A_213 = tpu.vector_load %arg11[%get3A_212] {strides = array<i32>} : memref<3072xi32, #tpu.memory_space<vmem>>, vector<16xi32>,
        %mul3A_214 = arith.constant 16 : i32
        %mul3A_215 = arith.muli %while3A_199, %mul3A_214 : i32
        %add3A_216 = vector.broadcast %mul3A_215 : i32 to vector<16xi32>
        %add3A_217 = arith.addi %add3A_216, %iota3A : vector<16xi32>
        %lt3A_218 = vector.broadcast %squeeze3A : i32 to vector<16xi32>
        %lt3A_219 = arith.cmpi slt, %add3A_217, %lt3A_218 : vector<16xi32>
        %sub3A_220 = vector.broadcast %min3A_158 : i32 to vector<16xi32>
        %sub3A_221 = arith.subi %get3A_211, %sub3A_220 : vector<16xi32>
        %jit3A_222 = arith.constant 0 : i32
        %jit3A_223 = arith.constant 511 : i32
        %max3A = vector.broadcast %jit3A_222 : i32 to vector<16xi32>
        %max3A_224 = arith.maxsi %max3A, %sub3A_221 : vector<16xi32>
        %min3A_225 = vector.broadcast %jit3A_223 : i32 to vector<16xi32>
        %min3A_226 = arith.minsi %min3A_225, %max3A_224 : vector<16xi32>
        %jit3A_227 = arith.constant 2 : i32
        %eq3A = arith.constant 0 : i32
        %eq3A_228 = arith.cmpi eq, %jit3A_227, %eq3A : i32
        %jit3A_229 = arith.constant 1 : i32
        %select_n3A_230 = arith.select %eq3A_228, %jit3A_229, %jit3A_227 : i32
        %rem3A_231 = arith.remsi %while3A_132, %select_n3A_230 : i32
        %ne3A_232 = arith.constant 0 : i32
        %ne3A_233 = arith.cmpi ne, %rem3A_231, %ne3A_232 : i32
        %lt3A_234 = arith.constant 0 : i32
        %lt3A_235 = arith.cmpi slt, %rem3A_231, %lt3A_234 : i32
        %lt3A_236 = arith.constant 0 : i32
        %lt3A_237 = arith.cmpi slt, %select_n3A_230, %lt3A_236 : i32
        %ne3A_238 = arith.xori %lt3A_235, %lt3A_237 : i1
        %and3A_239 = arith.andi %ne3A_238, %ne3A_233 : i1
        %add3A_240 = arith.addi %rem3A_231, %select_n3A_230 : i32
        %select_n3A_241 = arith.select %and3A_239, %add3A_240, %rem3A_231 : i32
        %broadcast_in_dim3A_242 = vector.broadcast %select_n3A_241 : i32 to vector<16xi32>
        %mul3A_243 = arith.constant 129 : i32
        %mul3A_244 = vector.broadcast %mul3A_243 : i32 to vector<16xi32>
        %mul3A_245 = arith.muli %iota3A, %mul3A_244 : vector<16xi32>
        %broadcast_in_dim3A_246 = arith.constant 0 : i32
        %broadcast_in_dim3A_247 = vector.broadcast %broadcast_in_dim3A_246 : i32 to vector<16xi32>
        %gather3A_248 = tpu.vector_load_idx %arg9[%broadcast_in_dim3A_242, %broadcast_in_dim3A_247, %min3A_226] : memref<2x32x513xf32, #tpu.memory_space<vmem>>[vector<16xi32>, vector<16xi32>, vector<16xi32>], vector<16xf32>,
        %add3A_249 = arith.constant 0 : i32
        %add3A_250 = vector.broadcast %add3A_249 : i32 to vector<16xi32>
        %add3A_251 = arith.addi %mul3A_245, %add3A_250 : vector<16xi32>
        tpu.vector_store_idx %arg15[%add3A_251], %gather3A_248 : memref<2064xf32, #tpu.memory_space<vmem>>[vector<16xi32>], vector<16xf32>,
        %broadcast_in_dim3A_252 = arith.constant 1 : i32
        %broadcast_in_dim3A_253 = vector.broadcast %broadcast_in_dim3A_252 : i32 to vector<16xi32>
        %gather3A_254 = tpu.vector_load_idx %arg9[%broadcast_in_dim3A_242, %broadcast_in_dim3A_253, %min3A_226] : memref<2x32x513xf32, #tpu.memory_space<vmem>>[vector<16xi32>, vector<16xi32>, vector<16xi32>], vector<16xf32>,
        %add3A_255 = arith.constant 1 : i32
        %add3A_256 = vector.broadcast %add3A_255 : i32 to vector<16xi32>
        %add3A_257 = arith.addi %mul3A_245, %add3A_256 : vector<16xi32>
        tpu.vector_store_idx %arg15[%add3A_257], %gather3A_254 : memref<2064xf32, #tpu.memory_space<vmem>>[vector<16xi32>], vector<16xf32>,
        %broadcast_in_dim3A_258 = arith.constant 2 : i32
        %broadcast_in_dim3A_259 = vector.broadcast %broadcast_in_dim3A_258 : i32 to vector<16xi32>
        %gather3A_260 = tpu.vector_load_idx %arg9[%broadcast_in_dim3A_242, %broadcast_in_dim3A_259, %min3A_226] : memref<2x32x513xf32, #tpu.memory_space<vmem>>[vector<16xi32>, vector<16xi32>, vector<16xi32>], vector<16xf32>,
        %add3A_261 = arith.constant 2 : i32
        %add3A_262 = vector.broadcast %add3A_261 : i32 to vector<16xi32>
        %add3A_263 = arith.addi %mul3A_245, %add3A_262 : vector<16xi32>
        tpu.vector_store_idx %arg15[%add3A_263], %gather3A_260 : memref<2064xf32, #tpu.memory_space<vmem>>[vector<16xi32>], vector<16xf32>,
        %broadcast_in_dim3A_264 = arith.constant 3 : i32
        %broadcast_in_dim3A_265 = vector.broadcast %broadcast_in_dim3A_264 : i32 to vector<16xi32>
        %gather3A_266 = tpu.vector_load_idx %arg9[%broadcast_in_dim3A_242, %broadcast_in_dim3A_265, %min3A_226] : memref<2x32x513xf32, #tpu.memory_space<vmem>>[vector<16xi32>, vector<16xi32>, vector<16xi32>], vector<16xf32>,
        %add3A_267 = arith.constant 3 : i32
        %add3A_268 = vector.broadcast %add3A_267 : i32 to vector<16xi32>
        %add3A_269 = arith.addi %mul3A_245, %add3A_268 : vector<16xi32>
        tpu.vector_store_idx %arg15[%add3A_269], %gather3A_266 : memref<2064xf32, #tpu.memory_space<vmem>>[vector<16xi32>], vector<16xf32>,
        %broadcast_in_dim3A_270 = arith.constant 4 : i32
        %broadcast_in_dim3A_271 = vector.broadcast %broadcast_in_dim3A_270 : i32 to vector<16xi32>
        %gather3A_272 = tpu.vector_load_idx %arg9[%broadcast_in_dim3A_242, %broadcast_in_dim3A_271, %min3A_226] : memref<2x32x513xf32, #tpu.memory_space<vmem>>[vector<16xi32>, vector<16xi32>, vector<16xi32>], vector<16xf32>,
        %add3A_273 = arith.constant 4 : i32
        %add3A_274 = vector.broadcast %add3A_273 : i32 to vector<16xi32>
        %add3A_275 = arith.addi %mul3A_245, %add3A_274 : vector<16xi32>
        tpu.vector_store_idx %arg15[%add3A_275], %gather3A_272 : memref<2064xf32, #tpu.memory_space<vmem>>[vector<16xi32>], vector<16xf32>,
        %broadcast_in_dim3A_276 = arith.constant 5 : i32
        %broadcast_in_dim3A_277 = vector.broadcast %broadcast_in_dim3A_276 : i32 to vector<16xi32>
        %gather3A_278 = tpu.vector_load_idx %arg9[%broadcast_in_dim3A_242, %broadcast_in_dim3A_277, %min3A_226] : memref<2x32x513xf32, #tpu.memory_space<vmem>>[vector<16xi32>, vector<16xi32>, vector<16xi32>], vector<16xf32>,
        %add3A_279 = arith.constant 5 : i32
        %add3A_280 = vector.broadcast %add3A_279 : i32 to vector<16xi32>
        %add3A_281 = arith.addi %mul3A_245, %add3A_280 : vector<16xi32>
        tpu.vector_store_idx %arg15[%add3A_281], %gather3A_278 : memref<2064xf32, #tpu.memory_space<vmem>>[vector<16xi32>], vector<16xf32>,
        %broadcast_in_dim3A_282 = arith.constant 6 : i32
        %broadcast_in_dim3A_283 = vector.broadcast %broadcast_in_dim3A_282 : i32 to vector<16xi32>
        %gather3A_284 = tpu.vector_load_idx %arg9[%broadcast_in_dim3A_242, %broadcast_in_dim3A_283, %min3A_226] : memref<2x32x513xf32, #tpu.memory_space<vmem>>[vector<16xi32>, vector<16xi32>, vector<16xi32>], vector<16xf32>,
        %add3A_285 = arith.constant 6 : i32
        %add3A_286 = vector.broadcast %add3A_285 : i32 to vector<16xi32>
        %add3A_287 = arith.addi %mul3A_245, %add3A_286 : vector<16xi32>
        tpu.vector_store_idx %arg15[%add3A_287], %gather3A_284 : memref<2064xf32, #tpu.memory_space<vmem>>[vector<16xi32>], vector<16xf32>,
        %broadcast_in_dim3A_288 = arith.constant 7 : i32
        %broadcast_in_dim3A_289 = vector.broadcast %broadcast_in_dim3A_288 : i32 to vector<16xi32>
        %gather3A_290 = tpu.vector_load_idx %arg9[%broadcast_in_dim3A_242, %broadcast_in_dim3A_289, %min3A_226] : memref<2x32x513xf32, #tpu.memory_space<vmem>>[vector<16xi32>, vector<16xi32>, vector<16xi32>], vector<16xf32>,
        %add3A_291 = arith.constant 7 : i32
        %add3A_292 = vector.broadcast %add3A_291 : i32 to vector<16xi32>
        %add3A_293 = arith.addi %mul3A_245, %add3A_292 : vector<16xi32>
        tpu.vector_store_idx %arg15[%add3A_293], %gather3A_290 : memref<2064xf32, #tpu.memory_space<vmem>>[vector<16xi32>], vector<16xf32>,
        %broadcast_in_dim3A_294 = arith.constant 8 : i32
        %broadcast_in_dim3A_295 = vector.broadcast %broadcast_in_dim3A_294 : i32 to vector<16xi32>
        %gather3A_296 = tpu.vector_load_idx %arg9[%broadcast_in_dim3A_242, %broadcast_in_dim3A_295, %min3A_226] : memref<2x32x513xf32, #tpu.memory_space<vmem>>[vector<16xi32>, vector<16xi32>, vector<16xi32>], vector<16xf32>,
        %add3A_297 = arith.constant 8 : i32
        %add3A_298 = vector.broadcast %add3A_297 : i32 to vector<16xi32>
        %add3A_299 = arith.addi %mul3A_245, %add3A_298 : vector<16xi32>
        tpu.vector_store_idx %arg15[%add3A_299], %gather3A_296 : memref<2064xf32, #tpu.memory_space<vmem>>[vector<16xi32>], vector<16xf32>,
        %broadcast_in_dim3A_300 = arith.constant 9 : i32
        %broadcast_in_dim3A_301 = vector.broadcast %broadcast_in_dim3A_300 : i32 to vector<16xi32>
        %gather3A_302 = tpu.vector_load_idx %arg9[%broadcast_in_dim3A_242, %broadcast_in_dim3A_301, %min3A_226] : memref<2x32x513xf32, #tpu.memory_space<vmem>>[vector<16xi32>, vector<16xi32>, vector<16xi32>], vector<16xf32>,
        %add3A_303 = arith.constant 9 : i32
        %add3A_304 = vector.broadcast %add3A_303 : i32 to vector<16xi32>
        %add3A_305 = arith.addi %mul3A_245, %add3A_304 : vector<16xi32>
        tpu.vector_store_idx %arg15[%add3A_305], %gather3A_302 : memref<2064xf32, #tpu.memory_space<vmem>>[vector<16xi32>], vector<16xf32>,
        %broadcast_in_dim3A_306 = arith.constant 10 : i32
        %broadcast_in_dim3A_307 = vector.broadcast %broadcast_in_dim3A_306 : i32 to vector<16xi32>
        %gather3A_308 = tpu.vector_load_idx %arg9[%broadcast_in_dim3A_242, %broadcast_in_dim3A_307, %min3A_226] : memref<2x32x513xf32, #tpu.memory_space<vmem>>[vector<16xi32>, vector<16xi32>, vector<16xi32>], vector<16xf32>,
        %add3A_309 = arith.constant 10 : i32
        %add3A_310 = vector.broadcast %add3A_309 : i32 to vector<16xi32>
        %add3A_311 = arith.addi %mul3A_245, %add3A_310 : vector<16xi32>
        tpu.vector_store_idx %arg15[%add3A_311], %gather3A_308 : memref<2064xf32, #tpu.memory_space<vmem>>[vector<16xi32>], vector<16xf32>,
        %broadcast_in_dim3A_312 = arith.constant 11 : i32
        %broadcast_in_dim3A_313 = vector.broadcast %broadcast_in_dim3A_312 : i32 to vector<16xi32>
        %gather3A_314 = tpu.vector_load_idx %arg9[%broadcast_in_dim3A_242, %broadcast_in_dim3A_313, %min3A_226] : memref<2x32x513xf32, #tpu.memory_space<vmem>>[vector<16xi32>, vector<16xi32>, vector<16xi32>], vector<16xf32>,
        %add3A_315 = arith.constant 11 : i32
        %add3A_316 = vector.broadcast %add3A_315 : i32 to vector<16xi32>
        %add3A_317 = arith.addi %mul3A_245, %add3A_316 : vector<16xi32>
        tpu.vector_store_idx %arg15[%add3A_317], %gather3A_314 : memref<2064xf32, #tpu.memory_space<vmem>>[vector<16xi32>], vector<16xf32>,
        %broadcast_in_dim3A_318 = arith.constant 12 : i32
        %broadcast_in_dim3A_319 = vector.broadcast %broadcast_in_dim3A_318 : i32 to vector<16xi32>
        %gather3A_320 = tpu.vector_load_idx %arg9[%broadcast_in_dim3A_242, %broadcast_in_dim3A_319, %min3A_226] : memref<2x32x513xf32, #tpu.memory_space<vmem>>[vector<16xi32>, vector<16xi32>, vector<16xi32>], vector<16xf32>,
        %add3A_321 = arith.constant 12 : i32
        %add3A_322 = vector.broadcast %add3A_321 : i32 to vector<16xi32>
        %add3A_323 = arith.addi %mul3A_245, %add3A_322 : vector<16xi32>
        tpu.vector_store_idx %arg15[%add3A_323], %gather3A_320 : memref<2064xf32, #tpu.memory_space<vmem>>[vector<16xi32>], vector<16xf32>,
        %broadcast_in_dim3A_324 = arith.constant 13 : i32
        %broadcast_in_dim3A_325 = vector.broadcast %broadcast_in_dim3A_324 : i32 to vector<16xi32>
        %gather3A_326 = tpu.vector_load_idx %arg9[%broadcast_in_dim3A_242, %broadcast_in_dim3A_325, %min3A_226] : memref<2x32x513xf32, #tpu.memory_space<vmem>>[vector<16xi32>, vector<16xi32>, vector<16xi32>], vector<16xf32>,
        %add3A_327 = arith.constant 13 : i32
        %add3A_328 = vector.broadcast %add3A_327 : i32 to vector<16xi32>
        %add3A_329 = arith.addi %mul3A_245, %add3A_328 : vector<16xi32>
        tpu.vector_store_idx %arg15[%add3A_329], %gather3A_326 : memref<2064xf32, #tpu.memory_space<vmem>>[vector<16xi32>], vector<16xf32>,
        %broadcast_in_dim3A_330 = arith.constant 14 : i32
        %broadcast_in_dim3A_331 = vector.broadcast %broadcast_in_dim3A_330 : i32 to vector<16xi32>
        %gather3A_332 = tpu.vector_load_idx %arg9[%broadcast_in_dim3A_242, %broadcast_in_dim3A_331, %min3A_226] : memref<2x32x513xf32, #tpu.memory_space<vmem>>[vector<16xi32>, vector<16xi32>, vector<16xi32>], vector<16xf32>,
        %add3A_333 = arith.constant 14 : i32
        %add3A_334 = vector.broadcast %add3A_333 : i32 to vector<16xi32>
        %add3A_335 = arith.addi %mul3A_245, %add3A_334 : vector<16xi32>
        tpu.vector_store_idx %arg15[%add3A_335], %gather3A_332 : memref<2064xf32, #tpu.memory_space<vmem>>[vector<16xi32>], vector<16xf32>,
        %broadcast_in_dim3A_336 = arith.constant 15 : i32
        %broadcast_in_dim3A_337 = vector.broadcast %broadcast_in_dim3A_336 : i32 to vector<16xi32>
        %gather3A_338 = tpu.vector_load_idx %arg9[%broadcast_in_dim3A_242, %broadcast_in_dim3A_337, %min3A_226] : memref<2x32x513xf32, #tpu.memory_space<vmem>>[vector<16xi32>, vector<16xi32>, vector<16xi32>], vector<16xf32>,
        %add3A_339 = arith.constant 15 : i32
        %add3A_340 = vector.broadcast %add3A_339 : i32 to vector<16xi32>
        %add3A_341 = arith.addi %mul3A_245, %add3A_340 : vector<16xi32>
        tpu.vector_store_idx %arg15[%add3A_341], %gather3A_338 : memref<2064xf32, #tpu.memory_space<vmem>>[vector<16xi32>], vector<16xf32>,
        %broadcast_in_dim3A_342 = arith.constant 16 : i32
        %broadcast_in_dim3A_343 = vector.broadcast %broadcast_in_dim3A_342 : i32 to vector<16xi32>
        %gather3A_344 = tpu.vector_load_idx %arg9[%broadcast_in_dim3A_242, %broadcast_in_dim3A_343, %min3A_226] : memref<2x32x513xf32, #tpu.memory_space<vmem>>[vector<16xi32>, vector<16xi32>, vector<16xi32>], vector<16xf32>,
        %add3A_345 = arith.constant 16 : i32
        %add3A_346 = vector.broadcast %add3A_345 : i32 to vector<16xi32>
        %add3A_347 = arith.addi %mul3A_245, %add3A_346 : vector<16xi32>
        tpu.vector_store_idx %arg15[%add3A_347], %gather3A_344 : memref<2064xf32, #tpu.memory_space<vmem>>[vector<16xi32>], vector<16xf32>,
        %broadcast_in_dim3A_348 = arith.constant 17 : i32
        %broadcast_in_dim3A_349 = vector.broadcast %broadcast_in_dim3A_348 : i32 to vector<16xi32>
        %gather3A_350 = tpu.vector_load_idx %arg9[%broadcast_in_dim3A_242, %broadcast_in_dim3A_349, %min3A_226] : memref<2x32x513xf32, #tpu.memory_space<vmem>>[vector<16xi32>, vector<16xi32>, vector<16xi32>], vector<16xf32>,
        %add3A_351 = arith.constant 17 : i32
        %add3A_352 = vector.broadcast %add3A_351 : i32 to vector<16xi32>
        %add3A_353 = arith.addi %mul3A_245, %add3A_352 : vector<16xi32>
        tpu.vector_store_idx %arg15[%add3A_353], %gather3A_350 : memref<2064xf32, #tpu.memory_space<vmem>>[vector<16xi32>], vector<16xf32>,
        %broadcast_in_dim3A_354 = arith.constant 18 : i32
        %broadcast_in_dim3A_355 = vector.broadcast %broadcast_in_dim3A_354 : i32 to vector<16xi32>
        %gather3A_356 = tpu.vector_load_idx %arg9[%broadcast_in_dim3A_242, %broadcast_in_dim3A_355, %min3A_226] : memref<2x32x513xf32, #tpu.memory_space<vmem>>[vector<16xi32>, vector<16xi32>, vector<16xi32>], vector<16xf32>,
        %add3A_357 = arith.constant 18 : i32
        %add3A_358 = vector.broadcast %add3A_357 : i32 to vector<16xi32>
        %add3A_359 = arith.addi %mul3A_245, %add3A_358 : vector<16xi32>
        tpu.vector_store_idx %arg15[%add3A_359], %gather3A_356 : memref<2064xf32, #tpu.memory_space<vmem>>[vector<16xi32>], vector<16xf32>,
        %broadcast_in_dim3A_360 = arith.constant 19 : i32
        %broadcast_in_dim3A_361 = vector.broadcast %broadcast_in_dim3A_360 : i32 to vector<16xi32>
        %gather3A_362 = tpu.vector_load_idx %arg9[%broadcast_in_dim3A_242, %broadcast_in_dim3A_361, %min3A_226] : memref<2x32x513xf32, #tpu.memory_space<vmem>>[vector<16xi32>, vector<16xi32>, vector<16xi32>], vector<16xf32>,
        %add3A_363 = arith.constant 19 : i32
        %add3A_364 = vector.broadcast %add3A_363 : i32 to vector<16xi32>
        %add3A_365 = arith.addi %mul3A_245, %add3A_364 : vector<16xi32>
        tpu.vector_store_idx %arg15[%add3A_365], %gather3A_362 : memref<2064xf32, #tpu.memory_space<vmem>>[vector<16xi32>], vector<16xf32>,
        %broadcast_in_dim3A_366 = arith.constant 20 : i32
        %broadcast_in_dim3A_367 = vector.broadcast %broadcast_in_dim3A_366 : i32 to vector<16xi32>
        %gather3A_368 = tpu.vector_load_idx %arg9[%broadcast_in_dim3A_242, %broadcast_in_dim3A_367, %min3A_226] : memref<2x32x513xf32, #tpu.memory_space<vmem>>[vector<16xi32>, vector<16xi32>, vector<16xi32>], vector<16xf32>,
        %add3A_369 = arith.constant 20 : i32
        %add3A_370 = vector.broadcast %add3A_369 : i32 to vector<16xi32>
        %add3A_371 = arith.addi %mul3A_245, %add3A_370 : vector<16xi32>
        tpu.vector_store_idx %arg15[%add3A_371], %gather3A_368 : memref<2064xf32, #tpu.memory_space<vmem>>[vector<16xi32>], vector<16xf32>,
        %broadcast_in_dim3A_372 = arith.constant 21 : i32
        %broadcast_in_dim3A_373 = vector.broadcast %broadcast_in_dim3A_372 : i32 to vector<16xi32>
        %gather3A_374 = tpu.vector_load_idx %arg9[%broadcast_in_dim3A_242, %broadcast_in_dim3A_373, %min3A_226] : memref<2x32x513xf32, #tpu.memory_space<vmem>>[vector<16xi32>, vector<16xi32>, vector<16xi32>], vector<16xf32>,
        %add3A_375 = arith.constant 21 : i32
        %add3A_376 = vector.broadcast %add3A_375 : i32 to vector<16xi32>
        %add3A_377 = arith.addi %mul3A_245, %add3A_376 : vector<16xi32>
        tpu.vector_store_idx %arg15[%add3A_377], %gather3A_374 : memref<2064xf32, #tpu.memory_space<vmem>>[vector<16xi32>], vector<16xf32>,
        %broadcast_in_dim3A_378 = arith.constant 22 : i32
        %broadcast_in_dim3A_379 = vector.broadcast %broadcast_in_dim3A_378 : i32 to vector<16xi32>
        %gather3A_380 = tpu.vector_load_idx %arg9[%broadcast_in_dim3A_242, %broadcast_in_dim3A_379, %min3A_226] : memref<2x32x513xf32, #tpu.memory_space<vmem>>[vector<16xi32>, vector<16xi32>, vector<16xi32>], vector<16xf32>,
        %add3A_381 = arith.constant 22 : i32
        %add3A_382 = vector.broadcast %add3A_381 : i32 to vector<16xi32>
        %add3A_383 = arith.addi %mul3A_245, %add3A_382 : vector<16xi32>
        tpu.vector_store_idx %arg15[%add3A_383], %gather3A_380 : memref<2064xf32, #tpu.memory_space<vmem>>[vector<16xi32>], vector<16xf32>,
        %broadcast_in_dim3A_384 = arith.constant 23 : i32
        %broadcast_in_dim3A_385 = vector.broadcast %broadcast_in_dim3A_384 : i32 to vector<16xi32>
        %gather3A_386 = tpu.vector_load_idx %arg9[%broadcast_in_dim3A_242, %broadcast_in_dim3A_385, %min3A_226] : memref<2x32x513xf32, #tpu.memory_space<vmem>>[vector<16xi32>, vector<16xi32>, vector<16xi32>], vector<16xf32>,
        %add3A_387 = arith.constant 23 : i32
        %add3A_388 = vector.broadcast %add3A_387 : i32 to vector<16xi32>
        %add3A_389 = arith.addi %mul3A_245, %add3A_388 : vector<16xi32>
        tpu.vector_store_idx %arg15[%add3A_389], %gather3A_386 : memref<2064xf32, #tpu.memory_space<vmem>>[vector<16xi32>], vector<16xf32>,
        %broadcast_in_dim3A_390 = arith.constant 24 : i32
        %broadcast_in_dim3A_391 = vector.broadcast %broadcast_in_dim3A_390 : i32 to vector<16xi32>
        %gather3A_392 = tpu.vector_load_idx %arg9[%broadcast_in_dim3A_242, %broadcast_in_dim3A_391, %min3A_226] : memref<2x32x513xf32, #tpu.memory_space<vmem>>[vector<16xi32>, vector<16xi32>, vector<16xi32>], vector<16xf32>,
        %add3A_393 = arith.constant 24 : i32
        %add3A_394 = vector.broadcast %add3A_393 : i32 to vector<16xi32>
        %add3A_395 = arith.addi %mul3A_245, %add3A_394 : vector<16xi32>
        tpu.vector_store_idx %arg15[%add3A_395], %gather3A_392 : memref<2064xf32, #tpu.memory_space<vmem>>[vector<16xi32>], vector<16xf32>,
        %broadcast_in_dim3A_396 = arith.constant 25 : i32
        %broadcast_in_dim3A_397 = vector.broadcast %broadcast_in_dim3A_396 : i32 to vector<16xi32>
        %gather3A_398 = tpu.vector_load_idx %arg9[%broadcast_in_dim3A_242, %broadcast_in_dim3A_397, %min3A_226] : memref<2x32x513xf32, #tpu.memory_space<vmem>>[vector<16xi32>, vector<16xi32>, vector<16xi32>], vector<16xf32>,
        %add3A_399 = arith.constant 25 : i32
        %add3A_400 = vector.broadcast %add3A_399 : i32 to vector<16xi32>
        %add3A_401 = arith.addi %mul3A_245, %add3A_400 : vector<16xi32>
        tpu.vector_store_idx %arg15[%add3A_401], %gather3A_398 : memref<2064xf32, #tpu.memory_space<vmem>>[vector<16xi32>], vector<16xf32>,
        %broadcast_in_dim3A_402 = arith.constant 26 : i32
        %broadcast_in_dim3A_403 = vector.broadcast %broadcast_in_dim3A_402 : i32 to vector<16xi32>
        %gather3A_404 = tpu.vector_load_idx %arg9[%broadcast_in_dim3A_242, %broadcast_in_dim3A_403, %min3A_226] : memref<2x32x513xf32, #tpu.memory_space<vmem>>[vector<16xi32>, vector<16xi32>, vector<16xi32>], vector<16xf32>,
        %add3A_405 = arith.constant 26 : i32
        %add3A_406 = vector.broadcast %add3A_405 : i32 to vector<16xi32>
        %add3A_407 = arith.addi %mul3A_245, %add3A_406 : vector<16xi32>
        tpu.vector_store_idx %arg15[%add3A_407], %gather3A_404 : memref<2064xf32, #tpu.memory_space<vmem>>[vector<16xi32>], vector<16xf32>,
        %broadcast_in_dim3A_408 = arith.constant 27 : i32
        %broadcast_in_dim3A_409 = vector.broadcast %broadcast_in_dim3A_408 : i32 to vector<16xi32>
        %gather3A_410 = tpu.vector_load_idx %arg9[%broadcast_in_dim3A_242, %broadcast_in_dim3A_409, %min3A_226] : memref<2x32x513xf32, #tpu.memory_space<vmem>>[vector<16xi32>, vector<16xi32>, vector<16xi32>], vector<16xf32>,
        %add3A_411 = arith.constant 27 : i32
        %add3A_412 = vector.broadcast %add3A_411 : i32 to vector<16xi32>
        %add3A_413 = arith.addi %mul3A_245, %add3A_412 : vector<16xi32>
        tpu.vector_store_idx %arg15[%add3A_413], %gather3A_410 : memref<2064xf32, #tpu.memory_space<vmem>>[vector<16xi32>], vector<16xf32>,
        %broadcast_in_dim3A_414 = arith.constant 28 : i32
        %broadcast_in_dim3A_415 = vector.broadcast %broadcast_in_dim3A_414 : i32 to vector<16xi32>
        %gather3A_416 = tpu.vector_load_idx %arg9[%broadcast_in_dim3A_242, %broadcast_in_dim3A_415, %min3A_226] : memref<2x32x513xf32, #tpu.memory_space<vmem>>[vector<16xi32>, vector<16xi32>, vector<16xi32>], vector<16xf32>,
        %add3A_417 = arith.constant 28 : i32
        %add3A_418 = vector.broadcast %add3A_417 : i32 to vector<16xi32>
        %add3A_419 = arith.addi %mul3A_245, %add3A_418 : vector<16xi32>
        tpu.vector_store_idx %arg15[%add3A_419], %gather3A_416 : memref<2064xf32, #tpu.memory_space<vmem>>[vector<16xi32>], vector<16xf32>,
        %broadcast_in_dim3A_420 = arith.constant 29 : i32
        %broadcast_in_dim3A_421 = vector.broadcast %broadcast_in_dim3A_420 : i32 to vector<16xi32>
        %gather3A_422 = tpu.vector_load_idx %arg9[%broadcast_in_dim3A_242, %broadcast_in_dim3A_421, %min3A_226] : memref<2x32x513xf32, #tpu.memory_space<vmem>>[vector<16xi32>, vector<16xi32>, vector<16xi32>], vector<16xf32>,
        %add3A_423 = arith.constant 29 : i32
        %add3A_424 = vector.broadcast %add3A_423 : i32 to vector<16xi32>
        %add3A_425 = arith.addi %mul3A_245, %add3A_424 : vector<16xi32>
        tpu.vector_store_idx %arg15[%add3A_425], %gather3A_422 : memref<2064xf32, #tpu.memory_space<vmem>>[vector<16xi32>], vector<16xf32>,
        %broadcast_in_dim3A_426 = arith.constant 30 : i32
        %broadcast_in_dim3A_427 = vector.broadcast %broadcast_in_dim3A_426 : i32 to vector<16xi32>
        %gather3A_428 = tpu.vector_load_idx %arg9[%broadcast_in_dim3A_242, %broadcast_in_dim3A_427, %min3A_226] : memref<2x32x513xf32, #tpu.memory_space<vmem>>[vector<16xi32>, vector<16xi32>, vector<16xi32>], vector<16xf32>,
        %add3A_429 = arith.constant 30 : i32
        %add3A_430 = vector.broadcast %add3A_429 : i32 to vector<16xi32>
        %add3A_431 = arith.addi %mul3A_245, %add3A_430 : vector<16xi32>
        tpu.vector_store_idx %arg15[%add3A_431], %gather3A_428 : memref<2064xf32, #tpu.memory_space<vmem>>[vector<16xi32>], vector<16xf32>,
        %broadcast_in_dim3A_432 = arith.constant 31 : i32
        %broadcast_in_dim3A_433 = vector.broadcast %broadcast_in_dim3A_432 : i32 to vector<16xi32>
        %gather3A_434 = tpu.vector_load_idx %arg9[%broadcast_in_dim3A_242, %broadcast_in_dim3A_433, %min3A_226] : memref<2x32x513xf32, #tpu.memory_space<vmem>>[vector<16xi32>, vector<16xi32>, vector<16xi32>], vector<16xf32>,
        %add3A_435 = arith.constant 31 : i32
        %add3A_436 = vector.broadcast %add3A_435 : i32 to vector<16xi32>
        %add3A_437 = arith.addi %mul3A_245, %add3A_436 : vector<16xi32>
        tpu.vector_store_idx %arg15[%add3A_437], %gather3A_434 : memref<2064xf32, #tpu.memory_space<vmem>>[vector<16xi32>], vector<16xf32>,
        %jit3A_438 = arith.constant 2 : i32
        %eq3A_439 = arith.constant 0 : i32
        %eq3A_440 = arith.cmpi eq, %jit3A_438, %eq3A_439 : i32
        %jit3A_441 = arith.constant 1 : i32
        %select_n3A_442 = arith.select %eq3A_440, %jit3A_441, %jit3A_438 : i32
        %rem3A_443 = arith.remsi %while3A_200, %select_n3A_442 : i32
        %ne3A_444 = arith.constant 0 : i32
        %ne3A_445 = arith.cmpi ne, %rem3A_443, %ne3A_444 : i32
        %lt3A_446 = arith.constant 0 : i32
        %lt3A_447 = arith.cmpi slt, %rem3A_443, %lt3A_446 : i32
        %lt3A_448 = arith.constant 0 : i32
        %lt3A_449 = arith.cmpi slt, %select_n3A_442, %lt3A_448 : i32
        %ne3A_450 = arith.xori %lt3A_447, %lt3A_449 : i1
        %and3A_451 = arith.andi %ne3A_450, %ne3A_445 : i1
        %add3A_452 = arith.addi %rem3A_443, %select_n3A_442 : i32
        %select_n3A_453 = arith.select %and3A_451, %add3A_452, %rem3A_443 : i32
        %get3A_454 = arith.constant 0 : index
        %get3A_455 = tpu.vector_load %arg15[%get3A_454] {strides = array<i32>} : memref<2064xf32, #tpu.memory_space<vmem>>, vector<16xf32>,
        %swap3A_456 = arith.constant 0 : i32
        %swap3A_457 = arith.index_cast %select_n3A_453 : i32 to index
        %swap3A_458 = arith.index_cast %swap3A_456 : i32 to index
        %swap3A_459 = arith.constant 0 : index
        %swap3A_460 = tpu.vector_load %arg16[%swap3A_457, %swap3A_458, %swap3A_459] {strides = array<i32>} : memref<2x16x128xf32, #tpu.memory_space<vmem>>, vector<16xf32>,
        tpu.vector_store %arg16[%swap3A_457, %swap3A_458, %swap3A_459], %get3A_455 {strides = array<i32>} : memref<2x16x128xf32, #tpu.memory_space<vmem>>, vector<16xf32>,
        %get3A_461 = arith.constant 16 : index
        %get3A_462 = tpu.vector_load %arg15[%get3A_461] {strides = array<i32>} : memref<2064xf32, #tpu.memory_space<vmem>>, vector<16xf32>,
        %swap3A_463 = arith.constant 0 : i32
        %swap3A_464 = arith.index_cast %select_n3A_453 : i32 to index
        %swap3A_465 = arith.index_cast %swap3A_463 : i32 to index
        %swap3A_466 = arith.constant 16 : index
        %swap3A_467 = tpu.vector_load %arg16[%swap3A_464, %swap3A_465, %swap3A_466] {strides = array<i32>} : memref<2x16x128xf32, #tpu.memory_space<vmem>>, vector<16xf32>,
        tpu.vector_store %arg16[%swap3A_464, %swap3A_465, %swap3A_466], %get3A_462 {strides = array<i32>} : memref<2x16x128xf32, #tpu.memory_space<vmem>>, vector<16xf32>,
        %get3A_468 = arith.constant 129 : index
        %get3A_469 = tpu.vector_load %arg15[%get3A_468] {strides = array<i32>} : memref<2064xf32, #tpu.memory_space<vmem>>, vector<16xf32>,
        %swap3A_470 = arith.constant 1 : i32
        %swap3A_471 = arith.index_cast %select_n3A_453 : i32 to index
        %swap3A_472 = arith.index_cast %swap3A_470 : i32 to index
        %swap3A_473 = arith.constant 0 : index
        %swap3A_474 = tpu.vector_load %arg16[%swap3A_471, %swap3A_472, %swap3A_473] {strides = array<i32>} : memref<2x16x128xf32, #tpu.memory_space<vmem>>, vector<16xf32>,
        tpu.vector_store %arg16[%swap3A_471, %swap3A_472, %swap3A_473], %get3A_469 {strides = array<i32>} : memref<2x16x128xf32, #tpu.memory_space<vmem>>, vector<16xf32>,
        %get3A_475 = arith.constant 145 : index
        %get3A_476 = tpu.vector_load %arg15[%get3A_475] {strides = array<i32>} : memref<2064xf32, #tpu.memory_space<vmem>>, vector<16xf32>,
        %swap3A_477 = arith.constant 1 : i32
        %swap3A_478 = arith.index_cast %select_n3A_453 : i32 to index
        %swap3A_479 = arith.index_cast %swap3A_477 : i32 to index
        %swap3A_480 = arith.constant 16 : index
        %swap3A_481 = tpu.vector_load %arg16[%swap3A_478, %swap3A_479, %swap3A_480] {strides = array<i32>} : memref<2x16x128xf32, #tpu.memory_space<vmem>>, vector<16xf32>,
        tpu.vector_store %arg16[%swap3A_478, %swap3A_479, %swap3A_480], %get3A_476 {strides = array<i32>} : memref<2x16x128xf32, #tpu.memory_space<vmem>>, vector<16xf32>,
        %get3A_482 = arith.constant 258 : index
        %get3A_483 = tpu.vector_load %arg15[%get3A_482] {strides = array<i32>} : memref<2064xf32, #tpu.memory_space<vmem>>, vector<16xf32>,
        %swap3A_484 = arith.constant 2 : i32
        %swap3A_485 = arith.index_cast %select_n3A_453 : i32 to index
        %swap3A_486 = arith.index_cast %swap3A_484 : i32 to index
        %swap3A_487 = arith.constant 0 : index
        %swap3A_488 = tpu.vector_load %arg16[%swap3A_485, %swap3A_486, %swap3A_487] {strides = array<i32>} : memref<2x16x128xf32, #tpu.memory_space<vmem>>, vector<16xf32>,
        tpu.vector_store %arg16[%swap3A_485, %swap3A_486, %swap3A_487], %get3A_483 {strides = array<i32>} : memref<2x16x128xf32, #tpu.memory_space<vmem>>, vector<16xf32>,
        %get3A_489 = arith.constant 274 : index
        %get3A_490 = tpu.vector_load %arg15[%get3A_489] {strides = array<i32>} : memref<2064xf32, #tpu.memory_space<vmem>>, vector<16xf32>,
        %swap3A_491 = arith.constant 2 : i32
        %swap3A_492 = arith.index_cast %select_n3A_453 : i32 to index
        %swap3A_493 = arith.index_cast %swap3A_491 : i32 to index
        %swap3A_494 = arith.constant 16 : index
        %swap3A_495 = tpu.vector_load %arg16[%swap3A_492, %swap3A_493, %swap3A_494] {strides = array<i32>} : memref<2x16x128xf32, #tpu.memory_space<vmem>>, vector<16xf32>,
        tpu.vector_store %arg16[%swap3A_492, %swap3A_493, %swap3A_494], %get3A_490 {strides = array<i32>} : memref<2x16x128xf32, #tpu.memory_space<vmem>>, vector<16xf32>,
        %get3A_496 = arith.constant 387 : index
        %get3A_497 = tpu.vector_load %arg15[%get3A_496] {strides = array<i32>} : memref<2064xf32, #tpu.memory_space<vmem>>, vector<16xf32>,
        %swap3A_498 = arith.constant 3 : i32
        %swap3A_499 = arith.index_cast %select_n3A_453 : i32 to index
        %swap3A_500 = arith.index_cast %swap3A_498 : i32 to index
        %swap3A_501 = arith.constant 0 : index
        %swap3A_502 = tpu.vector_load %arg16[%swap3A_499, %swap3A_500, %swap3A_501] {strides = array<i32>} : memref<2x16x128xf32, #tpu.memory_space<vmem>>, vector<16xf32>,
        tpu.vector_store %arg16[%swap3A_499, %swap3A_500, %swap3A_501], %get3A_497 {strides = array<i32>} : memref<2x16x128xf32, #tpu.memory_space<vmem>>, vector<16xf32>,
        %get3A_503 = arith.constant 403 : index
        %get3A_504 = tpu.vector_load %arg15[%get3A_503] {strides = array<i32>} : memref<2064xf32, #tpu.memory_space<vmem>>, vector<16xf32>,
        %swap3A_505 = arith.constant 3 : i32
        %swap3A_506 = arith.index_cast %select_n3A_453 : i32 to index
        %swap3A_507 = arith.index_cast %swap3A_505 : i32 to index
        %swap3A_508 = arith.constant 16 : index
        %swap3A_509 = tpu.vector_load %arg16[%swap3A_506, %swap3A_507, %swap3A_508] {strides = array<i32>} : memref<2x16x128xf32, #tpu.memory_space<vmem>>, vector<16xf32>,
        tpu.vector_store %arg16[%swap3A_506, %swap3A_507, %swap3A_508], %get3A_504 {strides = array<i32>} : memref<2x16x128xf32, #tpu.memory_space<vmem>>, vector<16xf32>,
        %get3A_510 = arith.constant 516 : index
        %get3A_511 = tpu.vector_load %arg15[%get3A_510] {strides = array<i32>} : memref<2064xf32, #tpu.memory_space<vmem>>, vector<16xf32>,
        %swap3A_512 = arith.constant 4 : i32
        %swap3A_513 = arith.index_cast %select_n3A_453 : i32 to index
        %swap3A_514 = arith.index_cast %swap3A_512 : i32 to index
        %swap3A_515 = arith.constant 0 : index
        %swap3A_516 = tpu.vector_load %arg16[%swap3A_513, %swap3A_514, %swap3A_515] {strides = array<i32>} : memref<2x16x128xf32, #tpu.memory_space<vmem>>, vector<16xf32>,
        tpu.vector_store %arg16[%swap3A_513, %swap3A_514, %swap3A_515], %get3A_511 {strides = array<i32>} : memref<2x16x128xf32, #tpu.memory_space<vmem>>, vector<16xf32>,
        %get3A_517 = arith.constant 532 : index
        %get3A_518 = tpu.vector_load %arg15[%get3A_517] {strides = array<i32>} : memref<2064xf32, #tpu.memory_space<vmem>>, vector<16xf32>,
        %swap3A_519 = arith.constant 4 : i32
        %swap3A_520 = arith.index_cast %select_n3A_453 : i32 to index
        %swap3A_521 = arith.index_cast %swap3A_519 : i32 to index
        %swap3A_522 = arith.constant 16 : index
        %swap3A_523 = tpu.vector_load %arg16[%swap3A_520, %swap3A_521, %swap3A_522] {strides = array<i32>} : memref<2x16x128xf32, #tpu.memory_space<vmem>>, vector<16xf32>,
        tpu.vector_store %arg16[%swap3A_520, %swap3A_521, %swap3A_522], %get3A_518 {strides = array<i32>} : memref<2x16x128xf32, #tpu.memory_space<vmem>>, vector<16xf32>,
        %get3A_524 = arith.constant 645 : index
        %get3A_525 = tpu.vector_load %arg15[%get3A_524] {strides = array<i32>} : memref<2064xf32, #tpu.memory_space<vmem>>, vector<16xf32>,
        %swap3A_526 = arith.constant 5 : i32
        %swap3A_527 = arith.index_cast %select_n3A_453 : i32 to index
        %swap3A_528 = arith.index_cast %swap3A_526 : i32 to index
        %swap3A_529 = arith.constant 0 : index
        %swap3A_530 = tpu.vector_load %arg16[%swap3A_527, %swap3A_528, %swap3A_529] {strides = array<i32>} : memref<2x16x128xf32, #tpu.memory_space<vmem>>, vector<16xf32>,
        tpu.vector_store %arg16[%swap3A_527, %swap3A_528, %swap3A_529], %get3A_525 {strides = array<i32>} : memref<2x16x128xf32, #tpu.memory_space<vmem>>, vector<16xf32>,
        %get3A_531 = arith.constant 661 : index
        %get3A_532 = tpu.vector_load %arg15[%get3A_531] {strides = array<i32>} : memref<2064xf32, #tpu.memory_space<vmem>>, vector<16xf32>,
        %swap3A_533 = arith.constant 5 : i32
        %swap3A_534 = arith.index_cast %select_n3A_453 : i32 to index
        %swap3A_535 = arith.index_cast %swap3A_533 : i32 to index
        %swap3A_536 = arith.constant 16 : index
        %swap3A_537 = tpu.vector_load %arg16[%swap3A_534, %swap3A_535, %swap3A_536] {strides = array<i32>} : memref<2x16x128xf32, #tpu.memory_space<vmem>>, vector<16xf32>,
        tpu.vector_store %arg16[%swap3A_534, %swap3A_535, %swap3A_536], %get3A_532 {strides = array<i32>} : memref<2x16x128xf32, #tpu.memory_space<vmem>>, vector<16xf32>,
        %get3A_538 = arith.constant 774 : index
        %get3A_539 = tpu.vector_load %arg15[%get3A_538] {strides = array<i32>} : memref<2064xf32, #tpu.memory_space<vmem>>, vector<16xf32>,
        %swap3A_540 = arith.constant 6 : i32
        %swap3A_541 = arith.index_cast %select_n3A_453 : i32 to index
        %swap3A_542 = arith.index_cast %swap3A_540 : i32 to index
        %swap3A_543 = arith.constant 0 : index
        %swap3A_544 = tpu.vector_load %arg16[%swap3A_541, %swap3A_542, %swap3A_543] {strides = array<i32>} : memref<2x16x128xf32, #tpu.memory_space<vmem>>, vector<16xf32>,
        tpu.vector_store %arg16[%swap3A_541, %swap3A_542, %swap3A_543], %get3A_539 {strides = array<i32>} : memref<2x16x128xf32, #tpu.memory_space<vmem>>, vector<16xf32>,
        %get3A_545 = arith.constant 790 : index
        %get3A_546 = tpu.vector_load %arg15[%get3A_545] {strides = array<i32>} : memref<2064xf32, #tpu.memory_space<vmem>>, vector<16xf32>,
        %swap3A_547 = arith.constant 6 : i32
        %swap3A_548 = arith.index_cast %select_n3A_453 : i32 to index
        %swap3A_549 = arith.index_cast %swap3A_547 : i32 to index
        %swap3A_550 = arith.constant 16 : index
        %swap3A_551 = tpu.vector_load %arg16[%swap3A_548, %swap3A_549, %swap3A_550] {strides = array<i32>} : memref<2x16x128xf32, #tpu.memory_space<vmem>>, vector<16xf32>,
        tpu.vector_store %arg16[%swap3A_548, %swap3A_549, %swap3A_550], %get3A_546 {strides = array<i32>} : memref<2x16x128xf32, #tpu.memory_space<vmem>>, vector<16xf32>,
        %get3A_552 = arith.constant 903 : index
        %get3A_553 = tpu.vector_load %arg15[%get3A_552] {strides = array<i32>} : memref<2064xf32, #tpu.memory_space<vmem>>, vector<16xf32>,
        %swap3A_554 = arith.constant 7 : i32
        %swap3A_555 = arith.index_cast %select_n3A_453 : i32 to index
        %swap3A_556 = arith.index_cast %swap3A_554 : i32 to index
        %swap3A_557 = arith.constant 0 : index
        %swap3A_558 = tpu.vector_load %arg16[%swap3A_555, %swap3A_556, %swap3A_557] {strides = array<i32>} : memref<2x16x128xf32, #tpu.memory_space<vmem>>, vector<16xf32>,
        tpu.vector_store %arg16[%swap3A_555, %swap3A_556, %swap3A_557], %get3A_553 {strides = array<i32>} : memref<2x16x128xf32, #tpu.memory_space<vmem>>, vector<16xf32>,
        %get3A_559 = arith.constant 919 : index
        %get3A_560 = tpu.vector_load %arg15[%get3A_559] {strides = array<i32>} : memref<2064xf32, #tpu.memory_space<vmem>>, vector<16xf32>,
        %swap3A_561 = arith.constant 7 : i32
        %swap3A_562 = arith.index_cast %select_n3A_453 : i32 to index
        %swap3A_563 = arith.index_cast %swap3A_561 : i32 to index
        %swap3A_564 = arith.constant 16 : index
        %swap3A_565 = tpu.vector_load %arg16[%swap3A_562, %swap3A_563, %swap3A_564] {strides = array<i32>} : memref<2x16x128xf32, #tpu.memory_space<vmem>>, vector<16xf32>,
        tpu.vector_store %arg16[%swap3A_562, %swap3A_563, %swap3A_564], %get3A_560 {strides = array<i32>} : memref<2x16x128xf32, #tpu.memory_space<vmem>>, vector<16xf32>,
        %get3A_566 = arith.constant 1032 : index
        %get3A_567 = tpu.vector_load %arg15[%get3A_566] {strides = array<i32>} : memref<2064xf32, #tpu.memory_space<vmem>>, vector<16xf32>,
        %swap3A_568 = arith.constant 8 : i32
        %swap3A_569 = arith.index_cast %select_n3A_453 : i32 to index
        %swap3A_570 = arith.index_cast %swap3A_568 : i32 to index
        %swap3A_571 = arith.constant 0 : index
        %swap3A_572 = tpu.vector_load %arg16[%swap3A_569, %swap3A_570, %swap3A_571] {strides = array<i32>} : memref<2x16x128xf32, #tpu.memory_space<vmem>>, vector<16xf32>,
        tpu.vector_store %arg16[%swap3A_569, %swap3A_570, %swap3A_571], %get3A_567 {strides = array<i32>} : memref<2x16x128xf32, #tpu.memory_space<vmem>>, vector<16xf32>,
        %get3A_573 = arith.constant 1048 : index
        %get3A_574 = tpu.vector_load %arg15[%get3A_573] {strides = array<i32>} : memref<2064xf32, #tpu.memory_space<vmem>>, vector<16xf32>,
        %swap3A_575 = arith.constant 8 : i32
        %swap3A_576 = arith.index_cast %select_n3A_453 : i32 to index
        %swap3A_577 = arith.index_cast %swap3A_575 : i32 to index
        %swap3A_578 = arith.constant 16 : index
        %swap3A_579 = tpu.vector_load %arg16[%swap3A_576, %swap3A_577, %swap3A_578] {strides = array<i32>} : memref<2x16x128xf32, #tpu.memory_space<vmem>>, vector<16xf32>,
        tpu.vector_store %arg16[%swap3A_576, %swap3A_577, %swap3A_578], %get3A_574 {strides = array<i32>} : memref<2x16x128xf32, #tpu.memory_space<vmem>>, vector<16xf32>,
        %get3A_580 = arith.constant 1161 : index
        %get3A_581 = tpu.vector_load %arg15[%get3A_580] {strides = array<i32>} : memref<2064xf32, #tpu.memory_space<vmem>>, vector<16xf32>,
        %swap3A_582 = arith.constant 9 : i32
        %swap3A_583 = arith.index_cast %select_n3A_453 : i32 to index
        %swap3A_584 = arith.index_cast %swap3A_582 : i32 to index
        %swap3A_585 = arith.constant 0 : index
        %swap3A_586 = tpu.vector_load %arg16[%swap3A_583, %swap3A_584, %swap3A_585] {strides = array<i32>} : memref<2x16x128xf32, #tpu.memory_space<vmem>>, vector<16xf32>,
        tpu.vector_store %arg16[%swap3A_583, %swap3A_584, %swap3A_585], %get3A_581 {strides = array<i32>} : memref<2x16x128xf32, #tpu.memory_space<vmem>>, vector<16xf32>,
        %get3A_587 = arith.constant 1177 : index
        %get3A_588 = tpu.vector_load %arg15[%get3A_587] {strides = array<i32>} : memref<2064xf32, #tpu.memory_space<vmem>>, vector<16xf32>,
        %swap3A_589 = arith.constant 9 : i32
        %swap3A_590 = arith.index_cast %select_n3A_453 : i32 to index
        %swap3A_591 = arith.index_cast %swap3A_589 : i32 to index
        %swap3A_592 = arith.constant 16 : index
        %swap3A_593 = tpu.vector_load %arg16[%swap3A_590, %swap3A_591, %swap3A_592] {strides = array<i32>} : memref<2x16x128xf32, #tpu.memory_space<vmem>>, vector<16xf32>,
        tpu.vector_store %arg16[%swap3A_590, %swap3A_591, %swap3A_592], %get3A_588 {strides = array<i32>} : memref<2x16x128xf32, #tpu.memory_space<vmem>>, vector<16xf32>,
        %get3A_594 = arith.constant 1290 : index
        %get3A_595 = tpu.vector_load %arg15[%get3A_594] {strides = array<i32>} : memref<2064xf32, #tpu.memory_space<vmem>>, vector<16xf32>,
        %swap3A_596 = arith.constant 10 : i32
        %swap3A_597 = arith.index_cast %select_n3A_453 : i32 to index
        %swap3A_598 = arith.index_cast %swap3A_596 : i32 to index
        %swap3A_599 = arith.constant 0 : index
        %swap3A_600 = tpu.vector_load %arg16[%swap3A_597, %swap3A_598, %swap3A_599] {strides = array<i32>} : memref<2x16x128xf32, #tpu.memory_space<vmem>>, vector<16xf32>,
        tpu.vector_store %arg16[%swap3A_597, %swap3A_598, %swap3A_599], %get3A_595 {strides = array<i32>} : memref<2x16x128xf32, #tpu.memory_space<vmem>>, vector<16xf32>,
        %get3A_601 = arith.constant 1306 : index
        %get3A_602 = tpu.vector_load %arg15[%get3A_601] {strides = array<i32>} : memref<2064xf32, #tpu.memory_space<vmem>>, vector<16xf32>,
        %swap3A_603 = arith.constant 10 : i32
        %swap3A_604 = arith.index_cast %select_n3A_453 : i32 to index
        %swap3A_605 = arith.index_cast %swap3A_603 : i32 to index
        %swap3A_606 = arith.constant 16 : index
        %swap3A_607 = tpu.vector_load %arg16[%swap3A_604, %swap3A_605, %swap3A_606] {strides = array<i32>} : memref<2x16x128xf32, #tpu.memory_space<vmem>>, vector<16xf32>,
        tpu.vector_store %arg16[%swap3A_604, %swap3A_605, %swap3A_606], %get3A_602 {strides = array<i32>} : memref<2x16x128xf32, #tpu.memory_space<vmem>>, vector<16xf32>,
        %get3A_608 = arith.constant 1419 : index
        %get3A_609 = tpu.vector_load %arg15[%get3A_608] {strides = array<i32>} : memref<2064xf32, #tpu.memory_space<vmem>>, vector<16xf32>,
        %swap3A_610 = arith.constant 11 : i32
        %swap3A_611 = arith.index_cast %select_n3A_453 : i32 to index
        %swap3A_612 = arith.index_cast %swap3A_610 : i32 to index
        %swap3A_613 = arith.constant 0 : index
        %swap3A_614 = tpu.vector_load %arg16[%swap3A_611, %swap3A_612, %swap3A_613] {strides = array<i32>} : memref<2x16x128xf32, #tpu.memory_space<vmem>>, vector<16xf32>,
        tpu.vector_store %arg16[%swap3A_611, %swap3A_612, %swap3A_613], %get3A_609 {strides = array<i32>} : memref<2x16x128xf32, #tpu.memory_space<vmem>>, vector<16xf32>,
        %get3A_615 = arith.constant 1435 : index
        %get3A_616 = tpu.vector_load %arg15[%get3A_615] {strides = array<i32>} : memref<2064xf32, #tpu.memory_space<vmem>>, vector<16xf32>,
        %swap3A_617 = arith.constant 11 : i32
        %swap3A_618 = arith.index_cast %select_n3A_453 : i32 to index
        %swap3A_619 = arith.index_cast %swap3A_617 : i32 to index
        %swap3A_620 = arith.constant 16 : index
        %swap3A_621 = tpu.vector_load %arg16[%swap3A_618, %swap3A_619, %swap3A_620] {strides = array<i32>} : memref<2x16x128xf32, #tpu.memory_space<vmem>>, vector<16xf32>,
        tpu.vector_store %arg16[%swap3A_618, %swap3A_619, %swap3A_620], %get3A_616 {strides = array<i32>} : memref<2x16x128xf32, #tpu.memory_space<vmem>>, vector<16xf32>,
        %get3A_622 = arith.constant 1548 : index
        %get3A_623 = tpu.vector_load %arg15[%get3A_622] {strides = array<i32>} : memref<2064xf32, #tpu.memory_space<vmem>>, vector<16xf32>,
        %swap3A_624 = arith.constant 12 : i32
        %swap3A_625 = arith.index_cast %select_n3A_453 : i32 to index
        %swap3A_626 = arith.index_cast %swap3A_624 : i32 to index
        %swap3A_627 = arith.constant 0 : index
        %swap3A_628 = tpu.vector_load %arg16[%swap3A_625, %swap3A_626, %swap3A_627] {strides = array<i32>} : memref<2x16x128xf32, #tpu.memory_space<vmem>>, vector<16xf32>,
        tpu.vector_store %arg16[%swap3A_625, %swap3A_626, %swap3A_627], %get3A_623 {strides = array<i32>} : memref<2x16x128xf32, #tpu.memory_space<vmem>>, vector<16xf32>,
        %get3A_629 = arith.constant 1564 : index
        %get3A_630 = tpu.vector_load %arg15[%get3A_629] {strides = array<i32>} : memref<2064xf32, #tpu.memory_space<vmem>>, vector<16xf32>,
        %swap3A_631 = arith.constant 12 : i32
        %swap3A_632 = arith.index_cast %select_n3A_453 : i32 to index
        %swap3A_633 = arith.index_cast %swap3A_631 : i32 to index
        %swap3A_634 = arith.constant 16 : index
        %swap3A_635 = tpu.vector_load %arg16[%swap3A_632, %swap3A_633, %swap3A_634] {strides = array<i32>} : memref<2x16x128xf32, #tpu.memory_space<vmem>>, vector<16xf32>,
        tpu.vector_store %arg16[%swap3A_632, %swap3A_633, %swap3A_634], %get3A_630 {strides = array<i32>} : memref<2x16x128xf32, #tpu.memory_space<vmem>>, vector<16xf32>,
        %get3A_636 = arith.constant 1677 : index
        %get3A_637 = tpu.vector_load %arg15[%get3A_636] {strides = array<i32>} : memref<2064xf32, #tpu.memory_space<vmem>>, vector<16xf32>,
        %swap3A_638 = arith.constant 13 : i32
        %swap3A_639 = arith.index_cast %select_n3A_453 : i32 to index
        %swap3A_640 = arith.index_cast %swap3A_638 : i32 to index
        %swap3A_641 = arith.constant 0 : index
        %swap3A_642 = tpu.vector_load %arg16[%swap3A_639, %swap3A_640, %swap3A_641] {strides = array<i32>} : memref<2x16x128xf32, #tpu.memory_space<vmem>>, vector<16xf32>,
        tpu.vector_store %arg16[%swap3A_639, %swap3A_640, %swap3A_641], %get3A_637 {strides = array<i32>} : memref<2x16x128xf32, #tpu.memory_space<vmem>>, vector<16xf32>,
        %get3A_643 = arith.constant 1693 : index
        %get3A_644 = tpu.vector_load %arg15[%get3A_643] {strides = array<i32>} : memref<2064xf32, #tpu.memory_space<vmem>>, vector<16xf32>,
        %swap3A_645 = arith.constant 13 : i32
        %swap3A_646 = arith.index_cast %select_n3A_453 : i32 to index
        %swap3A_647 = arith.index_cast %swap3A_645 : i32 to index
        %swap3A_648 = arith.constant 16 : index
        %swap3A_649 = tpu.vector_load %arg16[%swap3A_646, %swap3A_647, %swap3A_648] {strides = array<i32>} : memref<2x16x128xf32, #tpu.memory_space<vmem>>, vector<16xf32>,
        tpu.vector_store %arg16[%swap3A_646, %swap3A_647, %swap3A_648], %get3A_644 {strides = array<i32>} : memref<2x16x128xf32, #tpu.memory_space<vmem>>, vector<16xf32>,
        %get3A_650 = arith.constant 1806 : index
        %get3A_651 = tpu.vector_load %arg15[%get3A_650] {strides = array<i32>} : memref<2064xf32, #tpu.memory_space<vmem>>, vector<16xf32>,
        %swap3A_652 = arith.constant 14 : i32
        %swap3A_653 = arith.index_cast %select_n3A_453 : i32 to index
        %swap3A_654 = arith.index_cast %swap3A_652 : i32 to index
        %swap3A_655 = arith.constant 0 : index
        %swap3A_656 = tpu.vector_load %arg16[%swap3A_653, %swap3A_654, %swap3A_655] {strides = array<i32>} : memref<2x16x128xf32, #tpu.memory_space<vmem>>, vector<16xf32>,
        tpu.vector_store %arg16[%swap3A_653, %swap3A_654, %swap3A_655], %get3A_651 {strides = array<i32>} : memref<2x16x128xf32, #tpu.memory_space<vmem>>, vector<16xf32>,
        %get3A_657 = arith.constant 1822 : index
        %get3A_658 = tpu.vector_load %arg15[%get3A_657] {strides = array<i32>} : memref<2064xf32, #tpu.memory_space<vmem>>, vector<16xf32>,
        %swap3A_659 = arith.constant 14 : i32
        %swap3A_660 = arith.index_cast %select_n3A_453 : i32 to index
        %swap3A_661 = arith.index_cast %swap3A_659 : i32 to index
        %swap3A_662 = arith.constant 16 : index
        %swap3A_663 = tpu.vector_load %arg16[%swap3A_660, %swap3A_661, %swap3A_662] {strides = array<i32>} : memref<2x16x128xf32, #tpu.memory_space<vmem>>, vector<16xf32>,
        tpu.vector_store %arg16[%swap3A_660, %swap3A_661, %swap3A_662], %get3A_658 {strides = array<i32>} : memref<2x16x128xf32, #tpu.memory_space<vmem>>, vector<16xf32>,
        %get3A_664 = arith.constant 1935 : index
        %get3A_665 = tpu.vector_load %arg15[%get3A_664] {strides = array<i32>} : memref<2064xf32, #tpu.memory_space<vmem>>, vector<16xf32>,
        %swap3A_666 = arith.constant 15 : i32
        %swap3A_667 = arith.index_cast %select_n3A_453 : i32 to index
        %swap3A_668 = arith.index_cast %swap3A_666 : i32 to index
        %swap3A_669 = arith.constant 0 : index
        %swap3A_670 = tpu.vector_load %arg16[%swap3A_667, %swap3A_668, %swap3A_669] {strides = array<i32>} : memref<2x16x128xf32, #tpu.memory_space<vmem>>, vector<16xf32>,
        tpu.vector_store %arg16[%swap3A_667, %swap3A_668, %swap3A_669], %get3A_665 {strides = array<i32>} : memref<2x16x128xf32, #tpu.memory_space<vmem>>, vector<16xf32>,
        %get3A_671 = arith.constant 1951 : index
        %get3A_672 = tpu.vector_load %arg15[%get3A_671] {strides = array<i32>} : memref<2064xf32, #tpu.memory_space<vmem>>, vector<16xf32>,
        %swap3A_673 = arith.constant 15 : i32
        %swap3A_674 = arith.index_cast %select_n3A_453 : i32 to index
        %swap3A_675 = arith.index_cast %swap3A_673 : i32 to index
        %swap3A_676 = arith.constant 16 : index
        %swap3A_677 = tpu.vector_load %arg16[%swap3A_674, %swap3A_675, %swap3A_676] {strides = array<i32>} : memref<2x16x128xf32, #tpu.memory_space<vmem>>, vector<16xf32>,
        tpu.vector_store %arg16[%swap3A_674, %swap3A_675, %swap3A_676], %get3A_672 {strides = array<i32>} : memref<2x16x128xf32, #tpu.memory_space<vmem>>, vector<16xf32>,
        %broadcast_in_dim3A_678 = arith.constant 16390 : i32
        %broadcast_in_dim3A_679 = vector.broadcast %broadcast_in_dim3A_678 : i32 to vector<16xi32>
        %select_n3A_680 = arith.select %lt3A_219, %get3A_213, %broadcast_in_dim3A_679 : vector<16xi1>, vector<16xi32>
        %dma_start3A_681 = arith.constant 0 : i32
        %dma_start3A_682 = arith.constant 0 : i32
        %dma_start3A_683 = tpu.memref_slice %arg16[%select_n3A_453, %dma_start3A_681, %dma_start3A_682] : memref<2x16x128xf32, #tpu.memory_space<vmem>> -> memref<1x16x128xf32, #tpu.memory_space<vmem>>
        %dma_start3A_684 = tpu.memref_squeeze %dma_start3A_683 : memref<1x16x128xf32, #tpu.memory_space<vmem>> -> memref<16x128xf32, #tpu.memory_space<vmem>>
        %dma_start3A_685 = arith.constant 0 : i32
        %dma_start3A_686 = arith.constant 0 : i32
        %dma_start3A_687 = tpu.memref_slice %arg6[%dma_start3A_685, %dma_start3A_686] : memref<16392x128xf32, #tpu.memory_space<hbm>> -> memref<16392x128xf32, #tpu.memory_space<hbm>>
        tpu.enqueue_indirect_dma source(%dma_start3A_684 : memref<16x128xf32, #tpu.memory_space<vmem>>) target(%dma_start3A_687 : memref<16392x128xf32, #tpu.memory_space<hbm>>) offsets(%select_n3A_680 : vector<16xi32>) semaphore(%arg18 : memref<!tpu.dma_semaphore, #tpu.memory_space<semaphore_mem>>)
        %add3A_688 = arith.constant 1 : i32
        %add3A_689 = arith.addi %while3A_200, %add3A_688 : i32
        scf.yield %add3A_689 : i32
      }
      scf.yield %while3A_198 : i32
    }
    %ge3A = arith.constant 1 : i32
    %ge3A_71 = arith.cmpi sge, %while3A_70, %ge3A : i32
    %convert_element_type3A = arith.extui %ge3A_71 : i1 to i32
    %cond3A = arith.constant 0 : i32
    %cond3A_72 = arith.cmpi ne, %convert_element_type3A, %cond3A : i32
    scf.if %cond3A_72 {
      %dma_wait3A = arith.constant 0 : i32
      %dma_wait3A_132 = arith.constant 0 : i32
      %dma_wait3A_133 = arith.constant 0 : i32
      %dma_wait3A_134 = tpu.memref_slice %arg16[%dma_wait3A, %dma_wait3A_132, %dma_wait3A_133] : memref<2x16x128xf32, #tpu.memory_space<vmem>> -> memref<1x16x128xf32, #tpu.memory_space<vmem>>
      %dma_wait3A_135 = tpu.memref_squeeze %dma_wait3A_134 : memref<1x16x128xf32, #tpu.memory_space<vmem>> -> memref<16x128xf32, #tpu.memory_space<vmem>>
      %dma_wait3A_136 = arith.constant 0 : i32
      %dma_wait3A_137 = arith.constant 0 : i32
      %dma_wait3A_138 = tpu.memref_slice %arg6[%dma_wait3A_136, %dma_wait3A_137] : memref<16392x128xf32, #tpu.memory_space<hbm>> -> memref<16x128xf32, #tpu.memory_space<hbm>>
      %dma_wait3A_139 = arith.constant 0 : i32
      %dma_wait3A_140 = arith.constant 0 : i32
      %dma_wait3A_141 = tpu.memref_slice %arg16[%dma_wait3A, %dma_wait3A_139, %dma_wait3A_140] : memref<2x16x128xf32, #tpu.memory_space<vmem>> -> memref<1x16x128xf32, #tpu.memory_space<vmem>>
      %dma_wait3A_142 = tpu.memref_squeeze %dma_wait3A_141 : memref<1x16x128xf32, #tpu.memory_space<vmem>> -> memref<16x128xf32, #tpu.memory_space<vmem>>
      %dma_wait3A_143 = arith.constant 0 : i32
      %dma_wait3A_144 = arith.constant 0 : i32
      %dma_wait3A_145 = tpu.memref_slice %arg6[%dma_wait3A_143, %dma_wait3A_144] : memref<16392x128xf32, #tpu.memory_space<hbm>> -> memref<16x128xf32, #tpu.memory_space<hbm>>
      tpu.wait_dma2 semaphore(%arg18 : memref<!tpu.dma_semaphore, #tpu.memory_space<semaphore_mem>>) src(%dma_wait3A_145 : memref<16x128xf32, #tpu.memory_space<hbm>>) dst(%dma_wait3A_142 : memref<16x128xf32, #tpu.memory_space<vmem>>)
    } else {
    }
    %ge3A_73 = arith.constant 2 : i32
    %ge3A_74 = arith.cmpi sge, %while3A_70, %ge3A_73 : i32
    %convert_element_type3A_75 = arith.extui %ge3A_74 : i1 to i32
    %cond3A_76 = arith.constant 0 : i32
    %cond3A_77 = arith.cmpi ne, %convert_element_type3A_75, %cond3A_76 : i32
    scf.if %cond3A_77 {
      %dma_wait3A = arith.constant 0 : i32
      %dma_wait3A_132 = arith.constant 0 : i32
      %dma_wait3A_133 = arith.constant 0 : i32
      %dma_wait3A_134 = tpu.memref_slice %arg16[%dma_wait3A, %dma_wait3A_132, %dma_wait3A_133] : memref<2x16x128xf32, #tpu.memory_space<vmem>> -> memref<1x16x128xf32, #tpu.memory_space<vmem>>
      %dma_wait3A_135 = tpu.memref_squeeze %dma_wait3A_134 : memref<1x16x128xf32, #tpu.memory_space<vmem>> -> memref<16x128xf32, #tpu.memory_space<vmem>>
      %dma_wait3A_136 = arith.constant 0 : i32
      %dma_wait3A_137 = arith.constant 0 : i32
      %dma_wait3A_138 = tpu.memref_slice %arg6[%dma_wait3A_136, %dma_wait3A_137] : memref<16392x128xf32, #tpu.memory_space<hbm>> -> memref<16x128xf32, #tpu.memory_space<hbm>>
      %dma_wait3A_139 = arith.constant 0 : i32
      %dma_wait3A_140 = arith.constant 0 : i32
      %dma_wait3A_141 = tpu.memref_slice %arg16[%dma_wait3A, %dma_wait3A_139, %dma_wait3A_140] : memref<2x16x128xf32, #tpu.memory_space<vmem>> -> memref<1x16x128xf32, #tpu.memory_space<vmem>>
      %dma_wait3A_142 = tpu.memref_squeeze %dma_wait3A_141 : memref<1x16x128xf32, #tpu.memory_space<vmem>> -> memref<16x128xf32, #tpu.memory_space<vmem>>
      %dma_wait3A_143 = arith.constant 0 : i32
      %dma_wait3A_144 = arith.constant 0 : i32
      %dma_wait3A_145 = tpu.memref_slice %arg6[%dma_wait3A_143, %dma_wait3A_144] : memref<16392x128xf32, #tpu.memory_space<hbm>> -> memref<16x128xf32, #tpu.memory_space<hbm>>
      tpu.wait_dma2 semaphore(%arg18 : memref<!tpu.dma_semaphore, #tpu.memory_space<semaphore_mem>>) src(%dma_wait3A_145 : memref<16x128xf32, #tpu.memory_space<hbm>>) dst(%dma_wait3A_142 : memref<16x128xf32, #tpu.memory_space<vmem>>)
    } else {
    }
    %add3A_78 = arith.constant 0 : i32
    %add3A_79 = arith.addi %mul3A_2, %add3A_78 : i32
    %min3A_80 = arith.constant 999552 : i32
    %min3A_81 = arith.minsi %add3A_79, %min3A_80 : i32
    %multiple_of3A_82 = tpu.assume_multiple %min3A_81, 128 : i32
    %dma_start3A_83 = arith.constant 0 : i32
    %dma_start3A_84 = arith.constant 0 : i32
    %dma_start3A_85 = arith.constant 0 : i32
    %dma_start3A_86 = tpu.memref_slice %arg9[%dma_start3A_83, %dma_start3A_84, %dma_start3A_85] : memref<2x32x513xf32, #tpu.memory_space<vmem>> -> memref<1x32x512xf32, #tpu.memory_space<vmem>>
    %dma_start3A_87 = tpu.memref_squeeze %dma_start3A_86 : memref<1x32x512xf32, #tpu.memory_space<vmem>> -> memref<32x512xf32, #tpu.memory_space<vmem>>
    %dma_start3A_88 = arith.constant 0 : i32
    %dma_start3A_89 = tpu.memref_slice %arg5[%dma_start3A_88, %multiple_of3A_82] : memref<32x1000000xf32, #tpu.memory_space<hbm>> -> memref<32x512xf32, #tpu.memory_space<hbm>>
    %dma_start3A_90 = arith.constant 0 : i32
    %dma_start3A_91 = arith.constant 0 : i32
    %dma_start3A_92 = tpu.memref_slice %arg9[%dma_start3A_83, %dma_start3A_90, %dma_start3A_91] : memref<2x32x513xf32, #tpu.memory_space<vmem>> -> memref<1x32x512xf32, #tpu.memory_space<vmem>>
    %dma_start3A_93 = tpu.memref_squeeze %dma_start3A_92 : memref<1x32x512xf32, #tpu.memory_space<vmem>> -> memref<32x512xf32, #tpu.memory_space<vmem>>
    %dma_start3A_94 = arith.constant 0 : i32
    %dma_start3A_95 = tpu.memref_slice %arg5[%dma_start3A_94, %multiple_of3A_82] : memref<32x1000000xf32, #tpu.memory_space<hbm>> -> memref<32x512xf32, #tpu.memory_space<hbm>>
    tpu.enqueue_dma source(%dma_start3A_95 : memref<32x512xf32, #tpu.memory_space<hbm>>) target(%dma_start3A_93 : memref<32x512xf32, #tpu.memory_space<vmem>>) target_semaphore(%arg17 : memref<!tpu.dma_semaphore, #tpu.memory_space<semaphore_mem>>)
    "tpu.region"() ({
      %run_scoped3A = tpu.sem_alloc : memref<!tpu.dma_semaphore, #tpu.memory_space<semaphore_mem>>
      tpu.enqueue_dma source(%arg3 : memref<16384xi32, #tpu.memory_space<hbm>>) target(%arg8 : memref<16384xi32, #tpu.memory_space<vmem>>) target_semaphore(%run_scoped3A : memref<!tpu.dma_semaphore, #tpu.memory_space<semaphore_mem>>)
      tpu.wait_dma2 semaphore(%run_scoped3A : memref<!tpu.dma_semaphore, #tpu.memory_space<semaphore_mem>>) src(%arg3 : memref<16384xi32, #tpu.memory_space<hbm>>) dst(%arg8 : memref<16384xi32, #tpu.memory_space<vmem>>)
      tpu.yield
    }) : () -> ()
    %swap3A_96 = arith.constant 0 : index
    %swap3A_97 = tpu.vector_load %arg12[%swap3A_96] {strides = array<i32>} : memref<64xi32, #tpu.memory_space<vmem>>, vector<16xi32>,
    tpu.vector_store %arg12[%swap3A_96], %broadcast_in_dim3A_27 {strides = array<i32>} : memref<64xi32, #tpu.memory_space<vmem>>, vector<16xi32>,
    %swap3A_98 = arith.constant 16 : index
    %swap3A_99 = tpu.vector_load %arg12[%swap3A_98] {strides = array<i32>} : memref<64xi32, #tpu.memory_space<vmem>>, vector<16xi32>,
    tpu.vector_store %arg12[%swap3A_98], %broadcast_in_dim3A_27 {strides = array<i32>} : memref<64xi32, #tpu.memory_space<vmem>>, vector<16xi32>,
    %swap3A_100 = arith.constant 32 : index
    %swap3A_101 = tpu.vector_load %arg12[%swap3A_100] {strides = array<i32>} : memref<64xi32, #tpu.memory_space<vmem>>, vector<16xi32>,
    tpu.vector_store %arg12[%swap3A_100], %broadcast_in_dim3A_27 {strides = array<i32>} : memref<64xi32, #tpu.memory_space<vmem>>, vector<16xi32>,
    %swap3A_102 = arith.constant 48 : index
    %swap3A_103 = tpu.vector_load %arg12[%swap3A_102] {strides = array<i32>} : memref<64xi32, #tpu.memory_space<vmem>>, vector<16xi32>,
    tpu.vector_store %arg12[%swap3A_102], %broadcast_in_dim3A_27 {strides = array<i32>} : memref<64xi32, #tpu.memory_space<vmem>>, vector<16xi32>,
    %scan3A_104 = arith.constant 0 : i32
    %scan3A_105 = arith.constant 0 : i32
    %scan3A_106 = arith.constant 1024 : i32
    %scan3A_107 = arith.addi %scan3A_105, %scan3A_106 : i32
    %scan3A_108 = arith.constant 1 : i32
    scf.for %scan3A_132 = %scan3A_105 to %scan3A_107 step %scan3A_108  : i32 {
      %mul3A_133 = arith.constant 16 : i32
      %mul3A_134 = arith.muli %scan3A_132, %mul3A_133 : i32
      %get3A = arith.index_cast %mul3A_134 : i32 to index
      %get3A_135 = tpu.vector_load %arg8[%get3A] {strides = array<i32>} : memref<16384xi32, #tpu.memory_space<vmem>>, vector<16xi32>,
      %ge3A_136 = vector.broadcast %mul3A_2 : i32 to vector<16xi32>
      %ge3A_137 = arith.cmpi sge, %get3A_135, %ge3A_136 : vector<16xi32>
      %lt3A_138 = vector.broadcast %min3A_5 : i32 to vector<16xi32>
      %lt3A_139 = arith.cmpi slt, %get3A_135, %lt3A_138 : vector<16xi32>
      %and3A_140 = arith.andi %ge3A_137, %lt3A_139 : vector<16xi1>
      %swap3A_141 = arith.constant 0 : index
      %swap3A_142 = tpu.vector_load %arg13[%swap3A_141] {strides = array<i32>} : memref<16xi32, #tpu.memory_space<vmem>>, vector<16xi32>,
      tpu.vector_store %arg13[%swap3A_141], %get3A_135 {strides = array<i32>} : memref<16xi32, #tpu.memory_space<vmem>>, vector<16xi32>,
      %mul3A_143 = arith.constant 16 : i32
      %mul3A_144 = arith.muli %scan3A_132, %mul3A_143 : i32
      %add3A_145 = vector.broadcast %mul3A_144 : i32 to vector<16xi32>
      %add3A_146 = arith.addi %add3A_145, %iota3A : vector<16xi32>
      %swap3A_147 = arith.constant 0 : index
      %swap3A_148 = tpu.vector_load %arg14[%swap3A_147] {strides = array<i32>} : memref<16xi32, #tpu.memory_space<vmem>>, vector<16xi32>,
      tpu.vector_store %arg14[%swap3A_147], %add3A_146 {strides = array<i32>} : memref<16xi32, #tpu.memory_space<vmem>>, vector<16xi32>,
      %while3A_149 = scf.while (%while3A_150 = %and3A_140) : (vector<16xi1>) -> vector<16xi1> {
        %all_reduce_population_count3A = tpu.all_reduce %while3A_150 {dim = 0 : i64, kind = #tpu.reduction_kind<sum>} : vector<16xi1> -> vector<16xi32>
        %slice3A = vector.extract_strided_slice %all_reduce_population_count3A {offsets = [0], sizes = [1], strides = [1]} : vector<16xi32> to vector<1xi32>
        %squeeze3A = vector.extract %slice3A[0] : i32 from vector<1xi32>
        %gt3A = arith.constant 0 : i32
        %gt3A_151 = arith.cmpi sgt, %squeeze3A, %gt3A : i32
        scf.condition(%gt3A_151) %while3A_150 : vector<16xi1>
      } do {
      ^bb0(%while3A_150: vector<16xi1>):
        %all_reduce_ffs3A = tpu.all_reduce %while3A_150 {dim = 0 : i64, kind = #tpu.reduction_kind<find_first_set>} : vector<16xi1> -> vector<16xi32>
        %gather3A = tpu.vector_load_idx %arg13[%all_reduce_ffs3A] : memref<16xi32, #tpu.memory_space<vmem>>[vector<16xi32>], vector<16xi32>,
        %slice3A = vector.extract_strided_slice %gather3A {offsets = [0], sizes = [1], strides = [1]} : vector<16xi32> to vector<1xi32>
        %squeeze3A = vector.extract %slice3A[0] : i32 from vector<1xi32>
        %gather3A_151 = tpu.vector_load_idx %arg14[%all_reduce_ffs3A] : memref<16xi32, #tpu.memory_space<vmem>>[vector<16xi32>], vector<16xi32>,
        %slice3A_152 = vector.extract_strided_slice %gather3A_151 {offsets = [0], sizes = [1], strides = [1]} : vector<16xi32> to vector<1xi32>
        %squeeze3A_153 = vector.extract %slice3A_152[0] : i32 from vector<1xi32>
        %sub3A_154 = arith.subi %squeeze3A, %mul3A_2 : i32
        %jit3A_155 = arith.constant 512 : i32
        %div3A_156 = arith.divsi %sub3A_154, %jit3A_155 : i32
        %sign3A_157 = arith.constant 0 : i32
        %sign3A_158 = arith.cmpi sgt, %sub3A_154, %sign3A_157 : i32
        %sign3A_159 = arith.extui %sign3A_158 : i1 to i32
        %sign3A_160 = arith.constant 0 : i32
        %sign3A_161 = arith.cmpi slt, %sub3A_154, %sign3A_160 : i32
        %sign3A_162 = arith.extui %sign3A_161 : i1 to i32
        %sign3A_163 = arith.subi %sign3A_159, %sign3A_162 : i32
        %sign3A_164 = arith.constant 0 : i32
        %sign3A_165 = arith.cmpi sgt, %jit3A_155, %sign3A_164 : i32
        %sign3A_166 = arith.extui %sign3A_165 : i1 to i32
        %sign3A_167 = arith.constant 0 : i32
        %sign3A_168 = arith.cmpi slt, %jit3A_155, %sign3A_167 : i32
        %sign3A_169 = arith.extui %sign3A_168 : i1 to i32
        %sign3A_170 = arith.subi %sign3A_166, %sign3A_169 : i32
        %ne3A_171 = arith.cmpi ne, %sign3A_163, %sign3A_170 : i32
        %rem3A_172 = arith.remsi %sub3A_154, %jit3A_155 : i32
        %ne3A_173 = arith.constant 0 : i32
        %ne3A_174 = arith.cmpi ne, %rem3A_172, %ne3A_173 : i32
        %and3A_175 = arith.andi %ne3A_171, %ne3A_174 : i1
        %sub3A_176 = arith.constant 1 : i32
        %sub3A_177 = arith.subi %div3A_156, %sub3A_176 : i32
        %select_n3A_178 = arith.select %and3A_175, %sub3A_177, %div3A_156 : i32
        %broadcast_in_dim3A_179 = vector.broadcast %select_n3A_178 : i32 to vector<16xi32>
        %gather3A_180 = tpu.vector_load_idx %arg12[%broadcast_in_dim3A_179] : memref<64xi32, #tpu.memory_space<vmem>>[vector<16xi32>], vector<16xi32>,
        %slice3A_181 = vector.extract_strided_slice %gather3A_180 {offsets = [0], sizes = [1], strides = [1]} : vector<16xi32> to vector<1xi32>
        %squeeze3A_182 = vector.extract %slice3A_181[0] : i32 from vector<1xi32>
        %mul3A_183 = arith.constant 48 : i32
        %mul3A_184 = arith.muli %select_n3A_178, %mul3A_183 : i32
        %min3A_185 = arith.constant 47 : i32
        %min3A_186 = arith.minsi %squeeze3A_182, %min3A_185 : i32
        %add3A_187 = arith.addi %mul3A_184, %min3A_186 : i32
        %broadcast_in_dim3A_188 = vector.broadcast %add3A_187 : i32 to vector<16xi32>
        %broadcast_in_dim3A_189 = vector.broadcast %squeeze3A : i32 to vector<16xi32>
        tpu.vector_store_idx %arg10[%broadcast_in_dim3A_188], %broadcast_in_dim3A_189 masked %lt3A_31 : memref<3072xi32, #tpu.memory_space<vmem>>[vector<16xi32>], vector<16xi32>, vector<16xi1>
        %broadcast_in_dim3A_190 = vector.broadcast %squeeze3A_153 : i32 to vector<16xi32>
        tpu.vector_store_idx %arg11[%broadcast_in_dim3A_188], %broadcast_in_dim3A_190 masked %lt3A_31 : memref<3072xi32, #tpu.memory_space<vmem>>[vector<16xi32>], vector<16xi32>, vector<16xi1>
        %broadcast_in_dim3A_191 = vector.broadcast %select_n3A_178 : i32 to vector<16xi32>
        tpu.vector_store_idx %arg12[%broadcast_in_dim3A_191], %broadcast_in_dim3A_29 masked %lt3A_31 {add = true} : memref<64xi32, #tpu.memory_space<vmem>>[vector<16xi32>], vector<16xi32>, vector<16xi1>
        %ne3A_192 = arith.cmpi ne, %iota3A, %all_reduce_ffs3A : vector<16xi32>
        %and3A_193 = arith.andi %while3A_150, %ne3A_192 : vector<16xi1>
        scf.yield %and3A_193 : vector<16xi1>
      }
    }
    %scan3A_109 = arith.constant 1024 : i32
    %while3A_110 = arith.constant 0 : i32
    %while3A_111 = arith.constant 0 : i32
    %while3A_112 = arith.subi %select_n3A, %while3A_110 : i32
    %while3A_113 = arith.addi %while3A_110, %while3A_112 : i32
    %while3A_114 = arith.constant 1 : i32
    %while3A_115 = arith.divsi %while3A_112, %while3A_114 : i32
    %while3A_116 = arith.muli %while3A_115, %while3A_114 : i32
    %while3A_117 = arith.addi %while3A_110, %while3A_116 : i32
    %while3A_118 = arith.constant 1 : i32
    %while3A_119 = scf.for %while3A_132 = %while3A_110 to %while3A_117 step %while3A_118 iter_args(%while3A_133 = %while3A_111) -> (i32)  : i32 {
      %add3A_134 = arith.constant 1 : i32
      %add3A_135 = arith.addi %while3A_132, %add3A_134 : i32
      %lt3A_136 = arith.cmpi slt, %add3A_135, %select_n3A : i32
      %convert_element_type3A_137 = arith.extui %lt3A_136 : i1 to i32
      %cond3A_138 = arith.constant 0 : i32
      %cond3A_139 = arith.cmpi ne, %convert_element_type3A_137, %cond3A_138 : i32
      scf.if %cond3A_139 {
        %add3A_199 = arith.constant 1 : i32
        %add3A_200 = arith.addi %while3A_132, %add3A_199 : i32
        %mul3A_201 = arith.constant 512 : i32
        %mul3A_202 = arith.muli %add3A_200, %mul3A_201 : i32
        %add3A_203 = arith.addi %mul3A_2, %mul3A_202 : i32
        %min3A_204 = arith.constant 999552 : i32
        %min3A_205 = arith.minsi %add3A_203, %min3A_204 : i32
        %multiple_of3A_206 = tpu.assume_multiple %min3A_205, 128 : i32
        %jit3A_207 = arith.constant 2 : i32
        %eq3A = arith.constant 0 : i32
        %eq3A_208 = arith.cmpi eq, %jit3A_207, %eq3A : i32
        %jit3A_209 = arith.constant 1 : i32
        %select_n3A_210 = arith.select %eq3A_208, %jit3A_209, %jit3A_207 : i32
        %rem3A_211 = arith.remsi %add3A_200, %select_n3A_210 : i32
        %ne3A_212 = arith.constant 0 : i32
        %ne3A_213 = arith.cmpi ne, %rem3A_211, %ne3A_212 : i32
        %lt3A_214 = arith.constant 0 : i32
        %lt3A_215 = arith.cmpi slt, %rem3A_211, %lt3A_214 : i32
        %lt3A_216 = arith.constant 0 : i32
        %lt3A_217 = arith.cmpi slt, %select_n3A_210, %lt3A_216 : i32
        %ne3A_218 = arith.xori %lt3A_215, %lt3A_217 : i1
        %and3A_219 = arith.andi %ne3A_218, %ne3A_213 : i1
        %add3A_220 = arith.addi %rem3A_211, %select_n3A_210 : i32
        %select_n3A_221 = arith.select %and3A_219, %add3A_220, %rem3A_211 : i32
        %dma_start3A_222 = arith.constant 0 : i32
        %dma_start3A_223 = arith.constant 0 : i32
        %dma_start3A_224 = tpu.memref_slice %arg9[%select_n3A_221, %dma_start3A_222, %dma_start3A_223] : memref<2x32x513xf32, #tpu.memory_space<vmem>> -> memref<1x32x512xf32, #tpu.memory_space<vmem>>
        %dma_start3A_225 = tpu.memref_squeeze %dma_start3A_224 : memref<1x32x512xf32, #tpu.memory_space<vmem>> -> memref<32x512xf32, #tpu.memory_space<vmem>>
        %dma_start3A_226 = arith.constant 0 : i32
        %dma_start3A_227 = tpu.memref_slice %arg5[%dma_start3A_226, %multiple_of3A_206] : memref<32x1000000xf32, #tpu.memory_space<hbm>> -> memref<32x512xf32, #tpu.memory_space<hbm>>
        %dma_start3A_228 = arith.constant 0 : i32
        %dma_start3A_229 = arith.constant 0 : i32
        %dma_start3A_230 = tpu.memref_slice %arg9[%select_n3A_221, %dma_start3A_228, %dma_start3A_229] : memref<2x32x513xf32, #tpu.memory_space<vmem>> -> memref<1x32x512xf32, #tpu.memory_space<vmem>>
        %dma_start3A_231 = tpu.memref_squeeze %dma_start3A_230 : memref<1x32x512xf32, #tpu.memory_space<vmem>> -> memref<32x512xf32, #tpu.memory_space<vmem>>
        %dma_start3A_232 = arith.constant 0 : i32
        %dma_start3A_233 = tpu.memref_slice %arg5[%dma_start3A_232, %multiple_of3A_206] : memref<32x1000000xf32, #tpu.memory_space<hbm>> -> memref<32x512xf32, #tpu.memory_space<hbm>>
        tpu.enqueue_dma source(%dma_start3A_233 : memref<32x512xf32, #tpu.memory_space<hbm>>) target(%dma_start3A_231 : memref<32x512xf32, #tpu.memory_space<vmem>>) target_semaphore(%arg17 : memref<!tpu.dma_semaphore, #tpu.memory_space<semaphore_mem>>)
      } else {
      }
      %dma_wait3A = arith.constant 0 : i32
      %dma_wait3A_140 = arith.constant 0 : i32
      %dma_wait3A_141 = arith.constant 0 : i32
      %dma_wait3A_142 = tpu.memref_slice %arg9[%dma_wait3A, %dma_wait3A_140, %dma_wait3A_141] : memref<2x32x513xf32, #tpu.memory_space<vmem>> -> memref<1x32x512xf32, #tpu.memory_space<vmem>>
      %dma_wait3A_143 = tpu.memref_squeeze %dma_wait3A_142 : memref<1x32x512xf32, #tpu.memory_space<vmem>> -> memref<32x512xf32, #tpu.memory_space<vmem>>
      %dma_wait3A_144 = arith.constant 0 : i32
      %dma_wait3A_145 = arith.constant 0 : i32
      %dma_wait3A_146 = tpu.memref_slice %arg5[%dma_wait3A_144, %dma_wait3A_145] : memref<32x1000000xf32, #tpu.memory_space<hbm>> -> memref<32x512xf32, #tpu.memory_space<hbm>>
      %dma_wait3A_147 = arith.constant 0 : i32
      %dma_wait3A_148 = arith.constant 0 : i32
      %dma_wait3A_149 = tpu.memref_slice %arg9[%dma_wait3A, %dma_wait3A_147, %dma_wait3A_148] : memref<2x32x513xf32, #tpu.memory_space<vmem>> -> memref<1x32x512xf32, #tpu.memory_space<vmem>>
      %dma_wait3A_150 = tpu.memref_squeeze %dma_wait3A_149 : memref<1x32x512xf32, #tpu.memory_space<vmem>> -> memref<32x512xf32, #tpu.memory_space<vmem>>
      %dma_wait3A_151 = arith.constant 0 : i32
      %dma_wait3A_152 = arith.constant 0 : i32
      %dma_wait3A_153 = tpu.memref_slice %arg5[%dma_wait3A_151, %dma_wait3A_152] : memref<32x1000000xf32, #tpu.memory_space<hbm>> -> memref<32x512xf32, #tpu.memory_space<hbm>>
      tpu.wait_dma2 semaphore(%arg17 : memref<!tpu.dma_semaphore, #tpu.memory_space<semaphore_mem>>) src(%dma_wait3A_153 : memref<32x512xf32, #tpu.memory_space<hbm>>) dst(%dma_wait3A_150 : memref<32x512xf32, #tpu.memory_space<vmem>>)
      %mul3A_154 = arith.constant 512 : i32
      %mul3A_155 = arith.muli %while3A_132, %mul3A_154 : i32
      %add3A_156 = arith.addi %mul3A_2, %mul3A_155 : i32
      %min3A_157 = arith.constant 999552 : i32
      %min3A_158 = arith.minsi %add3A_156, %min3A_157 : i32
      %broadcast_in_dim3A_159 = vector.broadcast %while3A_132 : i32 to vector<16xi32>
      %gather3A = tpu.vector_load_idx %arg12[%broadcast_in_dim3A_159] : memref<64xi32, #tpu.memory_space<vmem>>[vector<16xi32>], vector<16xi32>,
      %slice3A = vector.extract_strided_slice %gather3A {offsets = [0], sizes = [1], strides = [1]} : vector<16xi32> to vector<1xi32>
      %squeeze3A = vector.extract %slice3A[0] : i32 from vector<1xi32>
      %add3A_160 = arith.constant 16 : i32
      %add3A_161 = arith.addi %squeeze3A, %add3A_160 : i32
      %sub3A_162 = arith.constant 1 : i32
      %sub3A_163 = arith.subi %add3A_161, %sub3A_162 : i32
      %jit3A_164 = arith.constant 16 : i32
      %div3A_165 = arith.divsi %sub3A_163, %jit3A_164 : i32
      %sign3A_166 = arith.constant 0 : i32
      %sign3A_167 = arith.cmpi sgt, %sub3A_163, %sign3A_166 : i32
      %sign3A_168 = arith.extui %sign3A_167 : i1 to i32
      %sign3A_169 = arith.constant 0 : i32
      %sign3A_170 = arith.cmpi slt, %sub3A_163, %sign3A_169 : i32
      %sign3A_171 = arith.extui %sign3A_170 : i1 to i32
      %sign3A_172 = arith.subi %sign3A_168, %sign3A_171 : i32
      %sign3A_173 = arith.constant 0 : i32
      %sign3A_174 = arith.cmpi sgt, %jit3A_164, %sign3A_173 : i32
      %sign3A_175 = arith.extui %sign3A_174 : i1 to i32
      %sign3A_176 = arith.constant 0 : i32
      %sign3A_177 = arith.cmpi slt, %jit3A_164, %sign3A_176 : i32
      %sign3A_178 = arith.extui %sign3A_177 : i1 to i32
      %sign3A_179 = arith.subi %sign3A_175, %sign3A_178 : i32
      %ne3A_180 = arith.cmpi ne, %sign3A_172, %sign3A_179 : i32
      %rem3A_181 = arith.remsi %sub3A_163, %jit3A_164 : i32
      %ne3A_182 = arith.constant 0 : i32
      %ne3A_183 = arith.cmpi ne, %rem3A_181, %ne3A_182 : i32
      %and3A_184 = arith.andi %ne3A_180, %ne3A_183 : i1
      %sub3A_185 = arith.constant 1 : i32
      %sub3A_186 = arith.subi %div3A_165, %sub3A_185 : i32
      %select_n3A_187 = arith.select %and3A_184, %sub3A_186, %div3A_165 : i32
      %while3A_188 = arith.constant 0 : i32
      %while3A_189 = arith.subi %select_n3A_187, %while3A_188 : i32
      %while3A_190 = arith.addi %while3A_188, %while3A_189 : i32
      %while3A_191 = arith.constant 1 : i32
      %while3A_192 = arith.divsi %while3A_189, %while3A_191 : i32
      %while3A_193 = arith.muli %while3A_192, %while3A_191 : i32
      %while3A_194 = arith.addi %while3A_188, %while3A_193 : i32
      %while3A_195 = arith.constant 1 : i32
      %while3A_196 = scf.for %while3A_199 = %while3A_188 to %while3A_194 step %while3A_195 iter_args(%while3A_200 = %while3A_133) -> (i32)  : i32 {
        %ge3A_201 = arith.constant 2 : i32
        %ge3A_202 = arith.cmpi sge, %while3A_200, %ge3A_201 : i32
        %convert_element_type3A_203 = arith.extui %ge3A_202 : i1 to i32
        %cond3A_204 = arith.constant 0 : i32
        %cond3A_205 = arith.cmpi ne, %convert_element_type3A_203, %cond3A_204 : i32
        scf.if %cond3A_205 {
          %dma_wait3A_690 = arith.constant 0 : i32
          %dma_wait3A_691 = arith.constant 0 : i32
          %dma_wait3A_692 = arith.constant 0 : i32
          %dma_wait3A_693 = tpu.memref_slice %arg16[%dma_wait3A_690, %dma_wait3A_691, %dma_wait3A_692] : memref<2x16x128xf32, #tpu.memory_space<vmem>> -> memref<1x16x128xf32, #tpu.memory_space<vmem>>
          %dma_wait3A_694 = tpu.memref_squeeze %dma_wait3A_693 : memref<1x16x128xf32, #tpu.memory_space<vmem>> -> memref<16x128xf32, #tpu.memory_space<vmem>>
          %dma_wait3A_695 = arith.constant 0 : i32
          %dma_wait3A_696 = arith.constant 0 : i32
          %dma_wait3A_697 = tpu.memref_slice %arg7[%dma_wait3A_695, %dma_wait3A_696] : memref<16392x128xf32, #tpu.memory_space<hbm>> -> memref<16x128xf32, #tpu.memory_space<hbm>>
          %dma_wait3A_698 = arith.constant 0 : i32
          %dma_wait3A_699 = arith.constant 0 : i32
          %dma_wait3A_700 = tpu.memref_slice %arg16[%dma_wait3A_690, %dma_wait3A_698, %dma_wait3A_699] : memref<2x16x128xf32, #tpu.memory_space<vmem>> -> memref<1x16x128xf32, #tpu.memory_space<vmem>>
          %dma_wait3A_701 = tpu.memref_squeeze %dma_wait3A_700 : memref<1x16x128xf32, #tpu.memory_space<vmem>> -> memref<16x128xf32, #tpu.memory_space<vmem>>
          %dma_wait3A_702 = arith.constant 0 : i32
          %dma_wait3A_703 = arith.constant 0 : i32
          %dma_wait3A_704 = tpu.memref_slice %arg7[%dma_wait3A_702, %dma_wait3A_703] : memref<16392x128xf32, #tpu.memory_space<hbm>> -> memref<16x128xf32, #tpu.memory_space<hbm>>
          tpu.wait_dma2 semaphore(%arg18 : memref<!tpu.dma_semaphore, #tpu.memory_space<semaphore_mem>>) src(%dma_wait3A_704 : memref<16x128xf32, #tpu.memory_space<hbm>>) dst(%dma_wait3A_701 : memref<16x128xf32, #tpu.memory_space<vmem>>)
        } else {
        }
        %mul3A_206 = arith.constant 48 : i32
        %mul3A_207 = arith.muli %while3A_132, %mul3A_206 : i32
        %mul3A_208 = arith.constant 16 : i32
        %mul3A_209 = arith.muli %while3A_199, %mul3A_208 : i32
        %add3A_210 = arith.addi %mul3A_207, %mul3A_209 : i32
        %get3A = arith.index_cast %add3A_210 : i32 to index
        %get3A_211 = tpu.vector_load %arg10[%get3A] {strides = array<i32>} : memref<3072xi32, #tpu.memory_space<vmem>>, vector<16xi32>,
        %get3A_212 = arith.index_cast %add3A_210 : i32 to index
        %get3A_213 = tpu.vector_load %arg11[%get3A_212] {strides = array<i32>} : memref<3072xi32, #tpu.memory_space<vmem>>, vector<16xi32>,
        %mul3A_214 = arith.constant 16 : i32
        %mul3A_215 = arith.muli %while3A_199, %mul3A_214 : i32
        %add3A_216 = vector.broadcast %mul3A_215 : i32 to vector<16xi32>
        %add3A_217 = arith.addi %add3A_216, %iota3A : vector<16xi32>
        %lt3A_218 = vector.broadcast %squeeze3A : i32 to vector<16xi32>
        %lt3A_219 = arith.cmpi slt, %add3A_217, %lt3A_218 : vector<16xi32>
        %sub3A_220 = vector.broadcast %min3A_158 : i32 to vector<16xi32>
        %sub3A_221 = arith.subi %get3A_211, %sub3A_220 : vector<16xi32>
        %jit3A_222 = arith.constant 0 : i32
        %jit3A_223 = arith.constant 511 : i32
        %max3A = vector.broadcast %jit3A_222 : i32 to vector<16xi32>
        %max3A_224 = arith.maxsi %max3A, %sub3A_221 : vector<16xi32>
        %min3A_225 = vector.broadcast %jit3A_223 : i32 to vector<16xi32>
        %min3A_226 = arith.minsi %min3A_225, %max3A_224 : vector<16xi32>
        %jit3A_227 = arith.constant 2 : i32
        %eq3A = arith.constant 0 : i32
        %eq3A_228 = arith.cmpi eq, %jit3A_227, %eq3A : i32
        %jit3A_229 = arith.constant 1 : i32
        %select_n3A_230 = arith.select %eq3A_228, %jit3A_229, %jit3A_227 : i32
        %rem3A_231 = arith.remsi %while3A_132, %select_n3A_230 : i32
        %ne3A_232 = arith.constant 0 : i32
        %ne3A_233 = arith.cmpi ne, %rem3A_231, %ne3A_232 : i32
        %lt3A_234 = arith.constant 0 : i32
        %lt3A_235 = arith.cmpi slt, %rem3A_231, %lt3A_234 : i32
        %lt3A_236 = arith.constant 0 : i32
        %lt3A_237 = arith.cmpi slt, %select_n3A_230, %lt3A_236 : i32
        %ne3A_238 = arith.xori %lt3A_235, %lt3A_237 : i1
        %and3A_239 = arith.andi %ne3A_238, %ne3A_233 : i1
        %add3A_240 = arith.addi %rem3A_231, %select_n3A_230 : i32
        %select_n3A_241 = arith.select %and3A_239, %add3A_240, %rem3A_231 : i32
        %broadcast_in_dim3A_242 = vector.broadcast %select_n3A_241 : i32 to vector<16xi32>
        %mul3A_243 = arith.constant 129 : i32
        %mul3A_244 = vector.broadcast %mul3A_243 : i32 to vector<16xi32>
        %mul3A_245 = arith.muli %iota3A, %mul3A_244 : vector<16xi32>
        %broadcast_in_dim3A_246 = arith.constant 0 : i32
        %broadcast_in_dim3A_247 = vector.broadcast %broadcast_in_dim3A_246 : i32 to vector<16xi32>
        %gather3A_248 = tpu.vector_load_idx %arg9[%broadcast_in_dim3A_242, %broadcast_in_dim3A_247, %min3A_226] : memref<2x32x513xf32, #tpu.memory_space<vmem>>[vector<16xi32>, vector<16xi32>, vector<16xi32>], vector<16xf32>,
        %add3A_249 = arith.constant 0 : i32
        %add3A_250 = vector.broadcast %add3A_249 : i32 to vector<16xi32>
        %add3A_251 = arith.addi %mul3A_245, %add3A_250 : vector<16xi32>
        tpu.vector_store_idx %arg15[%add3A_251], %gather3A_248 : memref<2064xf32, #tpu.memory_space<vmem>>[vector<16xi32>], vector<16xf32>,
        %broadcast_in_dim3A_252 = arith.constant 1 : i32
        %broadcast_in_dim3A_253 = vector.broadcast %broadcast_in_dim3A_252 : i32 to vector<16xi32>
        %gather3A_254 = tpu.vector_load_idx %arg9[%broadcast_in_dim3A_242, %broadcast_in_dim3A_253, %min3A_226] : memref<2x32x513xf32, #tpu.memory_space<vmem>>[vector<16xi32>, vector<16xi32>, vector<16xi32>], vector<16xf32>,
        %add3A_255 = arith.constant 1 : i32
        %add3A_256 = vector.broadcast %add3A_255 : i32 to vector<16xi32>
        %add3A_257 = arith.addi %mul3A_245, %add3A_256 : vector<16xi32>
        tpu.vector_store_idx %arg15[%add3A_257], %gather3A_254 : memref<2064xf32, #tpu.memory_space<vmem>>[vector<16xi32>], vector<16xf32>,
        %broadcast_in_dim3A_258 = arith.constant 2 : i32
        %broadcast_in_dim3A_259 = vector.broadcast %broadcast_in_dim3A_258 : i32 to vector<16xi32>
        %gather3A_260 = tpu.vector_load_idx %arg9[%broadcast_in_dim3A_242, %broadcast_in_dim3A_259, %min3A_226] : memref<2x32x513xf32, #tpu.memory_space<vmem>>[vector<16xi32>, vector<16xi32>, vector<16xi32>], vector<16xf32>,
        %add3A_261 = arith.constant 2 : i32
        %add3A_262 = vector.broadcast %add3A_261 : i32 to vector<16xi32>
        %add3A_263 = arith.addi %mul3A_245, %add3A_262 : vector<16xi32>
        tpu.vector_store_idx %arg15[%add3A_263], %gather3A_260 : memref<2064xf32, #tpu.memory_space<vmem>>[vector<16xi32>], vector<16xf32>,
        %broadcast_in_dim3A_264 = arith.constant 3 : i32
        %broadcast_in_dim3A_265 = vector.broadcast %broadcast_in_dim3A_264 : i32 to vector<16xi32>
        %gather3A_266 = tpu.vector_load_idx %arg9[%broadcast_in_dim3A_242, %broadcast_in_dim3A_265, %min3A_226] : memref<2x32x513xf32, #tpu.memory_space<vmem>>[vector<16xi32>, vector<16xi32>, vector<16xi32>], vector<16xf32>,
        %add3A_267 = arith.constant 3 : i32
        %add3A_268 = vector.broadcast %add3A_267 : i32 to vector<16xi32>
        %add3A_269 = arith.addi %mul3A_245, %add3A_268 : vector<16xi32>
        tpu.vector_store_idx %arg15[%add3A_269], %gather3A_266 : memref<2064xf32, #tpu.memory_space<vmem>>[vector<16xi32>], vector<16xf32>,
        %broadcast_in_dim3A_270 = arith.constant 4 : i32
        %broadcast_in_dim3A_271 = vector.broadcast %broadcast_in_dim3A_270 : i32 to vector<16xi32>
        %gather3A_272 = tpu.vector_load_idx %arg9[%broadcast_in_dim3A_242, %broadcast_in_dim3A_271, %min3A_226] : memref<2x32x513xf32, #tpu.memory_space<vmem>>[vector<16xi32>, vector<16xi32>, vector<16xi32>], vector<16xf32>,
        %add3A_273 = arith.constant 4 : i32
        %add3A_274 = vector.broadcast %add3A_273 : i32 to vector<16xi32>
        %add3A_275 = arith.addi %mul3A_245, %add3A_274 : vector<16xi32>
        tpu.vector_store_idx %arg15[%add3A_275], %gather3A_272 : memref<2064xf32, #tpu.memory_space<vmem>>[vector<16xi32>], vector<16xf32>,
        %broadcast_in_dim3A_276 = arith.constant 5 : i32
        %broadcast_in_dim3A_277 = vector.broadcast %broadcast_in_dim3A_276 : i32 to vector<16xi32>
        %gather3A_278 = tpu.vector_load_idx %arg9[%broadcast_in_dim3A_242, %broadcast_in_dim3A_277, %min3A_226] : memref<2x32x513xf32, #tpu.memory_space<vmem>>[vector<16xi32>, vector<16xi32>, vector<16xi32>], vector<16xf32>,
        %add3A_279 = arith.constant 5 : i32
        %add3A_280 = vector.broadcast %add3A_279 : i32 to vector<16xi32>
        %add3A_281 = arith.addi %mul3A_245, %add3A_280 : vector<16xi32>
        tpu.vector_store_idx %arg15[%add3A_281], %gather3A_278 : memref<2064xf32, #tpu.memory_space<vmem>>[vector<16xi32>], vector<16xf32>,
        %broadcast_in_dim3A_282 = arith.constant 6 : i32
        %broadcast_in_dim3A_283 = vector.broadcast %broadcast_in_dim3A_282 : i32 to vector<16xi32>
        %gather3A_284 = tpu.vector_load_idx %arg9[%broadcast_in_dim3A_242, %broadcast_in_dim3A_283, %min3A_226] : memref<2x32x513xf32, #tpu.memory_space<vmem>>[vector<16xi32>, vector<16xi32>, vector<16xi32>], vector<16xf32>,
        %add3A_285 = arith.constant 6 : i32
        %add3A_286 = vector.broadcast %add3A_285 : i32 to vector<16xi32>
        %add3A_287 = arith.addi %mul3A_245, %add3A_286 : vector<16xi32>
        tpu.vector_store_idx %arg15[%add3A_287], %gather3A_284 : memref<2064xf32, #tpu.memory_space<vmem>>[vector<16xi32>], vector<16xf32>,
        %broadcast_in_dim3A_288 = arith.constant 7 : i32
        %broadcast_in_dim3A_289 = vector.broadcast %broadcast_in_dim3A_288 : i32 to vector<16xi32>
        %gather3A_290 = tpu.vector_load_idx %arg9[%broadcast_in_dim3A_242, %broadcast_in_dim3A_289, %min3A_226] : memref<2x32x513xf32, #tpu.memory_space<vmem>>[vector<16xi32>, vector<16xi32>, vector<16xi32>], vector<16xf32>,
        %add3A_291 = arith.constant 7 : i32
        %add3A_292 = vector.broadcast %add3A_291 : i32 to vector<16xi32>
        %add3A_293 = arith.addi %mul3A_245, %add3A_292 : vector<16xi32>
        tpu.vector_store_idx %arg15[%add3A_293], %gather3A_290 : memref<2064xf32, #tpu.memory_space<vmem>>[vector<16xi32>], vector<16xf32>,
        %broadcast_in_dim3A_294 = arith.constant 8 : i32
        %broadcast_in_dim3A_295 = vector.broadcast %broadcast_in_dim3A_294 : i32 to vector<16xi32>
        %gather3A_296 = tpu.vector_load_idx %arg9[%broadcast_in_dim3A_242, %broadcast_in_dim3A_295, %min3A_226] : memref<2x32x513xf32, #tpu.memory_space<vmem>>[vector<16xi32>, vector<16xi32>, vector<16xi32>], vector<16xf32>,
        %add3A_297 = arith.constant 8 : i32
        %add3A_298 = vector.broadcast %add3A_297 : i32 to vector<16xi32>
        %add3A_299 = arith.addi %mul3A_245, %add3A_298 : vector<16xi32>
        tpu.vector_store_idx %arg15[%add3A_299], %gather3A_296 : memref<2064xf32, #tpu.memory_space<vmem>>[vector<16xi32>], vector<16xf32>,
        %broadcast_in_dim3A_300 = arith.constant 9 : i32
        %broadcast_in_dim3A_301 = vector.broadcast %broadcast_in_dim3A_300 : i32 to vector<16xi32>
        %gather3A_302 = tpu.vector_load_idx %arg9[%broadcast_in_dim3A_242, %broadcast_in_dim3A_301, %min3A_226] : memref<2x32x513xf32, #tpu.memory_space<vmem>>[vector<16xi32>, vector<16xi32>, vector<16xi32>], vector<16xf32>,
        %add3A_303 = arith.constant 9 : i32
        %add3A_304 = vector.broadcast %add3A_303 : i32 to vector<16xi32>
        %add3A_305 = arith.addi %mul3A_245, %add3A_304 : vector<16xi32>
        tpu.vector_store_idx %arg15[%add3A_305], %gather3A_302 : memref<2064xf32, #tpu.memory_space<vmem>>[vector<16xi32>], vector<16xf32>,
        %broadcast_in_dim3A_306 = arith.constant 10 : i32
        %broadcast_in_dim3A_307 = vector.broadcast %broadcast_in_dim3A_306 : i32 to vector<16xi32>
        %gather3A_308 = tpu.vector_load_idx %arg9[%broadcast_in_dim3A_242, %broadcast_in_dim3A_307, %min3A_226] : memref<2x32x513xf32, #tpu.memory_space<vmem>>[vector<16xi32>, vector<16xi32>, vector<16xi32>], vector<16xf32>,
        %add3A_309 = arith.constant 10 : i32
        %add3A_310 = vector.broadcast %add3A_309 : i32 to vector<16xi32>
        %add3A_311 = arith.addi %mul3A_245, %add3A_310 : vector<16xi32>
        tpu.vector_store_idx %arg15[%add3A_311], %gather3A_308 : memref<2064xf32, #tpu.memory_space<vmem>>[vector<16xi32>], vector<16xf32>,
        %broadcast_in_dim3A_312 = arith.constant 11 : i32
        %broadcast_in_dim3A_313 = vector.broadcast %broadcast_in_dim3A_312 : i32 to vector<16xi32>
        %gather3A_314 = tpu.vector_load_idx %arg9[%broadcast_in_dim3A_242, %broadcast_in_dim3A_313, %min3A_226] : memref<2x32x513xf32, #tpu.memory_space<vmem>>[vector<16xi32>, vector<16xi32>, vector<16xi32>], vector<16xf32>,
        %add3A_315 = arith.constant 11 : i32
        %add3A_316 = vector.broadcast %add3A_315 : i32 to vector<16xi32>
        %add3A_317 = arith.addi %mul3A_245, %add3A_316 : vector<16xi32>
        tpu.vector_store_idx %arg15[%add3A_317], %gather3A_314 : memref<2064xf32, #tpu.memory_space<vmem>>[vector<16xi32>], vector<16xf32>,
        %broadcast_in_dim3A_318 = arith.constant 12 : i32
        %broadcast_in_dim3A_319 = vector.broadcast %broadcast_in_dim3A_318 : i32 to vector<16xi32>
        %gather3A_320 = tpu.vector_load_idx %arg9[%broadcast_in_dim3A_242, %broadcast_in_dim3A_319, %min3A_226] : memref<2x32x513xf32, #tpu.memory_space<vmem>>[vector<16xi32>, vector<16xi32>, vector<16xi32>], vector<16xf32>,
        %add3A_321 = arith.constant 12 : i32
        %add3A_322 = vector.broadcast %add3A_321 : i32 to vector<16xi32>
        %add3A_323 = arith.addi %mul3A_245, %add3A_322 : vector<16xi32>
        tpu.vector_store_idx %arg15[%add3A_323], %gather3A_320 : memref<2064xf32, #tpu.memory_space<vmem>>[vector<16xi32>], vector<16xf32>,
        %broadcast_in_dim3A_324 = arith.constant 13 : i32
        %broadcast_in_dim3A_325 = vector.broadcast %broadcast_in_dim3A_324 : i32 to vector<16xi32>
        %gather3A_326 = tpu.vector_load_idx %arg9[%broadcast_in_dim3A_242, %broadcast_in_dim3A_325, %min3A_226] : memref<2x32x513xf32, #tpu.memory_space<vmem>>[vector<16xi32>, vector<16xi32>, vector<16xi32>], vector<16xf32>,
        %add3A_327 = arith.constant 13 : i32
        %add3A_328 = vector.broadcast %add3A_327 : i32 to vector<16xi32>
        %add3A_329 = arith.addi %mul3A_245, %add3A_328 : vector<16xi32>
        tpu.vector_store_idx %arg15[%add3A_329], %gather3A_326 : memref<2064xf32, #tpu.memory_space<vmem>>[vector<16xi32>], vector<16xf32>,
        %broadcast_in_dim3A_330 = arith.constant 14 : i32
        %broadcast_in_dim3A_331 = vector.broadcast %broadcast_in_dim3A_330 : i32 to vector<16xi32>
        %gather3A_332 = tpu.vector_load_idx %arg9[%broadcast_in_dim3A_242, %broadcast_in_dim3A_331, %min3A_226] : memref<2x32x513xf32, #tpu.memory_space<vmem>>[vector<16xi32>, vector<16xi32>, vector<16xi32>], vector<16xf32>,
        %add3A_333 = arith.constant 14 : i32
        %add3A_334 = vector.broadcast %add3A_333 : i32 to vector<16xi32>
        %add3A_335 = arith.addi %mul3A_245, %add3A_334 : vector<16xi32>
        tpu.vector_store_idx %arg15[%add3A_335], %gather3A_332 : memref<2064xf32, #tpu.memory_space<vmem>>[vector<16xi32>], vector<16xf32>,
        %broadcast_in_dim3A_336 = arith.constant 15 : i32
        %broadcast_in_dim3A_337 = vector.broadcast %broadcast_in_dim3A_336 : i32 to vector<16xi32>
        %gather3A_338 = tpu.vector_load_idx %arg9[%broadcast_in_dim3A_242, %broadcast_in_dim3A_337, %min3A_226] : memref<2x32x513xf32, #tpu.memory_space<vmem>>[vector<16xi32>, vector<16xi32>, vector<16xi32>], vector<16xf32>,
        %add3A_339 = arith.constant 15 : i32
        %add3A_340 = vector.broadcast %add3A_339 : i32 to vector<16xi32>
        %add3A_341 = arith.addi %mul3A_245, %add3A_340 : vector<16xi32>
        tpu.vector_store_idx %arg15[%add3A_341], %gather3A_338 : memref<2064xf32, #tpu.memory_space<vmem>>[vector<16xi32>], vector<16xf32>,
        %broadcast_in_dim3A_342 = arith.constant 16 : i32
        %broadcast_in_dim3A_343 = vector.broadcast %broadcast_in_dim3A_342 : i32 to vector<16xi32>
        %gather3A_344 = tpu.vector_load_idx %arg9[%broadcast_in_dim3A_242, %broadcast_in_dim3A_343, %min3A_226] : memref<2x32x513xf32, #tpu.memory_space<vmem>>[vector<16xi32>, vector<16xi32>, vector<16xi32>], vector<16xf32>,
        %add3A_345 = arith.constant 16 : i32
        %add3A_346 = vector.broadcast %add3A_345 : i32 to vector<16xi32>
        %add3A_347 = arith.addi %mul3A_245, %add3A_346 : vector<16xi32>
        tpu.vector_store_idx %arg15[%add3A_347], %gather3A_344 : memref<2064xf32, #tpu.memory_space<vmem>>[vector<16xi32>], vector<16xf32>,
        %broadcast_in_dim3A_348 = arith.constant 17 : i32
        %broadcast_in_dim3A_349 = vector.broadcast %broadcast_in_dim3A_348 : i32 to vector<16xi32>
        %gather3A_350 = tpu.vector_load_idx %arg9[%broadcast_in_dim3A_242, %broadcast_in_dim3A_349, %min3A_226] : memref<2x32x513xf32, #tpu.memory_space<vmem>>[vector<16xi32>, vector<16xi32>, vector<16xi32>], vector<16xf32>,
        %add3A_351 = arith.constant 17 : i32
        %add3A_352 = vector.broadcast %add3A_351 : i32 to vector<16xi32>
        %add3A_353 = arith.addi %mul3A_245, %add3A_352 : vector<16xi32>
        tpu.vector_store_idx %arg15[%add3A_353], %gather3A_350 : memref<2064xf32, #tpu.memory_space<vmem>>[vector<16xi32>], vector<16xf32>,
        %broadcast_in_dim3A_354 = arith.constant 18 : i32
        %broadcast_in_dim3A_355 = vector.broadcast %broadcast_in_dim3A_354 : i32 to vector<16xi32>
        %gather3A_356 = tpu.vector_load_idx %arg9[%broadcast_in_dim3A_242, %broadcast_in_dim3A_355, %min3A_226] : memref<2x32x513xf32, #tpu.memory_space<vmem>>[vector<16xi32>, vector<16xi32>, vector<16xi32>], vector<16xf32>,
        %add3A_357 = arith.constant 18 : i32
        %add3A_358 = vector.broadcast %add3A_357 : i32 to vector<16xi32>
        %add3A_359 = arith.addi %mul3A_245, %add3A_358 : vector<16xi32>
        tpu.vector_store_idx %arg15[%add3A_359], %gather3A_356 : memref<2064xf32, #tpu.memory_space<vmem>>[vector<16xi32>], vector<16xf32>,
        %broadcast_in_dim3A_360 = arith.constant 19 : i32
        %broadcast_in_dim3A_361 = vector.broadcast %broadcast_in_dim3A_360 : i32 to vector<16xi32>
        %gather3A_362 = tpu.vector_load_idx %arg9[%broadcast_in_dim3A_242, %broadcast_in_dim3A_361, %min3A_226] : memref<2x32x513xf32, #tpu.memory_space<vmem>>[vector<16xi32>, vector<16xi32>, vector<16xi32>], vector<16xf32>,
        %add3A_363 = arith.constant 19 : i32
        %add3A_364 = vector.broadcast %add3A_363 : i32 to vector<16xi32>
        %add3A_365 = arith.addi %mul3A_245, %add3A_364 : vector<16xi32>
        tpu.vector_store_idx %arg15[%add3A_365], %gather3A_362 : memref<2064xf32, #tpu.memory_space<vmem>>[vector<16xi32>], vector<16xf32>,
        %broadcast_in_dim3A_366 = arith.constant 20 : i32
        %broadcast_in_dim3A_367 = vector.broadcast %broadcast_in_dim3A_366 : i32 to vector<16xi32>
        %gather3A_368 = tpu.vector_load_idx %arg9[%broadcast_in_dim3A_242, %broadcast_in_dim3A_367, %min3A_226] : memref<2x32x513xf32, #tpu.memory_space<vmem>>[vector<16xi32>, vector<16xi32>, vector<16xi32>], vector<16xf32>,
        %add3A_369 = arith.constant 20 : i32
        %add3A_370 = vector.broadcast %add3A_369 : i32 to vector<16xi32>
        %add3A_371 = arith.addi %mul3A_245, %add3A_370 : vector<16xi32>
        tpu.vector_store_idx %arg15[%add3A_371], %gather3A_368 : memref<2064xf32, #tpu.memory_space<vmem>>[vector<16xi32>], vector<16xf32>,
        %broadcast_in_dim3A_372 = arith.constant 21 : i32
        %broadcast_in_dim3A_373 = vector.broadcast %broadcast_in_dim3A_372 : i32 to vector<16xi32>
        %gather3A_374 = tpu.vector_load_idx %arg9[%broadcast_in_dim3A_242, %broadcast_in_dim3A_373, %min3A_226] : memref<2x32x513xf32, #tpu.memory_space<vmem>>[vector<16xi32>, vector<16xi32>, vector<16xi32>], vector<16xf32>,
        %add3A_375 = arith.constant 21 : i32
        %add3A_376 = vector.broadcast %add3A_375 : i32 to vector<16xi32>
        %add3A_377 = arith.addi %mul3A_245, %add3A_376 : vector<16xi32>
        tpu.vector_store_idx %arg15[%add3A_377], %gather3A_374 : memref<2064xf32, #tpu.memory_space<vmem>>[vector<16xi32>], vector<16xf32>,
        %broadcast_in_dim3A_378 = arith.constant 22 : i32
        %broadcast_in_dim3A_379 = vector.broadcast %broadcast_in_dim3A_378 : i32 to vector<16xi32>
        %gather3A_380 = tpu.vector_load_idx %arg9[%broadcast_in_dim3A_242, %broadcast_in_dim3A_379, %min3A_226] : memref<2x32x513xf32, #tpu.memory_space<vmem>>[vector<16xi32>, vector<16xi32>, vector<16xi32>], vector<16xf32>,
        %add3A_381 = arith.constant 22 : i32
        %add3A_382 = vector.broadcast %add3A_381 : i32 to vector<16xi32>
        %add3A_383 = arith.addi %mul3A_245, %add3A_382 : vector<16xi32>
        tpu.vector_store_idx %arg15[%add3A_383], %gather3A_380 : memref<2064xf32, #tpu.memory_space<vmem>>[vector<16xi32>], vector<16xf32>,
        %broadcast_in_dim3A_384 = arith.constant 23 : i32
        %broadcast_in_dim3A_385 = vector.broadcast %broadcast_in_dim3A_384 : i32 to vector<16xi32>
        %gather3A_386 = tpu.vector_load_idx %arg9[%broadcast_in_dim3A_242, %broadcast_in_dim3A_385, %min3A_226] : memref<2x32x513xf32, #tpu.memory_space<vmem>>[vector<16xi32>, vector<16xi32>, vector<16xi32>], vector<16xf32>,
        %add3A_387 = arith.constant 23 : i32
        %add3A_388 = vector.broadcast %add3A_387 : i32 to vector<16xi32>
        %add3A_389 = arith.addi %mul3A_245, %add3A_388 : vector<16xi32>
        tpu.vector_store_idx %arg15[%add3A_389], %gather3A_386 : memref<2064xf32, #tpu.memory_space<vmem>>[vector<16xi32>], vector<16xf32>,
        %broadcast_in_dim3A_390 = arith.constant 24 : i32
        %broadcast_in_dim3A_391 = vector.broadcast %broadcast_in_dim3A_390 : i32 to vector<16xi32>
        %gather3A_392 = tpu.vector_load_idx %arg9[%broadcast_in_dim3A_242, %broadcast_in_dim3A_391, %min3A_226] : memref<2x32x513xf32, #tpu.memory_space<vmem>>[vector<16xi32>, vector<16xi32>, vector<16xi32>], vector<16xf32>,
        %add3A_393 = arith.constant 24 : i32
        %add3A_394 = vector.broadcast %add3A_393 : i32 to vector<16xi32>
        %add3A_395 = arith.addi %mul3A_245, %add3A_394 : vector<16xi32>
        tpu.vector_store_idx %arg15[%add3A_395], %gather3A_392 : memref<2064xf32, #tpu.memory_space<vmem>>[vector<16xi32>], vector<16xf32>,
        %broadcast_in_dim3A_396 = arith.constant 25 : i32
        %broadcast_in_dim3A_397 = vector.broadcast %broadcast_in_dim3A_396 : i32 to vector<16xi32>
        %gather3A_398 = tpu.vector_load_idx %arg9[%broadcast_in_dim3A_242, %broadcast_in_dim3A_397, %min3A_226] : memref<2x32x513xf32, #tpu.memory_space<vmem>>[vector<16xi32>, vector<16xi32>, vector<16xi32>], vector<16xf32>,
        %add3A_399 = arith.constant 25 : i32
        %add3A_400 = vector.broadcast %add3A_399 : i32 to vector<16xi32>
        %add3A_401 = arith.addi %mul3A_245, %add3A_400 : vector<16xi32>
        tpu.vector_store_idx %arg15[%add3A_401], %gather3A_398 : memref<2064xf32, #tpu.memory_space<vmem>>[vector<16xi32>], vector<16xf32>,
        %broadcast_in_dim3A_402 = arith.constant 26 : i32
        %broadcast_in_dim3A_403 = vector.broadcast %broadcast_in_dim3A_402 : i32 to vector<16xi32>
        %gather3A_404 = tpu.vector_load_idx %arg9[%broadcast_in_dim3A_242, %broadcast_in_dim3A_403, %min3A_226] : memref<2x32x513xf32, #tpu.memory_space<vmem>>[vector<16xi32>, vector<16xi32>, vector<16xi32>], vector<16xf32>,
        %add3A_405 = arith.constant 26 : i32
        %add3A_406 = vector.broadcast %add3A_405 : i32 to vector<16xi32>
        %add3A_407 = arith.addi %mul3A_245, %add3A_406 : vector<16xi32>
        tpu.vector_store_idx %arg15[%add3A_407], %gather3A_404 : memref<2064xf32, #tpu.memory_space<vmem>>[vector<16xi32>], vector<16xf32>,
        %broadcast_in_dim3A_408 = arith.constant 27 : i32
        %broadcast_in_dim3A_409 = vector.broadcast %broadcast_in_dim3A_408 : i32 to vector<16xi32>
        %gather3A_410 = tpu.vector_load_idx %arg9[%broadcast_in_dim3A_242, %broadcast_in_dim3A_409, %min3A_226] : memref<2x32x513xf32, #tpu.memory_space<vmem>>[vector<16xi32>, vector<16xi32>, vector<16xi32>], vector<16xf32>,
        %add3A_411 = arith.constant 27 : i32
        %add3A_412 = vector.broadcast %add3A_411 : i32 to vector<16xi32>
        %add3A_413 = arith.addi %mul3A_245, %add3A_412 : vector<16xi32>
        tpu.vector_store_idx %arg15[%add3A_413], %gather3A_410 : memref<2064xf32, #tpu.memory_space<vmem>>[vector<16xi32>], vector<16xf32>,
        %broadcast_in_dim3A_414 = arith.constant 28 : i32
        %broadcast_in_dim3A_415 = vector.broadcast %broadcast_in_dim3A_414 : i32 to vector<16xi32>
        %gather3A_416 = tpu.vector_load_idx %arg9[%broadcast_in_dim3A_242, %broadcast_in_dim3A_415, %min3A_226] : memref<2x32x513xf32, #tpu.memory_space<vmem>>[vector<16xi32>, vector<16xi32>, vector<16xi32>], vector<16xf32>,
        %add3A_417 = arith.constant 28 : i32
        %add3A_418 = vector.broadcast %add3A_417 : i32 to vector<16xi32>
        %add3A_419 = arith.addi %mul3A_245, %add3A_418 : vector<16xi32>
        tpu.vector_store_idx %arg15[%add3A_419], %gather3A_416 : memref<2064xf32, #tpu.memory_space<vmem>>[vector<16xi32>], vector<16xf32>,
        %broadcast_in_dim3A_420 = arith.constant 29 : i32
        %broadcast_in_dim3A_421 = vector.broadcast %broadcast_in_dim3A_420 : i32 to vector<16xi32>
        %gather3A_422 = tpu.vector_load_idx %arg9[%broadcast_in_dim3A_242, %broadcast_in_dim3A_421, %min3A_226] : memref<2x32x513xf32, #tpu.memory_space<vmem>>[vector<16xi32>, vector<16xi32>, vector<16xi32>], vector<16xf32>,
        %add3A_423 = arith.constant 29 : i32
        %add3A_424 = vector.broadcast %add3A_423 : i32 to vector<16xi32>
        %add3A_425 = arith.addi %mul3A_245, %add3A_424 : vector<16xi32>
        tpu.vector_store_idx %arg15[%add3A_425], %gather3A_422 : memref<2064xf32, #tpu.memory_space<vmem>>[vector<16xi32>], vector<16xf32>,
        %broadcast_in_dim3A_426 = arith.constant 30 : i32
        %broadcast_in_dim3A_427 = vector.broadcast %broadcast_in_dim3A_426 : i32 to vector<16xi32>
        %gather3A_428 = tpu.vector_load_idx %arg9[%broadcast_in_dim3A_242, %broadcast_in_dim3A_427, %min3A_226] : memref<2x32x513xf32, #tpu.memory_space<vmem>>[vector<16xi32>, vector<16xi32>, vector<16xi32>], vector<16xf32>,
        %add3A_429 = arith.constant 30 : i32
        %add3A_430 = vector.broadcast %add3A_429 : i32 to vector<16xi32>
        %add3A_431 = arith.addi %mul3A_245, %add3A_430 : vector<16xi32>
        tpu.vector_store_idx %arg15[%add3A_431], %gather3A_428 : memref<2064xf32, #tpu.memory_space<vmem>>[vector<16xi32>], vector<16xf32>,
        %broadcast_in_dim3A_432 = arith.constant 31 : i32
        %broadcast_in_dim3A_433 = vector.broadcast %broadcast_in_dim3A_432 : i32 to vector<16xi32>
        %gather3A_434 = tpu.vector_load_idx %arg9[%broadcast_in_dim3A_242, %broadcast_in_dim3A_433, %min3A_226] : memref<2x32x513xf32, #tpu.memory_space<vmem>>[vector<16xi32>, vector<16xi32>, vector<16xi32>], vector<16xf32>,
        %add3A_435 = arith.constant 31 : i32
        %add3A_436 = vector.broadcast %add3A_435 : i32 to vector<16xi32>
        %add3A_437 = arith.addi %mul3A_245, %add3A_436 : vector<16xi32>
        tpu.vector_store_idx %arg15[%add3A_437], %gather3A_434 : memref<2064xf32, #tpu.memory_space<vmem>>[vector<16xi32>], vector<16xf32>,
        %jit3A_438 = arith.constant 2 : i32
        %eq3A_439 = arith.constant 0 : i32
        %eq3A_440 = arith.cmpi eq, %jit3A_438, %eq3A_439 : i32
        %jit3A_441 = arith.constant 1 : i32
        %select_n3A_442 = arith.select %eq3A_440, %jit3A_441, %jit3A_438 : i32
        %rem3A_443 = arith.remsi %while3A_200, %select_n3A_442 : i32
        %ne3A_444 = arith.constant 0 : i32
        %ne3A_445 = arith.cmpi ne, %rem3A_443, %ne3A_444 : i32
        %lt3A_446 = arith.constant 0 : i32
        %lt3A_447 = arith.cmpi slt, %rem3A_443, %lt3A_446 : i32
        %lt3A_448 = arith.constant 0 : i32
        %lt3A_449 = arith.cmpi slt, %select_n3A_442, %lt3A_448 : i32
        %ne3A_450 = arith.xori %lt3A_447, %lt3A_449 : i1
        %and3A_451 = arith.andi %ne3A_450, %ne3A_445 : i1
        %add3A_452 = arith.addi %rem3A_443, %select_n3A_442 : i32
        %select_n3A_453 = arith.select %and3A_451, %add3A_452, %rem3A_443 : i32
        %get3A_454 = arith.constant 0 : index
        %get3A_455 = tpu.vector_load %arg15[%get3A_454] {strides = array<i32>} : memref<2064xf32, #tpu.memory_space<vmem>>, vector<16xf32>,
        %swap3A_456 = arith.constant 0 : i32
        %swap3A_457 = arith.index_cast %select_n3A_453 : i32 to index
        %swap3A_458 = arith.index_cast %swap3A_456 : i32 to index
        %swap3A_459 = arith.constant 0 : index
        %swap3A_460 = tpu.vector_load %arg16[%swap3A_457, %swap3A_458, %swap3A_459] {strides = array<i32>} : memref<2x16x128xf32, #tpu.memory_space<vmem>>, vector<16xf32>,
        tpu.vector_store %arg16[%swap3A_457, %swap3A_458, %swap3A_459], %get3A_455 {strides = array<i32>} : memref<2x16x128xf32, #tpu.memory_space<vmem>>, vector<16xf32>,
        %get3A_461 = arith.constant 16 : index
        %get3A_462 = tpu.vector_load %arg15[%get3A_461] {strides = array<i32>} : memref<2064xf32, #tpu.memory_space<vmem>>, vector<16xf32>,
        %swap3A_463 = arith.constant 0 : i32
        %swap3A_464 = arith.index_cast %select_n3A_453 : i32 to index
        %swap3A_465 = arith.index_cast %swap3A_463 : i32 to index
        %swap3A_466 = arith.constant 16 : index
        %swap3A_467 = tpu.vector_load %arg16[%swap3A_464, %swap3A_465, %swap3A_466] {strides = array<i32>} : memref<2x16x128xf32, #tpu.memory_space<vmem>>, vector<16xf32>,
        tpu.vector_store %arg16[%swap3A_464, %swap3A_465, %swap3A_466], %get3A_462 {strides = array<i32>} : memref<2x16x128xf32, #tpu.memory_space<vmem>>, vector<16xf32>,
        %get3A_468 = arith.constant 129 : index
        %get3A_469 = tpu.vector_load %arg15[%get3A_468] {strides = array<i32>} : memref<2064xf32, #tpu.memory_space<vmem>>, vector<16xf32>,
        %swap3A_470 = arith.constant 1 : i32
        %swap3A_471 = arith.index_cast %select_n3A_453 : i32 to index
        %swap3A_472 = arith.index_cast %swap3A_470 : i32 to index
        %swap3A_473 = arith.constant 0 : index
        %swap3A_474 = tpu.vector_load %arg16[%swap3A_471, %swap3A_472, %swap3A_473] {strides = array<i32>} : memref<2x16x128xf32, #tpu.memory_space<vmem>>, vector<16xf32>,
        tpu.vector_store %arg16[%swap3A_471, %swap3A_472, %swap3A_473], %get3A_469 {strides = array<i32>} : memref<2x16x128xf32, #tpu.memory_space<vmem>>, vector<16xf32>,
        %get3A_475 = arith.constant 145 : index
        %get3A_476 = tpu.vector_load %arg15[%get3A_475] {strides = array<i32>} : memref<2064xf32, #tpu.memory_space<vmem>>, vector<16xf32>,
        %swap3A_477 = arith.constant 1 : i32
        %swap3A_478 = arith.index_cast %select_n3A_453 : i32 to index
        %swap3A_479 = arith.index_cast %swap3A_477 : i32 to index
        %swap3A_480 = arith.constant 16 : index
        %swap3A_481 = tpu.vector_load %arg16[%swap3A_478, %swap3A_479, %swap3A_480] {strides = array<i32>} : memref<2x16x128xf32, #tpu.memory_space<vmem>>, vector<16xf32>,
        tpu.vector_store %arg16[%swap3A_478, %swap3A_479, %swap3A_480], %get3A_476 {strides = array<i32>} : memref<2x16x128xf32, #tpu.memory_space<vmem>>, vector<16xf32>,
        %get3A_482 = arith.constant 258 : index
        %get3A_483 = tpu.vector_load %arg15[%get3A_482] {strides = array<i32>} : memref<2064xf32, #tpu.memory_space<vmem>>, vector<16xf32>,
        %swap3A_484 = arith.constant 2 : i32
        %swap3A_485 = arith.index_cast %select_n3A_453 : i32 to index
        %swap3A_486 = arith.index_cast %swap3A_484 : i32 to index
        %swap3A_487 = arith.constant 0 : index
        %swap3A_488 = tpu.vector_load %arg16[%swap3A_485, %swap3A_486, %swap3A_487] {strides = array<i32>} : memref<2x16x128xf32, #tpu.memory_space<vmem>>, vector<16xf32>,
        tpu.vector_store %arg16[%swap3A_485, %swap3A_486, %swap3A_487], %get3A_483 {strides = array<i32>} : memref<2x16x128xf32, #tpu.memory_space<vmem>>, vector<16xf32>,
        %get3A_489 = arith.constant 274 : index
        %get3A_490 = tpu.vector_load %arg15[%get3A_489] {strides = array<i32>} : memref<2064xf32, #tpu.memory_space<vmem>>, vector<16xf32>,
        %swap3A_491 = arith.constant 2 : i32
        %swap3A_492 = arith.index_cast %select_n3A_453 : i32 to index
        %swap3A_493 = arith.index_cast %swap3A_491 : i32 to index
        %swap3A_494 = arith.constant 16 : index
        %swap3A_495 = tpu.vector_load %arg16[%swap3A_492, %swap3A_493, %swap3A_494] {strides = array<i32>} : memref<2x16x128xf32, #tpu.memory_space<vmem>>, vector<16xf32>,
        tpu.vector_store %arg16[%swap3A_492, %swap3A_493, %swap3A_494], %get3A_490 {strides = array<i32>} : memref<2x16x128xf32, #tpu.memory_space<vmem>>, vector<16xf32>,
        %get3A_496 = arith.constant 387 : index
        %get3A_497 = tpu.vector_load %arg15[%get3A_496] {strides = array<i32>} : memref<2064xf32, #tpu.memory_space<vmem>>, vector<16xf32>,
        %swap3A_498 = arith.constant 3 : i32
        %swap3A_499 = arith.index_cast %select_n3A_453 : i32 to index
        %swap3A_500 = arith.index_cast %swap3A_498 : i32 to index
        %swap3A_501 = arith.constant 0 : index
        %swap3A_502 = tpu.vector_load %arg16[%swap3A_499, %swap3A_500, %swap3A_501] {strides = array<i32>} : memref<2x16x128xf32, #tpu.memory_space<vmem>>, vector<16xf32>,
        tpu.vector_store %arg16[%swap3A_499, %swap3A_500, %swap3A_501], %get3A_497 {strides = array<i32>} : memref<2x16x128xf32, #tpu.memory_space<vmem>>, vector<16xf32>,
        %get3A_503 = arith.constant 403 : index
        %get3A_504 = tpu.vector_load %arg15[%get3A_503] {strides = array<i32>} : memref<2064xf32, #tpu.memory_space<vmem>>, vector<16xf32>,
        %swap3A_505 = arith.constant 3 : i32
        %swap3A_506 = arith.index_cast %select_n3A_453 : i32 to index
        %swap3A_507 = arith.index_cast %swap3A_505 : i32 to index
        %swap3A_508 = arith.constant 16 : index
        %swap3A_509 = tpu.vector_load %arg16[%swap3A_506, %swap3A_507, %swap3A_508] {strides = array<i32>} : memref<2x16x128xf32, #tpu.memory_space<vmem>>, vector<16xf32>,
        tpu.vector_store %arg16[%swap3A_506, %swap3A_507, %swap3A_508], %get3A_504 {strides = array<i32>} : memref<2x16x128xf32, #tpu.memory_space<vmem>>, vector<16xf32>,
        %get3A_510 = arith.constant 516 : index
        %get3A_511 = tpu.vector_load %arg15[%get3A_510] {strides = array<i32>} : memref<2064xf32, #tpu.memory_space<vmem>>, vector<16xf32>,
        %swap3A_512 = arith.constant 4 : i32
        %swap3A_513 = arith.index_cast %select_n3A_453 : i32 to index
        %swap3A_514 = arith.index_cast %swap3A_512 : i32 to index
        %swap3A_515 = arith.constant 0 : index
        %swap3A_516 = tpu.vector_load %arg16[%swap3A_513, %swap3A_514, %swap3A_515] {strides = array<i32>} : memref<2x16x128xf32, #tpu.memory_space<vmem>>, vector<16xf32>,
        tpu.vector_store %arg16[%swap3A_513, %swap3A_514, %swap3A_515], %get3A_511 {strides = array<i32>} : memref<2x16x128xf32, #tpu.memory_space<vmem>>, vector<16xf32>,
        %get3A_517 = arith.constant 532 : index
        %get3A_518 = tpu.vector_load %arg15[%get3A_517] {strides = array<i32>} : memref<2064xf32, #tpu.memory_space<vmem>>, vector<16xf32>,
        %swap3A_519 = arith.constant 4 : i32
        %swap3A_520 = arith.index_cast %select_n3A_453 : i32 to index
        %swap3A_521 = arith.index_cast %swap3A_519 : i32 to index
        %swap3A_522 = arith.constant 16 : index
        %swap3A_523 = tpu.vector_load %arg16[%swap3A_520, %swap3A_521, %swap3A_522] {strides = array<i32>} : memref<2x16x128xf32, #tpu.memory_space<vmem>>, vector<16xf32>,
        tpu.vector_store %arg16[%swap3A_520, %swap3A_521, %swap3A_522], %get3A_518 {strides = array<i32>} : memref<2x16x128xf32, #tpu.memory_space<vmem>>, vector<16xf32>,
        %get3A_524 = arith.constant 645 : index
        %get3A_525 = tpu.vector_load %arg15[%get3A_524] {strides = array<i32>} : memref<2064xf32, #tpu.memory_space<vmem>>, vector<16xf32>,
        %swap3A_526 = arith.constant 5 : i32
        %swap3A_527 = arith.index_cast %select_n3A_453 : i32 to index
        %swap3A_528 = arith.index_cast %swap3A_526 : i32 to index
        %swap3A_529 = arith.constant 0 : index
        %swap3A_530 = tpu.vector_load %arg16[%swap3A_527, %swap3A_528, %swap3A_529] {strides = array<i32>} : memref<2x16x128xf32, #tpu.memory_space<vmem>>, vector<16xf32>,
        tpu.vector_store %arg16[%swap3A_527, %swap3A_528, %swap3A_529], %get3A_525 {strides = array<i32>} : memref<2x16x128xf32, #tpu.memory_space<vmem>>, vector<16xf32>,
        %get3A_531 = arith.constant 661 : index
        %get3A_532 = tpu.vector_load %arg15[%get3A_531] {strides = array<i32>} : memref<2064xf32, #tpu.memory_space<vmem>>, vector<16xf32>,
        %swap3A_533 = arith.constant 5 : i32
        %swap3A_534 = arith.index_cast %select_n3A_453 : i32 to index
        %swap3A_535 = arith.index_cast %swap3A_533 : i32 to index
        %swap3A_536 = arith.constant 16 : index
        %swap3A_537 = tpu.vector_load %arg16[%swap3A_534, %swap3A_535, %swap3A_536] {strides = array<i32>} : memref<2x16x128xf32, #tpu.memory_space<vmem>>, vector<16xf32>,
        tpu.vector_store %arg16[%swap3A_534, %swap3A_535, %swap3A_536], %get3A_532 {strides = array<i32>} : memref<2x16x128xf32, #tpu.memory_space<vmem>>, vector<16xf32>,
        %get3A_538 = arith.constant 774 : index
        %get3A_539 = tpu.vector_load %arg15[%get3A_538] {strides = array<i32>} : memref<2064xf32, #tpu.memory_space<vmem>>, vector<16xf32>,
        %swap3A_540 = arith.constant 6 : i32
        %swap3A_541 = arith.index_cast %select_n3A_453 : i32 to index
        %swap3A_542 = arith.index_cast %swap3A_540 : i32 to index
        %swap3A_543 = arith.constant 0 : index
        %swap3A_544 = tpu.vector_load %arg16[%swap3A_541, %swap3A_542, %swap3A_543] {strides = array<i32>} : memref<2x16x128xf32, #tpu.memory_space<vmem>>, vector<16xf32>,
        tpu.vector_store %arg16[%swap3A_541, %swap3A_542, %swap3A_543], %get3A_539 {strides = array<i32>} : memref<2x16x128xf32, #tpu.memory_space<vmem>>, vector<16xf32>,
        %get3A_545 = arith.constant 790 : index
        %get3A_546 = tpu.vector_load %arg15[%get3A_545] {strides = array<i32>} : memref<2064xf32, #tpu.memory_space<vmem>>, vector<16xf32>,
        %swap3A_547 = arith.constant 6 : i32
        %swap3A_548 = arith.index_cast %select_n3A_453 : i32 to index
        %swap3A_549 = arith.index_cast %swap3A_547 : i32 to index
        %swap3A_550 = arith.constant 16 : index
        %swap3A_551 = tpu.vector_load %arg16[%swap3A_548, %swap3A_549, %swap3A_550] {strides = array<i32>} : memref<2x16x128xf32, #tpu.memory_space<vmem>>, vector<16xf32>,
        tpu.vector_store %arg16[%swap3A_548, %swap3A_549, %swap3A_550], %get3A_546 {strides = array<i32>} : memref<2x16x128xf32, #tpu.memory_space<vmem>>, vector<16xf32>,
        %get3A_552 = arith.constant 903 : index
        %get3A_553 = tpu.vector_load %arg15[%get3A_552] {strides = array<i32>} : memref<2064xf32, #tpu.memory_space<vmem>>, vector<16xf32>,
        %swap3A_554 = arith.constant 7 : i32
        %swap3A_555 = arith.index_cast %select_n3A_453 : i32 to index
        %swap3A_556 = arith.index_cast %swap3A_554 : i32 to index
        %swap3A_557 = arith.constant 0 : index
        %swap3A_558 = tpu.vector_load %arg16[%swap3A_555, %swap3A_556, %swap3A_557] {strides = array<i32>} : memref<2x16x128xf32, #tpu.memory_space<vmem>>, vector<16xf32>,
        tpu.vector_store %arg16[%swap3A_555, %swap3A_556, %swap3A_557], %get3A_553 {strides = array<i32>} : memref<2x16x128xf32, #tpu.memory_space<vmem>>, vector<16xf32>,
        %get3A_559 = arith.constant 919 : index
        %get3A_560 = tpu.vector_load %arg15[%get3A_559] {strides = array<i32>} : memref<2064xf32, #tpu.memory_space<vmem>>, vector<16xf32>,
        %swap3A_561 = arith.constant 7 : i32
        %swap3A_562 = arith.index_cast %select_n3A_453 : i32 to index
        %swap3A_563 = arith.index_cast %swap3A_561 : i32 to index
        %swap3A_564 = arith.constant 16 : index
        %swap3A_565 = tpu.vector_load %arg16[%swap3A_562, %swap3A_563, %swap3A_564] {strides = array<i32>} : memref<2x16x128xf32, #tpu.memory_space<vmem>>, vector<16xf32>,
        tpu.vector_store %arg16[%swap3A_562, %swap3A_563, %swap3A_564], %get3A_560 {strides = array<i32>} : memref<2x16x128xf32, #tpu.memory_space<vmem>>, vector<16xf32>,
        %get3A_566 = arith.constant 1032 : index
        %get3A_567 = tpu.vector_load %arg15[%get3A_566] {strides = array<i32>} : memref<2064xf32, #tpu.memory_space<vmem>>, vector<16xf32>,
        %swap3A_568 = arith.constant 8 : i32
        %swap3A_569 = arith.index_cast %select_n3A_453 : i32 to index
        %swap3A_570 = arith.index_cast %swap3A_568 : i32 to index
        %swap3A_571 = arith.constant 0 : index
        %swap3A_572 = tpu.vector_load %arg16[%swap3A_569, %swap3A_570, %swap3A_571] {strides = array<i32>} : memref<2x16x128xf32, #tpu.memory_space<vmem>>, vector<16xf32>,
        tpu.vector_store %arg16[%swap3A_569, %swap3A_570, %swap3A_571], %get3A_567 {strides = array<i32>} : memref<2x16x128xf32, #tpu.memory_space<vmem>>, vector<16xf32>,
        %get3A_573 = arith.constant 1048 : index
        %get3A_574 = tpu.vector_load %arg15[%get3A_573] {strides = array<i32>} : memref<2064xf32, #tpu.memory_space<vmem>>, vector<16xf32>,
        %swap3A_575 = arith.constant 8 : i32
        %swap3A_576 = arith.index_cast %select_n3A_453 : i32 to index
        %swap3A_577 = arith.index_cast %swap3A_575 : i32 to index
        %swap3A_578 = arith.constant 16 : index
        %swap3A_579 = tpu.vector_load %arg16[%swap3A_576, %swap3A_577, %swap3A_578] {strides = array<i32>} : memref<2x16x128xf32, #tpu.memory_space<vmem>>, vector<16xf32>,
        tpu.vector_store %arg16[%swap3A_576, %swap3A_577, %swap3A_578], %get3A_574 {strides = array<i32>} : memref<2x16x128xf32, #tpu.memory_space<vmem>>, vector<16xf32>,
        %get3A_580 = arith.constant 1161 : index
        %get3A_581 = tpu.vector_load %arg15[%get3A_580] {strides = array<i32>} : memref<2064xf32, #tpu.memory_space<vmem>>, vector<16xf32>,
        %swap3A_582 = arith.constant 9 : i32
        %swap3A_583 = arith.index_cast %select_n3A_453 : i32 to index
        %swap3A_584 = arith.index_cast %swap3A_582 : i32 to index
        %swap3A_585 = arith.constant 0 : index
        %swap3A_586 = tpu.vector_load %arg16[%swap3A_583, %swap3A_584, %swap3A_585] {strides = array<i32>} : memref<2x16x128xf32, #tpu.memory_space<vmem>>, vector<16xf32>,
        tpu.vector_store %arg16[%swap3A_583, %swap3A_584, %swap3A_585], %get3A_581 {strides = array<i32>} : memref<2x16x128xf32, #tpu.memory_space<vmem>>, vector<16xf32>,
        %get3A_587 = arith.constant 1177 : index
        %get3A_588 = tpu.vector_load %arg15[%get3A_587] {strides = array<i32>} : memref<2064xf32, #tpu.memory_space<vmem>>, vector<16xf32>,
        %swap3A_589 = arith.constant 9 : i32
        %swap3A_590 = arith.index_cast %select_n3A_453 : i32 to index
        %swap3A_591 = arith.index_cast %swap3A_589 : i32 to index
        %swap3A_592 = arith.constant 16 : index
        %swap3A_593 = tpu.vector_load %arg16[%swap3A_590, %swap3A_591, %swap3A_592] {strides = array<i32>} : memref<2x16x128xf32, #tpu.memory_space<vmem>>, vector<16xf32>,
        tpu.vector_store %arg16[%swap3A_590, %swap3A_591, %swap3A_592], %get3A_588 {strides = array<i32>} : memref<2x16x128xf32, #tpu.memory_space<vmem>>, vector<16xf32>,
        %get3A_594 = arith.constant 1290 : index
        %get3A_595 = tpu.vector_load %arg15[%get3A_594] {strides = array<i32>} : memref<2064xf32, #tpu.memory_space<vmem>>, vector<16xf32>,
        %swap3A_596 = arith.constant 10 : i32
        %swap3A_597 = arith.index_cast %select_n3A_453 : i32 to index
        %swap3A_598 = arith.index_cast %swap3A_596 : i32 to index
        %swap3A_599 = arith.constant 0 : index
        %swap3A_600 = tpu.vector_load %arg16[%swap3A_597, %swap3A_598, %swap3A_599] {strides = array<i32>} : memref<2x16x128xf32, #tpu.memory_space<vmem>>, vector<16xf32>,
        tpu.vector_store %arg16[%swap3A_597, %swap3A_598, %swap3A_599], %get3A_595 {strides = array<i32>} : memref<2x16x128xf32, #tpu.memory_space<vmem>>, vector<16xf32>,
        %get3A_601 = arith.constant 1306 : index
        %get3A_602 = tpu.vector_load %arg15[%get3A_601] {strides = array<i32>} : memref<2064xf32, #tpu.memory_space<vmem>>, vector<16xf32>,
        %swap3A_603 = arith.constant 10 : i32
        %swap3A_604 = arith.index_cast %select_n3A_453 : i32 to index
        %swap3A_605 = arith.index_cast %swap3A_603 : i32 to index
        %swap3A_606 = arith.constant 16 : index
        %swap3A_607 = tpu.vector_load %arg16[%swap3A_604, %swap3A_605, %swap3A_606] {strides = array<i32>} : memref<2x16x128xf32, #tpu.memory_space<vmem>>, vector<16xf32>,
        tpu.vector_store %arg16[%swap3A_604, %swap3A_605, %swap3A_606], %get3A_602 {strides = array<i32>} : memref<2x16x128xf32, #tpu.memory_space<vmem>>, vector<16xf32>,
        %get3A_608 = arith.constant 1419 : index
        %get3A_609 = tpu.vector_load %arg15[%get3A_608] {strides = array<i32>} : memref<2064xf32, #tpu.memory_space<vmem>>, vector<16xf32>,
        %swap3A_610 = arith.constant 11 : i32
        %swap3A_611 = arith.index_cast %select_n3A_453 : i32 to index
        %swap3A_612 = arith.index_cast %swap3A_610 : i32 to index
        %swap3A_613 = arith.constant 0 : index
        %swap3A_614 = tpu.vector_load %arg16[%swap3A_611, %swap3A_612, %swap3A_613] {strides = array<i32>} : memref<2x16x128xf32, #tpu.memory_space<vmem>>, vector<16xf32>,
        tpu.vector_store %arg16[%swap3A_611, %swap3A_612, %swap3A_613], %get3A_609 {strides = array<i32>} : memref<2x16x128xf32, #tpu.memory_space<vmem>>, vector<16xf32>,
        %get3A_615 = arith.constant 1435 : index
        %get3A_616 = tpu.vector_load %arg15[%get3A_615] {strides = array<i32>} : memref<2064xf32, #tpu.memory_space<vmem>>, vector<16xf32>,
        %swap3A_617 = arith.constant 11 : i32
        %swap3A_618 = arith.index_cast %select_n3A_453 : i32 to index
        %swap3A_619 = arith.index_cast %swap3A_617 : i32 to index
        %swap3A_620 = arith.constant 16 : index
        %swap3A_621 = tpu.vector_load %arg16[%swap3A_618, %swap3A_619, %swap3A_620] {strides = array<i32>} : memref<2x16x128xf32, #tpu.memory_space<vmem>>, vector<16xf32>,
        tpu.vector_store %arg16[%swap3A_618, %swap3A_619, %swap3A_620], %get3A_616 {strides = array<i32>} : memref<2x16x128xf32, #tpu.memory_space<vmem>>, vector<16xf32>,
        %get3A_622 = arith.constant 1548 : index
        %get3A_623 = tpu.vector_load %arg15[%get3A_622] {strides = array<i32>} : memref<2064xf32, #tpu.memory_space<vmem>>, vector<16xf32>,
        %swap3A_624 = arith.constant 12 : i32
        %swap3A_625 = arith.index_cast %select_n3A_453 : i32 to index
        %swap3A_626 = arith.index_cast %swap3A_624 : i32 to index
        %swap3A_627 = arith.constant 0 : index
        %swap3A_628 = tpu.vector_load %arg16[%swap3A_625, %swap3A_626, %swap3A_627] {strides = array<i32>} : memref<2x16x128xf32, #tpu.memory_space<vmem>>, vector<16xf32>,
        tpu.vector_store %arg16[%swap3A_625, %swap3A_626, %swap3A_627], %get3A_623 {strides = array<i32>} : memref<2x16x128xf32, #tpu.memory_space<vmem>>, vector<16xf32>,
        %get3A_629 = arith.constant 1564 : index
        %get3A_630 = tpu.vector_load %arg15[%get3A_629] {strides = array<i32>} : memref<2064xf32, #tpu.memory_space<vmem>>, vector<16xf32>,
        %swap3A_631 = arith.constant 12 : i32
        %swap3A_632 = arith.index_cast %select_n3A_453 : i32 to index
        %swap3A_633 = arith.index_cast %swap3A_631 : i32 to index
        %swap3A_634 = arith.constant 16 : index
        %swap3A_635 = tpu.vector_load %arg16[%swap3A_632, %swap3A_633, %swap3A_634] {strides = array<i32>} : memref<2x16x128xf32, #tpu.memory_space<vmem>>, vector<16xf32>,
        tpu.vector_store %arg16[%swap3A_632, %swap3A_633, %swap3A_634], %get3A_630 {strides = array<i32>} : memref<2x16x128xf32, #tpu.memory_space<vmem>>, vector<16xf32>,
        %get3A_636 = arith.constant 1677 : index
        %get3A_637 = tpu.vector_load %arg15[%get3A_636] {strides = array<i32>} : memref<2064xf32, #tpu.memory_space<vmem>>, vector<16xf32>,
        %swap3A_638 = arith.constant 13 : i32
        %swap3A_639 = arith.index_cast %select_n3A_453 : i32 to index
        %swap3A_640 = arith.index_cast %swap3A_638 : i32 to index
        %swap3A_641 = arith.constant 0 : index
        %swap3A_642 = tpu.vector_load %arg16[%swap3A_639, %swap3A_640, %swap3A_641] {strides = array<i32>} : memref<2x16x128xf32, #tpu.memory_space<vmem>>, vector<16xf32>,
        tpu.vector_store %arg16[%swap3A_639, %swap3A_640, %swap3A_641], %get3A_637 {strides = array<i32>} : memref<2x16x128xf32, #tpu.memory_space<vmem>>, vector<16xf32>,
        %get3A_643 = arith.constant 1693 : index
        %get3A_644 = tpu.vector_load %arg15[%get3A_643] {strides = array<i32>} : memref<2064xf32, #tpu.memory_space<vmem>>, vector<16xf32>,
        %swap3A_645 = arith.constant 13 : i32
        %swap3A_646 = arith.index_cast %select_n3A_453 : i32 to index
        %swap3A_647 = arith.index_cast %swap3A_645 : i32 to index
        %swap3A_648 = arith.constant 16 : index
        %swap3A_649 = tpu.vector_load %arg16[%swap3A_646, %swap3A_647, %swap3A_648] {strides = array<i32>} : memref<2x16x128xf32, #tpu.memory_space<vmem>>, vector<16xf32>,
        tpu.vector_store %arg16[%swap3A_646, %swap3A_647, %swap3A_648], %get3A_644 {strides = array<i32>} : memref<2x16x128xf32, #tpu.memory_space<vmem>>, vector<16xf32>,
        %get3A_650 = arith.constant 1806 : index
        %get3A_651 = tpu.vector_load %arg15[%get3A_650] {strides = array<i32>} : memref<2064xf32, #tpu.memory_space<vmem>>, vector<16xf32>,
        %swap3A_652 = arith.constant 14 : i32
        %swap3A_653 = arith.index_cast %select_n3A_453 : i32 to index
        %swap3A_654 = arith.index_cast %swap3A_652 : i32 to index
        %swap3A_655 = arith.constant 0 : index
        %swap3A_656 = tpu.vector_load %arg16[%swap3A_653, %swap3A_654, %swap3A_655] {strides = array<i32>} : memref<2x16x128xf32, #tpu.memory_space<vmem>>, vector<16xf32>,
        tpu.vector_store %arg16[%swap3A_653, %swap3A_654, %swap3A_655], %get3A_651 {strides = array<i32>} : memref<2x16x128xf32, #tpu.memory_space<vmem>>, vector<16xf32>,
        %get3A_657 = arith.constant 1822 : index
        %get3A_658 = tpu.vector_load %arg15[%get3A_657] {strides = array<i32>} : memref<2064xf32, #tpu.memory_space<vmem>>, vector<16xf32>,
        %swap3A_659 = arith.constant 14 : i32
        %swap3A_660 = arith.index_cast %select_n3A_453 : i32 to index
        %swap3A_661 = arith.index_cast %swap3A_659 : i32 to index
        %swap3A_662 = arith.constant 16 : index
        %swap3A_663 = tpu.vector_load %arg16[%swap3A_660, %swap3A_661, %swap3A_662] {strides = array<i32>} : memref<2x16x128xf32, #tpu.memory_space<vmem>>, vector<16xf32>,
        tpu.vector_store %arg16[%swap3A_660, %swap3A_661, %swap3A_662], %get3A_658 {strides = array<i32>} : memref<2x16x128xf32, #tpu.memory_space<vmem>>, vector<16xf32>,
        %get3A_664 = arith.constant 1935 : index
        %get3A_665 = tpu.vector_load %arg15[%get3A_664] {strides = array<i32>} : memref<2064xf32, #tpu.memory_space<vmem>>, vector<16xf32>,
        %swap3A_666 = arith.constant 15 : i32
        %swap3A_667 = arith.index_cast %select_n3A_453 : i32 to index
        %swap3A_668 = arith.index_cast %swap3A_666 : i32 to index
        %swap3A_669 = arith.constant 0 : index
        %swap3A_670 = tpu.vector_load %arg16[%swap3A_667, %swap3A_668, %swap3A_669] {strides = array<i32>} : memref<2x16x128xf32, #tpu.memory_space<vmem>>, vector<16xf32>,
        tpu.vector_store %arg16[%swap3A_667, %swap3A_668, %swap3A_669], %get3A_665 {strides = array<i32>} : memref<2x16x128xf32, #tpu.memory_space<vmem>>, vector<16xf32>,
        %get3A_671 = arith.constant 1951 : index
        %get3A_672 = tpu.vector_load %arg15[%get3A_671] {strides = array<i32>} : memref<2064xf32, #tpu.memory_space<vmem>>, vector<16xf32>,
        %swap3A_673 = arith.constant 15 : i32
        %swap3A_674 = arith.index_cast %select_n3A_453 : i32 to index
        %swap3A_675 = arith.index_cast %swap3A_673 : i32 to index
        %swap3A_676 = arith.constant 16 : index
        %swap3A_677 = tpu.vector_load %arg16[%swap3A_674, %swap3A_675, %swap3A_676] {strides = array<i32>} : memref<2x16x128xf32, #tpu.memory_space<vmem>>, vector<16xf32>,
        tpu.vector_store %arg16[%swap3A_674, %swap3A_675, %swap3A_676], %get3A_672 {strides = array<i32>} : memref<2x16x128xf32, #tpu.memory_space<vmem>>, vector<16xf32>,
        %broadcast_in_dim3A_678 = arith.constant 16390 : i32
        %broadcast_in_dim3A_679 = vector.broadcast %broadcast_in_dim3A_678 : i32 to vector<16xi32>
        %select_n3A_680 = arith.select %lt3A_219, %get3A_213, %broadcast_in_dim3A_679 : vector<16xi1>, vector<16xi32>
        %dma_start3A_681 = arith.constant 0 : i32
        %dma_start3A_682 = arith.constant 0 : i32
        %dma_start3A_683 = tpu.memref_slice %arg16[%select_n3A_453, %dma_start3A_681, %dma_start3A_682] : memref<2x16x128xf32, #tpu.memory_space<vmem>> -> memref<1x16x128xf32, #tpu.memory_space<vmem>>
        %dma_start3A_684 = tpu.memref_squeeze %dma_start3A_683 : memref<1x16x128xf32, #tpu.memory_space<vmem>> -> memref<16x128xf32, #tpu.memory_space<vmem>>
        %dma_start3A_685 = arith.constant 0 : i32
        %dma_start3A_686 = arith.constant 0 : i32
        %dma_start3A_687 = tpu.memref_slice %arg7[%dma_start3A_685, %dma_start3A_686] : memref<16392x128xf32, #tpu.memory_space<hbm>> -> memref<16392x128xf32, #tpu.memory_space<hbm>>
        tpu.enqueue_indirect_dma source(%dma_start3A_684 : memref<16x128xf32, #tpu.memory_space<vmem>>) target(%dma_start3A_687 : memref<16392x128xf32, #tpu.memory_space<hbm>>) offsets(%select_n3A_680 : vector<16xi32>) semaphore(%arg18 : memref<!tpu.dma_semaphore, #tpu.memory_space<semaphore_mem>>)
        %add3A_688 = arith.constant 1 : i32
        %add3A_689 = arith.addi %while3A_200, %add3A_688 : i32
        scf.yield %add3A_689 : i32
      }
      %while3A_197 = arith.constant 1 : i32
      %while3A_198 = scf.for %while3A_199 = %while3A_194 to %while3A_190 step %while3A_197 iter_args(%while3A_200 = %while3A_196) -> (i32)  : i32 {
        %ge3A_201 = arith.constant 2 : i32
        %ge3A_202 = arith.cmpi sge, %while3A_200, %ge3A_201 : i32
        %convert_element_type3A_203 = arith.extui %ge3A_202 : i1 to i32
        %cond3A_204 = arith.constant 0 : i32
        %cond3A_205 = arith.cmpi ne, %convert_element_type3A_203, %cond3A_204 : i32
        scf.if %cond3A_205 {
          %dma_wait3A_690 = arith.constant 0 : i32
          %dma_wait3A_691 = arith.constant 0 : i32
          %dma_wait3A_692 = arith.constant 0 : i32
          %dma_wait3A_693 = tpu.memref_slice %arg16[%dma_wait3A_690, %dma_wait3A_691, %dma_wait3A_692] : memref<2x16x128xf32, #tpu.memory_space<vmem>> -> memref<1x16x128xf32, #tpu.memory_space<vmem>>
          %dma_wait3A_694 = tpu.memref_squeeze %dma_wait3A_693 : memref<1x16x128xf32, #tpu.memory_space<vmem>> -> memref<16x128xf32, #tpu.memory_space<vmem>>
          %dma_wait3A_695 = arith.constant 0 : i32
          %dma_wait3A_696 = arith.constant 0 : i32
          %dma_wait3A_697 = tpu.memref_slice %arg7[%dma_wait3A_695, %dma_wait3A_696] : memref<16392x128xf32, #tpu.memory_space<hbm>> -> memref<16x128xf32, #tpu.memory_space<hbm>>
          %dma_wait3A_698 = arith.constant 0 : i32
          %dma_wait3A_699 = arith.constant 0 : i32
          %dma_wait3A_700 = tpu.memref_slice %arg16[%dma_wait3A_690, %dma_wait3A_698, %dma_wait3A_699] : memref<2x16x128xf32, #tpu.memory_space<vmem>> -> memref<1x16x128xf32, #tpu.memory_space<vmem>>
          %dma_wait3A_701 = tpu.memref_squeeze %dma_wait3A_700 : memref<1x16x128xf32, #tpu.memory_space<vmem>> -> memref<16x128xf32, #tpu.memory_space<vmem>>
          %dma_wait3A_702 = arith.constant 0 : i32
          %dma_wait3A_703 = arith.constant 0 : i32
          %dma_wait3A_704 = tpu.memref_slice %arg7[%dma_wait3A_702, %dma_wait3A_703] : memref<16392x128xf32, #tpu.memory_space<hbm>> -> memref<16x128xf32, #tpu.memory_space<hbm>>
          tpu.wait_dma2 semaphore(%arg18 : memref<!tpu.dma_semaphore, #tpu.memory_space<semaphore_mem>>) src(%dma_wait3A_704 : memref<16x128xf32, #tpu.memory_space<hbm>>) dst(%dma_wait3A_701 : memref<16x128xf32, #tpu.memory_space<vmem>>)
        } else {
        }
        %mul3A_206 = arith.constant 48 : i32
        %mul3A_207 = arith.muli %while3A_132, %mul3A_206 : i32
        %mul3A_208 = arith.constant 16 : i32
        %mul3A_209 = arith.muli %while3A_199, %mul3A_208 : i32
        %add3A_210 = arith.addi %mul3A_207, %mul3A_209 : i32
        %get3A = arith.index_cast %add3A_210 : i32 to index
        %get3A_211 = tpu.vector_load %arg10[%get3A] {strides = array<i32>} : memref<3072xi32, #tpu.memory_space<vmem>>, vector<16xi32>,
        %get3A_212 = arith.index_cast %add3A_210 : i32 to index
        %get3A_213 = tpu.vector_load %arg11[%get3A_212] {strides = array<i32>} : memref<3072xi32, #tpu.memory_space<vmem>>, vector<16xi32>,
        %mul3A_214 = arith.constant 16 : i32
        %mul3A_215 = arith.muli %while3A_199, %mul3A_214 : i32
        %add3A_216 = vector.broadcast %mul3A_215 : i32 to vector<16xi32>
        %add3A_217 = arith.addi %add3A_216, %iota3A : vector<16xi32>
        %lt3A_218 = vector.broadcast %squeeze3A : i32 to vector<16xi32>
        %lt3A_219 = arith.cmpi slt, %add3A_217, %lt3A_218 : vector<16xi32>
        %sub3A_220 = vector.broadcast %min3A_158 : i32 to vector<16xi32>
        %sub3A_221 = arith.subi %get3A_211, %sub3A_220 : vector<16xi32>
        %jit3A_222 = arith.constant 0 : i32
        %jit3A_223 = arith.constant 511 : i32
        %max3A = vector.broadcast %jit3A_222 : i32 to vector<16xi32>
        %max3A_224 = arith.maxsi %max3A, %sub3A_221 : vector<16xi32>
        %min3A_225 = vector.broadcast %jit3A_223 : i32 to vector<16xi32>
        %min3A_226 = arith.minsi %min3A_225, %max3A_224 : vector<16xi32>
        %jit3A_227 = arith.constant 2 : i32
        %eq3A = arith.constant 0 : i32
        %eq3A_228 = arith.cmpi eq, %jit3A_227, %eq3A : i32
        %jit3A_229 = arith.constant 1 : i32
        %select_n3A_230 = arith.select %eq3A_228, %jit3A_229, %jit3A_227 : i32
        %rem3A_231 = arith.remsi %while3A_132, %select_n3A_230 : i32
        %ne3A_232 = arith.constant 0 : i32
        %ne3A_233 = arith.cmpi ne, %rem3A_231, %ne3A_232 : i32
        %lt3A_234 = arith.constant 0 : i32
        %lt3A_235 = arith.cmpi slt, %rem3A_231, %lt3A_234 : i32
        %lt3A_236 = arith.constant 0 : i32
        %lt3A_237 = arith.cmpi slt, %select_n3A_230, %lt3A_236 : i32
        %ne3A_238 = arith.xori %lt3A_235, %lt3A_237 : i1
        %and3A_239 = arith.andi %ne3A_238, %ne3A_233 : i1
        %add3A_240 = arith.addi %rem3A_231, %select_n3A_230 : i32
        %select_n3A_241 = arith.select %and3A_239, %add3A_240, %rem3A_231 : i32
        %broadcast_in_dim3A_242 = vector.broadcast %select_n3A_241 : i32 to vector<16xi32>
        %mul3A_243 = arith.constant 129 : i32
        %mul3A_244 = vector.broadcast %mul3A_243 : i32 to vector<16xi32>
        %mul3A_245 = arith.muli %iota3A, %mul3A_244 : vector<16xi32>
        %broadcast_in_dim3A_246 = arith.constant 0 : i32
        %broadcast_in_dim3A_247 = vector.broadcast %broadcast_in_dim3A_246 : i32 to vector<16xi32>
        %gather3A_248 = tpu.vector_load_idx %arg9[%broadcast_in_dim3A_242, %broadcast_in_dim3A_247, %min3A_226] : memref<2x32x513xf32, #tpu.memory_space<vmem>>[vector<16xi32>, vector<16xi32>, vector<16xi32>], vector<16xf32>,
        %add3A_249 = arith.constant 0 : i32
        %add3A_250 = vector.broadcast %add3A_249 : i32 to vector<16xi32>
        %add3A_251 = arith.addi %mul3A_245, %add3A_250 : vector<16xi32>
        tpu.vector_store_idx %arg15[%add3A_251], %gather3A_248 : memref<2064xf32, #tpu.memory_space<vmem>>[vector<16xi32>], vector<16xf32>,
        %broadcast_in_dim3A_252 = arith.constant 1 : i32
        %broadcast_in_dim3A_253 = vector.broadcast %broadcast_in_dim3A_252 : i32 to vector<16xi32>
        %gather3A_254 = tpu.vector_load_idx %arg9[%broadcast_in_dim3A_242, %broadcast_in_dim3A_253, %min3A_226] : memref<2x32x513xf32, #tpu.memory_space<vmem>>[vector<16xi32>, vector<16xi32>, vector<16xi32>], vector<16xf32>,
        %add3A_255 = arith.constant 1 : i32
        %add3A_256 = vector.broadcast %add3A_255 : i32 to vector<16xi32>
        %add3A_257 = arith.addi %mul3A_245, %add3A_256 : vector<16xi32>
        tpu.vector_store_idx %arg15[%add3A_257], %gather3A_254 : memref<2064xf32, #tpu.memory_space<vmem>>[vector<16xi32>], vector<16xf32>,
        %broadcast_in_dim3A_258 = arith.constant 2 : i32
        %broadcast_in_dim3A_259 = vector.broadcast %broadcast_in_dim3A_258 : i32 to vector<16xi32>
        %gather3A_260 = tpu.vector_load_idx %arg9[%broadcast_in_dim3A_242, %broadcast_in_dim3A_259, %min3A_226] : memref<2x32x513xf32, #tpu.memory_space<vmem>>[vector<16xi32>, vector<16xi32>, vector<16xi32>], vector<16xf32>,
        %add3A_261 = arith.constant 2 : i32
        %add3A_262 = vector.broadcast %add3A_261 : i32 to vector<16xi32>
        %add3A_263 = arith.addi %mul3A_245, %add3A_262 : vector<16xi32>
        tpu.vector_store_idx %arg15[%add3A_263], %gather3A_260 : memref<2064xf32, #tpu.memory_space<vmem>>[vector<16xi32>], vector<16xf32>,
        %broadcast_in_dim3A_264 = arith.constant 3 : i32
        %broadcast_in_dim3A_265 = vector.broadcast %broadcast_in_dim3A_264 : i32 to vector<16xi32>
        %gather3A_266 = tpu.vector_load_idx %arg9[%broadcast_in_dim3A_242, %broadcast_in_dim3A_265, %min3A_226] : memref<2x32x513xf32, #tpu.memory_space<vmem>>[vector<16xi32>, vector<16xi32>, vector<16xi32>], vector<16xf32>,
        %add3A_267 = arith.constant 3 : i32
        %add3A_268 = vector.broadcast %add3A_267 : i32 to vector<16xi32>
        %add3A_269 = arith.addi %mul3A_245, %add3A_268 : vector<16xi32>
        tpu.vector_store_idx %arg15[%add3A_269], %gather3A_266 : memref<2064xf32, #tpu.memory_space<vmem>>[vector<16xi32>], vector<16xf32>,
        %broadcast_in_dim3A_270 = arith.constant 4 : i32
        %broadcast_in_dim3A_271 = vector.broadcast %broadcast_in_dim3A_270 : i32 to vector<16xi32>
        %gather3A_272 = tpu.vector_load_idx %arg9[%broadcast_in_dim3A_242, %broadcast_in_dim3A_271, %min3A_226] : memref<2x32x513xf32, #tpu.memory_space<vmem>>[vector<16xi32>, vector<16xi32>, vector<16xi32>], vector<16xf32>,
        %add3A_273 = arith.constant 4 : i32
        %add3A_274 = vector.broadcast %add3A_273 : i32 to vector<16xi32>
        %add3A_275 = arith.addi %mul3A_245, %add3A_274 : vector<16xi32>
        tpu.vector_store_idx %arg15[%add3A_275], %gather3A_272 : memref<2064xf32, #tpu.memory_space<vmem>>[vector<16xi32>], vector<16xf32>,
        %broadcast_in_dim3A_276 = arith.constant 5 : i32
        %broadcast_in_dim3A_277 = vector.broadcast %broadcast_in_dim3A_276 : i32 to vector<16xi32>
        %gather3A_278 = tpu.vector_load_idx %arg9[%broadcast_in_dim3A_242, %broadcast_in_dim3A_277, %min3A_226] : memref<2x32x513xf32, #tpu.memory_space<vmem>>[vector<16xi32>, vector<16xi32>, vector<16xi32>], vector<16xf32>,
        %add3A_279 = arith.constant 5 : i32
        %add3A_280 = vector.broadcast %add3A_279 : i32 to vector<16xi32>
        %add3A_281 = arith.addi %mul3A_245, %add3A_280 : vector<16xi32>
        tpu.vector_store_idx %arg15[%add3A_281], %gather3A_278 : memref<2064xf32, #tpu.memory_space<vmem>>[vector<16xi32>], vector<16xf32>,
        %broadcast_in_dim3A_282 = arith.constant 6 : i32
        %broadcast_in_dim3A_283 = vector.broadcast %broadcast_in_dim3A_282 : i32 to vector<16xi32>
        %gather3A_284 = tpu.vector_load_idx %arg9[%broadcast_in_dim3A_242, %broadcast_in_dim3A_283, %min3A_226] : memref<2x32x513xf32, #tpu.memory_space<vmem>>[vector<16xi32>, vector<16xi32>, vector<16xi32>], vector<16xf32>,
        %add3A_285 = arith.constant 6 : i32
        %add3A_286 = vector.broadcast %add3A_285 : i32 to vector<16xi32>
        %add3A_287 = arith.addi %mul3A_245, %add3A_286 : vector<16xi32>
        tpu.vector_store_idx %arg15[%add3A_287], %gather3A_284 : memref<2064xf32, #tpu.memory_space<vmem>>[vector<16xi32>], vector<16xf32>,
        %broadcast_in_dim3A_288 = arith.constant 7 : i32
        %broadcast_in_dim3A_289 = vector.broadcast %broadcast_in_dim3A_288 : i32 to vector<16xi32>
        %gather3A_290 = tpu.vector_load_idx %arg9[%broadcast_in_dim3A_242, %broadcast_in_dim3A_289, %min3A_226] : memref<2x32x513xf32, #tpu.memory_space<vmem>>[vector<16xi32>, vector<16xi32>, vector<16xi32>], vector<16xf32>,
        %add3A_291 = arith.constant 7 : i32
        %add3A_292 = vector.broadcast %add3A_291 : i32 to vector<16xi32>
        %add3A_293 = arith.addi %mul3A_245, %add3A_292 : vector<16xi32>
        tpu.vector_store_idx %arg15[%add3A_293], %gather3A_290 : memref<2064xf32, #tpu.memory_space<vmem>>[vector<16xi32>], vector<16xf32>,
        %broadcast_in_dim3A_294 = arith.constant 8 : i32
        %broadcast_in_dim3A_295 = vector.broadcast %broadcast_in_dim3A_294 : i32 to vector<16xi32>
        %gather3A_296 = tpu.vector_load_idx %arg9[%broadcast_in_dim3A_242, %broadcast_in_dim3A_295, %min3A_226] : memref<2x32x513xf32, #tpu.memory_space<vmem>>[vector<16xi32>, vector<16xi32>, vector<16xi32>], vector<16xf32>,
        %add3A_297 = arith.constant 8 : i32
        %add3A_298 = vector.broadcast %add3A_297 : i32 to vector<16xi32>
        %add3A_299 = arith.addi %mul3A_245, %add3A_298 : vector<16xi32>
        tpu.vector_store_idx %arg15[%add3A_299], %gather3A_296 : memref<2064xf32, #tpu.memory_space<vmem>>[vector<16xi32>], vector<16xf32>,
        %broadcast_in_dim3A_300 = arith.constant 9 : i32
        %broadcast_in_dim3A_301 = vector.broadcast %broadcast_in_dim3A_300 : i32 to vector<16xi32>
        %gather3A_302 = tpu.vector_load_idx %arg9[%broadcast_in_dim3A_242, %broadcast_in_dim3A_301, %min3A_226] : memref<2x32x513xf32, #tpu.memory_space<vmem>>[vector<16xi32>, vector<16xi32>, vector<16xi32>], vector<16xf32>,
        %add3A_303 = arith.constant 9 : i32
        %add3A_304 = vector.broadcast %add3A_303 : i32 to vector<16xi32>
        %add3A_305 = arith.addi %mul3A_245, %add3A_304 : vector<16xi32>
        tpu.vector_store_idx %arg15[%add3A_305], %gather3A_302 : memref<2064xf32, #tpu.memory_space<vmem>>[vector<16xi32>], vector<16xf32>,
        %broadcast_in_dim3A_306 = arith.constant 10 : i32
        %broadcast_in_dim3A_307 = vector.broadcast %broadcast_in_dim3A_306 : i32 to vector<16xi32>
        %gather3A_308 = tpu.vector_load_idx %arg9[%broadcast_in_dim3A_242, %broadcast_in_dim3A_307, %min3A_226] : memref<2x32x513xf32, #tpu.memory_space<vmem>>[vector<16xi32>, vector<16xi32>, vector<16xi32>], vector<16xf32>,
        %add3A_309 = arith.constant 10 : i32
        %add3A_310 = vector.broadcast %add3A_309 : i32 to vector<16xi32>
        %add3A_311 = arith.addi %mul3A_245, %add3A_310 : vector<16xi32>
        tpu.vector_store_idx %arg15[%add3A_311], %gather3A_308 : memref<2064xf32, #tpu.memory_space<vmem>>[vector<16xi32>], vector<16xf32>,
        %broadcast_in_dim3A_312 = arith.constant 11 : i32
        %broadcast_in_dim3A_313 = vector.broadcast %broadcast_in_dim3A_312 : i32 to vector<16xi32>
        %gather3A_314 = tpu.vector_load_idx %arg9[%broadcast_in_dim3A_242, %broadcast_in_dim3A_313, %min3A_226] : memref<2x32x513xf32, #tpu.memory_space<vmem>>[vector<16xi32>, vector<16xi32>, vector<16xi32>], vector<16xf32>,
        %add3A_315 = arith.constant 11 : i32
        %add3A_316 = vector.broadcast %add3A_315 : i32 to vector<16xi32>
        %add3A_317 = arith.addi %mul3A_245, %add3A_316 : vector<16xi32>
        tpu.vector_store_idx %arg15[%add3A_317], %gather3A_314 : memref<2064xf32, #tpu.memory_space<vmem>>[vector<16xi32>], vector<16xf32>,
        %broadcast_in_dim3A_318 = arith.constant 12 : i32
        %broadcast_in_dim3A_319 = vector.broadcast %broadcast_in_dim3A_318 : i32 to vector<16xi32>
        %gather3A_320 = tpu.vector_load_idx %arg9[%broadcast_in_dim3A_242, %broadcast_in_dim3A_319, %min3A_226] : memref<2x32x513xf32, #tpu.memory_space<vmem>>[vector<16xi32>, vector<16xi32>, vector<16xi32>], vector<16xf32>,
        %add3A_321 = arith.constant 12 : i32
        %add3A_322 = vector.broadcast %add3A_321 : i32 to vector<16xi32>
        %add3A_323 = arith.addi %mul3A_245, %add3A_322 : vector<16xi32>
        tpu.vector_store_idx %arg15[%add3A_323], %gather3A_320 : memref<2064xf32, #tpu.memory_space<vmem>>[vector<16xi32>], vector<16xf32>,
        %broadcast_in_dim3A_324 = arith.constant 13 : i32
        %broadcast_in_dim3A_325 = vector.broadcast %broadcast_in_dim3A_324 : i32 to vector<16xi32>
        %gather3A_326 = tpu.vector_load_idx %arg9[%broadcast_in_dim3A_242, %broadcast_in_dim3A_325, %min3A_226] : memref<2x32x513xf32, #tpu.memory_space<vmem>>[vector<16xi32>, vector<16xi32>, vector<16xi32>], vector<16xf32>,
        %add3A_327 = arith.constant 13 : i32
        %add3A_328 = vector.broadcast %add3A_327 : i32 to vector<16xi32>
        %add3A_329 = arith.addi %mul3A_245, %add3A_328 : vector<16xi32>
        tpu.vector_store_idx %arg15[%add3A_329], %gather3A_326 : memref<2064xf32, #tpu.memory_space<vmem>>[vector<16xi32>], vector<16xf32>,
        %broadcast_in_dim3A_330 = arith.constant 14 : i32
        %broadcast_in_dim3A_331 = vector.broadcast %broadcast_in_dim3A_330 : i32 to vector<16xi32>
        %gather3A_332 = tpu.vector_load_idx %arg9[%broadcast_in_dim3A_242, %broadcast_in_dim3A_331, %min3A_226] : memref<2x32x513xf32, #tpu.memory_space<vmem>>[vector<16xi32>, vector<16xi32>, vector<16xi32>], vector<16xf32>,
        %add3A_333 = arith.constant 14 : i32
        %add3A_334 = vector.broadcast %add3A_333 : i32 to vector<16xi32>
        %add3A_335 = arith.addi %mul3A_245, %add3A_334 : vector<16xi32>
        tpu.vector_store_idx %arg15[%add3A_335], %gather3A_332 : memref<2064xf32, #tpu.memory_space<vmem>>[vector<16xi32>], vector<16xf32>,
        %broadcast_in_dim3A_336 = arith.constant 15 : i32
        %broadcast_in_dim3A_337 = vector.broadcast %broadcast_in_dim3A_336 : i32 to vector<16xi32>
        %gather3A_338 = tpu.vector_load_idx %arg9[%broadcast_in_dim3A_242, %broadcast_in_dim3A_337, %min3A_226] : memref<2x32x513xf32, #tpu.memory_space<vmem>>[vector<16xi32>, vector<16xi32>, vector<16xi32>], vector<16xf32>,
        %add3A_339 = arith.constant 15 : i32
        %add3A_340 = vector.broadcast %add3A_339 : i32 to vector<16xi32>
        %add3A_341 = arith.addi %mul3A_245, %add3A_340 : vector<16xi32>
        tpu.vector_store_idx %arg15[%add3A_341], %gather3A_338 : memref<2064xf32, #tpu.memory_space<vmem>>[vector<16xi32>], vector<16xf32>,
        %broadcast_in_dim3A_342 = arith.constant 16 : i32
        %broadcast_in_dim3A_343 = vector.broadcast %broadcast_in_dim3A_342 : i32 to vector<16xi32>
        %gather3A_344 = tpu.vector_load_idx %arg9[%broadcast_in_dim3A_242, %broadcast_in_dim3A_343, %min3A_226] : memref<2x32x513xf32, #tpu.memory_space<vmem>>[vector<16xi32>, vector<16xi32>, vector<16xi32>], vector<16xf32>,
        %add3A_345 = arith.constant 16 : i32
        %add3A_346 = vector.broadcast %add3A_345 : i32 to vector<16xi32>
        %add3A_347 = arith.addi %mul3A_245, %add3A_346 : vector<16xi32>
        tpu.vector_store_idx %arg15[%add3A_347], %gather3A_344 : memref<2064xf32, #tpu.memory_space<vmem>>[vector<16xi32>], vector<16xf32>,
        %broadcast_in_dim3A_348 = arith.constant 17 : i32
        %broadcast_in_dim3A_349 = vector.broadcast %broadcast_in_dim3A_348 : i32 to vector<16xi32>
        %gather3A_350 = tpu.vector_load_idx %arg9[%broadcast_in_dim3A_242, %broadcast_in_dim3A_349, %min3A_226] : memref<2x32x513xf32, #tpu.memory_space<vmem>>[vector<16xi32>, vector<16xi32>, vector<16xi32>], vector<16xf32>,
        %add3A_351 = arith.constant 17 : i32
        %add3A_352 = vector.broadcast %add3A_351 : i32 to vector<16xi32>
        %add3A_353 = arith.addi %mul3A_245, %add3A_352 : vector<16xi32>
        tpu.vector_store_idx %arg15[%add3A_353], %gather3A_350 : memref<2064xf32, #tpu.memory_space<vmem>>[vector<16xi32>], vector<16xf32>,
        %broadcast_in_dim3A_354 = arith.constant 18 : i32
        %broadcast_in_dim3A_355 = vector.broadcast %broadcast_in_dim3A_354 : i32 to vector<16xi32>
        %gather3A_356 = tpu.vector_load_idx %arg9[%broadcast_in_dim3A_242, %broadcast_in_dim3A_355, %min3A_226] : memref<2x32x513xf32, #tpu.memory_space<vmem>>[vector<16xi32>, vector<16xi32>, vector<16xi32>], vector<16xf32>,
        %add3A_357 = arith.constant 18 : i32
        %add3A_358 = vector.broadcast %add3A_357 : i32 to vector<16xi32>
        %add3A_359 = arith.addi %mul3A_245, %add3A_358 : vector<16xi32>
        tpu.vector_store_idx %arg15[%add3A_359], %gather3A_356 : memref<2064xf32, #tpu.memory_space<vmem>>[vector<16xi32>], vector<16xf32>,
        %broadcast_in_dim3A_360 = arith.constant 19 : i32
        %broadcast_in_dim3A_361 = vector.broadcast %broadcast_in_dim3A_360 : i32 to vector<16xi32>
        %gather3A_362 = tpu.vector_load_idx %arg9[%broadcast_in_dim3A_242, %broadcast_in_dim3A_361, %min3A_226] : memref<2x32x513xf32, #tpu.memory_space<vmem>>[vector<16xi32>, vector<16xi32>, vector<16xi32>], vector<16xf32>,
        %add3A_363 = arith.constant 19 : i32
        %add3A_364 = vector.broadcast %add3A_363 : i32 to vector<16xi32>
        %add3A_365 = arith.addi %mul3A_245, %add3A_364 : vector<16xi32>
        tpu.vector_store_idx %arg15[%add3A_365], %gather3A_362 : memref<2064xf32, #tpu.memory_space<vmem>>[vector<16xi32>], vector<16xf32>,
        %broadcast_in_dim3A_366 = arith.constant 20 : i32
        %broadcast_in_dim3A_367 = vector.broadcast %broadcast_in_dim3A_366 : i32 to vector<16xi32>
        %gather3A_368 = tpu.vector_load_idx %arg9[%broadcast_in_dim3A_242, %broadcast_in_dim3A_367, %min3A_226] : memref<2x32x513xf32, #tpu.memory_space<vmem>>[vector<16xi32>, vector<16xi32>, vector<16xi32>], vector<16xf32>,
        %add3A_369 = arith.constant 20 : i32
        %add3A_370 = vector.broadcast %add3A_369 : i32 to vector<16xi32>
        %add3A_371 = arith.addi %mul3A_245, %add3A_370 : vector<16xi32>
        tpu.vector_store_idx %arg15[%add3A_371], %gather3A_368 : memref<2064xf32, #tpu.memory_space<vmem>>[vector<16xi32>], vector<16xf32>,
        %broadcast_in_dim3A_372 = arith.constant 21 : i32
        %broadcast_in_dim3A_373 = vector.broadcast %broadcast_in_dim3A_372 : i32 to vector<16xi32>
        %gather3A_374 = tpu.vector_load_idx %arg9[%broadcast_in_dim3A_242, %broadcast_in_dim3A_373, %min3A_226] : memref<2x32x513xf32, #tpu.memory_space<vmem>>[vector<16xi32>, vector<16xi32>, vector<16xi32>], vector<16xf32>,
        %add3A_375 = arith.constant 21 : i32
        %add3A_376 = vector.broadcast %add3A_375 : i32 to vector<16xi32>
        %add3A_377 = arith.addi %mul3A_245, %add3A_376 : vector<16xi32>
        tpu.vector_store_idx %arg15[%add3A_377], %gather3A_374 : memref<2064xf32, #tpu.memory_space<vmem>>[vector<16xi32>], vector<16xf32>,
        %broadcast_in_dim3A_378 = arith.constant 22 : i32
        %broadcast_in_dim3A_379 = vector.broadcast %broadcast_in_dim3A_378 : i32 to vector<16xi32>
        %gather3A_380 = tpu.vector_load_idx %arg9[%broadcast_in_dim3A_242, %broadcast_in_dim3A_379, %min3A_226] : memref<2x32x513xf32, #tpu.memory_space<vmem>>[vector<16xi32>, vector<16xi32>, vector<16xi32>], vector<16xf32>,
        %add3A_381 = arith.constant 22 : i32
        %add3A_382 = vector.broadcast %add3A_381 : i32 to vector<16xi32>
        %add3A_383 = arith.addi %mul3A_245, %add3A_382 : vector<16xi32>
        tpu.vector_store_idx %arg15[%add3A_383], %gather3A_380 : memref<2064xf32, #tpu.memory_space<vmem>>[vector<16xi32>], vector<16xf32>,
        %broadcast_in_dim3A_384 = arith.constant 23 : i32
        %broadcast_in_dim3A_385 = vector.broadcast %broadcast_in_dim3A_384 : i32 to vector<16xi32>
        %gather3A_386 = tpu.vector_load_idx %arg9[%broadcast_in_dim3A_242, %broadcast_in_dim3A_385, %min3A_226] : memref<2x32x513xf32, #tpu.memory_space<vmem>>[vector<16xi32>, vector<16xi32>, vector<16xi32>], vector<16xf32>,
        %add3A_387 = arith.constant 23 : i32
        %add3A_388 = vector.broadcast %add3A_387 : i32 to vector<16xi32>
        %add3A_389 = arith.addi %mul3A_245, %add3A_388 : vector<16xi32>
        tpu.vector_store_idx %arg15[%add3A_389], %gather3A_386 : memref<2064xf32, #tpu.memory_space<vmem>>[vector<16xi32>], vector<16xf32>,
        %broadcast_in_dim3A_390 = arith.constant 24 : i32
        %broadcast_in_dim3A_391 = vector.broadcast %broadcast_in_dim3A_390 : i32 to vector<16xi32>
        %gather3A_392 = tpu.vector_load_idx %arg9[%broadcast_in_dim3A_242, %broadcast_in_dim3A_391, %min3A_226] : memref<2x32x513xf32, #tpu.memory_space<vmem>>[vector<16xi32>, vector<16xi32>, vector<16xi32>], vector<16xf32>,
        %add3A_393 = arith.constant 24 : i32
        %add3A_394 = vector.broadcast %add3A_393 : i32 to vector<16xi32>
        %add3A_395 = arith.addi %mul3A_245, %add3A_394 : vector<16xi32>
        tpu.vector_store_idx %arg15[%add3A_395], %gather3A_392 : memref<2064xf32, #tpu.memory_space<vmem>>[vector<16xi32>], vector<16xf32>,
        %broadcast_in_dim3A_396 = arith.constant 25 : i32
        %broadcast_in_dim3A_397 = vector.broadcast %broadcast_in_dim3A_396 : i32 to vector<16xi32>
        %gather3A_398 = tpu.vector_load_idx %arg9[%broadcast_in_dim3A_242, %broadcast_in_dim3A_397, %min3A_226] : memref<2x32x513xf32, #tpu.memory_space<vmem>>[vector<16xi32>, vector<16xi32>, vector<16xi32>], vector<16xf32>,
        %add3A_399 = arith.constant 25 : i32
        %add3A_400 = vector.broadcast %add3A_399 : i32 to vector<16xi32>
        %add3A_401 = arith.addi %mul3A_245, %add3A_400 : vector<16xi32>
        tpu.vector_store_idx %arg15[%add3A_401], %gather3A_398 : memref<2064xf32, #tpu.memory_space<vmem>>[vector<16xi32>], vector<16xf32>,
        %broadcast_in_dim3A_402 = arith.constant 26 : i32
        %broadcast_in_dim3A_403 = vector.broadcast %broadcast_in_dim3A_402 : i32 to vector<16xi32>
        %gather3A_404 = tpu.vector_load_idx %arg9[%broadcast_in_dim3A_242, %broadcast_in_dim3A_403, %min3A_226] : memref<2x32x513xf32, #tpu.memory_space<vmem>>[vector<16xi32>, vector<16xi32>, vector<16xi32>], vector<16xf32>,
        %add3A_405 = arith.constant 26 : i32
        %add3A_406 = vector.broadcast %add3A_405 : i32 to vector<16xi32>
        %add3A_407 = arith.addi %mul3A_245, %add3A_406 : vector<16xi32>
        tpu.vector_store_idx %arg15[%add3A_407], %gather3A_404 : memref<2064xf32, #tpu.memory_space<vmem>>[vector<16xi32>], vector<16xf32>,
        %broadcast_in_dim3A_408 = arith.constant 27 : i32
        %broadcast_in_dim3A_409 = vector.broadcast %broadcast_in_dim3A_408 : i32 to vector<16xi32>
        %gather3A_410 = tpu.vector_load_idx %arg9[%broadcast_in_dim3A_242, %broadcast_in_dim3A_409, %min3A_226] : memref<2x32x513xf32, #tpu.memory_space<vmem>>[vector<16xi32>, vector<16xi32>, vector<16xi32>], vector<16xf32>,
        %add3A_411 = arith.constant 27 : i32
        %add3A_412 = vector.broadcast %add3A_411 : i32 to vector<16xi32>
        %add3A_413 = arith.addi %mul3A_245, %add3A_412 : vector<16xi32>
        tpu.vector_store_idx %arg15[%add3A_413], %gather3A_410 : memref<2064xf32, #tpu.memory_space<vmem>>[vector<16xi32>], vector<16xf32>,
        %broadcast_in_dim3A_414 = arith.constant 28 : i32
        %broadcast_in_dim3A_415 = vector.broadcast %broadcast_in_dim3A_414 : i32 to vector<16xi32>
        %gather3A_416 = tpu.vector_load_idx %arg9[%broadcast_in_dim3A_242, %broadcast_in_dim3A_415, %min3A_226] : memref<2x32x513xf32, #tpu.memory_space<vmem>>[vector<16xi32>, vector<16xi32>, vector<16xi32>], vector<16xf32>,
        %add3A_417 = arith.constant 28 : i32
        %add3A_418 = vector.broadcast %add3A_417 : i32 to vector<16xi32>
        %add3A_419 = arith.addi %mul3A_245, %add3A_418 : vector<16xi32>
        tpu.vector_store_idx %arg15[%add3A_419], %gather3A_416 : memref<2064xf32, #tpu.memory_space<vmem>>[vector<16xi32>], vector<16xf32>,
        %broadcast_in_dim3A_420 = arith.constant 29 : i32
        %broadcast_in_dim3A_421 = vector.broadcast %broadcast_in_dim3A_420 : i32 to vector<16xi32>
        %gather3A_422 = tpu.vector_load_idx %arg9[%broadcast_in_dim3A_242, %broadcast_in_dim3A_421, %min3A_226] : memref<2x32x513xf32, #tpu.memory_space<vmem>>[vector<16xi32>, vector<16xi32>, vector<16xi32>], vector<16xf32>,
        %add3A_423 = arith.constant 29 : i32
        %add3A_424 = vector.broadcast %add3A_423 : i32 to vector<16xi32>
        %add3A_425 = arith.addi %mul3A_245, %add3A_424 : vector<16xi32>
        tpu.vector_store_idx %arg15[%add3A_425], %gather3A_422 : memref<2064xf32, #tpu.memory_space<vmem>>[vector<16xi32>], vector<16xf32>,
        %broadcast_in_dim3A_426 = arith.constant 30 : i32
        %broadcast_in_dim3A_427 = vector.broadcast %broadcast_in_dim3A_426 : i32 to vector<16xi32>
        %gather3A_428 = tpu.vector_load_idx %arg9[%broadcast_in_dim3A_242, %broadcast_in_dim3A_427, %min3A_226] : memref<2x32x513xf32, #tpu.memory_space<vmem>>[vector<16xi32>, vector<16xi32>, vector<16xi32>], vector<16xf32>,
        %add3A_429 = arith.constant 30 : i32
        %add3A_430 = vector.broadcast %add3A_429 : i32 to vector<16xi32>
        %add3A_431 = arith.addi %mul3A_245, %add3A_430 : vector<16xi32>
        tpu.vector_store_idx %arg15[%add3A_431], %gather3A_428 : memref<2064xf32, #tpu.memory_space<vmem>>[vector<16xi32>], vector<16xf32>,
        %broadcast_in_dim3A_432 = arith.constant 31 : i32
        %broadcast_in_dim3A_433 = vector.broadcast %broadcast_in_dim3A_432 : i32 to vector<16xi32>
        %gather3A_434 = tpu.vector_load_idx %arg9[%broadcast_in_dim3A_242, %broadcast_in_dim3A_433, %min3A_226] : memref<2x32x513xf32, #tpu.memory_space<vmem>>[vector<16xi32>, vector<16xi32>, vector<16xi32>], vector<16xf32>,
        %add3A_435 = arith.constant 31 : i32
        %add3A_436 = vector.broadcast %add3A_435 : i32 to vector<16xi32>
        %add3A_437 = arith.addi %mul3A_245, %add3A_436 : vector<16xi32>
        tpu.vector_store_idx %arg15[%add3A_437], %gather3A_434 : memref<2064xf32, #tpu.memory_space<vmem>>[vector<16xi32>], vector<16xf32>,
        %jit3A_438 = arith.constant 2 : i32
        %eq3A_439 = arith.constant 0 : i32
        %eq3A_440 = arith.cmpi eq, %jit3A_438, %eq3A_439 : i32
        %jit3A_441 = arith.constant 1 : i32
        %select_n3A_442 = arith.select %eq3A_440, %jit3A_441, %jit3A_438 : i32
        %rem3A_443 = arith.remsi %while3A_200, %select_n3A_442 : i32
        %ne3A_444 = arith.constant 0 : i32
        %ne3A_445 = arith.cmpi ne, %rem3A_443, %ne3A_444 : i32
        %lt3A_446 = arith.constant 0 : i32
        %lt3A_447 = arith.cmpi slt, %rem3A_443, %lt3A_446 : i32
        %lt3A_448 = arith.constant 0 : i32
        %lt3A_449 = arith.cmpi slt, %select_n3A_442, %lt3A_448 : i32
        %ne3A_450 = arith.xori %lt3A_447, %lt3A_449 : i1
        %and3A_451 = arith.andi %ne3A_450, %ne3A_445 : i1
        %add3A_452 = arith.addi %rem3A_443, %select_n3A_442 : i32
        %select_n3A_453 = arith.select %and3A_451, %add3A_452, %rem3A_443 : i32
        %get3A_454 = arith.constant 0 : index
        %get3A_455 = tpu.vector_load %arg15[%get3A_454] {strides = array<i32>} : memref<2064xf32, #tpu.memory_space<vmem>>, vector<16xf32>,
        %swap3A_456 = arith.constant 0 : i32
        %swap3A_457 = arith.index_cast %select_n3A_453 : i32 to index
        %swap3A_458 = arith.index_cast %swap3A_456 : i32 to index
        %swap3A_459 = arith.constant 0 : index
        %swap3A_460 = tpu.vector_load %arg16[%swap3A_457, %swap3A_458, %swap3A_459] {strides = array<i32>} : memref<2x16x128xf32, #tpu.memory_space<vmem>>, vector<16xf32>,
        tpu.vector_store %arg16[%swap3A_457, %swap3A_458, %swap3A_459], %get3A_455 {strides = array<i32>} : memref<2x16x128xf32, #tpu.memory_space<vmem>>, vector<16xf32>,
        %get3A_461 = arith.constant 16 : index
        %get3A_462 = tpu.vector_load %arg15[%get3A_461] {strides = array<i32>} : memref<2064xf32, #tpu.memory_space<vmem>>, vector<16xf32>,
        %swap3A_463 = arith.constant 0 : i32
        %swap3A_464 = arith.index_cast %select_n3A_453 : i32 to index
        %swap3A_465 = arith.index_cast %swap3A_463 : i32 to index
        %swap3A_466 = arith.constant 16 : index
        %swap3A_467 = tpu.vector_load %arg16[%swap3A_464, %swap3A_465, %swap3A_466] {strides = array<i32>} : memref<2x16x128xf32, #tpu.memory_space<vmem>>, vector<16xf32>,
        tpu.vector_store %arg16[%swap3A_464, %swap3A_465, %swap3A_466], %get3A_462 {strides = array<i32>} : memref<2x16x128xf32, #tpu.memory_space<vmem>>, vector<16xf32>,
        %get3A_468 = arith.constant 129 : index
        %get3A_469 = tpu.vector_load %arg15[%get3A_468] {strides = array<i32>} : memref<2064xf32, #tpu.memory_space<vmem>>, vector<16xf32>,
        %swap3A_470 = arith.constant 1 : i32
        %swap3A_471 = arith.index_cast %select_n3A_453 : i32 to index
        %swap3A_472 = arith.index_cast %swap3A_470 : i32 to index
        %swap3A_473 = arith.constant 0 : index
        %swap3A_474 = tpu.vector_load %arg16[%swap3A_471, %swap3A_472, %swap3A_473] {strides = array<i32>} : memref<2x16x128xf32, #tpu.memory_space<vmem>>, vector<16xf32>,
        tpu.vector_store %arg16[%swap3A_471, %swap3A_472, %swap3A_473], %get3A_469 {strides = array<i32>} : memref<2x16x128xf32, #tpu.memory_space<vmem>>, vector<16xf32>,
        %get3A_475 = arith.constant 145 : index
        %get3A_476 = tpu.vector_load %arg15[%get3A_475] {strides = array<i32>} : memref<2064xf32, #tpu.memory_space<vmem>>, vector<16xf32>,
        %swap3A_477 = arith.constant 1 : i32
        %swap3A_478 = arith.index_cast %select_n3A_453 : i32 to index
        %swap3A_479 = arith.index_cast %swap3A_477 : i32 to index
        %swap3A_480 = arith.constant 16 : index
        %swap3A_481 = tpu.vector_load %arg16[%swap3A_478, %swap3A_479, %swap3A_480] {strides = array<i32>} : memref<2x16x128xf32, #tpu.memory_space<vmem>>, vector<16xf32>,
        tpu.vector_store %arg16[%swap3A_478, %swap3A_479, %swap3A_480], %get3A_476 {strides = array<i32>} : memref<2x16x128xf32, #tpu.memory_space<vmem>>, vector<16xf32>,
        %get3A_482 = arith.constant 258 : index
        %get3A_483 = tpu.vector_load %arg15[%get3A_482] {strides = array<i32>} : memref<2064xf32, #tpu.memory_space<vmem>>, vector<16xf32>,
        %swap3A_484 = arith.constant 2 : i32
        %swap3A_485 = arith.index_cast %select_n3A_453 : i32 to index
        %swap3A_486 = arith.index_cast %swap3A_484 : i32 to index
        %swap3A_487 = arith.constant 0 : index
        %swap3A_488 = tpu.vector_load %arg16[%swap3A_485, %swap3A_486, %swap3A_487] {strides = array<i32>} : memref<2x16x128xf32, #tpu.memory_space<vmem>>, vector<16xf32>,
        tpu.vector_store %arg16[%swap3A_485, %swap3A_486, %swap3A_487], %get3A_483 {strides = array<i32>} : memref<2x16x128xf32, #tpu.memory_space<vmem>>, vector<16xf32>,
        %get3A_489 = arith.constant 274 : index
        %get3A_490 = tpu.vector_load %arg15[%get3A_489] {strides = array<i32>} : memref<2064xf32, #tpu.memory_space<vmem>>, vector<16xf32>,
        %swap3A_491 = arith.constant 2 : i32
        %swap3A_492 = arith.index_cast %select_n3A_453 : i32 to index
        %swap3A_493 = arith.index_cast %swap3A_491 : i32 to index
        %swap3A_494 = arith.constant 16 : index
        %swap3A_495 = tpu.vector_load %arg16[%swap3A_492, %swap3A_493, %swap3A_494] {strides = array<i32>} : memref<2x16x128xf32, #tpu.memory_space<vmem>>, vector<16xf32>,
        tpu.vector_store %arg16[%swap3A_492, %swap3A_493, %swap3A_494], %get3A_490 {strides = array<i32>} : memref<2x16x128xf32, #tpu.memory_space<vmem>>, vector<16xf32>,
        %get3A_496 = arith.constant 387 : index
        %get3A_497 = tpu.vector_load %arg15[%get3A_496] {strides = array<i32>} : memref<2064xf32, #tpu.memory_space<vmem>>, vector<16xf32>,
        %swap3A_498 = arith.constant 3 : i32
        %swap3A_499 = arith.index_cast %select_n3A_453 : i32 to index
        %swap3A_500 = arith.index_cast %swap3A_498 : i32 to index
        %swap3A_501 = arith.constant 0 : index
        %swap3A_502 = tpu.vector_load %arg16[%swap3A_499, %swap3A_500, %swap3A_501] {strides = array<i32>} : memref<2x16x128xf32, #tpu.memory_space<vmem>>, vector<16xf32>,
        tpu.vector_store %arg16[%swap3A_499, %swap3A_500, %swap3A_501], %get3A_497 {strides = array<i32>} : memref<2x16x128xf32, #tpu.memory_space<vmem>>, vector<16xf32>,
        %get3A_503 = arith.constant 403 : index
        %get3A_504 = tpu.vector_load %arg15[%get3A_503] {strides = array<i32>} : memref<2064xf32, #tpu.memory_space<vmem>>, vector<16xf32>,
        %swap3A_505 = arith.constant 3 : i32
        %swap3A_506 = arith.index_cast %select_n3A_453 : i32 to index
        %swap3A_507 = arith.index_cast %swap3A_505 : i32 to index
        %swap3A_508 = arith.constant 16 : index
        %swap3A_509 = tpu.vector_load %arg16[%swap3A_506, %swap3A_507, %swap3A_508] {strides = array<i32>} : memref<2x16x128xf32, #tpu.memory_space<vmem>>, vector<16xf32>,
        tpu.vector_store %arg16[%swap3A_506, %swap3A_507, %swap3A_508], %get3A_504 {strides = array<i32>} : memref<2x16x128xf32, #tpu.memory_space<vmem>>, vector<16xf32>,
        %get3A_510 = arith.constant 516 : index
        %get3A_511 = tpu.vector_load %arg15[%get3A_510] {strides = array<i32>} : memref<2064xf32, #tpu.memory_space<vmem>>, vector<16xf32>,
        %swap3A_512 = arith.constant 4 : i32
        %swap3A_513 = arith.index_cast %select_n3A_453 : i32 to index
        %swap3A_514 = arith.index_cast %swap3A_512 : i32 to index
        %swap3A_515 = arith.constant 0 : index
        %swap3A_516 = tpu.vector_load %arg16[%swap3A_513, %swap3A_514, %swap3A_515] {strides = array<i32>} : memref<2x16x128xf32, #tpu.memory_space<vmem>>, vector<16xf32>,
        tpu.vector_store %arg16[%swap3A_513, %swap3A_514, %swap3A_515], %get3A_511 {strides = array<i32>} : memref<2x16x128xf32, #tpu.memory_space<vmem>>, vector<16xf32>,
        %get3A_517 = arith.constant 532 : index
        %get3A_518 = tpu.vector_load %arg15[%get3A_517] {strides = array<i32>} : memref<2064xf32, #tpu.memory_space<vmem>>, vector<16xf32>,
        %swap3A_519 = arith.constant 4 : i32
        %swap3A_520 = arith.index_cast %select_n3A_453 : i32 to index
        %swap3A_521 = arith.index_cast %swap3A_519 : i32 to index
        %swap3A_522 = arith.constant 16 : index
        %swap3A_523 = tpu.vector_load %arg16[%swap3A_520, %swap3A_521, %swap3A_522] {strides = array<i32>} : memref<2x16x128xf32, #tpu.memory_space<vmem>>, vector<16xf32>,
        tpu.vector_store %arg16[%swap3A_520, %swap3A_521, %swap3A_522], %get3A_518 {strides = array<i32>} : memref<2x16x128xf32, #tpu.memory_space<vmem>>, vector<16xf32>,
        %get3A_524 = arith.constant 645 : index
        %get3A_525 = tpu.vector_load %arg15[%get3A_524] {strides = array<i32>} : memref<2064xf32, #tpu.memory_space<vmem>>, vector<16xf32>,
        %swap3A_526 = arith.constant 5 : i32
        %swap3A_527 = arith.index_cast %select_n3A_453 : i32 to index
        %swap3A_528 = arith.index_cast %swap3A_526 : i32 to index
        %swap3A_529 = arith.constant 0 : index
        %swap3A_530 = tpu.vector_load %arg16[%swap3A_527, %swap3A_528, %swap3A_529] {strides = array<i32>} : memref<2x16x128xf32, #tpu.memory_space<vmem>>, vector<16xf32>,
        tpu.vector_store %arg16[%swap3A_527, %swap3A_528, %swap3A_529], %get3A_525 {strides = array<i32>} : memref<2x16x128xf32, #tpu.memory_space<vmem>>, vector<16xf32>,
        %get3A_531 = arith.constant 661 : index
        %get3A_532 = tpu.vector_load %arg15[%get3A_531] {strides = array<i32>} : memref<2064xf32, #tpu.memory_space<vmem>>, vector<16xf32>,
        %swap3A_533 = arith.constant 5 : i32
        %swap3A_534 = arith.index_cast %select_n3A_453 : i32 to index
        %swap3A_535 = arith.index_cast %swap3A_533 : i32 to index
        %swap3A_536 = arith.constant 16 : index
        %swap3A_537 = tpu.vector_load %arg16[%swap3A_534, %swap3A_535, %swap3A_536] {strides = array<i32>} : memref<2x16x128xf32, #tpu.memory_space<vmem>>, vector<16xf32>,
        tpu.vector_store %arg16[%swap3A_534, %swap3A_535, %swap3A_536], %get3A_532 {strides = array<i32>} : memref<2x16x128xf32, #tpu.memory_space<vmem>>, vector<16xf32>,
        %get3A_538 = arith.constant 774 : index
        %get3A_539 = tpu.vector_load %arg15[%get3A_538] {strides = array<i32>} : memref<2064xf32, #tpu.memory_space<vmem>>, vector<16xf32>,
        %swap3A_540 = arith.constant 6 : i32
        %swap3A_541 = arith.index_cast %select_n3A_453 : i32 to index
        %swap3A_542 = arith.index_cast %swap3A_540 : i32 to index
        %swap3A_543 = arith.constant 0 : index
        %swap3A_544 = tpu.vector_load %arg16[%swap3A_541, %swap3A_542, %swap3A_543] {strides = array<i32>} : memref<2x16x128xf32, #tpu.memory_space<vmem>>, vector<16xf32>,
        tpu.vector_store %arg16[%swap3A_541, %swap3A_542, %swap3A_543], %get3A_539 {strides = array<i32>} : memref<2x16x128xf32, #tpu.memory_space<vmem>>, vector<16xf32>,
        %get3A_545 = arith.constant 790 : index
        %get3A_546 = tpu.vector_load %arg15[%get3A_545] {strides = array<i32>} : memref<2064xf32, #tpu.memory_space<vmem>>, vector<16xf32>,
        %swap3A_547 = arith.constant 6 : i32
        %swap3A_548 = arith.index_cast %select_n3A_453 : i32 to index
        %swap3A_549 = arith.index_cast %swap3A_547 : i32 to index
        %swap3A_550 = arith.constant 16 : index
        %swap3A_551 = tpu.vector_load %arg16[%swap3A_548, %swap3A_549, %swap3A_550] {strides = array<i32>} : memref<2x16x128xf32, #tpu.memory_space<vmem>>, vector<16xf32>,
        tpu.vector_store %arg16[%swap3A_548, %swap3A_549, %swap3A_550], %get3A_546 {strides = array<i32>} : memref<2x16x128xf32, #tpu.memory_space<vmem>>, vector<16xf32>,
        %get3A_552 = arith.constant 903 : index
        %get3A_553 = tpu.vector_load %arg15[%get3A_552] {strides = array<i32>} : memref<2064xf32, #tpu.memory_space<vmem>>, vector<16xf32>,
        %swap3A_554 = arith.constant 7 : i32
        %swap3A_555 = arith.index_cast %select_n3A_453 : i32 to index
        %swap3A_556 = arith.index_cast %swap3A_554 : i32 to index
        %swap3A_557 = arith.constant 0 : index
        %swap3A_558 = tpu.vector_load %arg16[%swap3A_555, %swap3A_556, %swap3A_557] {strides = array<i32>} : memref<2x16x128xf32, #tpu.memory_space<vmem>>, vector<16xf32>,
        tpu.vector_store %arg16[%swap3A_555, %swap3A_556, %swap3A_557], %get3A_553 {strides = array<i32>} : memref<2x16x128xf32, #tpu.memory_space<vmem>>, vector<16xf32>,
        %get3A_559 = arith.constant 919 : index
        %get3A_560 = tpu.vector_load %arg15[%get3A_559] {strides = array<i32>} : memref<2064xf32, #tpu.memory_space<vmem>>, vector<16xf32>,
        %swap3A_561 = arith.constant 7 : i32
        %swap3A_562 = arith.index_cast %select_n3A_453 : i32 to index
        %swap3A_563 = arith.index_cast %swap3A_561 : i32 to index
        %swap3A_564 = arith.constant 16 : index
        %swap3A_565 = tpu.vector_load %arg16[%swap3A_562, %swap3A_563, %swap3A_564] {strides = array<i32>} : memref<2x16x128xf32, #tpu.memory_space<vmem>>, vector<16xf32>,
        tpu.vector_store %arg16[%swap3A_562, %swap3A_563, %swap3A_564], %get3A_560 {strides = array<i32>} : memref<2x16x128xf32, #tpu.memory_space<vmem>>, vector<16xf32>,
        %get3A_566 = arith.constant 1032 : index
        %get3A_567 = tpu.vector_load %arg15[%get3A_566] {strides = array<i32>} : memref<2064xf32, #tpu.memory_space<vmem>>, vector<16xf32>,
        %swap3A_568 = arith.constant 8 : i32
        %swap3A_569 = arith.index_cast %select_n3A_453 : i32 to index
        %swap3A_570 = arith.index_cast %swap3A_568 : i32 to index
        %swap3A_571 = arith.constant 0 : index
        %swap3A_572 = tpu.vector_load %arg16[%swap3A_569, %swap3A_570, %swap3A_571] {strides = array<i32>} : memref<2x16x128xf32, #tpu.memory_space<vmem>>, vector<16xf32>,
        tpu.vector_store %arg16[%swap3A_569, %swap3A_570, %swap3A_571], %get3A_567 {strides = array<i32>} : memref<2x16x128xf32, #tpu.memory_space<vmem>>, vector<16xf32>,
        %get3A_573 = arith.constant 1048 : index
        %get3A_574 = tpu.vector_load %arg15[%get3A_573] {strides = array<i32>} : memref<2064xf32, #tpu.memory_space<vmem>>, vector<16xf32>,
        %swap3A_575 = arith.constant 8 : i32
        %swap3A_576 = arith.index_cast %select_n3A_453 : i32 to index
        %swap3A_577 = arith.index_cast %swap3A_575 : i32 to index
        %swap3A_578 = arith.constant 16 : index
        %swap3A_579 = tpu.vector_load %arg16[%swap3A_576, %swap3A_577, %swap3A_578] {strides = array<i32>} : memref<2x16x128xf32, #tpu.memory_space<vmem>>, vector<16xf32>,
        tpu.vector_store %arg16[%swap3A_576, %swap3A_577, %swap3A_578], %get3A_574 {strides = array<i32>} : memref<2x16x128xf32, #tpu.memory_space<vmem>>, vector<16xf32>,
        %get3A_580 = arith.constant 1161 : index
        %get3A_581 = tpu.vector_load %arg15[%get3A_580] {strides = array<i32>} : memref<2064xf32, #tpu.memory_space<vmem>>, vector<16xf32>,
        %swap3A_582 = arith.constant 9 : i32
        %swap3A_583 = arith.index_cast %select_n3A_453 : i32 to index
        %swap3A_584 = arith.index_cast %swap3A_582 : i32 to index
        %swap3A_585 = arith.constant 0 : index
        %swap3A_586 = tpu.vector_load %arg16[%swap3A_583, %swap3A_584, %swap3A_585] {strides = array<i32>} : memref<2x16x128xf32, #tpu.memory_space<vmem>>, vector<16xf32>,
        tpu.vector_store %arg16[%swap3A_583, %swap3A_584, %swap3A_585], %get3A_581 {strides = array<i32>} : memref<2x16x128xf32, #tpu.memory_space<vmem>>, vector<16xf32>,
        %get3A_587 = arith.constant 1177 : index
        %get3A_588 = tpu.vector_load %arg15[%get3A_587] {strides = array<i32>} : memref<2064xf32, #tpu.memory_space<vmem>>, vector<16xf32>,
        %swap3A_589 = arith.constant 9 : i32
        %swap3A_590 = arith.index_cast %select_n3A_453 : i32 to index
        %swap3A_591 = arith.index_cast %swap3A_589 : i32 to index
        %swap3A_592 = arith.constant 16 : index
        %swap3A_593 = tpu.vector_load %arg16[%swap3A_590, %swap3A_591, %swap3A_592] {strides = array<i32>} : memref<2x16x128xf32, #tpu.memory_space<vmem>>, vector<16xf32>,
        tpu.vector_store %arg16[%swap3A_590, %swap3A_591, %swap3A_592], %get3A_588 {strides = array<i32>} : memref<2x16x128xf32, #tpu.memory_space<vmem>>, vector<16xf32>,
        %get3A_594 = arith.constant 1290 : index
        %get3A_595 = tpu.vector_load %arg15[%get3A_594] {strides = array<i32>} : memref<2064xf32, #tpu.memory_space<vmem>>, vector<16xf32>,
        %swap3A_596 = arith.constant 10 : i32
        %swap3A_597 = arith.index_cast %select_n3A_453 : i32 to index
        %swap3A_598 = arith.index_cast %swap3A_596 : i32 to index
        %swap3A_599 = arith.constant 0 : index
        %swap3A_600 = tpu.vector_load %arg16[%swap3A_597, %swap3A_598, %swap3A_599] {strides = array<i32>} : memref<2x16x128xf32, #tpu.memory_space<vmem>>, vector<16xf32>,
        tpu.vector_store %arg16[%swap3A_597, %swap3A_598, %swap3A_599], %get3A_595 {strides = array<i32>} : memref<2x16x128xf32, #tpu.memory_space<vmem>>, vector<16xf32>,
        %get3A_601 = arith.constant 1306 : index
        %get3A_602 = tpu.vector_load %arg15[%get3A_601] {strides = array<i32>} : memref<2064xf32, #tpu.memory_space<vmem>>, vector<16xf32>,
        %swap3A_603 = arith.constant 10 : i32
        %swap3A_604 = arith.index_cast %select_n3A_453 : i32 to index
        %swap3A_605 = arith.index_cast %swap3A_603 : i32 to index
        %swap3A_606 = arith.constant 16 : index
        %swap3A_607 = tpu.vector_load %arg16[%swap3A_604, %swap3A_605, %swap3A_606] {strides = array<i32>} : memref<2x16x128xf32, #tpu.memory_space<vmem>>, vector<16xf32>,
        tpu.vector_store %arg16[%swap3A_604, %swap3A_605, %swap3A_606], %get3A_602 {strides = array<i32>} : memref<2x16x128xf32, #tpu.memory_space<vmem>>, vector<16xf32>,
        %get3A_608 = arith.constant 1419 : index
        %get3A_609 = tpu.vector_load %arg15[%get3A_608] {strides = array<i32>} : memref<2064xf32, #tpu.memory_space<vmem>>, vector<16xf32>,
        %swap3A_610 = arith.constant 11 : i32
        %swap3A_611 = arith.index_cast %select_n3A_453 : i32 to index
        %swap3A_612 = arith.index_cast %swap3A_610 : i32 to index
        %swap3A_613 = arith.constant 0 : index
        %swap3A_614 = tpu.vector_load %arg16[%swap3A_611, %swap3A_612, %swap3A_613] {strides = array<i32>} : memref<2x16x128xf32, #tpu.memory_space<vmem>>, vector<16xf32>,
        tpu.vector_store %arg16[%swap3A_611, %swap3A_612, %swap3A_613], %get3A_609 {strides = array<i32>} : memref<2x16x128xf32, #tpu.memory_space<vmem>>, vector<16xf32>,
        %get3A_615 = arith.constant 1435 : index
        %get3A_616 = tpu.vector_load %arg15[%get3A_615] {strides = array<i32>} : memref<2064xf32, #tpu.memory_space<vmem>>, vector<16xf32>,
        %swap3A_617 = arith.constant 11 : i32
        %swap3A_618 = arith.index_cast %select_n3A_453 : i32 to index
        %swap3A_619 = arith.index_cast %swap3A_617 : i32 to index
        %swap3A_620 = arith.constant 16 : index
        %swap3A_621 = tpu.vector_load %arg16[%swap3A_618, %swap3A_619, %swap3A_620] {strides = array<i32>} : memref<2x16x128xf32, #tpu.memory_space<vmem>>, vector<16xf32>,
        tpu.vector_store %arg16[%swap3A_618, %swap3A_619, %swap3A_620], %get3A_616 {strides = array<i32>} : memref<2x16x128xf32, #tpu.memory_space<vmem>>, vector<16xf32>,
        %get3A_622 = arith.constant 1548 : index
        %get3A_623 = tpu.vector_load %arg15[%get3A_622] {strides = array<i32>} : memref<2064xf32, #tpu.memory_space<vmem>>, vector<16xf32>,
        %swap3A_624 = arith.constant 12 : i32
        %swap3A_625 = arith.index_cast %select_n3A_453 : i32 to index
        %swap3A_626 = arith.index_cast %swap3A_624 : i32 to index
        %swap3A_627 = arith.constant 0 : index
        %swap3A_628 = tpu.vector_load %arg16[%swap3A_625, %swap3A_626, %swap3A_627] {strides = array<i32>} : memref<2x16x128xf32, #tpu.memory_space<vmem>>, vector<16xf32>,
        tpu.vector_store %arg16[%swap3A_625, %swap3A_626, %swap3A_627], %get3A_623 {strides = array<i32>} : memref<2x16x128xf32, #tpu.memory_space<vmem>>, vector<16xf32>,
        %get3A_629 = arith.constant 1564 : index
        %get3A_630 = tpu.vector_load %arg15[%get3A_629] {strides = array<i32>} : memref<2064xf32, #tpu.memory_space<vmem>>, vector<16xf32>,
        %swap3A_631 = arith.constant 12 : i32
        %swap3A_632 = arith.index_cast %select_n3A_453 : i32 to index
        %swap3A_633 = arith.index_cast %swap3A_631 : i32 to index
        %swap3A_634 = arith.constant 16 : index
        %swap3A_635 = tpu.vector_load %arg16[%swap3A_632, %swap3A_633, %swap3A_634] {strides = array<i32>} : memref<2x16x128xf32, #tpu.memory_space<vmem>>, vector<16xf32>,
        tpu.vector_store %arg16[%swap3A_632, %swap3A_633, %swap3A_634], %get3A_630 {strides = array<i32>} : memref<2x16x128xf32, #tpu.memory_space<vmem>>, vector<16xf32>,
        %get3A_636 = arith.constant 1677 : index
        %get3A_637 = tpu.vector_load %arg15[%get3A_636] {strides = array<i32>} : memref<2064xf32, #tpu.memory_space<vmem>>, vector<16xf32>,
        %swap3A_638 = arith.constant 13 : i32
        %swap3A_639 = arith.index_cast %select_n3A_453 : i32 to index
        %swap3A_640 = arith.index_cast %swap3A_638 : i32 to index
        %swap3A_641 = arith.constant 0 : index
        %swap3A_642 = tpu.vector_load %arg16[%swap3A_639, %swap3A_640, %swap3A_641] {strides = array<i32>} : memref<2x16x128xf32, #tpu.memory_space<vmem>>, vector<16xf32>,
        tpu.vector_store %arg16[%swap3A_639, %swap3A_640, %swap3A_641], %get3A_637 {strides = array<i32>} : memref<2x16x128xf32, #tpu.memory_space<vmem>>, vector<16xf32>,
        %get3A_643 = arith.constant 1693 : index
        %get3A_644 = tpu.vector_load %arg15[%get3A_643] {strides = array<i32>} : memref<2064xf32, #tpu.memory_space<vmem>>, vector<16xf32>,
        %swap3A_645 = arith.constant 13 : i32
        %swap3A_646 = arith.index_cast %select_n3A_453 : i32 to index
        %swap3A_647 = arith.index_cast %swap3A_645 : i32 to index
        %swap3A_648 = arith.constant 16 : index
        %swap3A_649 = tpu.vector_load %arg16[%swap3A_646, %swap3A_647, %swap3A_648] {strides = array<i32>} : memref<2x16x128xf32, #tpu.memory_space<vmem>>, vector<16xf32>,
        tpu.vector_store %arg16[%swap3A_646, %swap3A_647, %swap3A_648], %get3A_644 {strides = array<i32>} : memref<2x16x128xf32, #tpu.memory_space<vmem>>, vector<16xf32>,
        %get3A_650 = arith.constant 1806 : index
        %get3A_651 = tpu.vector_load %arg15[%get3A_650] {strides = array<i32>} : memref<2064xf32, #tpu.memory_space<vmem>>, vector<16xf32>,
        %swap3A_652 = arith.constant 14 : i32
        %swap3A_653 = arith.index_cast %select_n3A_453 : i32 to index
        %swap3A_654 = arith.index_cast %swap3A_652 : i32 to index
        %swap3A_655 = arith.constant 0 : index
        %swap3A_656 = tpu.vector_load %arg16[%swap3A_653, %swap3A_654, %swap3A_655] {strides = array<i32>} : memref<2x16x128xf32, #tpu.memory_space<vmem>>, vector<16xf32>,
        tpu.vector_store %arg16[%swap3A_653, %swap3A_654, %swap3A_655], %get3A_651 {strides = array<i32>} : memref<2x16x128xf32, #tpu.memory_space<vmem>>, vector<16xf32>,
        %get3A_657 = arith.constant 1822 : index
        %get3A_658 = tpu.vector_load %arg15[%get3A_657] {strides = array<i32>} : memref<2064xf32, #tpu.memory_space<vmem>>, vector<16xf32>,
        %swap3A_659 = arith.constant 14 : i32
        %swap3A_660 = arith.index_cast %select_n3A_453 : i32 to index
        %swap3A_661 = arith.index_cast %swap3A_659 : i32 to index
        %swap3A_662 = arith.constant 16 : index
        %swap3A_663 = tpu.vector_load %arg16[%swap3A_660, %swap3A_661, %swap3A_662] {strides = array<i32>} : memref<2x16x128xf32, #tpu.memory_space<vmem>>, vector<16xf32>,
        tpu.vector_store %arg16[%swap3A_660, %swap3A_661, %swap3A_662], %get3A_658 {strides = array<i32>} : memref<2x16x128xf32, #tpu.memory_space<vmem>>, vector<16xf32>,
        %get3A_664 = arith.constant 1935 : index
        %get3A_665 = tpu.vector_load %arg15[%get3A_664] {strides = array<i32>} : memref<2064xf32, #tpu.memory_space<vmem>>, vector<16xf32>,
        %swap3A_666 = arith.constant 15 : i32
        %swap3A_667 = arith.index_cast %select_n3A_453 : i32 to index
        %swap3A_668 = arith.index_cast %swap3A_666 : i32 to index
        %swap3A_669 = arith.constant 0 : index
        %swap3A_670 = tpu.vector_load %arg16[%swap3A_667, %swap3A_668, %swap3A_669] {strides = array<i32>} : memref<2x16x128xf32, #tpu.memory_space<vmem>>, vector<16xf32>,
        tpu.vector_store %arg16[%swap3A_667, %swap3A_668, %swap3A_669], %get3A_665 {strides = array<i32>} : memref<2x16x128xf32, #tpu.memory_space<vmem>>, vector<16xf32>,
        %get3A_671 = arith.constant 1951 : index
        %get3A_672 = tpu.vector_load %arg15[%get3A_671] {strides = array<i32>} : memref<2064xf32, #tpu.memory_space<vmem>>, vector<16xf32>,
        %swap3A_673 = arith.constant 15 : i32
        %swap3A_674 = arith.index_cast %select_n3A_453 : i32 to index
        %swap3A_675 = arith.index_cast %swap3A_673 : i32 to index
        %swap3A_676 = arith.constant 16 : index
        %swap3A_677 = tpu.vector_load %arg16[%swap3A_674, %swap3A_675, %swap3A_676] {strides = array<i32>} : memref<2x16x128xf32, #tpu.memory_space<vmem>>, vector<16xf32>,
        tpu.vector_store %arg16[%swap3A_674, %swap3A_675, %swap3A_676], %get3A_672 {strides = array<i32>} : memref<2x16x128xf32, #tpu.memory_space<vmem>>, vector<16xf32>,
        %broadcast_in_dim3A_678 = arith.constant 16390 : i32
        %broadcast_in_dim3A_679 = vector.broadcast %broadcast_in_dim3A_678 : i32 to vector<16xi32>
        %select_n3A_680 = arith.select %lt3A_219, %get3A_213, %broadcast_in_dim3A_679 : vector<16xi1>, vector<16xi32>
        %dma_start3A_681 = arith.constant 0 : i32
        %dma_start3A_682 = arith.constant 0 : i32
        %dma_start3A_683 = tpu.memref_slice %arg16[%select_n3A_453, %dma_start3A_681, %dma_start3A_682] : memref<2x16x128xf32, #tpu.memory_space<vmem>> -> memref<1x16x128xf32, #tpu.memory_space<vmem>>
        %dma_start3A_684 = tpu.memref_squeeze %dma_start3A_683 : memref<1x16x128xf32, #tpu.memory_space<vmem>> -> memref<16x128xf32, #tpu.memory_space<vmem>>
        %dma_start3A_685 = arith.constant 0 : i32
        %dma_start3A_686 = arith.constant 0 : i32
        %dma_start3A_687 = tpu.memref_slice %arg7[%dma_start3A_685, %dma_start3A_686] : memref<16392x128xf32, #tpu.memory_space<hbm>> -> memref<16392x128xf32, #tpu.memory_space<hbm>>
        tpu.enqueue_indirect_dma source(%dma_start3A_684 : memref<16x128xf32, #tpu.memory_space<vmem>>) target(%dma_start3A_687 : memref<16392x128xf32, #tpu.memory_space<hbm>>) offsets(%select_n3A_680 : vector<16xi32>) semaphore(%arg18 : memref<!tpu.dma_semaphore, #tpu.memory_space<semaphore_mem>>)
        %add3A_688 = arith.constant 1 : i32
        %add3A_689 = arith.addi %while3A_200, %add3A_688 : i32
        scf.yield %add3A_689 : i32
      }
      scf.yield %while3A_198 : i32
    }
    %while3A_120 = arith.constant 1 : i32
    %while3A_121 = scf.for %while3A_132 = %while3A_117 to %while3A_113 step %while3A_120 iter_args(%while3A_133 = %while3A_119) -> (i32)  : i32 {
      %add3A_134 = arith.constant 1 : i32
      %add3A_135 = arith.addi %while3A_132, %add3A_134 : i32
      %lt3A_136 = arith.cmpi slt, %add3A_135, %select_n3A : i32
      %convert_element_type3A_137 = arith.extui %lt3A_136 : i1 to i32
      %cond3A_138 = arith.constant 0 : i32
      %cond3A_139 = arith.cmpi ne, %convert_element_type3A_137, %cond3A_138 : i32
      scf.if %cond3A_139 {
        %add3A_199 = arith.constant 1 : i32
        %add3A_200 = arith.addi %while3A_132, %add3A_199 : i32
        %mul3A_201 = arith.constant 512 : i32
        %mul3A_202 = arith.muli %add3A_200, %mul3A_201 : i32
        %add3A_203 = arith.addi %mul3A_2, %mul3A_202 : i32
        %min3A_204 = arith.constant 999552 : i32
        %min3A_205 = arith.minsi %add3A_203, %min3A_204 : i32
        %multiple_of3A_206 = tpu.assume_multiple %min3A_205, 128 : i32
        %jit3A_207 = arith.constant 2 : i32
        %eq3A = arith.constant 0 : i32
        %eq3A_208 = arith.cmpi eq, %jit3A_207, %eq3A : i32
        %jit3A_209 = arith.constant 1 : i32
        %select_n3A_210 = arith.select %eq3A_208, %jit3A_209, %jit3A_207 : i32
        %rem3A_211 = arith.remsi %add3A_200, %select_n3A_210 : i32
        %ne3A_212 = arith.constant 0 : i32
        %ne3A_213 = arith.cmpi ne, %rem3A_211, %ne3A_212 : i32
        %lt3A_214 = arith.constant 0 : i32
        %lt3A_215 = arith.cmpi slt, %rem3A_211, %lt3A_214 : i32
        %lt3A_216 = arith.constant 0 : i32
        %lt3A_217 = arith.cmpi slt, %select_n3A_210, %lt3A_216 : i32
        %ne3A_218 = arith.xori %lt3A_215, %lt3A_217 : i1
        %and3A_219 = arith.andi %ne3A_218, %ne3A_213 : i1
        %add3A_220 = arith.addi %rem3A_211, %select_n3A_210 : i32
        %select_n3A_221 = arith.select %and3A_219, %add3A_220, %rem3A_211 : i32
        %dma_start3A_222 = arith.constant 0 : i32
        %dma_start3A_223 = arith.constant 0 : i32
        %dma_start3A_224 = tpu.memref_slice %arg9[%select_n3A_221, %dma_start3A_222, %dma_start3A_223] : memref<2x32x513xf32, #tpu.memory_space<vmem>> -> memref<1x32x512xf32, #tpu.memory_space<vmem>>
        %dma_start3A_225 = tpu.memref_squeeze %dma_start3A_224 : memref<1x32x512xf32, #tpu.memory_space<vmem>> -> memref<32x512xf32, #tpu.memory_space<vmem>>
        %dma_start3A_226 = arith.constant 0 : i32
        %dma_start3A_227 = tpu.memref_slice %arg5[%dma_start3A_226, %multiple_of3A_206] : memref<32x1000000xf32, #tpu.memory_space<hbm>> -> memref<32x512xf32, #tpu.memory_space<hbm>>
        %dma_start3A_228 = arith.constant 0 : i32
        %dma_start3A_229 = arith.constant 0 : i32
        %dma_start3A_230 = tpu.memref_slice %arg9[%select_n3A_221, %dma_start3A_228, %dma_start3A_229] : memref<2x32x513xf32, #tpu.memory_space<vmem>> -> memref<1x32x512xf32, #tpu.memory_space<vmem>>
        %dma_start3A_231 = tpu.memref_squeeze %dma_start3A_230 : memref<1x32x512xf32, #tpu.memory_space<vmem>> -> memref<32x512xf32, #tpu.memory_space<vmem>>
        %dma_start3A_232 = arith.constant 0 : i32
        %dma_start3A_233 = tpu.memref_slice %arg5[%dma_start3A_232, %multiple_of3A_206] : memref<32x1000000xf32, #tpu.memory_space<hbm>> -> memref<32x512xf32, #tpu.memory_space<hbm>>
        tpu.enqueue_dma source(%dma_start3A_233 : memref<32x512xf32, #tpu.memory_space<hbm>>) target(%dma_start3A_231 : memref<32x512xf32, #tpu.memory_space<vmem>>) target_semaphore(%arg17 : memref<!tpu.dma_semaphore, #tpu.memory_space<semaphore_mem>>)
      } else {
      }
      %dma_wait3A = arith.constant 0 : i32
      %dma_wait3A_140 = arith.constant 0 : i32
      %dma_wait3A_141 = arith.constant 0 : i32
      %dma_wait3A_142 = tpu.memref_slice %arg9[%dma_wait3A, %dma_wait3A_140, %dma_wait3A_141] : memref<2x32x513xf32, #tpu.memory_space<vmem>> -> memref<1x32x512xf32, #tpu.memory_space<vmem>>
      %dma_wait3A_143 = tpu.memref_squeeze %dma_wait3A_142 : memref<1x32x512xf32, #tpu.memory_space<vmem>> -> memref<32x512xf32, #tpu.memory_space<vmem>>
      %dma_wait3A_144 = arith.constant 0 : i32
      %dma_wait3A_145 = arith.constant 0 : i32
      %dma_wait3A_146 = tpu.memref_slice %arg5[%dma_wait3A_144, %dma_wait3A_145] : memref<32x1000000xf32, #tpu.memory_space<hbm>> -> memref<32x512xf32, #tpu.memory_space<hbm>>
      %dma_wait3A_147 = arith.constant 0 : i32
      %dma_wait3A_148 = arith.constant 0 : i32
      %dma_wait3A_149 = tpu.memref_slice %arg9[%dma_wait3A, %dma_wait3A_147, %dma_wait3A_148] : memref<2x32x513xf32, #tpu.memory_space<vmem>> -> memref<1x32x512xf32, #tpu.memory_space<vmem>>
      %dma_wait3A_150 = tpu.memref_squeeze %dma_wait3A_149 : memref<1x32x512xf32, #tpu.memory_space<vmem>> -> memref<32x512xf32, #tpu.memory_space<vmem>>
      %dma_wait3A_151 = arith.constant 0 : i32
      %dma_wait3A_152 = arith.constant 0 : i32
      %dma_wait3A_153 = tpu.memref_slice %arg5[%dma_wait3A_151, %dma_wait3A_152] : memref<32x1000000xf32, #tpu.memory_space<hbm>> -> memref<32x512xf32, #tpu.memory_space<hbm>>
      tpu.wait_dma2 semaphore(%arg17 : memref<!tpu.dma_semaphore, #tpu.memory_space<semaphore_mem>>) src(%dma_wait3A_153 : memref<32x512xf32, #tpu.memory_space<hbm>>) dst(%dma_wait3A_150 : memref<32x512xf32, #tpu.memory_space<vmem>>)
      %mul3A_154 = arith.constant 512 : i32
      %mul3A_155 = arith.muli %while3A_132, %mul3A_154 : i32
      %add3A_156 = arith.addi %mul3A_2, %mul3A_155 : i32
      %min3A_157 = arith.constant 999552 : i32
      %min3A_158 = arith.minsi %add3A_156, %min3A_157 : i32
      %broadcast_in_dim3A_159 = vector.broadcast %while3A_132 : i32 to vector<16xi32>
      %gather3A = tpu.vector_load_idx %arg12[%broadcast_in_dim3A_159] : memref<64xi32, #tpu.memory_space<vmem>>[vector<16xi32>], vector<16xi32>,
      %slice3A = vector.extract_strided_slice %gather3A {offsets = [0], sizes = [1], strides = [1]} : vector<16xi32> to vector<1xi32>
      %squeeze3A = vector.extract %slice3A[0] : i32 from vector<1xi32>
      %add3A_160 = arith.constant 16 : i32
      %add3A_161 = arith.addi %squeeze3A, %add3A_160 : i32
      %sub3A_162 = arith.constant 1 : i32
      %sub3A_163 = arith.subi %add3A_161, %sub3A_162 : i32
      %jit3A_164 = arith.constant 16 : i32
      %div3A_165 = arith.divsi %sub3A_163, %jit3A_164 : i32
      %sign3A_166 = arith.constant 0 : i32
      %sign3A_167 = arith.cmpi sgt, %sub3A_163, %sign3A_166 : i32
      %sign3A_168 = arith.extui %sign3A_167 : i1 to i32
      %sign3A_169 = arith.constant 0 : i32
      %sign3A_170 = arith.cmpi slt, %sub3A_163, %sign3A_169 : i32
      %sign3A_171 = arith.extui %sign3A_170 : i1 to i32
      %sign3A_172 = arith.subi %sign3A_168, %sign3A_171 : i32
      %sign3A_173 = arith.constant 0 : i32
      %sign3A_174 = arith.cmpi sgt, %jit3A_164, %sign3A_173 : i32
      %sign3A_175 = arith.extui %sign3A_174 : i1 to i32
      %sign3A_176 = arith.constant 0 : i32
      %sign3A_177 = arith.cmpi slt, %jit3A_164, %sign3A_176 : i32
      %sign3A_178 = arith.extui %sign3A_177 : i1 to i32
      %sign3A_179 = arith.subi %sign3A_175, %sign3A_178 : i32
      %ne3A_180 = arith.cmpi ne, %sign3A_172, %sign3A_179 : i32
      %rem3A_181 = arith.remsi %sub3A_163, %jit3A_164 : i32
      %ne3A_182 = arith.constant 0 : i32
      %ne3A_183 = arith.cmpi ne, %rem3A_181, %ne3A_182 : i32
      %and3A_184 = arith.andi %ne3A_180, %ne3A_183 : i1
      %sub3A_185 = arith.constant 1 : i32
      %sub3A_186 = arith.subi %div3A_165, %sub3A_185 : i32
      %select_n3A_187 = arith.select %and3A_184, %sub3A_186, %div3A_165 : i32
      %while3A_188 = arith.constant 0 : i32
      %while3A_189 = arith.subi %select_n3A_187, %while3A_188 : i32
      %while3A_190 = arith.addi %while3A_188, %while3A_189 : i32
      %while3A_191 = arith.constant 1 : i32
      %while3A_192 = arith.divsi %while3A_189, %while3A_191 : i32
      %while3A_193 = arith.muli %while3A_192, %while3A_191 : i32
      %while3A_194 = arith.addi %while3A_188, %while3A_193 : i32
      %while3A_195 = arith.constant 1 : i32
      %while3A_196 = scf.for %while3A_199 = %while3A_188 to %while3A_194 step %while3A_195 iter_args(%while3A_200 = %while3A_133) -> (i32)  : i32 {
        %ge3A_201 = arith.constant 2 : i32
        %ge3A_202 = arith.cmpi sge, %while3A_200, %ge3A_201 : i32
        %convert_element_type3A_203 = arith.extui %ge3A_202 : i1 to i32
        %cond3A_204 = arith.constant 0 : i32
        %cond3A_205 = arith.cmpi ne, %convert_element_type3A_203, %cond3A_204 : i32
        scf.if %cond3A_205 {
          %dma_wait3A_690 = arith.constant 0 : i32
          %dma_wait3A_691 = arith.constant 0 : i32
          %dma_wait3A_692 = arith.constant 0 : i32
          %dma_wait3A_693 = tpu.memref_slice %arg16[%dma_wait3A_690, %dma_wait3A_691, %dma_wait3A_692] : memref<2x16x128xf32, #tpu.memory_space<vmem>> -> memref<1x16x128xf32, #tpu.memory_space<vmem>>
          %dma_wait3A_694 = tpu.memref_squeeze %dma_wait3A_693 : memref<1x16x128xf32, #tpu.memory_space<vmem>> -> memref<16x128xf32, #tpu.memory_space<vmem>>
          %dma_wait3A_695 = arith.constant 0 : i32
          %dma_wait3A_696 = arith.constant 0 : i32
          %dma_wait3A_697 = tpu.memref_slice %arg7[%dma_wait3A_695, %dma_wait3A_696] : memref<16392x128xf32, #tpu.memory_space<hbm>> -> memref<16x128xf32, #tpu.memory_space<hbm>>
          %dma_wait3A_698 = arith.constant 0 : i32
          %dma_wait3A_699 = arith.constant 0 : i32
          %dma_wait3A_700 = tpu.memref_slice %arg16[%dma_wait3A_690, %dma_wait3A_698, %dma_wait3A_699] : memref<2x16x128xf32, #tpu.memory_space<vmem>> -> memref<1x16x128xf32, #tpu.memory_space<vmem>>
          %dma_wait3A_701 = tpu.memref_squeeze %dma_wait3A_700 : memref<1x16x128xf32, #tpu.memory_space<vmem>> -> memref<16x128xf32, #tpu.memory_space<vmem>>
          %dma_wait3A_702 = arith.constant 0 : i32
          %dma_wait3A_703 = arith.constant 0 : i32
          %dma_wait3A_704 = tpu.memref_slice %arg7[%dma_wait3A_702, %dma_wait3A_703] : memref<16392x128xf32, #tpu.memory_space<hbm>> -> memref<16x128xf32, #tpu.memory_space<hbm>>
          tpu.wait_dma2 semaphore(%arg18 : memref<!tpu.dma_semaphore, #tpu.memory_space<semaphore_mem>>) src(%dma_wait3A_704 : memref<16x128xf32, #tpu.memory_space<hbm>>) dst(%dma_wait3A_701 : memref<16x128xf32, #tpu.memory_space<vmem>>)
        } else {
        }
        %mul3A_206 = arith.constant 48 : i32
        %mul3A_207 = arith.muli %while3A_132, %mul3A_206 : i32
        %mul3A_208 = arith.constant 16 : i32
        %mul3A_209 = arith.muli %while3A_199, %mul3A_208 : i32
        %add3A_210 = arith.addi %mul3A_207, %mul3A_209 : i32
        %get3A = arith.index_cast %add3A_210 : i32 to index
        %get3A_211 = tpu.vector_load %arg10[%get3A] {strides = array<i32>} : memref<3072xi32, #tpu.memory_space<vmem>>, vector<16xi32>,
        %get3A_212 = arith.index_cast %add3A_210 : i32 to index
        %get3A_213 = tpu.vector_load %arg11[%get3A_212] {strides = array<i32>} : memref<3072xi32, #tpu.memory_space<vmem>>, vector<16xi32>,
        %mul3A_214 = arith.constant 16 : i32
        %mul3A_215 = arith.muli %while3A_199, %mul3A_214 : i32
        %add3A_216 = vector.broadcast %mul3A_215 : i32 to vector<16xi32>
        %add3A_217 = arith.addi %add3A_216, %iota3A : vector<16xi32>
        %lt3A_218 = vector.broadcast %squeeze3A : i32 to vector<16xi32>
        %lt3A_219 = arith.cmpi slt, %add3A_217, %lt3A_218 : vector<16xi32>
        %sub3A_220 = vector.broadcast %min3A_158 : i32 to vector<16xi32>
        %sub3A_221 = arith.subi %get3A_211, %sub3A_220 : vector<16xi32>
        %jit3A_222 = arith.constant 0 : i32
        %jit3A_223 = arith.constant 511 : i32
        %max3A = vector.broadcast %jit3A_222 : i32 to vector<16xi32>
        %max3A_224 = arith.maxsi %max3A, %sub3A_221 : vector<16xi32>
        %min3A_225 = vector.broadcast %jit3A_223 : i32 to vector<16xi32>
        %min3A_226 = arith.minsi %min3A_225, %max3A_224 : vector<16xi32>
        %jit3A_227 = arith.constant 2 : i32
        %eq3A = arith.constant 0 : i32
        %eq3A_228 = arith.cmpi eq, %jit3A_227, %eq3A : i32
        %jit3A_229 = arith.constant 1 : i32
        %select_n3A_230 = arith.select %eq3A_228, %jit3A_229, %jit3A_227 : i32
        %rem3A_231 = arith.remsi %while3A_132, %select_n3A_230 : i32
        %ne3A_232 = arith.constant 0 : i32
        %ne3A_233 = arith.cmpi ne, %rem3A_231, %ne3A_232 : i32
        %lt3A_234 = arith.constant 0 : i32
        %lt3A_235 = arith.cmpi slt, %rem3A_231, %lt3A_234 : i32
        %lt3A_236 = arith.constant 0 : i32
        %lt3A_237 = arith.cmpi slt, %select_n3A_230, %lt3A_236 : i32
        %ne3A_238 = arith.xori %lt3A_235, %lt3A_237 : i1
        %and3A_239 = arith.andi %ne3A_238, %ne3A_233 : i1
        %add3A_240 = arith.addi %rem3A_231, %select_n3A_230 : i32
        %select_n3A_241 = arith.select %and3A_239, %add3A_240, %rem3A_231 : i32
        %broadcast_in_dim3A_242 = vector.broadcast %select_n3A_241 : i32 to vector<16xi32>
        %mul3A_243 = arith.constant 129 : i32
        %mul3A_244 = vector.broadcast %mul3A_243 : i32 to vector<16xi32>
        %mul3A_245 = arith.muli %iota3A, %mul3A_244 : vector<16xi32>
        %broadcast_in_dim3A_246 = arith.constant 0 : i32
        %broadcast_in_dim3A_247 = vector.broadcast %broadcast_in_dim3A_246 : i32 to vector<16xi32>
        %gather3A_248 = tpu.vector_load_idx %arg9[%broadcast_in_dim3A_242, %broadcast_in_dim3A_247, %min3A_226] : memref<2x32x513xf32, #tpu.memory_space<vmem>>[vector<16xi32>, vector<16xi32>, vector<16xi32>], vector<16xf32>,
        %add3A_249 = arith.constant 0 : i32
        %add3A_250 = vector.broadcast %add3A_249 : i32 to vector<16xi32>
        %add3A_251 = arith.addi %mul3A_245, %add3A_250 : vector<16xi32>
        tpu.vector_store_idx %arg15[%add3A_251], %gather3A_248 : memref<2064xf32, #tpu.memory_space<vmem>>[vector<16xi32>], vector<16xf32>,
        %broadcast_in_dim3A_252 = arith.constant 1 : i32
        %broadcast_in_dim3A_253 = vector.broadcast %broadcast_in_dim3A_252 : i32 to vector<16xi32>
        %gather3A_254 = tpu.vector_load_idx %arg9[%broadcast_in_dim3A_242, %broadcast_in_dim3A_253, %min3A_226] : memref<2x32x513xf32, #tpu.memory_space<vmem>>[vector<16xi32>, vector<16xi32>, vector<16xi32>], vector<16xf32>,
        %add3A_255 = arith.constant 1 : i32
        %add3A_256 = vector.broadcast %add3A_255 : i32 to vector<16xi32>
        %add3A_257 = arith.addi %mul3A_245, %add3A_256 : vector<16xi32>
        tpu.vector_store_idx %arg15[%add3A_257], %gather3A_254 : memref<2064xf32, #tpu.memory_space<vmem>>[vector<16xi32>], vector<16xf32>,
        %broadcast_in_dim3A_258 = arith.constant 2 : i32
        %broadcast_in_dim3A_259 = vector.broadcast %broadcast_in_dim3A_258 : i32 to vector<16xi32>
        %gather3A_260 = tpu.vector_load_idx %arg9[%broadcast_in_dim3A_242, %broadcast_in_dim3A_259, %min3A_226] : memref<2x32x513xf32, #tpu.memory_space<vmem>>[vector<16xi32>, vector<16xi32>, vector<16xi32>], vector<16xf32>,
        %add3A_261 = arith.constant 2 : i32
        %add3A_262 = vector.broadcast %add3A_261 : i32 to vector<16xi32>
        %add3A_263 = arith.addi %mul3A_245, %add3A_262 : vector<16xi32>
        tpu.vector_store_idx %arg15[%add3A_263], %gather3A_260 : memref<2064xf32, #tpu.memory_space<vmem>>[vector<16xi32>], vector<16xf32>,
        %broadcast_in_dim3A_264 = arith.constant 3 : i32
        %broadcast_in_dim3A_265 = vector.broadcast %broadcast_in_dim3A_264 : i32 to vector<16xi32>
        %gather3A_266 = tpu.vector_load_idx %arg9[%broadcast_in_dim3A_242, %broadcast_in_dim3A_265, %min3A_226] : memref<2x32x513xf32, #tpu.memory_space<vmem>>[vector<16xi32>, vector<16xi32>, vector<16xi32>], vector<16xf32>,
        %add3A_267 = arith.constant 3 : i32
        %add3A_268 = vector.broadcast %add3A_267 : i32 to vector<16xi32>
        %add3A_269 = arith.addi %mul3A_245, %add3A_268 : vector<16xi32>
        tpu.vector_store_idx %arg15[%add3A_269], %gather3A_266 : memref<2064xf32, #tpu.memory_space<vmem>>[vector<16xi32>], vector<16xf32>,
        %broadcast_in_dim3A_270 = arith.constant 4 : i32
        %broadcast_in_dim3A_271 = vector.broadcast %broadcast_in_dim3A_270 : i32 to vector<16xi32>
        %gather3A_272 = tpu.vector_load_idx %arg9[%broadcast_in_dim3A_242, %broadcast_in_dim3A_271, %min3A_226] : memref<2x32x513xf32, #tpu.memory_space<vmem>>[vector<16xi32>, vector<16xi32>, vector<16xi32>], vector<16xf32>,
        %add3A_273 = arith.constant 4 : i32
        %add3A_274 = vector.broadcast %add3A_273 : i32 to vector<16xi32>
        %add3A_275 = arith.addi %mul3A_245, %add3A_274 : vector<16xi32>
        tpu.vector_store_idx %arg15[%add3A_275], %gather3A_272 : memref<2064xf32, #tpu.memory_space<vmem>>[vector<16xi32>], vector<16xf32>,
        %broadcast_in_dim3A_276 = arith.constant 5 : i32
        %broadcast_in_dim3A_277 = vector.broadcast %broadcast_in_dim3A_276 : i32 to vector<16xi32>
        %gather3A_278 = tpu.vector_load_idx %arg9[%broadcast_in_dim3A_242, %broadcast_in_dim3A_277, %min3A_226] : memref<2x32x513xf32, #tpu.memory_space<vmem>>[vector<16xi32>, vector<16xi32>, vector<16xi32>], vector<16xf32>,
        %add3A_279 = arith.constant 5 : i32
        %add3A_280 = vector.broadcast %add3A_279 : i32 to vector<16xi32>
        %add3A_281 = arith.addi %mul3A_245, %add3A_280 : vector<16xi32>
        tpu.vector_store_idx %arg15[%add3A_281], %gather3A_278 : memref<2064xf32, #tpu.memory_space<vmem>>[vector<16xi32>], vector<16xf32>,
        %broadcast_in_dim3A_282 = arith.constant 6 : i32
        %broadcast_in_dim3A_283 = vector.broadcast %broadcast_in_dim3A_282 : i32 to vector<16xi32>
        %gather3A_284 = tpu.vector_load_idx %arg9[%broadcast_in_dim3A_242, %broadcast_in_dim3A_283, %min3A_226] : memref<2x32x513xf32, #tpu.memory_space<vmem>>[vector<16xi32>, vector<16xi32>, vector<16xi32>], vector<16xf32>,
        %add3A_285 = arith.constant 6 : i32
        %add3A_286 = vector.broadcast %add3A_285 : i32 to vector<16xi32>
        %add3A_287 = arith.addi %mul3A_245, %add3A_286 : vector<16xi32>
        tpu.vector_store_idx %arg15[%add3A_287], %gather3A_284 : memref<2064xf32, #tpu.memory_space<vmem>>[vector<16xi32>], vector<16xf32>,
        %broadcast_in_dim3A_288 = arith.constant 7 : i32
        %broadcast_in_dim3A_289 = vector.broadcast %broadcast_in_dim3A_288 : i32 to vector<16xi32>
        %gather3A_290 = tpu.vector_load_idx %arg9[%broadcast_in_dim3A_242, %broadcast_in_dim3A_289, %min3A_226] : memref<2x32x513xf32, #tpu.memory_space<vmem>>[vector<16xi32>, vector<16xi32>, vector<16xi32>], vector<16xf32>,
        %add3A_291 = arith.constant 7 : i32
        %add3A_292 = vector.broadcast %add3A_291 : i32 to vector<16xi32>
        %add3A_293 = arith.addi %mul3A_245, %add3A_292 : vector<16xi32>
        tpu.vector_store_idx %arg15[%add3A_293], %gather3A_290 : memref<2064xf32, #tpu.memory_space<vmem>>[vector<16xi32>], vector<16xf32>,
        %broadcast_in_dim3A_294 = arith.constant 8 : i32
        %broadcast_in_dim3A_295 = vector.broadcast %broadcast_in_dim3A_294 : i32 to vector<16xi32>
        %gather3A_296 = tpu.vector_load_idx %arg9[%broadcast_in_dim3A_242, %broadcast_in_dim3A_295, %min3A_226] : memref<2x32x513xf32, #tpu.memory_space<vmem>>[vector<16xi32>, vector<16xi32>, vector<16xi32>], vector<16xf32>,
        %add3A_297 = arith.constant 8 : i32
        %add3A_298 = vector.broadcast %add3A_297 : i32 to vector<16xi32>
        %add3A_299 = arith.addi %mul3A_245, %add3A_298 : vector<16xi32>
        tpu.vector_store_idx %arg15[%add3A_299], %gather3A_296 : memref<2064xf32, #tpu.memory_space<vmem>>[vector<16xi32>], vector<16xf32>,
        %broadcast_in_dim3A_300 = arith.constant 9 : i32
        %broadcast_in_dim3A_301 = vector.broadcast %broadcast_in_dim3A_300 : i32 to vector<16xi32>
        %gather3A_302 = tpu.vector_load_idx %arg9[%broadcast_in_dim3A_242, %broadcast_in_dim3A_301, %min3A_226] : memref<2x32x513xf32, #tpu.memory_space<vmem>>[vector<16xi32>, vector<16xi32>, vector<16xi32>], vector<16xf32>,
        %add3A_303 = arith.constant 9 : i32
        %add3A_304 = vector.broadcast %add3A_303 : i32 to vector<16xi32>
        %add3A_305 = arith.addi %mul3A_245, %add3A_304 : vector<16xi32>
        tpu.vector_store_idx %arg15[%add3A_305], %gather3A_302 : memref<2064xf32, #tpu.memory_space<vmem>>[vector<16xi32>], vector<16xf32>,
        %broadcast_in_dim3A_306 = arith.constant 10 : i32
        %broadcast_in_dim3A_307 = vector.broadcast %broadcast_in_dim3A_306 : i32 to vector<16xi32>
        %gather3A_308 = tpu.vector_load_idx %arg9[%broadcast_in_dim3A_242, %broadcast_in_dim3A_307, %min3A_226] : memref<2x32x513xf32, #tpu.memory_space<vmem>>[vector<16xi32>, vector<16xi32>, vector<16xi32>], vector<16xf32>,
        %add3A_309 = arith.constant 10 : i32
        %add3A_310 = vector.broadcast %add3A_309 : i32 to vector<16xi32>
        %add3A_311 = arith.addi %mul3A_245, %add3A_310 : vector<16xi32>
        tpu.vector_store_idx %arg15[%add3A_311], %gather3A_308 : memref<2064xf32, #tpu.memory_space<vmem>>[vector<16xi32>], vector<16xf32>,
        %broadcast_in_dim3A_312 = arith.constant 11 : i32
        %broadcast_in_dim3A_313 = vector.broadcast %broadcast_in_dim3A_312 : i32 to vector<16xi32>
        %gather3A_314 = tpu.vector_load_idx %arg9[%broadcast_in_dim3A_242, %broadcast_in_dim3A_313, %min3A_226] : memref<2x32x513xf32, #tpu.memory_space<vmem>>[vector<16xi32>, vector<16xi32>, vector<16xi32>], vector<16xf32>,
        %add3A_315 = arith.constant 11 : i32
        %add3A_316 = vector.broadcast %add3A_315 : i32 to vector<16xi32>
        %add3A_317 = arith.addi %mul3A_245, %add3A_316 : vector<16xi32>
        tpu.vector_store_idx %arg15[%add3A_317], %gather3A_314 : memref<2064xf32, #tpu.memory_space<vmem>>[vector<16xi32>], vector<16xf32>,
        %broadcast_in_dim3A_318 = arith.constant 12 : i32
        %broadcast_in_dim3A_319 = vector.broadcast %broadcast_in_dim3A_318 : i32 to vector<16xi32>
        %gather3A_320 = tpu.vector_load_idx %arg9[%broadcast_in_dim3A_242, %broadcast_in_dim3A_319, %min3A_226] : memref<2x32x513xf32, #tpu.memory_space<vmem>>[vector<16xi32>, vector<16xi32>, vector<16xi32>], vector<16xf32>,
        %add3A_321 = arith.constant 12 : i32
        %add3A_322 = vector.broadcast %add3A_321 : i32 to vector<16xi32>
        %add3A_323 = arith.addi %mul3A_245, %add3A_322 : vector<16xi32>
        tpu.vector_store_idx %arg15[%add3A_323], %gather3A_320 : memref<2064xf32, #tpu.memory_space<vmem>>[vector<16xi32>], vector<16xf32>,
        %broadcast_in_dim3A_324 = arith.constant 13 : i32
        %broadcast_in_dim3A_325 = vector.broadcast %broadcast_in_dim3A_324 : i32 to vector<16xi32>
        %gather3A_326 = tpu.vector_load_idx %arg9[%broadcast_in_dim3A_242, %broadcast_in_dim3A_325, %min3A_226] : memref<2x32x513xf32, #tpu.memory_space<vmem>>[vector<16xi32>, vector<16xi32>, vector<16xi32>], vector<16xf32>,
        %add3A_327 = arith.constant 13 : i32
        %add3A_328 = vector.broadcast %add3A_327 : i32 to vector<16xi32>
        %add3A_329 = arith.addi %mul3A_245, %add3A_328 : vector<16xi32>
        tpu.vector_store_idx %arg15[%add3A_329], %gather3A_326 : memref<2064xf32, #tpu.memory_space<vmem>>[vector<16xi32>], vector<16xf32>,
        %broadcast_in_dim3A_330 = arith.constant 14 : i32
        %broadcast_in_dim3A_331 = vector.broadcast %broadcast_in_dim3A_330 : i32 to vector<16xi32>
        %gather3A_332 = tpu.vector_load_idx %arg9[%broadcast_in_dim3A_242, %broadcast_in_dim3A_331, %min3A_226] : memref<2x32x513xf32, #tpu.memory_space<vmem>>[vector<16xi32>, vector<16xi32>, vector<16xi32>], vector<16xf32>,
        %add3A_333 = arith.constant 14 : i32
        %add3A_334 = vector.broadcast %add3A_333 : i32 to vector<16xi32>
        %add3A_335 = arith.addi %mul3A_245, %add3A_334 : vector<16xi32>
        tpu.vector_store_idx %arg15[%add3A_335], %gather3A_332 : memref<2064xf32, #tpu.memory_space<vmem>>[vector<16xi32>], vector<16xf32>,
        %broadcast_in_dim3A_336 = arith.constant 15 : i32
        %broadcast_in_dim3A_337 = vector.broadcast %broadcast_in_dim3A_336 : i32 to vector<16xi32>
        %gather3A_338 = tpu.vector_load_idx %arg9[%broadcast_in_dim3A_242, %broadcast_in_dim3A_337, %min3A_226] : memref<2x32x513xf32, #tpu.memory_space<vmem>>[vector<16xi32>, vector<16xi32>, vector<16xi32>], vector<16xf32>,
        %add3A_339 = arith.constant 15 : i32
        %add3A_340 = vector.broadcast %add3A_339 : i32 to vector<16xi32>
        %add3A_341 = arith.addi %mul3A_245, %add3A_340 : vector<16xi32>
        tpu.vector_store_idx %arg15[%add3A_341], %gather3A_338 : memref<2064xf32, #tpu.memory_space<vmem>>[vector<16xi32>], vector<16xf32>,
        %broadcast_in_dim3A_342 = arith.constant 16 : i32
        %broadcast_in_dim3A_343 = vector.broadcast %broadcast_in_dim3A_342 : i32 to vector<16xi32>
        %gather3A_344 = tpu.vector_load_idx %arg9[%broadcast_in_dim3A_242, %broadcast_in_dim3A_343, %min3A_226] : memref<2x32x513xf32, #tpu.memory_space<vmem>>[vector<16xi32>, vector<16xi32>, vector<16xi32>], vector<16xf32>,
        %add3A_345 = arith.constant 16 : i32
        %add3A_346 = vector.broadcast %add3A_345 : i32 to vector<16xi32>
        %add3A_347 = arith.addi %mul3A_245, %add3A_346 : vector<16xi32>
        tpu.vector_store_idx %arg15[%add3A_347], %gather3A_344 : memref<2064xf32, #tpu.memory_space<vmem>>[vector<16xi32>], vector<16xf32>,
        %broadcast_in_dim3A_348 = arith.constant 17 : i32
        %broadcast_in_dim3A_349 = vector.broadcast %broadcast_in_dim3A_348 : i32 to vector<16xi32>
        %gather3A_350 = tpu.vector_load_idx %arg9[%broadcast_in_dim3A_242, %broadcast_in_dim3A_349, %min3A_226] : memref<2x32x513xf32, #tpu.memory_space<vmem>>[vector<16xi32>, vector<16xi32>, vector<16xi32>], vector<16xf32>,
        %add3A_351 = arith.constant 17 : i32
        %add3A_352 = vector.broadcast %add3A_351 : i32 to vector<16xi32>
        %add3A_353 = arith.addi %mul3A_245, %add3A_352 : vector<16xi32>
        tpu.vector_store_idx %arg15[%add3A_353], %gather3A_350 : memref<2064xf32, #tpu.memory_space<vmem>>[vector<16xi32>], vector<16xf32>,
        %broadcast_in_dim3A_354 = arith.constant 18 : i32
        %broadcast_in_dim3A_355 = vector.broadcast %broadcast_in_dim3A_354 : i32 to vector<16xi32>
        %gather3A_356 = tpu.vector_load_idx %arg9[%broadcast_in_dim3A_242, %broadcast_in_dim3A_355, %min3A_226] : memref<2x32x513xf32, #tpu.memory_space<vmem>>[vector<16xi32>, vector<16xi32>, vector<16xi32>], vector<16xf32>,
        %add3A_357 = arith.constant 18 : i32
        %add3A_358 = vector.broadcast %add3A_357 : i32 to vector<16xi32>
        %add3A_359 = arith.addi %mul3A_245, %add3A_358 : vector<16xi32>
        tpu.vector_store_idx %arg15[%add3A_359], %gather3A_356 : memref<2064xf32, #tpu.memory_space<vmem>>[vector<16xi32>], vector<16xf32>,
        %broadcast_in_dim3A_360 = arith.constant 19 : i32
        %broadcast_in_dim3A_361 = vector.broadcast %broadcast_in_dim3A_360 : i32 to vector<16xi32>
        %gather3A_362 = tpu.vector_load_idx %arg9[%broadcast_in_dim3A_242, %broadcast_in_dim3A_361, %min3A_226] : memref<2x32x513xf32, #tpu.memory_space<vmem>>[vector<16xi32>, vector<16xi32>, vector<16xi32>], vector<16xf32>,
        %add3A_363 = arith.constant 19 : i32
        %add3A_364 = vector.broadcast %add3A_363 : i32 to vector<16xi32>
        %add3A_365 = arith.addi %mul3A_245, %add3A_364 : vector<16xi32>
        tpu.vector_store_idx %arg15[%add3A_365], %gather3A_362 : memref<2064xf32, #tpu.memory_space<vmem>>[vector<16xi32>], vector<16xf32>,
        %broadcast_in_dim3A_366 = arith.constant 20 : i32
        %broadcast_in_dim3A_367 = vector.broadcast %broadcast_in_dim3A_366 : i32 to vector<16xi32>
        %gather3A_368 = tpu.vector_load_idx %arg9[%broadcast_in_dim3A_242, %broadcast_in_dim3A_367, %min3A_226] : memref<2x32x513xf32, #tpu.memory_space<vmem>>[vector<16xi32>, vector<16xi32>, vector<16xi32>], vector<16xf32>,
        %add3A_369 = arith.constant 20 : i32
        %add3A_370 = vector.broadcast %add3A_369 : i32 to vector<16xi32>
        %add3A_371 = arith.addi %mul3A_245, %add3A_370 : vector<16xi32>
        tpu.vector_store_idx %arg15[%add3A_371], %gather3A_368 : memref<2064xf32, #tpu.memory_space<vmem>>[vector<16xi32>], vector<16xf32>,
        %broadcast_in_dim3A_372 = arith.constant 21 : i32
        %broadcast_in_dim3A_373 = vector.broadcast %broadcast_in_dim3A_372 : i32 to vector<16xi32>
        %gather3A_374 = tpu.vector_load_idx %arg9[%broadcast_in_dim3A_242, %broadcast_in_dim3A_373, %min3A_226] : memref<2x32x513xf32, #tpu.memory_space<vmem>>[vector<16xi32>, vector<16xi32>, vector<16xi32>], vector<16xf32>,
        %add3A_375 = arith.constant 21 : i32
        %add3A_376 = vector.broadcast %add3A_375 : i32 to vector<16xi32>
        %add3A_377 = arith.addi %mul3A_245, %add3A_376 : vector<16xi32>
        tpu.vector_store_idx %arg15[%add3A_377], %gather3A_374 : memref<2064xf32, #tpu.memory_space<vmem>>[vector<16xi32>], vector<16xf32>,
        %broadcast_in_dim3A_378 = arith.constant 22 : i32
        %broadcast_in_dim3A_379 = vector.broadcast %broadcast_in_dim3A_378 : i32 to vector<16xi32>
        %gather3A_380 = tpu.vector_load_idx %arg9[%broadcast_in_dim3A_242, %broadcast_in_dim3A_379, %min3A_226] : memref<2x32x513xf32, #tpu.memory_space<vmem>>[vector<16xi32>, vector<16xi32>, vector<16xi32>], vector<16xf32>,
        %add3A_381 = arith.constant 22 : i32
        %add3A_382 = vector.broadcast %add3A_381 : i32 to vector<16xi32>
        %add3A_383 = arith.addi %mul3A_245, %add3A_382 : vector<16xi32>
        tpu.vector_store_idx %arg15[%add3A_383], %gather3A_380 : memref<2064xf32, #tpu.memory_space<vmem>>[vector<16xi32>], vector<16xf32>,
        %broadcast_in_dim3A_384 = arith.constant 23 : i32
        %broadcast_in_dim3A_385 = vector.broadcast %broadcast_in_dim3A_384 : i32 to vector<16xi32>
        %gather3A_386 = tpu.vector_load_idx %arg9[%broadcast_in_dim3A_242, %broadcast_in_dim3A_385, %min3A_226] : memref<2x32x513xf32, #tpu.memory_space<vmem>>[vector<16xi32>, vector<16xi32>, vector<16xi32>], vector<16xf32>,
        %add3A_387 = arith.constant 23 : i32
        %add3A_388 = vector.broadcast %add3A_387 : i32 to vector<16xi32>
        %add3A_389 = arith.addi %mul3A_245, %add3A_388 : vector<16xi32>
        tpu.vector_store_idx %arg15[%add3A_389], %gather3A_386 : memref<2064xf32, #tpu.memory_space<vmem>>[vector<16xi32>], vector<16xf32>,
        %broadcast_in_dim3A_390 = arith.constant 24 : i32
        %broadcast_in_dim3A_391 = vector.broadcast %broadcast_in_dim3A_390 : i32 to vector<16xi32>
        %gather3A_392 = tpu.vector_load_idx %arg9[%broadcast_in_dim3A_242, %broadcast_in_dim3A_391, %min3A_226] : memref<2x32x513xf32, #tpu.memory_space<vmem>>[vector<16xi32>, vector<16xi32>, vector<16xi32>], vector<16xf32>,
        %add3A_393 = arith.constant 24 : i32
        %add3A_394 = vector.broadcast %add3A_393 : i32 to vector<16xi32>
        %add3A_395 = arith.addi %mul3A_245, %add3A_394 : vector<16xi32>
        tpu.vector_store_idx %arg15[%add3A_395], %gather3A_392 : memref<2064xf32, #tpu.memory_space<vmem>>[vector<16xi32>], vector<16xf32>,
        %broadcast_in_dim3A_396 = arith.constant 25 : i32
        %broadcast_in_dim3A_397 = vector.broadcast %broadcast_in_dim3A_396 : i32 to vector<16xi32>
        %gather3A_398 = tpu.vector_load_idx %arg9[%broadcast_in_dim3A_242, %broadcast_in_dim3A_397, %min3A_226] : memref<2x32x513xf32, #tpu.memory_space<vmem>>[vector<16xi32>, vector<16xi32>, vector<16xi32>], vector<16xf32>,
        %add3A_399 = arith.constant 25 : i32
        %add3A_400 = vector.broadcast %add3A_399 : i32 to vector<16xi32>
        %add3A_401 = arith.addi %mul3A_245, %add3A_400 : vector<16xi32>
        tpu.vector_store_idx %arg15[%add3A_401], %gather3A_398 : memref<2064xf32, #tpu.memory_space<vmem>>[vector<16xi32>], vector<16xf32>,
        %broadcast_in_dim3A_402 = arith.constant 26 : i32
        %broadcast_in_dim3A_403 = vector.broadcast %broadcast_in_dim3A_402 : i32 to vector<16xi32>
        %gather3A_404 = tpu.vector_load_idx %arg9[%broadcast_in_dim3A_242, %broadcast_in_dim3A_403, %min3A_226] : memref<2x32x513xf32, #tpu.memory_space<vmem>>[vector<16xi32>, vector<16xi32>, vector<16xi32>], vector<16xf32>,
        %add3A_405 = arith.constant 26 : i32
        %add3A_406 = vector.broadcast %add3A_405 : i32 to vector<16xi32>
        %add3A_407 = arith.addi %mul3A_245, %add3A_406 : vector<16xi32>
        tpu.vector_store_idx %arg15[%add3A_407], %gather3A_404 : memref<2064xf32, #tpu.memory_space<vmem>>[vector<16xi32>], vector<16xf32>,
        %broadcast_in_dim3A_408 = arith.constant 27 : i32
        %broadcast_in_dim3A_409 = vector.broadcast %broadcast_in_dim3A_408 : i32 to vector<16xi32>
        %gather3A_410 = tpu.vector_load_idx %arg9[%broadcast_in_dim3A_242, %broadcast_in_dim3A_409, %min3A_226] : memref<2x32x513xf32, #tpu.memory_space<vmem>>[vector<16xi32>, vector<16xi32>, vector<16xi32>], vector<16xf32>,
        %add3A_411 = arith.constant 27 : i32
        %add3A_412 = vector.broadcast %add3A_411 : i32 to vector<16xi32>
        %add3A_413 = arith.addi %mul3A_245, %add3A_412 : vector<16xi32>
        tpu.vector_store_idx %arg15[%add3A_413], %gather3A_410 : memref<2064xf32, #tpu.memory_space<vmem>>[vector<16xi32>], vector<16xf32>,
        %broadcast_in_dim3A_414 = arith.constant 28 : i32
        %broadcast_in_dim3A_415 = vector.broadcast %broadcast_in_dim3A_414 : i32 to vector<16xi32>
        %gather3A_416 = tpu.vector_load_idx %arg9[%broadcast_in_dim3A_242, %broadcast_in_dim3A_415, %min3A_226] : memref<2x32x513xf32, #tpu.memory_space<vmem>>[vector<16xi32>, vector<16xi32>, vector<16xi32>], vector<16xf32>,
        %add3A_417 = arith.constant 28 : i32
        %add3A_418 = vector.broadcast %add3A_417 : i32 to vector<16xi32>
        %add3A_419 = arith.addi %mul3A_245, %add3A_418 : vector<16xi32>
        tpu.vector_store_idx %arg15[%add3A_419], %gather3A_416 : memref<2064xf32, #tpu.memory_space<vmem>>[vector<16xi32>], vector<16xf32>,
        %broadcast_in_dim3A_420 = arith.constant 29 : i32
        %broadcast_in_dim3A_421 = vector.broadcast %broadcast_in_dim3A_420 : i32 to vector<16xi32>
        %gather3A_422 = tpu.vector_load_idx %arg9[%broadcast_in_dim3A_242, %broadcast_in_dim3A_421, %min3A_226] : memref<2x32x513xf32, #tpu.memory_space<vmem>>[vector<16xi32>, vector<16xi32>, vector<16xi32>], vector<16xf32>,
        %add3A_423 = arith.constant 29 : i32
        %add3A_424 = vector.broadcast %add3A_423 : i32 to vector<16xi32>
        %add3A_425 = arith.addi %mul3A_245, %add3A_424 : vector<16xi32>
        tpu.vector_store_idx %arg15[%add3A_425], %gather3A_422 : memref<2064xf32, #tpu.memory_space<vmem>>[vector<16xi32>], vector<16xf32>,
        %broadcast_in_dim3A_426 = arith.constant 30 : i32
        %broadcast_in_dim3A_427 = vector.broadcast %broadcast_in_dim3A_426 : i32 to vector<16xi32>
        %gather3A_428 = tpu.vector_load_idx %arg9[%broadcast_in_dim3A_242, %broadcast_in_dim3A_427, %min3A_226] : memref<2x32x513xf32, #tpu.memory_space<vmem>>[vector<16xi32>, vector<16xi32>, vector<16xi32>], vector<16xf32>,
        %add3A_429 = arith.constant 30 : i32
        %add3A_430 = vector.broadcast %add3A_429 : i32 to vector<16xi32>
        %add3A_431 = arith.addi %mul3A_245, %add3A_430 : vector<16xi32>
        tpu.vector_store_idx %arg15[%add3A_431], %gather3A_428 : memref<2064xf32, #tpu.memory_space<vmem>>[vector<16xi32>], vector<16xf32>,
        %broadcast_in_dim3A_432 = arith.constant 31 : i32
        %broadcast_in_dim3A_433 = vector.broadcast %broadcast_in_dim3A_432 : i32 to vector<16xi32>
        %gather3A_434 = tpu.vector_load_idx %arg9[%broadcast_in_dim3A_242, %broadcast_in_dim3A_433, %min3A_226] : memref<2x32x513xf32, #tpu.memory_space<vmem>>[vector<16xi32>, vector<16xi32>, vector<16xi32>], vector<16xf32>,
        %add3A_435 = arith.constant 31 : i32
        %add3A_436 = vector.broadcast %add3A_435 : i32 to vector<16xi32>
        %add3A_437 = arith.addi %mul3A_245, %add3A_436 : vector<16xi32>
        tpu.vector_store_idx %arg15[%add3A_437], %gather3A_434 : memref<2064xf32, #tpu.memory_space<vmem>>[vector<16xi32>], vector<16xf32>,
        %jit3A_438 = arith.constant 2 : i32
        %eq3A_439 = arith.constant 0 : i32
        %eq3A_440 = arith.cmpi eq, %jit3A_438, %eq3A_439 : i32
        %jit3A_441 = arith.constant 1 : i32
        %select_n3A_442 = arith.select %eq3A_440, %jit3A_441, %jit3A_438 : i32
        %rem3A_443 = arith.remsi %while3A_200, %select_n3A_442 : i32
        %ne3A_444 = arith.constant 0 : i32
        %ne3A_445 = arith.cmpi ne, %rem3A_443, %ne3A_444 : i32
        %lt3A_446 = arith.constant 0 : i32
        %lt3A_447 = arith.cmpi slt, %rem3A_443, %lt3A_446 : i32
        %lt3A_448 = arith.constant 0 : i32
        %lt3A_449 = arith.cmpi slt, %select_n3A_442, %lt3A_448 : i32
        %ne3A_450 = arith.xori %lt3A_447, %lt3A_449 : i1
        %and3A_451 = arith.andi %ne3A_450, %ne3A_445 : i1
        %add3A_452 = arith.addi %rem3A_443, %select_n3A_442 : i32
        %select_n3A_453 = arith.select %and3A_451, %add3A_452, %rem3A_443 : i32
        %get3A_454 = arith.constant 0 : index
        %get3A_455 = tpu.vector_load %arg15[%get3A_454] {strides = array<i32>} : memref<2064xf32, #tpu.memory_space<vmem>>, vector<16xf32>,
        %swap3A_456 = arith.constant 0 : i32
        %swap3A_457 = arith.index_cast %select_n3A_453 : i32 to index
        %swap3A_458 = arith.index_cast %swap3A_456 : i32 to index
        %swap3A_459 = arith.constant 0 : index
        %swap3A_460 = tpu.vector_load %arg16[%swap3A_457, %swap3A_458, %swap3A_459] {strides = array<i32>} : memref<2x16x128xf32, #tpu.memory_space<vmem>>, vector<16xf32>,
        tpu.vector_store %arg16[%swap3A_457, %swap3A_458, %swap3A_459], %get3A_455 {strides = array<i32>} : memref<2x16x128xf32, #tpu.memory_space<vmem>>, vector<16xf32>,
        %get3A_461 = arith.constant 16 : index
        %get3A_462 = tpu.vector_load %arg15[%get3A_461] {strides = array<i32>} : memref<2064xf32, #tpu.memory_space<vmem>>, vector<16xf32>,
        %swap3A_463 = arith.constant 0 : i32
        %swap3A_464 = arith.index_cast %select_n3A_453 : i32 to index
        %swap3A_465 = arith.index_cast %swap3A_463 : i32 to index
        %swap3A_466 = arith.constant 16 : index
        %swap3A_467 = tpu.vector_load %arg16[%swap3A_464, %swap3A_465, %swap3A_466] {strides = array<i32>} : memref<2x16x128xf32, #tpu.memory_space<vmem>>, vector<16xf32>,
        tpu.vector_store %arg16[%swap3A_464, %swap3A_465, %swap3A_466], %get3A_462 {strides = array<i32>} : memref<2x16x128xf32, #tpu.memory_space<vmem>>, vector<16xf32>,
        %get3A_468 = arith.constant 129 : index
        %get3A_469 = tpu.vector_load %arg15[%get3A_468] {strides = array<i32>} : memref<2064xf32, #tpu.memory_space<vmem>>, vector<16xf32>,
        %swap3A_470 = arith.constant 1 : i32
        %swap3A_471 = arith.index_cast %select_n3A_453 : i32 to index
        %swap3A_472 = arith.index_cast %swap3A_470 : i32 to index
        %swap3A_473 = arith.constant 0 : index
        %swap3A_474 = tpu.vector_load %arg16[%swap3A_471, %swap3A_472, %swap3A_473] {strides = array<i32>} : memref<2x16x128xf32, #tpu.memory_space<vmem>>, vector<16xf32>,
        tpu.vector_store %arg16[%swap3A_471, %swap3A_472, %swap3A_473], %get3A_469 {strides = array<i32>} : memref<2x16x128xf32, #tpu.memory_space<vmem>>, vector<16xf32>,
        %get3A_475 = arith.constant 145 : index
        %get3A_476 = tpu.vector_load %arg15[%get3A_475] {strides = array<i32>} : memref<2064xf32, #tpu.memory_space<vmem>>, vector<16xf32>,
        %swap3A_477 = arith.constant 1 : i32
        %swap3A_478 = arith.index_cast %select_n3A_453 : i32 to index
        %swap3A_479 = arith.index_cast %swap3A_477 : i32 to index
        %swap3A_480 = arith.constant 16 : index
        %swap3A_481 = tpu.vector_load %arg16[%swap3A_478, %swap3A_479, %swap3A_480] {strides = array<i32>} : memref<2x16x128xf32, #tpu.memory_space<vmem>>, vector<16xf32>,
        tpu.vector_store %arg16[%swap3A_478, %swap3A_479, %swap3A_480], %get3A_476 {strides = array<i32>} : memref<2x16x128xf32, #tpu.memory_space<vmem>>, vector<16xf32>,
        %get3A_482 = arith.constant 258 : index
        %get3A_483 = tpu.vector_load %arg15[%get3A_482] {strides = array<i32>} : memref<2064xf32, #tpu.memory_space<vmem>>, vector<16xf32>,
        %swap3A_484 = arith.constant 2 : i32
        %swap3A_485 = arith.index_cast %select_n3A_453 : i32 to index
        %swap3A_486 = arith.index_cast %swap3A_484 : i32 to index
        %swap3A_487 = arith.constant 0 : index
        %swap3A_488 = tpu.vector_load %arg16[%swap3A_485, %swap3A_486, %swap3A_487] {strides = array<i32>} : memref<2x16x128xf32, #tpu.memory_space<vmem>>, vector<16xf32>,
        tpu.vector_store %arg16[%swap3A_485, %swap3A_486, %swap3A_487], %get3A_483 {strides = array<i32>} : memref<2x16x128xf32, #tpu.memory_space<vmem>>, vector<16xf32>,
        %get3A_489 = arith.constant 274 : index
        %get3A_490 = tpu.vector_load %arg15[%get3A_489] {strides = array<i32>} : memref<2064xf32, #tpu.memory_space<vmem>>, vector<16xf32>,
        %swap3A_491 = arith.constant 2 : i32
        %swap3A_492 = arith.index_cast %select_n3A_453 : i32 to index
        %swap3A_493 = arith.index_cast %swap3A_491 : i32 to index
        %swap3A_494 = arith.constant 16 : index
        %swap3A_495 = tpu.vector_load %arg16[%swap3A_492, %swap3A_493, %swap3A_494] {strides = array<i32>} : memref<2x16x128xf32, #tpu.memory_space<vmem>>, vector<16xf32>,
        tpu.vector_store %arg16[%swap3A_492, %swap3A_493, %swap3A_494], %get3A_490 {strides = array<i32>} : memref<2x16x128xf32, #tpu.memory_space<vmem>>, vector<16xf32>,
        %get3A_496 = arith.constant 387 : index
        %get3A_497 = tpu.vector_load %arg15[%get3A_496] {strides = array<i32>} : memref<2064xf32, #tpu.memory_space<vmem>>, vector<16xf32>,
        %swap3A_498 = arith.constant 3 : i32
        %swap3A_499 = arith.index_cast %select_n3A_453 : i32 to index
        %swap3A_500 = arith.index_cast %swap3A_498 : i32 to index
        %swap3A_501 = arith.constant 0 : index
        %swap3A_502 = tpu.vector_load %arg16[%swap3A_499, %swap3A_500, %swap3A_501] {strides = array<i32>} : memref<2x16x128xf32, #tpu.memory_space<vmem>>, vector<16xf32>,
        tpu.vector_store %arg16[%swap3A_499, %swap3A_500, %swap3A_501], %get3A_497 {strides = array<i32>} : memref<2x16x128xf32, #tpu.memory_space<vmem>>, vector<16xf32>,
        %get3A_503 = arith.constant 403 : index
        %get3A_504 = tpu.vector_load %arg15[%get3A_503] {strides = array<i32>} : memref<2064xf32, #tpu.memory_space<vmem>>, vector<16xf32>,
        %swap3A_505 = arith.constant 3 : i32
        %swap3A_506 = arith.index_cast %select_n3A_453 : i32 to index
        %swap3A_507 = arith.index_cast %swap3A_505 : i32 to index
        %swap3A_508 = arith.constant 16 : index
        %swap3A_509 = tpu.vector_load %arg16[%swap3A_506, %swap3A_507, %swap3A_508] {strides = array<i32>} : memref<2x16x128xf32, #tpu.memory_space<vmem>>, vector<16xf32>,
        tpu.vector_store %arg16[%swap3A_506, %swap3A_507, %swap3A_508], %get3A_504 {strides = array<i32>} : memref<2x16x128xf32, #tpu.memory_space<vmem>>, vector<16xf32>,
        %get3A_510 = arith.constant 516 : index
        %get3A_511 = tpu.vector_load %arg15[%get3A_510] {strides = array<i32>} : memref<2064xf32, #tpu.memory_space<vmem>>, vector<16xf32>,
        %swap3A_512 = arith.constant 4 : i32
        %swap3A_513 = arith.index_cast %select_n3A_453 : i32 to index
        %swap3A_514 = arith.index_cast %swap3A_512 : i32 to index
        %swap3A_515 = arith.constant 0 : index
        %swap3A_516 = tpu.vector_load %arg16[%swap3A_513, %swap3A_514, %swap3A_515] {strides = array<i32>} : memref<2x16x128xf32, #tpu.memory_space<vmem>>, vector<16xf32>,
        tpu.vector_store %arg16[%swap3A_513, %swap3A_514, %swap3A_515], %get3A_511 {strides = array<i32>} : memref<2x16x128xf32, #tpu.memory_space<vmem>>, vector<16xf32>,
        %get3A_517 = arith.constant 532 : index
        %get3A_518 = tpu.vector_load %arg15[%get3A_517] {strides = array<i32>} : memref<2064xf32, #tpu.memory_space<vmem>>, vector<16xf32>,
        %swap3A_519 = arith.constant 4 : i32
        %swap3A_520 = arith.index_cast %select_n3A_453 : i32 to index
        %swap3A_521 = arith.index_cast %swap3A_519 : i32 to index
        %swap3A_522 = arith.constant 16 : index
        %swap3A_523 = tpu.vector_load %arg16[%swap3A_520, %swap3A_521, %swap3A_522] {strides = array<i32>} : memref<2x16x128xf32, #tpu.memory_space<vmem>>, vector<16xf32>,
        tpu.vector_store %arg16[%swap3A_520, %swap3A_521, %swap3A_522], %get3A_518 {strides = array<i32>} : memref<2x16x128xf32, #tpu.memory_space<vmem>>, vector<16xf32>,
        %get3A_524 = arith.constant 645 : index
        %get3A_525 = tpu.vector_load %arg15[%get3A_524] {strides = array<i32>} : memref<2064xf32, #tpu.memory_space<vmem>>, vector<16xf32>,
        %swap3A_526 = arith.constant 5 : i32
        %swap3A_527 = arith.index_cast %select_n3A_453 : i32 to index
        %swap3A_528 = arith.index_cast %swap3A_526 : i32 to index
        %swap3A_529 = arith.constant 0 : index
        %swap3A_530 = tpu.vector_load %arg16[%swap3A_527, %swap3A_528, %swap3A_529] {strides = array<i32>} : memref<2x16x128xf32, #tpu.memory_space<vmem>>, vector<16xf32>,
        tpu.vector_store %arg16[%swap3A_527, %swap3A_528, %swap3A_529], %get3A_525 {strides = array<i32>} : memref<2x16x128xf32, #tpu.memory_space<vmem>>, vector<16xf32>,
        %get3A_531 = arith.constant 661 : index
        %get3A_532 = tpu.vector_load %arg15[%get3A_531] {strides = array<i32>} : memref<2064xf32, #tpu.memory_space<vmem>>, vector<16xf32>,
        %swap3A_533 = arith.constant 5 : i32
        %swap3A_534 = arith.index_cast %select_n3A_453 : i32 to index
        %swap3A_535 = arith.index_cast %swap3A_533 : i32 to index
        %swap3A_536 = arith.constant 16 : index
        %swap3A_537 = tpu.vector_load %arg16[%swap3A_534, %swap3A_535, %swap3A_536] {strides = array<i32>} : memref<2x16x128xf32, #tpu.memory_space<vmem>>, vector<16xf32>,
        tpu.vector_store %arg16[%swap3A_534, %swap3A_535, %swap3A_536], %get3A_532 {strides = array<i32>} : memref<2x16x128xf32, #tpu.memory_space<vmem>>, vector<16xf32>,
        %get3A_538 = arith.constant 774 : index
        %get3A_539 = tpu.vector_load %arg15[%get3A_538] {strides = array<i32>} : memref<2064xf32, #tpu.memory_space<vmem>>, vector<16xf32>,
        %swap3A_540 = arith.constant 6 : i32
        %swap3A_541 = arith.index_cast %select_n3A_453 : i32 to index
        %swap3A_542 = arith.index_cast %swap3A_540 : i32 to index
        %swap3A_543 = arith.constant 0 : index
        %swap3A_544 = tpu.vector_load %arg16[%swap3A_541, %swap3A_542, %swap3A_543] {strides = array<i32>} : memref<2x16x128xf32, #tpu.memory_space<vmem>>, vector<16xf32>,
        tpu.vector_store %arg16[%swap3A_541, %swap3A_542, %swap3A_543], %get3A_539 {strides = array<i32>} : memref<2x16x128xf32, #tpu.memory_space<vmem>>, vector<16xf32>,
        %get3A_545 = arith.constant 790 : index
        %get3A_546 = tpu.vector_load %arg15[%get3A_545] {strides = array<i32>} : memref<2064xf32, #tpu.memory_space<vmem>>, vector<16xf32>,
        %swap3A_547 = arith.constant 6 : i32
        %swap3A_548 = arith.index_cast %select_n3A_453 : i32 to index
        %swap3A_549 = arith.index_cast %swap3A_547 : i32 to index
        %swap3A_550 = arith.constant 16 : index
        %swap3A_551 = tpu.vector_load %arg16[%swap3A_548, %swap3A_549, %swap3A_550] {strides = array<i32>} : memref<2x16x128xf32, #tpu.memory_space<vmem>>, vector<16xf32>,
        tpu.vector_store %arg16[%swap3A_548, %swap3A_549, %swap3A_550], %get3A_546 {strides = array<i32>} : memref<2x16x128xf32, #tpu.memory_space<vmem>>, vector<16xf32>,
        %get3A_552 = arith.constant 903 : index
        %get3A_553 = tpu.vector_load %arg15[%get3A_552] {strides = array<i32>} : memref<2064xf32, #tpu.memory_space<vmem>>, vector<16xf32>,
        %swap3A_554 = arith.constant 7 : i32
        %swap3A_555 = arith.index_cast %select_n3A_453 : i32 to index
        %swap3A_556 = arith.index_cast %swap3A_554 : i32 to index
        %swap3A_557 = arith.constant 0 : index
        %swap3A_558 = tpu.vector_load %arg16[%swap3A_555, %swap3A_556, %swap3A_557] {strides = array<i32>} : memref<2x16x128xf32, #tpu.memory_space<vmem>>, vector<16xf32>,
        tpu.vector_store %arg16[%swap3A_555, %swap3A_556, %swap3A_557], %get3A_553 {strides = array<i32>} : memref<2x16x128xf32, #tpu.memory_space<vmem>>, vector<16xf32>,
        %get3A_559 = arith.constant 919 : index
        %get3A_560 = tpu.vector_load %arg15[%get3A_559] {strides = array<i32>} : memref<2064xf32, #tpu.memory_space<vmem>>, vector<16xf32>,
        %swap3A_561 = arith.constant 7 : i32
        %swap3A_562 = arith.index_cast %select_n3A_453 : i32 to index
        %swap3A_563 = arith.index_cast %swap3A_561 : i32 to index
        %swap3A_564 = arith.constant 16 : index
        %swap3A_565 = tpu.vector_load %arg16[%swap3A_562, %swap3A_563, %swap3A_564] {strides = array<i32>} : memref<2x16x128xf32, #tpu.memory_space<vmem>>, vector<16xf32>,
        tpu.vector_store %arg16[%swap3A_562, %swap3A_563, %swap3A_564], %get3A_560 {strides = array<i32>} : memref<2x16x128xf32, #tpu.memory_space<vmem>>, vector<16xf32>,
        %get3A_566 = arith.constant 1032 : index
        %get3A_567 = tpu.vector_load %arg15[%get3A_566] {strides = array<i32>} : memref<2064xf32, #tpu.memory_space<vmem>>, vector<16xf32>,
        %swap3A_568 = arith.constant 8 : i32
        %swap3A_569 = arith.index_cast %select_n3A_453 : i32 to index
        %swap3A_570 = arith.index_cast %swap3A_568 : i32 to index
        %swap3A_571 = arith.constant 0 : index
        %swap3A_572 = tpu.vector_load %arg16[%swap3A_569, %swap3A_570, %swap3A_571] {strides = array<i32>} : memref<2x16x128xf32, #tpu.memory_space<vmem>>, vector<16xf32>,
        tpu.vector_store %arg16[%swap3A_569, %swap3A_570, %swap3A_571], %get3A_567 {strides = array<i32>} : memref<2x16x128xf32, #tpu.memory_space<vmem>>, vector<16xf32>,
        %get3A_573 = arith.constant 1048 : index
        %get3A_574 = tpu.vector_load %arg15[%get3A_573] {strides = array<i32>} : memref<2064xf32, #tpu.memory_space<vmem>>, vector<16xf32>,
        %swap3A_575 = arith.constant 8 : i32
        %swap3A_576 = arith.index_cast %select_n3A_453 : i32 to index
        %swap3A_577 = arith.index_cast %swap3A_575 : i32 to index
        %swap3A_578 = arith.constant 16 : index
        %swap3A_579 = tpu.vector_load %arg16[%swap3A_576, %swap3A_577, %swap3A_578] {strides = array<i32>} : memref<2x16x128xf32, #tpu.memory_space<vmem>>, vector<16xf32>,
        tpu.vector_store %arg16[%swap3A_576, %swap3A_577, %swap3A_578], %get3A_574 {strides = array<i32>} : memref<2x16x128xf32, #tpu.memory_space<vmem>>, vector<16xf32>,
        %get3A_580 = arith.constant 1161 : index
        %get3A_581 = tpu.vector_load %arg15[%get3A_580] {strides = array<i32>} : memref<2064xf32, #tpu.memory_space<vmem>>, vector<16xf32>,
        %swap3A_582 = arith.constant 9 : i32
        %swap3A_583 = arith.index_cast %select_n3A_453 : i32 to index
        %swap3A_584 = arith.index_cast %swap3A_582 : i32 to index
        %swap3A_585 = arith.constant 0 : index
        %swap3A_586 = tpu.vector_load %arg16[%swap3A_583, %swap3A_584, %swap3A_585] {strides = array<i32>} : memref<2x16x128xf32, #tpu.memory_space<vmem>>, vector<16xf32>,
        tpu.vector_store %arg16[%swap3A_583, %swap3A_584, %swap3A_585], %get3A_581 {strides = array<i32>} : memref<2x16x128xf32, #tpu.memory_space<vmem>>, vector<16xf32>,
        %get3A_587 = arith.constant 1177 : index
        %get3A_588 = tpu.vector_load %arg15[%get3A_587] {strides = array<i32>} : memref<2064xf32, #tpu.memory_space<vmem>>, vector<16xf32>,
        %swap3A_589 = arith.constant 9 : i32
        %swap3A_590 = arith.index_cast %select_n3A_453 : i32 to index
        %swap3A_591 = arith.index_cast %swap3A_589 : i32 to index
        %swap3A_592 = arith.constant 16 : index
        %swap3A_593 = tpu.vector_load %arg16[%swap3A_590, %swap3A_591, %swap3A_592] {strides = array<i32>} : memref<2x16x128xf32, #tpu.memory_space<vmem>>, vector<16xf32>,
        tpu.vector_store %arg16[%swap3A_590, %swap3A_591, %swap3A_592], %get3A_588 {strides = array<i32>} : memref<2x16x128xf32, #tpu.memory_space<vmem>>, vector<16xf32>,
        %get3A_594 = arith.constant 1290 : index
        %get3A_595 = tpu.vector_load %arg15[%get3A_594] {strides = array<i32>} : memref<2064xf32, #tpu.memory_space<vmem>>, vector<16xf32>,
        %swap3A_596 = arith.constant 10 : i32
        %swap3A_597 = arith.index_cast %select_n3A_453 : i32 to index
        %swap3A_598 = arith.index_cast %swap3A_596 : i32 to index
        %swap3A_599 = arith.constant 0 : index
        %swap3A_600 = tpu.vector_load %arg16[%swap3A_597, %swap3A_598, %swap3A_599] {strides = array<i32>} : memref<2x16x128xf32, #tpu.memory_space<vmem>>, vector<16xf32>,
        tpu.vector_store %arg16[%swap3A_597, %swap3A_598, %swap3A_599], %get3A_595 {strides = array<i32>} : memref<2x16x128xf32, #tpu.memory_space<vmem>>, vector<16xf32>,
        %get3A_601 = arith.constant 1306 : index
        %get3A_602 = tpu.vector_load %arg15[%get3A_601] {strides = array<i32>} : memref<2064xf32, #tpu.memory_space<vmem>>, vector<16xf32>,
        %swap3A_603 = arith.constant 10 : i32
        %swap3A_604 = arith.index_cast %select_n3A_453 : i32 to index
        %swap3A_605 = arith.index_cast %swap3A_603 : i32 to index
        %swap3A_606 = arith.constant 16 : index
        %swap3A_607 = tpu.vector_load %arg16[%swap3A_604, %swap3A_605, %swap3A_606] {strides = array<i32>} : memref<2x16x128xf32, #tpu.memory_space<vmem>>, vector<16xf32>,
        tpu.vector_store %arg16[%swap3A_604, %swap3A_605, %swap3A_606], %get3A_602 {strides = array<i32>} : memref<2x16x128xf32, #tpu.memory_space<vmem>>, vector<16xf32>,
        %get3A_608 = arith.constant 1419 : index
        %get3A_609 = tpu.vector_load %arg15[%get3A_608] {strides = array<i32>} : memref<2064xf32, #tpu.memory_space<vmem>>, vector<16xf32>,
        %swap3A_610 = arith.constant 11 : i32
        %swap3A_611 = arith.index_cast %select_n3A_453 : i32 to index
        %swap3A_612 = arith.index_cast %swap3A_610 : i32 to index
        %swap3A_613 = arith.constant 0 : index
        %swap3A_614 = tpu.vector_load %arg16[%swap3A_611, %swap3A_612, %swap3A_613] {strides = array<i32>} : memref<2x16x128xf32, #tpu.memory_space<vmem>>, vector<16xf32>,
        tpu.vector_store %arg16[%swap3A_611, %swap3A_612, %swap3A_613], %get3A_609 {strides = array<i32>} : memref<2x16x128xf32, #tpu.memory_space<vmem>>, vector<16xf32>,
        %get3A_615 = arith.constant 1435 : index
        %get3A_616 = tpu.vector_load %arg15[%get3A_615] {strides = array<i32>} : memref<2064xf32, #tpu.memory_space<vmem>>, vector<16xf32>,
        %swap3A_617 = arith.constant 11 : i32
        %swap3A_618 = arith.index_cast %select_n3A_453 : i32 to index
        %swap3A_619 = arith.index_cast %swap3A_617 : i32 to index
        %swap3A_620 = arith.constant 16 : index
        %swap3A_621 = tpu.vector_load %arg16[%swap3A_618, %swap3A_619, %swap3A_620] {strides = array<i32>} : memref<2x16x128xf32, #tpu.memory_space<vmem>>, vector<16xf32>,
        tpu.vector_store %arg16[%swap3A_618, %swap3A_619, %swap3A_620], %get3A_616 {strides = array<i32>} : memref<2x16x128xf32, #tpu.memory_space<vmem>>, vector<16xf32>,
        %get3A_622 = arith.constant 1548 : index
        %get3A_623 = tpu.vector_load %arg15[%get3A_622] {strides = array<i32>} : memref<2064xf32, #tpu.memory_space<vmem>>, vector<16xf32>,
        %swap3A_624 = arith.constant 12 : i32
        %swap3A_625 = arith.index_cast %select_n3A_453 : i32 to index
        %swap3A_626 = arith.index_cast %swap3A_624 : i32 to index
        %swap3A_627 = arith.constant 0 : index
        %swap3A_628 = tpu.vector_load %arg16[%swap3A_625, %swap3A_626, %swap3A_627] {strides = array<i32>} : memref<2x16x128xf32, #tpu.memory_space<vmem>>, vector<16xf32>,
        tpu.vector_store %arg16[%swap3A_625, %swap3A_626, %swap3A_627], %get3A_623 {strides = array<i32>} : memref<2x16x128xf32, #tpu.memory_space<vmem>>, vector<16xf32>,
        %get3A_629 = arith.constant 1564 : index
        %get3A_630 = tpu.vector_load %arg15[%get3A_629] {strides = array<i32>} : memref<2064xf32, #tpu.memory_space<vmem>>, vector<16xf32>,
        %swap3A_631 = arith.constant 12 : i32
        %swap3A_632 = arith.index_cast %select_n3A_453 : i32 to index
        %swap3A_633 = arith.index_cast %swap3A_631 : i32 to index
        %swap3A_634 = arith.constant 16 : index
        %swap3A_635 = tpu.vector_load %arg16[%swap3A_632, %swap3A_633, %swap3A_634] {strides = array<i32>} : memref<2x16x128xf32, #tpu.memory_space<vmem>>, vector<16xf32>,
        tpu.vector_store %arg16[%swap3A_632, %swap3A_633, %swap3A_634], %get3A_630 {strides = array<i32>} : memref<2x16x128xf32, #tpu.memory_space<vmem>>, vector<16xf32>,
        %get3A_636 = arith.constant 1677 : index
        %get3A_637 = tpu.vector_load %arg15[%get3A_636] {strides = array<i32>} : memref<2064xf32, #tpu.memory_space<vmem>>, vector<16xf32>,
        %swap3A_638 = arith.constant 13 : i32
        %swap3A_639 = arith.index_cast %select_n3A_453 : i32 to index
        %swap3A_640 = arith.index_cast %swap3A_638 : i32 to index
        %swap3A_641 = arith.constant 0 : index
        %swap3A_642 = tpu.vector_load %arg16[%swap3A_639, %swap3A_640, %swap3A_641] {strides = array<i32>} : memref<2x16x128xf32, #tpu.memory_space<vmem>>, vector<16xf32>,
        tpu.vector_store %arg16[%swap3A_639, %swap3A_640, %swap3A_641], %get3A_637 {strides = array<i32>} : memref<2x16x128xf32, #tpu.memory_space<vmem>>, vector<16xf32>,
        %get3A_643 = arith.constant 1693 : index
        %get3A_644 = tpu.vector_load %arg15[%get3A_643] {strides = array<i32>} : memref<2064xf32, #tpu.memory_space<vmem>>, vector<16xf32>,
        %swap3A_645 = arith.constant 13 : i32
        %swap3A_646 = arith.index_cast %select_n3A_453 : i32 to index
        %swap3A_647 = arith.index_cast %swap3A_645 : i32 to index
        %swap3A_648 = arith.constant 16 : index
        %swap3A_649 = tpu.vector_load %arg16[%swap3A_646, %swap3A_647, %swap3A_648] {strides = array<i32>} : memref<2x16x128xf32, #tpu.memory_space<vmem>>, vector<16xf32>,
        tpu.vector_store %arg16[%swap3A_646, %swap3A_647, %swap3A_648], %get3A_644 {strides = array<i32>} : memref<2x16x128xf32, #tpu.memory_space<vmem>>, vector<16xf32>,
        %get3A_650 = arith.constant 1806 : index
        %get3A_651 = tpu.vector_load %arg15[%get3A_650] {strides = array<i32>} : memref<2064xf32, #tpu.memory_space<vmem>>, vector<16xf32>,
        %swap3A_652 = arith.constant 14 : i32
        %swap3A_653 = arith.index_cast %select_n3A_453 : i32 to index
        %swap3A_654 = arith.index_cast %swap3A_652 : i32 to index
        %swap3A_655 = arith.constant 0 : index
        %swap3A_656 = tpu.vector_load %arg16[%swap3A_653, %swap3A_654, %swap3A_655] {strides = array<i32>} : memref<2x16x128xf32, #tpu.memory_space<vmem>>, vector<16xf32>,
        tpu.vector_store %arg16[%swap3A_653, %swap3A_654, %swap3A_655], %get3A_651 {strides = array<i32>} : memref<2x16x128xf32, #tpu.memory_space<vmem>>, vector<16xf32>,
        %get3A_657 = arith.constant 1822 : index
        %get3A_658 = tpu.vector_load %arg15[%get3A_657] {strides = array<i32>} : memref<2064xf32, #tpu.memory_space<vmem>>, vector<16xf32>,
        %swap3A_659 = arith.constant 14 : i32
        %swap3A_660 = arith.index_cast %select_n3A_453 : i32 to index
        %swap3A_661 = arith.index_cast %swap3A_659 : i32 to index
        %swap3A_662 = arith.constant 16 : index
        %swap3A_663 = tpu.vector_load %arg16[%swap3A_660, %swap3A_661, %swap3A_662] {strides = array<i32>} : memref<2x16x128xf32, #tpu.memory_space<vmem>>, vector<16xf32>,
        tpu.vector_store %arg16[%swap3A_660, %swap3A_661, %swap3A_662], %get3A_658 {strides = array<i32>} : memref<2x16x128xf32, #tpu.memory_space<vmem>>, vector<16xf32>,
        %get3A_664 = arith.constant 1935 : index
        %get3A_665 = tpu.vector_load %arg15[%get3A_664] {strides = array<i32>} : memref<2064xf32, #tpu.memory_space<vmem>>, vector<16xf32>,
        %swap3A_666 = arith.constant 15 : i32
        %swap3A_667 = arith.index_cast %select_n3A_453 : i32 to index
        %swap3A_668 = arith.index_cast %swap3A_666 : i32 to index
        %swap3A_669 = arith.constant 0 : index
        %swap3A_670 = tpu.vector_load %arg16[%swap3A_667, %swap3A_668, %swap3A_669] {strides = array<i32>} : memref<2x16x128xf32, #tpu.memory_space<vmem>>, vector<16xf32>,
        tpu.vector_store %arg16[%swap3A_667, %swap3A_668, %swap3A_669], %get3A_665 {strides = array<i32>} : memref<2x16x128xf32, #tpu.memory_space<vmem>>, vector<16xf32>,
        %get3A_671 = arith.constant 1951 : index
        %get3A_672 = tpu.vector_load %arg15[%get3A_671] {strides = array<i32>} : memref<2064xf32, #tpu.memory_space<vmem>>, vector<16xf32>,
        %swap3A_673 = arith.constant 15 : i32
        %swap3A_674 = arith.index_cast %select_n3A_453 : i32 to index
        %swap3A_675 = arith.index_cast %swap3A_673 : i32 to index
        %swap3A_676 = arith.constant 16 : index
        %swap3A_677 = tpu.vector_load %arg16[%swap3A_674, %swap3A_675, %swap3A_676] {strides = array<i32>} : memref<2x16x128xf32, #tpu.memory_space<vmem>>, vector<16xf32>,
        tpu.vector_store %arg16[%swap3A_674, %swap3A_675, %swap3A_676], %get3A_672 {strides = array<i32>} : memref<2x16x128xf32, #tpu.memory_space<vmem>>, vector<16xf32>,
        %broadcast_in_dim3A_678 = arith.constant 16390 : i32
        %broadcast_in_dim3A_679 = vector.broadcast %broadcast_in_dim3A_678 : i32 to vector<16xi32>
        %select_n3A_680 = arith.select %lt3A_219, %get3A_213, %broadcast_in_dim3A_679 : vector<16xi1>, vector<16xi32>
        %dma_start3A_681 = arith.constant 0 : i32
        %dma_start3A_682 = arith.constant 0 : i32
        %dma_start3A_683 = tpu.memref_slice %arg16[%select_n3A_453, %dma_start3A_681, %dma_start3A_682] : memref<2x16x128xf32, #tpu.memory_space<vmem>> -> memref<1x16x128xf32, #tpu.memory_space<vmem>>
        %dma_start3A_684 = tpu.memref_squeeze %dma_start3A_683 : memref<1x16x128xf32, #tpu.memory_space<vmem>> -> memref<16x128xf32, #tpu.memory_space<vmem>>
        %dma_start3A_685 = arith.constant 0 : i32
        %dma_start3A_686 = arith.constant 0 : i32
        %dma_start3A_687 = tpu.memref_slice %arg7[%dma_start3A_685, %dma_start3A_686] : memref<16392x128xf32, #tpu.memory_space<hbm>> -> memref<16392x128xf32, #tpu.memory_space<hbm>>
        tpu.enqueue_indirect_dma source(%dma_start3A_684 : memref<16x128xf32, #tpu.memory_space<vmem>>) target(%dma_start3A_687 : memref<16392x128xf32, #tpu.memory_space<hbm>>) offsets(%select_n3A_680 : vector<16xi32>) semaphore(%arg18 : memref<!tpu.dma_semaphore, #tpu.memory_space<semaphore_mem>>)
        %add3A_688 = arith.constant 1 : i32
        %add3A_689 = arith.addi %while3A_200, %add3A_688 : i32
        scf.yield %add3A_689 : i32
      }
      %while3A_197 = arith.constant 1 : i32
      %while3A_198 = scf.for %while3A_199 = %while3A_194 to %while3A_190 step %while3A_197 iter_args(%while3A_200 = %while3A_196) -> (i32)  : i32 {
        %ge3A_201 = arith.constant 2 : i32
        %ge3A_202 = arith.cmpi sge, %while3A_200, %ge3A_201 : i32
        %convert_element_type3A_203 = arith.extui %ge3A_202 : i1 to i32
        %cond3A_204 = arith.constant 0 : i32
        %cond3A_205 = arith.cmpi ne, %convert_element_type3A_203, %cond3A_204 : i32
        scf.if %cond3A_205 {
          %dma_wait3A_690 = arith.constant 0 : i32
          %dma_wait3A_691 = arith.constant 0 : i32
          %dma_wait3A_692 = arith.constant 0 : i32
          %dma_wait3A_693 = tpu.memref_slice %arg16[%dma_wait3A_690, %dma_wait3A_691, %dma_wait3A_692] : memref<2x16x128xf32, #tpu.memory_space<vmem>> -> memref<1x16x128xf32, #tpu.memory_space<vmem>>
          %dma_wait3A_694 = tpu.memref_squeeze %dma_wait3A_693 : memref<1x16x128xf32, #tpu.memory_space<vmem>> -> memref<16x128xf32, #tpu.memory_space<vmem>>
          %dma_wait3A_695 = arith.constant 0 : i32
          %dma_wait3A_696 = arith.constant 0 : i32
          %dma_wait3A_697 = tpu.memref_slice %arg7[%dma_wait3A_695, %dma_wait3A_696] : memref<16392x128xf32, #tpu.memory_space<hbm>> -> memref<16x128xf32, #tpu.memory_space<hbm>>
          %dma_wait3A_698 = arith.constant 0 : i32
          %dma_wait3A_699 = arith.constant 0 : i32
          %dma_wait3A_700 = tpu.memref_slice %arg16[%dma_wait3A_690, %dma_wait3A_698, %dma_wait3A_699] : memref<2x16x128xf32, #tpu.memory_space<vmem>> -> memref<1x16x128xf32, #tpu.memory_space<vmem>>
          %dma_wait3A_701 = tpu.memref_squeeze %dma_wait3A_700 : memref<1x16x128xf32, #tpu.memory_space<vmem>> -> memref<16x128xf32, #tpu.memory_space<vmem>>
          %dma_wait3A_702 = arith.constant 0 : i32
          %dma_wait3A_703 = arith.constant 0 : i32
          %dma_wait3A_704 = tpu.memref_slice %arg7[%dma_wait3A_702, %dma_wait3A_703] : memref<16392x128xf32, #tpu.memory_space<hbm>> -> memref<16x128xf32, #tpu.memory_space<hbm>>
          tpu.wait_dma2 semaphore(%arg18 : memref<!tpu.dma_semaphore, #tpu.memory_space<semaphore_mem>>) src(%dma_wait3A_704 : memref<16x128xf32, #tpu.memory_space<hbm>>) dst(%dma_wait3A_701 : memref<16x128xf32, #tpu.memory_space<vmem>>)
        } else {
        }
        %mul3A_206 = arith.constant 48 : i32
        %mul3A_207 = arith.muli %while3A_132, %mul3A_206 : i32
        %mul3A_208 = arith.constant 16 : i32
        %mul3A_209 = arith.muli %while3A_199, %mul3A_208 : i32
        %add3A_210 = arith.addi %mul3A_207, %mul3A_209 : i32
        %get3A = arith.index_cast %add3A_210 : i32 to index
        %get3A_211 = tpu.vector_load %arg10[%get3A] {strides = array<i32>} : memref<3072xi32, #tpu.memory_space<vmem>>, vector<16xi32>,
        %get3A_212 = arith.index_cast %add3A_210 : i32 to index
        %get3A_213 = tpu.vector_load %arg11[%get3A_212] {strides = array<i32>} : memref<3072xi32, #tpu.memory_space<vmem>>, vector<16xi32>,
        %mul3A_214 = arith.constant 16 : i32
        %mul3A_215 = arith.muli %while3A_199, %mul3A_214 : i32
        %add3A_216 = vector.broadcast %mul3A_215 : i32 to vector<16xi32>
        %add3A_217 = arith.addi %add3A_216, %iota3A : vector<16xi32>
        %lt3A_218 = vector.broadcast %squeeze3A : i32 to vector<16xi32>
        %lt3A_219 = arith.cmpi slt, %add3A_217, %lt3A_218 : vector<16xi32>
        %sub3A_220 = vector.broadcast %min3A_158 : i32 to vector<16xi32>
        %sub3A_221 = arith.subi %get3A_211, %sub3A_220 : vector<16xi32>
        %jit3A_222 = arith.constant 0 : i32
        %jit3A_223 = arith.constant 511 : i32
        %max3A = vector.broadcast %jit3A_222 : i32 to vector<16xi32>
        %max3A_224 = arith.maxsi %max3A, %sub3A_221 : vector<16xi32>
        %min3A_225 = vector.broadcast %jit3A_223 : i32 to vector<16xi32>
        %min3A_226 = arith.minsi %min3A_225, %max3A_224 : vector<16xi32>
        %jit3A_227 = arith.constant 2 : i32
        %eq3A = arith.constant 0 : i32
        %eq3A_228 = arith.cmpi eq, %jit3A_227, %eq3A : i32
        %jit3A_229 = arith.constant 1 : i32
        %select_n3A_230 = arith.select %eq3A_228, %jit3A_229, %jit3A_227 : i32
        %rem3A_231 = arith.remsi %while3A_132, %select_n3A_230 : i32
        %ne3A_232 = arith.constant 0 : i32
        %ne3A_233 = arith.cmpi ne, %rem3A_231, %ne3A_232 : i32
        %lt3A_234 = arith.constant 0 : i32
        %lt3A_235 = arith.cmpi slt, %rem3A_231, %lt3A_234 : i32
        %lt3A_236 = arith.constant 0 : i32
        %lt3A_237 = arith.cmpi slt, %select_n3A_230, %lt3A_236 : i32
        %ne3A_238 = arith.xori %lt3A_235, %lt3A_237 : i1
        %and3A_239 = arith.andi %ne3A_238, %ne3A_233 : i1
        %add3A_240 = arith.addi %rem3A_231, %select_n3A_230 : i32
        %select_n3A_241 = arith.select %and3A_239, %add3A_240, %rem3A_231 : i32
        %broadcast_in_dim3A_242 = vector.broadcast %select_n3A_241 : i32 to vector<16xi32>
        %mul3A_243 = arith.constant 129 : i32
        %mul3A_244 = vector.broadcast %mul3A_243 : i32 to vector<16xi32>
        %mul3A_245 = arith.muli %iota3A, %mul3A_244 : vector<16xi32>
        %broadcast_in_dim3A_246 = arith.constant 0 : i32
        %broadcast_in_dim3A_247 = vector.broadcast %broadcast_in_dim3A_246 : i32 to vector<16xi32>
        %gather3A_248 = tpu.vector_load_idx %arg9[%broadcast_in_dim3A_242, %broadcast_in_dim3A_247, %min3A_226] : memref<2x32x513xf32, #tpu.memory_space<vmem>>[vector<16xi32>, vector<16xi32>, vector<16xi32>], vector<16xf32>,
        %add3A_249 = arith.constant 0 : i32
        %add3A_250 = vector.broadcast %add3A_249 : i32 to vector<16xi32>
        %add3A_251 = arith.addi %mul3A_245, %add3A_250 : vector<16xi32>
        tpu.vector_store_idx %arg15[%add3A_251], %gather3A_248 : memref<2064xf32, #tpu.memory_space<vmem>>[vector<16xi32>], vector<16xf32>,
        %broadcast_in_dim3A_252 = arith.constant 1 : i32
        %broadcast_in_dim3A_253 = vector.broadcast %broadcast_in_dim3A_252 : i32 to vector<16xi32>
        %gather3A_254 = tpu.vector_load_idx %arg9[%broadcast_in_dim3A_242, %broadcast_in_dim3A_253, %min3A_226] : memref<2x32x513xf32, #tpu.memory_space<vmem>>[vector<16xi32>, vector<16xi32>, vector<16xi32>], vector<16xf32>,
        %add3A_255 = arith.constant 1 : i32
        %add3A_256 = vector.broadcast %add3A_255 : i32 to vector<16xi32>
        %add3A_257 = arith.addi %mul3A_245, %add3A_256 : vector<16xi32>
        tpu.vector_store_idx %arg15[%add3A_257], %gather3A_254 : memref<2064xf32, #tpu.memory_space<vmem>>[vector<16xi32>], vector<16xf32>,
        %broadcast_in_dim3A_258 = arith.constant 2 : i32
        %broadcast_in_dim3A_259 = vector.broadcast %broadcast_in_dim3A_258 : i32 to vector<16xi32>
        %gather3A_260 = tpu.vector_load_idx %arg9[%broadcast_in_dim3A_242, %broadcast_in_dim3A_259, %min3A_226] : memref<2x32x513xf32, #tpu.memory_space<vmem>>[vector<16xi32>, vector<16xi32>, vector<16xi32>], vector<16xf32>,
        %add3A_261 = arith.constant 2 : i32
        %add3A_262 = vector.broadcast %add3A_261 : i32 to vector<16xi32>
        %add3A_263 = arith.addi %mul3A_245, %add3A_262 : vector<16xi32>
        tpu.vector_store_idx %arg15[%add3A_263], %gather3A_260 : memref<2064xf32, #tpu.memory_space<vmem>>[vector<16xi32>], vector<16xf32>,
        %broadcast_in_dim3A_264 = arith.constant 3 : i32
        %broadcast_in_dim3A_265 = vector.broadcast %broadcast_in_dim3A_264 : i32 to vector<16xi32>
        %gather3A_266 = tpu.vector_load_idx %arg9[%broadcast_in_dim3A_242, %broadcast_in_dim3A_265, %min3A_226] : memref<2x32x513xf32, #tpu.memory_space<vmem>>[vector<16xi32>, vector<16xi32>, vector<16xi32>], vector<16xf32>,
        %add3A_267 = arith.constant 3 : i32
        %add3A_268 = vector.broadcast %add3A_267 : i32 to vector<16xi32>
        %add3A_269 = arith.addi %mul3A_245, %add3A_268 : vector<16xi32>
        tpu.vector_store_idx %arg15[%add3A_269], %gather3A_266 : memref<2064xf32, #tpu.memory_space<vmem>>[vector<16xi32>], vector<16xf32>,
        %broadcast_in_dim3A_270 = arith.constant 4 : i32
        %broadcast_in_dim3A_271 = vector.broadcast %broadcast_in_dim3A_270 : i32 to vector<16xi32>
        %gather3A_272 = tpu.vector_load_idx %arg9[%broadcast_in_dim3A_242, %broadcast_in_dim3A_271, %min3A_226] : memref<2x32x513xf32, #tpu.memory_space<vmem>>[vector<16xi32>, vector<16xi32>, vector<16xi32>], vector<16xf32>,
        %add3A_273 = arith.constant 4 : i32
        %add3A_274 = vector.broadcast %add3A_273 : i32 to vector<16xi32>
        %add3A_275 = arith.addi %mul3A_245, %add3A_274 : vector<16xi32>
        tpu.vector_store_idx %arg15[%add3A_275], %gather3A_272 : memref<2064xf32, #tpu.memory_space<vmem>>[vector<16xi32>], vector<16xf32>,
        %broadcast_in_dim3A_276 = arith.constant 5 : i32
        %broadcast_in_dim3A_277 = vector.broadcast %broadcast_in_dim3A_276 : i32 to vector<16xi32>
        %gather3A_278 = tpu.vector_load_idx %arg9[%broadcast_in_dim3A_242, %broadcast_in_dim3A_277, %min3A_226] : memref<2x32x513xf32, #tpu.memory_space<vmem>>[vector<16xi32>, vector<16xi32>, vector<16xi32>], vector<16xf32>,
        %add3A_279 = arith.constant 5 : i32
        %add3A_280 = vector.broadcast %add3A_279 : i32 to vector<16xi32>
        %add3A_281 = arith.addi %mul3A_245, %add3A_280 : vector<16xi32>
        tpu.vector_store_idx %arg15[%add3A_281], %gather3A_278 : memref<2064xf32, #tpu.memory_space<vmem>>[vector<16xi32>], vector<16xf32>,
        %broadcast_in_dim3A_282 = arith.constant 6 : i32
        %broadcast_in_dim3A_283 = vector.broadcast %broadcast_in_dim3A_282 : i32 to vector<16xi32>
        %gather3A_284 = tpu.vector_load_idx %arg9[%broadcast_in_dim3A_242, %broadcast_in_dim3A_283, %min3A_226] : memref<2x32x513xf32, #tpu.memory_space<vmem>>[vector<16xi32>, vector<16xi32>, vector<16xi32>], vector<16xf32>,
        %add3A_285 = arith.constant 6 : i32
        %add3A_286 = vector.broadcast %add3A_285 : i32 to vector<16xi32>
        %add3A_287 = arith.addi %mul3A_245, %add3A_286 : vector<16xi32>
        tpu.vector_store_idx %arg15[%add3A_287], %gather3A_284 : memref<2064xf32, #tpu.memory_space<vmem>>[vector<16xi32>], vector<16xf32>,
        %broadcast_in_dim3A_288 = arith.constant 7 : i32
        %broadcast_in_dim3A_289 = vector.broadcast %broadcast_in_dim3A_288 : i32 to vector<16xi32>
        %gather3A_290 = tpu.vector_load_idx %arg9[%broadcast_in_dim3A_242, %broadcast_in_dim3A_289, %min3A_226] : memref<2x32x513xf32, #tpu.memory_space<vmem>>[vector<16xi32>, vector<16xi32>, vector<16xi32>], vector<16xf32>,
        %add3A_291 = arith.constant 7 : i32
        %add3A_292 = vector.broadcast %add3A_291 : i32 to vector<16xi32>
        %add3A_293 = arith.addi %mul3A_245, %add3A_292 : vector<16xi32>
        tpu.vector_store_idx %arg15[%add3A_293], %gather3A_290 : memref<2064xf32, #tpu.memory_space<vmem>>[vector<16xi32>], vector<16xf32>,
        %broadcast_in_dim3A_294 = arith.constant 8 : i32
        %broadcast_in_dim3A_295 = vector.broadcast %broadcast_in_dim3A_294 : i32 to vector<16xi32>
        %gather3A_296 = tpu.vector_load_idx %arg9[%broadcast_in_dim3A_242, %broadcast_in_dim3A_295, %min3A_226] : memref<2x32x513xf32, #tpu.memory_space<vmem>>[vector<16xi32>, vector<16xi32>, vector<16xi32>], vector<16xf32>,
        %add3A_297 = arith.constant 8 : i32
        %add3A_298 = vector.broadcast %add3A_297 : i32 to vector<16xi32>
        %add3A_299 = arith.addi %mul3A_245, %add3A_298 : vector<16xi32>
        tpu.vector_store_idx %arg15[%add3A_299], %gather3A_296 : memref<2064xf32, #tpu.memory_space<vmem>>[vector<16xi32>], vector<16xf32>,
        %broadcast_in_dim3A_300 = arith.constant 9 : i32
        %broadcast_in_dim3A_301 = vector.broadcast %broadcast_in_dim3A_300 : i32 to vector<16xi32>
        %gather3A_302 = tpu.vector_load_idx %arg9[%broadcast_in_dim3A_242, %broadcast_in_dim3A_301, %min3A_226] : memref<2x32x513xf32, #tpu.memory_space<vmem>>[vector<16xi32>, vector<16xi32>, vector<16xi32>], vector<16xf32>,
        %add3A_303 = arith.constant 9 : i32
        %add3A_304 = vector.broadcast %add3A_303 : i32 to vector<16xi32>
        %add3A_305 = arith.addi %mul3A_245, %add3A_304 : vector<16xi32>
        tpu.vector_store_idx %arg15[%add3A_305], %gather3A_302 : memref<2064xf32, #tpu.memory_space<vmem>>[vector<16xi32>], vector<16xf32>,
        %broadcast_in_dim3A_306 = arith.constant 10 : i32
        %broadcast_in_dim3A_307 = vector.broadcast %broadcast_in_dim3A_306 : i32 to vector<16xi32>
        %gather3A_308 = tpu.vector_load_idx %arg9[%broadcast_in_dim3A_242, %broadcast_in_dim3A_307, %min3A_226] : memref<2x32x513xf32, #tpu.memory_space<vmem>>[vector<16xi32>, vector<16xi32>, vector<16xi32>], vector<16xf32>,
        %add3A_309 = arith.constant 10 : i32
        %add3A_310 = vector.broadcast %add3A_309 : i32 to vector<16xi32>
        %add3A_311 = arith.addi %mul3A_245, %add3A_310 : vector<16xi32>
        tpu.vector_store_idx %arg15[%add3A_311], %gather3A_308 : memref<2064xf32, #tpu.memory_space<vmem>>[vector<16xi32>], vector<16xf32>,
        %broadcast_in_dim3A_312 = arith.constant 11 : i32
        %broadcast_in_dim3A_313 = vector.broadcast %broadcast_in_dim3A_312 : i32 to vector<16xi32>
        %gather3A_314 = tpu.vector_load_idx %arg9[%broadcast_in_dim3A_242, %broadcast_in_dim3A_313, %min3A_226] : memref<2x32x513xf32, #tpu.memory_space<vmem>>[vector<16xi32>, vector<16xi32>, vector<16xi32>], vector<16xf32>,
        %add3A_315 = arith.constant 11 : i32
        %add3A_316 = vector.broadcast %add3A_315 : i32 to vector<16xi32>
        %add3A_317 = arith.addi %mul3A_245, %add3A_316 : vector<16xi32>
        tpu.vector_store_idx %arg15[%add3A_317], %gather3A_314 : memref<2064xf32, #tpu.memory_space<vmem>>[vector<16xi32>], vector<16xf32>,
        %broadcast_in_dim3A_318 = arith.constant 12 : i32
        %broadcast_in_dim3A_319 = vector.broadcast %broadcast_in_dim3A_318 : i32 to vector<16xi32>
        %gather3A_320 = tpu.vector_load_idx %arg9[%broadcast_in_dim3A_242, %broadcast_in_dim3A_319, %min3A_226] : memref<2x32x513xf32, #tpu.memory_space<vmem>>[vector<16xi32>, vector<16xi32>, vector<16xi32>], vector<16xf32>,
        %add3A_321 = arith.constant 12 : i32
        %add3A_322 = vector.broadcast %add3A_321 : i32 to vector<16xi32>
        %add3A_323 = arith.addi %mul3A_245, %add3A_322 : vector<16xi32>
        tpu.vector_store_idx %arg15[%add3A_323], %gather3A_320 : memref<2064xf32, #tpu.memory_space<vmem>>[vector<16xi32>], vector<16xf32>,
        %broadcast_in_dim3A_324 = arith.constant 13 : i32
        %broadcast_in_dim3A_325 = vector.broadcast %broadcast_in_dim3A_324 : i32 to vector<16xi32>
        %gather3A_326 = tpu.vector_load_idx %arg9[%broadcast_in_dim3A_242, %broadcast_in_dim3A_325, %min3A_226] : memref<2x32x513xf32, #tpu.memory_space<vmem>>[vector<16xi32>, vector<16xi32>, vector<16xi32>], vector<16xf32>,
        %add3A_327 = arith.constant 13 : i32
        %add3A_328 = vector.broadcast %add3A_327 : i32 to vector<16xi32>
        %add3A_329 = arith.addi %mul3A_245, %add3A_328 : vector<16xi32>
        tpu.vector_store_idx %arg15[%add3A_329], %gather3A_326 : memref<2064xf32, #tpu.memory_space<vmem>>[vector<16xi32>], vector<16xf32>,
        %broadcast_in_dim3A_330 = arith.constant 14 : i32
        %broadcast_in_dim3A_331 = vector.broadcast %broadcast_in_dim3A_330 : i32 to vector<16xi32>
        %gather3A_332 = tpu.vector_load_idx %arg9[%broadcast_in_dim3A_242, %broadcast_in_dim3A_331, %min3A_226] : memref<2x32x513xf32, #tpu.memory_space<vmem>>[vector<16xi32>, vector<16xi32>, vector<16xi32>], vector<16xf32>,
        %add3A_333 = arith.constant 14 : i32
        %add3A_334 = vector.broadcast %add3A_333 : i32 to vector<16xi32>
        %add3A_335 = arith.addi %mul3A_245, %add3A_334 : vector<16xi32>
        tpu.vector_store_idx %arg15[%add3A_335], %gather3A_332 : memref<2064xf32, #tpu.memory_space<vmem>>[vector<16xi32>], vector<16xf32>,
        %broadcast_in_dim3A_336 = arith.constant 15 : i32
        %broadcast_in_dim3A_337 = vector.broadcast %broadcast_in_dim3A_336 : i32 to vector<16xi32>
        %gather3A_338 = tpu.vector_load_idx %arg9[%broadcast_in_dim3A_242, %broadcast_in_dim3A_337, %min3A_226] : memref<2x32x513xf32, #tpu.memory_space<vmem>>[vector<16xi32>, vector<16xi32>, vector<16xi32>], vector<16xf32>,
        %add3A_339 = arith.constant 15 : i32
        %add3A_340 = vector.broadcast %add3A_339 : i32 to vector<16xi32>
        %add3A_341 = arith.addi %mul3A_245, %add3A_340 : vector<16xi32>
        tpu.vector_store_idx %arg15[%add3A_341], %gather3A_338 : memref<2064xf32, #tpu.memory_space<vmem>>[vector<16xi32>], vector<16xf32>,
        %broadcast_in_dim3A_342 = arith.constant 16 : i32
        %broadcast_in_dim3A_343 = vector.broadcast %broadcast_in_dim3A_342 : i32 to vector<16xi32>
        %gather3A_344 = tpu.vector_load_idx %arg9[%broadcast_in_dim3A_242, %broadcast_in_dim3A_343, %min3A_226] : memref<2x32x513xf32, #tpu.memory_space<vmem>>[vector<16xi32>, vector<16xi32>, vector<16xi32>], vector<16xf32>,
        %add3A_345 = arith.constant 16 : i32
        %add3A_346 = vector.broadcast %add3A_345 : i32 to vector<16xi32>
        %add3A_347 = arith.addi %mul3A_245, %add3A_346 : vector<16xi32>
        tpu.vector_store_idx %arg15[%add3A_347], %gather3A_344 : memref<2064xf32, #tpu.memory_space<vmem>>[vector<16xi32>], vector<16xf32>,
        %broadcast_in_dim3A_348 = arith.constant 17 : i32
        %broadcast_in_dim3A_349 = vector.broadcast %broadcast_in_dim3A_348 : i32 to vector<16xi32>
        %gather3A_350 = tpu.vector_load_idx %arg9[%broadcast_in_dim3A_242, %broadcast_in_dim3A_349, %min3A_226] : memref<2x32x513xf32, #tpu.memory_space<vmem>>[vector<16xi32>, vector<16xi32>, vector<16xi32>], vector<16xf32>,
        %add3A_351 = arith.constant 17 : i32
        %add3A_352 = vector.broadcast %add3A_351 : i32 to vector<16xi32>
        %add3A_353 = arith.addi %mul3A_245, %add3A_352 : vector<16xi32>
        tpu.vector_store_idx %arg15[%add3A_353], %gather3A_350 : memref<2064xf32, #tpu.memory_space<vmem>>[vector<16xi32>], vector<16xf32>,
        %broadcast_in_dim3A_354 = arith.constant 18 : i32
        %broadcast_in_dim3A_355 = vector.broadcast %broadcast_in_dim3A_354 : i32 to vector<16xi32>
        %gather3A_356 = tpu.vector_load_idx %arg9[%broadcast_in_dim3A_242, %broadcast_in_dim3A_355, %min3A_226] : memref<2x32x513xf32, #tpu.memory_space<vmem>>[vector<16xi32>, vector<16xi32>, vector<16xi32>], vector<16xf32>,
        %add3A_357 = arith.constant 18 : i32
        %add3A_358 = vector.broadcast %add3A_357 : i32 to vector<16xi32>
        %add3A_359 = arith.addi %mul3A_245, %add3A_358 : vector<16xi32>
        tpu.vector_store_idx %arg15[%add3A_359], %gather3A_356 : memref<2064xf32, #tpu.memory_space<vmem>>[vector<16xi32>], vector<16xf32>,
        %broadcast_in_dim3A_360 = arith.constant 19 : i32
        %broadcast_in_dim3A_361 = vector.broadcast %broadcast_in_dim3A_360 : i32 to vector<16xi32>
        %gather3A_362 = tpu.vector_load_idx %arg9[%broadcast_in_dim3A_242, %broadcast_in_dim3A_361, %min3A_226] : memref<2x32x513xf32, #tpu.memory_space<vmem>>[vector<16xi32>, vector<16xi32>, vector<16xi32>], vector<16xf32>,
        %add3A_363 = arith.constant 19 : i32
        %add3A_364 = vector.broadcast %add3A_363 : i32 to vector<16xi32>
        %add3A_365 = arith.addi %mul3A_245, %add3A_364 : vector<16xi32>
        tpu.vector_store_idx %arg15[%add3A_365], %gather3A_362 : memref<2064xf32, #tpu.memory_space<vmem>>[vector<16xi32>], vector<16xf32>,
        %broadcast_in_dim3A_366 = arith.constant 20 : i32
        %broadcast_in_dim3A_367 = vector.broadcast %broadcast_in_dim3A_366 : i32 to vector<16xi32>
        %gather3A_368 = tpu.vector_load_idx %arg9[%broadcast_in_dim3A_242, %broadcast_in_dim3A_367, %min3A_226] : memref<2x32x513xf32, #tpu.memory_space<vmem>>[vector<16xi32>, vector<16xi32>, vector<16xi32>], vector<16xf32>,
        %add3A_369 = arith.constant 20 : i32
        %add3A_370 = vector.broadcast %add3A_369 : i32 to vector<16xi32>
        %add3A_371 = arith.addi %mul3A_245, %add3A_370 : vector<16xi32>
        tpu.vector_store_idx %arg15[%add3A_371], %gather3A_368 : memref<2064xf32, #tpu.memory_space<vmem>>[vector<16xi32>], vector<16xf32>,
        %broadcast_in_dim3A_372 = arith.constant 21 : i32
        %broadcast_in_dim3A_373 = vector.broadcast %broadcast_in_dim3A_372 : i32 to vector<16xi32>
        %gather3A_374 = tpu.vector_load_idx %arg9[%broadcast_in_dim3A_242, %broadcast_in_dim3A_373, %min3A_226] : memref<2x32x513xf32, #tpu.memory_space<vmem>>[vector<16xi32>, vector<16xi32>, vector<16xi32>], vector<16xf32>,
        %add3A_375 = arith.constant 21 : i32
        %add3A_376 = vector.broadcast %add3A_375 : i32 to vector<16xi32>
        %add3A_377 = arith.addi %mul3A_245, %add3A_376 : vector<16xi32>
        tpu.vector_store_idx %arg15[%add3A_377], %gather3A_374 : memref<2064xf32, #tpu.memory_space<vmem>>[vector<16xi32>], vector<16xf32>,
        %broadcast_in_dim3A_378 = arith.constant 22 : i32
        %broadcast_in_dim3A_379 = vector.broadcast %broadcast_in_dim3A_378 : i32 to vector<16xi32>
        %gather3A_380 = tpu.vector_load_idx %arg9[%broadcast_in_dim3A_242, %broadcast_in_dim3A_379, %min3A_226] : memref<2x32x513xf32, #tpu.memory_space<vmem>>[vector<16xi32>, vector<16xi32>, vector<16xi32>], vector<16xf32>,
        %add3A_381 = arith.constant 22 : i32
        %add3A_382 = vector.broadcast %add3A_381 : i32 to vector<16xi32>
        %add3A_383 = arith.addi %mul3A_245, %add3A_382 : vector<16xi32>
        tpu.vector_store_idx %arg15[%add3A_383], %gather3A_380 : memref<2064xf32, #tpu.memory_space<vmem>>[vector<16xi32>], vector<16xf32>,
        %broadcast_in_dim3A_384 = arith.constant 23 : i32
        %broadcast_in_dim3A_385 = vector.broadcast %broadcast_in_dim3A_384 : i32 to vector<16xi32>
        %gather3A_386 = tpu.vector_load_idx %arg9[%broadcast_in_dim3A_242, %broadcast_in_dim3A_385, %min3A_226] : memref<2x32x513xf32, #tpu.memory_space<vmem>>[vector<16xi32>, vector<16xi32>, vector<16xi32>], vector<16xf32>,
        %add3A_387 = arith.constant 23 : i32
        %add3A_388 = vector.broadcast %add3A_387 : i32 to vector<16xi32>
        %add3A_389 = arith.addi %mul3A_245, %add3A_388 : vector<16xi32>
        tpu.vector_store_idx %arg15[%add3A_389], %gather3A_386 : memref<2064xf32, #tpu.memory_space<vmem>>[vector<16xi32>], vector<16xf32>,
        %broadcast_in_dim3A_390 = arith.constant 24 : i32
        %broadcast_in_dim3A_391 = vector.broadcast %broadcast_in_dim3A_390 : i32 to vector<16xi32>
        %gather3A_392 = tpu.vector_load_idx %arg9[%broadcast_in_dim3A_242, %broadcast_in_dim3A_391, %min3A_226] : memref<2x32x513xf32, #tpu.memory_space<vmem>>[vector<16xi32>, vector<16xi32>, vector<16xi32>], vector<16xf32>,
        %add3A_393 = arith.constant 24 : i32
        %add3A_394 = vector.broadcast %add3A_393 : i32 to vector<16xi32>
        %add3A_395 = arith.addi %mul3A_245, %add3A_394 : vector<16xi32>
        tpu.vector_store_idx %arg15[%add3A_395], %gather3A_392 : memref<2064xf32, #tpu.memory_space<vmem>>[vector<16xi32>], vector<16xf32>,
        %broadcast_in_dim3A_396 = arith.constant 25 : i32
        %broadcast_in_dim3A_397 = vector.broadcast %broadcast_in_dim3A_396 : i32 to vector<16xi32>
        %gather3A_398 = tpu.vector_load_idx %arg9[%broadcast_in_dim3A_242, %broadcast_in_dim3A_397, %min3A_226] : memref<2x32x513xf32, #tpu.memory_space<vmem>>[vector<16xi32>, vector<16xi32>, vector<16xi32>], vector<16xf32>,
        %add3A_399 = arith.constant 25 : i32
        %add3A_400 = vector.broadcast %add3A_399 : i32 to vector<16xi32>
        %add3A_401 = arith.addi %mul3A_245, %add3A_400 : vector<16xi32>
        tpu.vector_store_idx %arg15[%add3A_401], %gather3A_398 : memref<2064xf32, #tpu.memory_space<vmem>>[vector<16xi32>], vector<16xf32>,
        %broadcast_in_dim3A_402 = arith.constant 26 : i32
        %broadcast_in_dim3A_403 = vector.broadcast %broadcast_in_dim3A_402 : i32 to vector<16xi32>
        %gather3A_404 = tpu.vector_load_idx %arg9[%broadcast_in_dim3A_242, %broadcast_in_dim3A_403, %min3A_226] : memref<2x32x513xf32, #tpu.memory_space<vmem>>[vector<16xi32>, vector<16xi32>, vector<16xi32>], vector<16xf32>,
        %add3A_405 = arith.constant 26 : i32
        %add3A_406 = vector.broadcast %add3A_405 : i32 to vector<16xi32>
        %add3A_407 = arith.addi %mul3A_245, %add3A_406 : vector<16xi32>
        tpu.vector_store_idx %arg15[%add3A_407], %gather3A_404 : memref<2064xf32, #tpu.memory_space<vmem>>[vector<16xi32>], vector<16xf32>,
        %broadcast_in_dim3A_408 = arith.constant 27 : i32
        %broadcast_in_dim3A_409 = vector.broadcast %broadcast_in_dim3A_408 : i32 to vector<16xi32>
        %gather3A_410 = tpu.vector_load_idx %arg9[%broadcast_in_dim3A_242, %broadcast_in_dim3A_409, %min3A_226] : memref<2x32x513xf32, #tpu.memory_space<vmem>>[vector<16xi32>, vector<16xi32>, vector<16xi32>], vector<16xf32>,
        %add3A_411 = arith.constant 27 : i32
        %add3A_412 = vector.broadcast %add3A_411 : i32 to vector<16xi32>
        %add3A_413 = arith.addi %mul3A_245, %add3A_412 : vector<16xi32>
        tpu.vector_store_idx %arg15[%add3A_413], %gather3A_410 : memref<2064xf32, #tpu.memory_space<vmem>>[vector<16xi32>], vector<16xf32>,
        %broadcast_in_dim3A_414 = arith.constant 28 : i32
        %broadcast_in_dim3A_415 = vector.broadcast %broadcast_in_dim3A_414 : i32 to vector<16xi32>
        %gather3A_416 = tpu.vector_load_idx %arg9[%broadcast_in_dim3A_242, %broadcast_in_dim3A_415, %min3A_226] : memref<2x32x513xf32, #tpu.memory_space<vmem>>[vector<16xi32>, vector<16xi32>, vector<16xi32>], vector<16xf32>,
        %add3A_417 = arith.constant 28 : i32
        %add3A_418 = vector.broadcast %add3A_417 : i32 to vector<16xi32>
        %add3A_419 = arith.addi %mul3A_245, %add3A_418 : vector<16xi32>
        tpu.vector_store_idx %arg15[%add3A_419], %gather3A_416 : memref<2064xf32, #tpu.memory_space<vmem>>[vector<16xi32>], vector<16xf32>,
        %broadcast_in_dim3A_420 = arith.constant 29 : i32
        %broadcast_in_dim3A_421 = vector.broadcast %broadcast_in_dim3A_420 : i32 to vector<16xi32>
        %gather3A_422 = tpu.vector_load_idx %arg9[%broadcast_in_dim3A_242, %broadcast_in_dim3A_421, %min3A_226] : memref<2x32x513xf32, #tpu.memory_space<vmem>>[vector<16xi32>, vector<16xi32>, vector<16xi32>], vector<16xf32>,
        %add3A_423 = arith.constant 29 : i32
        %add3A_424 = vector.broadcast %add3A_423 : i32 to vector<16xi32>
        %add3A_425 = arith.addi %mul3A_245, %add3A_424 : vector<16xi32>
        tpu.vector_store_idx %arg15[%add3A_425], %gather3A_422 : memref<2064xf32, #tpu.memory_space<vmem>>[vector<16xi32>], vector<16xf32>,
        %broadcast_in_dim3A_426 = arith.constant 30 : i32
        %broadcast_in_dim3A_427 = vector.broadcast %broadcast_in_dim3A_426 : i32 to vector<16xi32>
        %gather3A_428 = tpu.vector_load_idx %arg9[%broadcast_in_dim3A_242, %broadcast_in_dim3A_427, %min3A_226] : memref<2x32x513xf32, #tpu.memory_space<vmem>>[vector<16xi32>, vector<16xi32>, vector<16xi32>], vector<16xf32>,
        %add3A_429 = arith.constant 30 : i32
        %add3A_430 = vector.broadcast %add3A_429 : i32 to vector<16xi32>
        %add3A_431 = arith.addi %mul3A_245, %add3A_430 : vector<16xi32>
        tpu.vector_store_idx %arg15[%add3A_431], %gather3A_428 : memref<2064xf32, #tpu.memory_space<vmem>>[vector<16xi32>], vector<16xf32>,
        %broadcast_in_dim3A_432 = arith.constant 31 : i32
        %broadcast_in_dim3A_433 = vector.broadcast %broadcast_in_dim3A_432 : i32 to vector<16xi32>
        %gather3A_434 = tpu.vector_load_idx %arg9[%broadcast_in_dim3A_242, %broadcast_in_dim3A_433, %min3A_226] : memref<2x32x513xf32, #tpu.memory_space<vmem>>[vector<16xi32>, vector<16xi32>, vector<16xi32>], vector<16xf32>,
        %add3A_435 = arith.constant 31 : i32
        %add3A_436 = vector.broadcast %add3A_435 : i32 to vector<16xi32>
        %add3A_437 = arith.addi %mul3A_245, %add3A_436 : vector<16xi32>
        tpu.vector_store_idx %arg15[%add3A_437], %gather3A_434 : memref<2064xf32, #tpu.memory_space<vmem>>[vector<16xi32>], vector<16xf32>,
        %jit3A_438 = arith.constant 2 : i32
        %eq3A_439 = arith.constant 0 : i32
        %eq3A_440 = arith.cmpi eq, %jit3A_438, %eq3A_439 : i32
        %jit3A_441 = arith.constant 1 : i32
        %select_n3A_442 = arith.select %eq3A_440, %jit3A_441, %jit3A_438 : i32
        %rem3A_443 = arith.remsi %while3A_200, %select_n3A_442 : i32
        %ne3A_444 = arith.constant 0 : i32
        %ne3A_445 = arith.cmpi ne, %rem3A_443, %ne3A_444 : i32
        %lt3A_446 = arith.constant 0 : i32
        %lt3A_447 = arith.cmpi slt, %rem3A_443, %lt3A_446 : i32
        %lt3A_448 = arith.constant 0 : i32
        %lt3A_449 = arith.cmpi slt, %select_n3A_442, %lt3A_448 : i32
        %ne3A_450 = arith.xori %lt3A_447, %lt3A_449 : i1
        %and3A_451 = arith.andi %ne3A_450, %ne3A_445 : i1
        %add3A_452 = arith.addi %rem3A_443, %select_n3A_442 : i32
        %select_n3A_453 = arith.select %and3A_451, %add3A_452, %rem3A_443 : i32
        %get3A_454 = arith.constant 0 : index
        %get3A_455 = tpu.vector_load %arg15[%get3A_454] {strides = array<i32>} : memref<2064xf32, #tpu.memory_space<vmem>>, vector<16xf32>,
        %swap3A_456 = arith.constant 0 : i32
        %swap3A_457 = arith.index_cast %select_n3A_453 : i32 to index
        %swap3A_458 = arith.index_cast %swap3A_456 : i32 to index
        %swap3A_459 = arith.constant 0 : index
        %swap3A_460 = tpu.vector_load %arg16[%swap3A_457, %swap3A_458, %swap3A_459] {strides = array<i32>} : memref<2x16x128xf32, #tpu.memory_space<vmem>>, vector<16xf32>,
        tpu.vector_store %arg16[%swap3A_457, %swap3A_458, %swap3A_459], %get3A_455 {strides = array<i32>} : memref<2x16x128xf32, #tpu.memory_space<vmem>>, vector<16xf32>,
        %get3A_461 = arith.constant 16 : index
        %get3A_462 = tpu.vector_load %arg15[%get3A_461] {strides = array<i32>} : memref<2064xf32, #tpu.memory_space<vmem>>, vector<16xf32>,
        %swap3A_463 = arith.constant 0 : i32
        %swap3A_464 = arith.index_cast %select_n3A_453 : i32 to index
        %swap3A_465 = arith.index_cast %swap3A_463 : i32 to index
        %swap3A_466 = arith.constant 16 : index
        %swap3A_467 = tpu.vector_load %arg16[%swap3A_464, %swap3A_465, %swap3A_466] {strides = array<i32>} : memref<2x16x128xf32, #tpu.memory_space<vmem>>, vector<16xf32>,
        tpu.vector_store %arg16[%swap3A_464, %swap3A_465, %swap3A_466], %get3A_462 {strides = array<i32>} : memref<2x16x128xf32, #tpu.memory_space<vmem>>, vector<16xf32>,
        %get3A_468 = arith.constant 129 : index
        %get3A_469 = tpu.vector_load %arg15[%get3A_468] {strides = array<i32>} : memref<2064xf32, #tpu.memory_space<vmem>>, vector<16xf32>,
        %swap3A_470 = arith.constant 1 : i32
        %swap3A_471 = arith.index_cast %select_n3A_453 : i32 to index
        %swap3A_472 = arith.index_cast %swap3A_470 : i32 to index
        %swap3A_473 = arith.constant 0 : index
        %swap3A_474 = tpu.vector_load %arg16[%swap3A_471, %swap3A_472, %swap3A_473] {strides = array<i32>} : memref<2x16x128xf32, #tpu.memory_space<vmem>>, vector<16xf32>,
        tpu.vector_store %arg16[%swap3A_471, %swap3A_472, %swap3A_473], %get3A_469 {strides = array<i32>} : memref<2x16x128xf32, #tpu.memory_space<vmem>>, vector<16xf32>,
        %get3A_475 = arith.constant 145 : index
        %get3A_476 = tpu.vector_load %arg15[%get3A_475] {strides = array<i32>} : memref<2064xf32, #tpu.memory_space<vmem>>, vector<16xf32>,
        %swap3A_477 = arith.constant 1 : i32
        %swap3A_478 = arith.index_cast %select_n3A_453 : i32 to index
        %swap3A_479 = arith.index_cast %swap3A_477 : i32 to index
        %swap3A_480 = arith.constant 16 : index
        %swap3A_481 = tpu.vector_load %arg16[%swap3A_478, %swap3A_479, %swap3A_480] {strides = array<i32>} : memref<2x16x128xf32, #tpu.memory_space<vmem>>, vector<16xf32>,
        tpu.vector_store %arg16[%swap3A_478, %swap3A_479, %swap3A_480], %get3A_476 {strides = array<i32>} : memref<2x16x128xf32, #tpu.memory_space<vmem>>, vector<16xf32>,
        %get3A_482 = arith.constant 258 : index
        %get3A_483 = tpu.vector_load %arg15[%get3A_482] {strides = array<i32>} : memref<2064xf32, #tpu.memory_space<vmem>>, vector<16xf32>,
        %swap3A_484 = arith.constant 2 : i32
        %swap3A_485 = arith.index_cast %select_n3A_453 : i32 to index
        %swap3A_486 = arith.index_cast %swap3A_484 : i32 to index
        %swap3A_487 = arith.constant 0 : index
        %swap3A_488 = tpu.vector_load %arg16[%swap3A_485, %swap3A_486, %swap3A_487] {strides = array<i32>} : memref<2x16x128xf32, #tpu.memory_space<vmem>>, vector<16xf32>,
        tpu.vector_store %arg16[%swap3A_485, %swap3A_486, %swap3A_487], %get3A_483 {strides = array<i32>} : memref<2x16x128xf32, #tpu.memory_space<vmem>>, vector<16xf32>,
        %get3A_489 = arith.constant 274 : index
        %get3A_490 = tpu.vector_load %arg15[%get3A_489] {strides = array<i32>} : memref<2064xf32, #tpu.memory_space<vmem>>, vector<16xf32>,
        %swap3A_491 = arith.constant 2 : i32
        %swap3A_492 = arith.index_cast %select_n3A_453 : i32 to index
        %swap3A_493 = arith.index_cast %swap3A_491 : i32 to index
        %swap3A_494 = arith.constant 16 : index
        %swap3A_495 = tpu.vector_load %arg16[%swap3A_492, %swap3A_493, %swap3A_494] {strides = array<i32>} : memref<2x16x128xf32, #tpu.memory_space<vmem>>, vector<16xf32>,
        tpu.vector_store %arg16[%swap3A_492, %swap3A_493, %swap3A_494], %get3A_490 {strides = array<i32>} : memref<2x16x128xf32, #tpu.memory_space<vmem>>, vector<16xf32>,
        %get3A_496 = arith.constant 387 : index
        %get3A_497 = tpu.vector_load %arg15[%get3A_496] {strides = array<i32>} : memref<2064xf32, #tpu.memory_space<vmem>>, vector<16xf32>,
        %swap3A_498 = arith.constant 3 : i32
        %swap3A_499 = arith.index_cast %select_n3A_453 : i32 to index
        %swap3A_500 = arith.index_cast %swap3A_498 : i32 to index
        %swap3A_501 = arith.constant 0 : index
        %swap3A_502 = tpu.vector_load %arg16[%swap3A_499, %swap3A_500, %swap3A_501] {strides = array<i32>} : memref<2x16x128xf32, #tpu.memory_space<vmem>>, vector<16xf32>,
        tpu.vector_store %arg16[%swap3A_499, %swap3A_500, %swap3A_501], %get3A_497 {strides = array<i32>} : memref<2x16x128xf32, #tpu.memory_space<vmem>>, vector<16xf32>,
        %get3A_503 = arith.constant 403 : index
        %get3A_504 = tpu.vector_load %arg15[%get3A_503] {strides = array<i32>} : memref<2064xf32, #tpu.memory_space<vmem>>, vector<16xf32>,
        %swap3A_505 = arith.constant 3 : i32
        %swap3A_506 = arith.index_cast %select_n3A_453 : i32 to index
        %swap3A_507 = arith.index_cast %swap3A_505 : i32 to index
        %swap3A_508 = arith.constant 16 : index
        %swap3A_509 = tpu.vector_load %arg16[%swap3A_506, %swap3A_507, %swap3A_508] {strides = array<i32>} : memref<2x16x128xf32, #tpu.memory_space<vmem>>, vector<16xf32>,
        tpu.vector_store %arg16[%swap3A_506, %swap3A_507, %swap3A_508], %get3A_504 {strides = array<i32>} : memref<2x16x128xf32, #tpu.memory_space<vmem>>, vector<16xf32>,
        %get3A_510 = arith.constant 516 : index
        %get3A_511 = tpu.vector_load %arg15[%get3A_510] {strides = array<i32>} : memref<2064xf32, #tpu.memory_space<vmem>>, vector<16xf32>,
        %swap3A_512 = arith.constant 4 : i32
        %swap3A_513 = arith.index_cast %select_n3A_453 : i32 to index
        %swap3A_514 = arith.index_cast %swap3A_512 : i32 to index
        %swap3A_515 = arith.constant 0 : index
        %swap3A_516 = tpu.vector_load %arg16[%swap3A_513, %swap3A_514, %swap3A_515] {strides = array<i32>} : memref<2x16x128xf32, #tpu.memory_space<vmem>>, vector<16xf32>,
        tpu.vector_store %arg16[%swap3A_513, %swap3A_514, %swap3A_515], %get3A_511 {strides = array<i32>} : memref<2x16x128xf32, #tpu.memory_space<vmem>>, vector<16xf32>,
        %get3A_517 = arith.constant 532 : index
        %get3A_518 = tpu.vector_load %arg15[%get3A_517] {strides = array<i32>} : memref<2064xf32, #tpu.memory_space<vmem>>, vector<16xf32>,
        %swap3A_519 = arith.constant 4 : i32
        %swap3A_520 = arith.index_cast %select_n3A_453 : i32 to index
        %swap3A_521 = arith.index_cast %swap3A_519 : i32 to index
        %swap3A_522 = arith.constant 16 : index
        %swap3A_523 = tpu.vector_load %arg16[%swap3A_520, %swap3A_521, %swap3A_522] {strides = array<i32>} : memref<2x16x128xf32, #tpu.memory_space<vmem>>, vector<16xf32>,
        tpu.vector_store %arg16[%swap3A_520, %swap3A_521, %swap3A_522], %get3A_518 {strides = array<i32>} : memref<2x16x128xf32, #tpu.memory_space<vmem>>, vector<16xf32>,
        %get3A_524 = arith.constant 645 : index
        %get3A_525 = tpu.vector_load %arg15[%get3A_524] {strides = array<i32>} : memref<2064xf32, #tpu.memory_space<vmem>>, vector<16xf32>,
        %swap3A_526 = arith.constant 5 : i32
        %swap3A_527 = arith.index_cast %select_n3A_453 : i32 to index
        %swap3A_528 = arith.index_cast %swap3A_526 : i32 to index
        %swap3A_529 = arith.constant 0 : index
        %swap3A_530 = tpu.vector_load %arg16[%swap3A_527, %swap3A_528, %swap3A_529] {strides = array<i32>} : memref<2x16x128xf32, #tpu.memory_space<vmem>>, vector<16xf32>,
        tpu.vector_store %arg16[%swap3A_527, %swap3A_528, %swap3A_529], %get3A_525 {strides = array<i32>} : memref<2x16x128xf32, #tpu.memory_space<vmem>>, vector<16xf32>,
        %get3A_531 = arith.constant 661 : index
        %get3A_532 = tpu.vector_load %arg15[%get3A_531] {strides = array<i32>} : memref<2064xf32, #tpu.memory_space<vmem>>, vector<16xf32>,
        %swap3A_533 = arith.constant 5 : i32
        %swap3A_534 = arith.index_cast %select_n3A_453 : i32 to index
        %swap3A_535 = arith.index_cast %swap3A_533 : i32 to index
        %swap3A_536 = arith.constant 16 : index
        %swap3A_537 = tpu.vector_load %arg16[%swap3A_534, %swap3A_535, %swap3A_536] {strides = array<i32>} : memref<2x16x128xf32, #tpu.memory_space<vmem>>, vector<16xf32>,
        tpu.vector_store %arg16[%swap3A_534, %swap3A_535, %swap3A_536], %get3A_532 {strides = array<i32>} : memref<2x16x128xf32, #tpu.memory_space<vmem>>, vector<16xf32>,
        %get3A_538 = arith.constant 774 : index
        %get3A_539 = tpu.vector_load %arg15[%get3A_538] {strides = array<i32>} : memref<2064xf32, #tpu.memory_space<vmem>>, vector<16xf32>,
        %swap3A_540 = arith.constant 6 : i32
        %swap3A_541 = arith.index_cast %select_n3A_453 : i32 to index
        %swap3A_542 = arith.index_cast %swap3A_540 : i32 to index
        %swap3A_543 = arith.constant 0 : index
        %swap3A_544 = tpu.vector_load %arg16[%swap3A_541, %swap3A_542, %swap3A_543] {strides = array<i32>} : memref<2x16x128xf32, #tpu.memory_space<vmem>>, vector<16xf32>,
        tpu.vector_store %arg16[%swap3A_541, %swap3A_542, %swap3A_543], %get3A_539 {strides = array<i32>} : memref<2x16x128xf32, #tpu.memory_space<vmem>>, vector<16xf32>,
        %get3A_545 = arith.constant 790 : index
        %get3A_546 = tpu.vector_load %arg15[%get3A_545] {strides = array<i32>} : memref<2064xf32, #tpu.memory_space<vmem>>, vector<16xf32>,
        %swap3A_547 = arith.constant 6 : i32
        %swap3A_548 = arith.index_cast %select_n3A_453 : i32 to index
        %swap3A_549 = arith.index_cast %swap3A_547 : i32 to index
        %swap3A_550 = arith.constant 16 : index
        %swap3A_551 = tpu.vector_load %arg16[%swap3A_548, %swap3A_549, %swap3A_550] {strides = array<i32>} : memref<2x16x128xf32, #tpu.memory_space<vmem>>, vector<16xf32>,
        tpu.vector_store %arg16[%swap3A_548, %swap3A_549, %swap3A_550], %get3A_546 {strides = array<i32>} : memref<2x16x128xf32, #tpu.memory_space<vmem>>, vector<16xf32>,
        %get3A_552 = arith.constant 903 : index
        %get3A_553 = tpu.vector_load %arg15[%get3A_552] {strides = array<i32>} : memref<2064xf32, #tpu.memory_space<vmem>>, vector<16xf32>,
        %swap3A_554 = arith.constant 7 : i32
        %swap3A_555 = arith.index_cast %select_n3A_453 : i32 to index
        %swap3A_556 = arith.index_cast %swap3A_554 : i32 to index
        %swap3A_557 = arith.constant 0 : index
        %swap3A_558 = tpu.vector_load %arg16[%swap3A_555, %swap3A_556, %swap3A_557] {strides = array<i32>} : memref<2x16x128xf32, #tpu.memory_space<vmem>>, vector<16xf32>,
        tpu.vector_store %arg16[%swap3A_555, %swap3A_556, %swap3A_557], %get3A_553 {strides = array<i32>} : memref<2x16x128xf32, #tpu.memory_space<vmem>>, vector<16xf32>,
        %get3A_559 = arith.constant 919 : index
        %get3A_560 = tpu.vector_load %arg15[%get3A_559] {strides = array<i32>} : memref<2064xf32, #tpu.memory_space<vmem>>, vector<16xf32>,
        %swap3A_561 = arith.constant 7 : i32
        %swap3A_562 = arith.index_cast %select_n3A_453 : i32 to index
        %swap3A_563 = arith.index_cast %swap3A_561 : i32 to index
        %swap3A_564 = arith.constant 16 : index
        %swap3A_565 = tpu.vector_load %arg16[%swap3A_562, %swap3A_563, %swap3A_564] {strides = array<i32>} : memref<2x16x128xf32, #tpu.memory_space<vmem>>, vector<16xf32>,
        tpu.vector_store %arg16[%swap3A_562, %swap3A_563, %swap3A_564], %get3A_560 {strides = array<i32>} : memref<2x16x128xf32, #tpu.memory_space<vmem>>, vector<16xf32>,
        %get3A_566 = arith.constant 1032 : index
        %get3A_567 = tpu.vector_load %arg15[%get3A_566] {strides = array<i32>} : memref<2064xf32, #tpu.memory_space<vmem>>, vector<16xf32>,
        %swap3A_568 = arith.constant 8 : i32
        %swap3A_569 = arith.index_cast %select_n3A_453 : i32 to index
        %swap3A_570 = arith.index_cast %swap3A_568 : i32 to index
        %swap3A_571 = arith.constant 0 : index
        %swap3A_572 = tpu.vector_load %arg16[%swap3A_569, %swap3A_570, %swap3A_571] {strides = array<i32>} : memref<2x16x128xf32, #tpu.memory_space<vmem>>, vector<16xf32>,
        tpu.vector_store %arg16[%swap3A_569, %swap3A_570, %swap3A_571], %get3A_567 {strides = array<i32>} : memref<2x16x128xf32, #tpu.memory_space<vmem>>, vector<16xf32>,
        %get3A_573 = arith.constant 1048 : index
        %get3A_574 = tpu.vector_load %arg15[%get3A_573] {strides = array<i32>} : memref<2064xf32, #tpu.memory_space<vmem>>, vector<16xf32>,
        %swap3A_575 = arith.constant 8 : i32
        %swap3A_576 = arith.index_cast %select_n3A_453 : i32 to index
        %swap3A_577 = arith.index_cast %swap3A_575 : i32 to index
        %swap3A_578 = arith.constant 16 : index
        %swap3A_579 = tpu.vector_load %arg16[%swap3A_576, %swap3A_577, %swap3A_578] {strides = array<i32>} : memref<2x16x128xf32, #tpu.memory_space<vmem>>, vector<16xf32>,
        tpu.vector_store %arg16[%swap3A_576, %swap3A_577, %swap3A_578], %get3A_574 {strides = array<i32>} : memref<2x16x128xf32, #tpu.memory_space<vmem>>, vector<16xf32>,
        %get3A_580 = arith.constant 1161 : index
        %get3A_581 = tpu.vector_load %arg15[%get3A_580] {strides = array<i32>} : memref<2064xf32, #tpu.memory_space<vmem>>, vector<16xf32>,
        %swap3A_582 = arith.constant 9 : i32
        %swap3A_583 = arith.index_cast %select_n3A_453 : i32 to index
        %swap3A_584 = arith.index_cast %swap3A_582 : i32 to index
        %swap3A_585 = arith.constant 0 : index
        %swap3A_586 = tpu.vector_load %arg16[%swap3A_583, %swap3A_584, %swap3A_585] {strides = array<i32>} : memref<2x16x128xf32, #tpu.memory_space<vmem>>, vector<16xf32>,
        tpu.vector_store %arg16[%swap3A_583, %swap3A_584, %swap3A_585], %get3A_581 {strides = array<i32>} : memref<2x16x128xf32, #tpu.memory_space<vmem>>, vector<16xf32>,
        %get3A_587 = arith.constant 1177 : index
        %get3A_588 = tpu.vector_load %arg15[%get3A_587] {strides = array<i32>} : memref<2064xf32, #tpu.memory_space<vmem>>, vector<16xf32>,
        %swap3A_589 = arith.constant 9 : i32
        %swap3A_590 = arith.index_cast %select_n3A_453 : i32 to index
        %swap3A_591 = arith.index_cast %swap3A_589 : i32 to index
        %swap3A_592 = arith.constant 16 : index
        %swap3A_593 = tpu.vector_load %arg16[%swap3A_590, %swap3A_591, %swap3A_592] {strides = array<i32>} : memref<2x16x128xf32, #tpu.memory_space<vmem>>, vector<16xf32>,
        tpu.vector_store %arg16[%swap3A_590, %swap3A_591, %swap3A_592], %get3A_588 {strides = array<i32>} : memref<2x16x128xf32, #tpu.memory_space<vmem>>, vector<16xf32>,
        %get3A_594 = arith.constant 1290 : index
        %get3A_595 = tpu.vector_load %arg15[%get3A_594] {strides = array<i32>} : memref<2064xf32, #tpu.memory_space<vmem>>, vector<16xf32>,
        %swap3A_596 = arith.constant 10 : i32
        %swap3A_597 = arith.index_cast %select_n3A_453 : i32 to index
        %swap3A_598 = arith.index_cast %swap3A_596 : i32 to index
        %swap3A_599 = arith.constant 0 : index
        %swap3A_600 = tpu.vector_load %arg16[%swap3A_597, %swap3A_598, %swap3A_599] {strides = array<i32>} : memref<2x16x128xf32, #tpu.memory_space<vmem>>, vector<16xf32>,
        tpu.vector_store %arg16[%swap3A_597, %swap3A_598, %swap3A_599], %get3A_595 {strides = array<i32>} : memref<2x16x128xf32, #tpu.memory_space<vmem>>, vector<16xf32>,
        %get3A_601 = arith.constant 1306 : index
        %get3A_602 = tpu.vector_load %arg15[%get3A_601] {strides = array<i32>} : memref<2064xf32, #tpu.memory_space<vmem>>, vector<16xf32>,
        %swap3A_603 = arith.constant 10 : i32
        %swap3A_604 = arith.index_cast %select_n3A_453 : i32 to index
        %swap3A_605 = arith.index_cast %swap3A_603 : i32 to index
        %swap3A_606 = arith.constant 16 : index
        %swap3A_607 = tpu.vector_load %arg16[%swap3A_604, %swap3A_605, %swap3A_606] {strides = array<i32>} : memref<2x16x128xf32, #tpu.memory_space<vmem>>, vector<16xf32>,
        tpu.vector_store %arg16[%swap3A_604, %swap3A_605, %swap3A_606], %get3A_602 {strides = array<i32>} : memref<2x16x128xf32, #tpu.memory_space<vmem>>, vector<16xf32>,
        %get3A_608 = arith.constant 1419 : index
        %get3A_609 = tpu.vector_load %arg15[%get3A_608] {strides = array<i32>} : memref<2064xf32, #tpu.memory_space<vmem>>, vector<16xf32>,
        %swap3A_610 = arith.constant 11 : i32
        %swap3A_611 = arith.index_cast %select_n3A_453 : i32 to index
        %swap3A_612 = arith.index_cast %swap3A_610 : i32 to index
        %swap3A_613 = arith.constant 0 : index
        %swap3A_614 = tpu.vector_load %arg16[%swap3A_611, %swap3A_612, %swap3A_613] {strides = array<i32>} : memref<2x16x128xf32, #tpu.memory_space<vmem>>, vector<16xf32>,
        tpu.vector_store %arg16[%swap3A_611, %swap3A_612, %swap3A_613], %get3A_609 {strides = array<i32>} : memref<2x16x128xf32, #tpu.memory_space<vmem>>, vector<16xf32>,
        %get3A_615 = arith.constant 1435 : index
        %get3A_616 = tpu.vector_load %arg15[%get3A_615] {strides = array<i32>} : memref<2064xf32, #tpu.memory_space<vmem>>, vector<16xf32>,
        %swap3A_617 = arith.constant 11 : i32
        %swap3A_618 = arith.index_cast %select_n3A_453 : i32 to index
        %swap3A_619 = arith.index_cast %swap3A_617 : i32 to index
        %swap3A_620 = arith.constant 16 : index
        %swap3A_621 = tpu.vector_load %arg16[%swap3A_618, %swap3A_619, %swap3A_620] {strides = array<i32>} : memref<2x16x128xf32, #tpu.memory_space<vmem>>, vector<16xf32>,
        tpu.vector_store %arg16[%swap3A_618, %swap3A_619, %swap3A_620], %get3A_616 {strides = array<i32>} : memref<2x16x128xf32, #tpu.memory_space<vmem>>, vector<16xf32>,
        %get3A_622 = arith.constant 1548 : index
        %get3A_623 = tpu.vector_load %arg15[%get3A_622] {strides = array<i32>} : memref<2064xf32, #tpu.memory_space<vmem>>, vector<16xf32>,
        %swap3A_624 = arith.constant 12 : i32
        %swap3A_625 = arith.index_cast %select_n3A_453 : i32 to index
        %swap3A_626 = arith.index_cast %swap3A_624 : i32 to index
        %swap3A_627 = arith.constant 0 : index
        %swap3A_628 = tpu.vector_load %arg16[%swap3A_625, %swap3A_626, %swap3A_627] {strides = array<i32>} : memref<2x16x128xf32, #tpu.memory_space<vmem>>, vector<16xf32>,
        tpu.vector_store %arg16[%swap3A_625, %swap3A_626, %swap3A_627], %get3A_623 {strides = array<i32>} : memref<2x16x128xf32, #tpu.memory_space<vmem>>, vector<16xf32>,
        %get3A_629 = arith.constant 1564 : index
        %get3A_630 = tpu.vector_load %arg15[%get3A_629] {strides = array<i32>} : memref<2064xf32, #tpu.memory_space<vmem>>, vector<16xf32>,
        %swap3A_631 = arith.constant 12 : i32
        %swap3A_632 = arith.index_cast %select_n3A_453 : i32 to index
        %swap3A_633 = arith.index_cast %swap3A_631 : i32 to index
        %swap3A_634 = arith.constant 16 : index
        %swap3A_635 = tpu.vector_load %arg16[%swap3A_632, %swap3A_633, %swap3A_634] {strides = array<i32>} : memref<2x16x128xf32, #tpu.memory_space<vmem>>, vector<16xf32>,
        tpu.vector_store %arg16[%swap3A_632, %swap3A_633, %swap3A_634], %get3A_630 {strides = array<i32>} : memref<2x16x128xf32, #tpu.memory_space<vmem>>, vector<16xf32>,
        %get3A_636 = arith.constant 1677 : index
        %get3A_637 = tpu.vector_load %arg15[%get3A_636] {strides = array<i32>} : memref<2064xf32, #tpu.memory_space<vmem>>, vector<16xf32>,
        %swap3A_638 = arith.constant 13 : i32
        %swap3A_639 = arith.index_cast %select_n3A_453 : i32 to index
        %swap3A_640 = arith.index_cast %swap3A_638 : i32 to index
        %swap3A_641 = arith.constant 0 : index
        %swap3A_642 = tpu.vector_load %arg16[%swap3A_639, %swap3A_640, %swap3A_641] {strides = array<i32>} : memref<2x16x128xf32, #tpu.memory_space<vmem>>, vector<16xf32>,
        tpu.vector_store %arg16[%swap3A_639, %swap3A_640, %swap3A_641], %get3A_637 {strides = array<i32>} : memref<2x16x128xf32, #tpu.memory_space<vmem>>, vector<16xf32>,
        %get3A_643 = arith.constant 1693 : index
        %get3A_644 = tpu.vector_load %arg15[%get3A_643] {strides = array<i32>} : memref<2064xf32, #tpu.memory_space<vmem>>, vector<16xf32>,
        %swap3A_645 = arith.constant 13 : i32
        %swap3A_646 = arith.index_cast %select_n3A_453 : i32 to index
        %swap3A_647 = arith.index_cast %swap3A_645 : i32 to index
        %swap3A_648 = arith.constant 16 : index
        %swap3A_649 = tpu.vector_load %arg16[%swap3A_646, %swap3A_647, %swap3A_648] {strides = array<i32>} : memref<2x16x128xf32, #tpu.memory_space<vmem>>, vector<16xf32>,
        tpu.vector_store %arg16[%swap3A_646, %swap3A_647, %swap3A_648], %get3A_644 {strides = array<i32>} : memref<2x16x128xf32, #tpu.memory_space<vmem>>, vector<16xf32>,
        %get3A_650 = arith.constant 1806 : index
        %get3A_651 = tpu.vector_load %arg15[%get3A_650] {strides = array<i32>} : memref<2064xf32, #tpu.memory_space<vmem>>, vector<16xf32>,
        %swap3A_652 = arith.constant 14 : i32
        %swap3A_653 = arith.index_cast %select_n3A_453 : i32 to index
        %swap3A_654 = arith.index_cast %swap3A_652 : i32 to index
        %swap3A_655 = arith.constant 0 : index
        %swap3A_656 = tpu.vector_load %arg16[%swap3A_653, %swap3A_654, %swap3A_655] {strides = array<i32>} : memref<2x16x128xf32, #tpu.memory_space<vmem>>, vector<16xf32>,
        tpu.vector_store %arg16[%swap3A_653, %swap3A_654, %swap3A_655], %get3A_651 {strides = array<i32>} : memref<2x16x128xf32, #tpu.memory_space<vmem>>, vector<16xf32>,
        %get3A_657 = arith.constant 1822 : index
        %get3A_658 = tpu.vector_load %arg15[%get3A_657] {strides = array<i32>} : memref<2064xf32, #tpu.memory_space<vmem>>, vector<16xf32>,
        %swap3A_659 = arith.constant 14 : i32
        %swap3A_660 = arith.index_cast %select_n3A_453 : i32 to index
        %swap3A_661 = arith.index_cast %swap3A_659 : i32 to index
        %swap3A_662 = arith.constant 16 : index
        %swap3A_663 = tpu.vector_load %arg16[%swap3A_660, %swap3A_661, %swap3A_662] {strides = array<i32>} : memref<2x16x128xf32, #tpu.memory_space<vmem>>, vector<16xf32>,
        tpu.vector_store %arg16[%swap3A_660, %swap3A_661, %swap3A_662], %get3A_658 {strides = array<i32>} : memref<2x16x128xf32, #tpu.memory_space<vmem>>, vector<16xf32>,
        %get3A_664 = arith.constant 1935 : index
        %get3A_665 = tpu.vector_load %arg15[%get3A_664] {strides = array<i32>} : memref<2064xf32, #tpu.memory_space<vmem>>, vector<16xf32>,
        %swap3A_666 = arith.constant 15 : i32
        %swap3A_667 = arith.index_cast %select_n3A_453 : i32 to index
        %swap3A_668 = arith.index_cast %swap3A_666 : i32 to index
        %swap3A_669 = arith.constant 0 : index
        %swap3A_670 = tpu.vector_load %arg16[%swap3A_667, %swap3A_668, %swap3A_669] {strides = array<i32>} : memref<2x16x128xf32, #tpu.memory_space<vmem>>, vector<16xf32>,
        tpu.vector_store %arg16[%swap3A_667, %swap3A_668, %swap3A_669], %get3A_665 {strides = array<i32>} : memref<2x16x128xf32, #tpu.memory_space<vmem>>, vector<16xf32>,
        %get3A_671 = arith.constant 1951 : index
        %get3A_672 = tpu.vector_load %arg15[%get3A_671] {strides = array<i32>} : memref<2064xf32, #tpu.memory_space<vmem>>, vector<16xf32>,
        %swap3A_673 = arith.constant 15 : i32
        %swap3A_674 = arith.index_cast %select_n3A_453 : i32 to index
        %swap3A_675 = arith.index_cast %swap3A_673 : i32 to index
        %swap3A_676 = arith.constant 16 : index
        %swap3A_677 = tpu.vector_load %arg16[%swap3A_674, %swap3A_675, %swap3A_676] {strides = array<i32>} : memref<2x16x128xf32, #tpu.memory_space<vmem>>, vector<16xf32>,
        tpu.vector_store %arg16[%swap3A_674, %swap3A_675, %swap3A_676], %get3A_672 {strides = array<i32>} : memref<2x16x128xf32, #tpu.memory_space<vmem>>, vector<16xf32>,
        %broadcast_in_dim3A_678 = arith.constant 16390 : i32
        %broadcast_in_dim3A_679 = vector.broadcast %broadcast_in_dim3A_678 : i32 to vector<16xi32>
        %select_n3A_680 = arith.select %lt3A_219, %get3A_213, %broadcast_in_dim3A_679 : vector<16xi1>, vector<16xi32>
        %dma_start3A_681 = arith.constant 0 : i32
        %dma_start3A_682 = arith.constant 0 : i32
        %dma_start3A_683 = tpu.memref_slice %arg16[%select_n3A_453, %dma_start3A_681, %dma_start3A_682] : memref<2x16x128xf32, #tpu.memory_space<vmem>> -> memref<1x16x128xf32, #tpu.memory_space<vmem>>
        %dma_start3A_684 = tpu.memref_squeeze %dma_start3A_683 : memref<1x16x128xf32, #tpu.memory_space<vmem>> -> memref<16x128xf32, #tpu.memory_space<vmem>>
        %dma_start3A_685 = arith.constant 0 : i32
        %dma_start3A_686 = arith.constant 0 : i32
        %dma_start3A_687 = tpu.memref_slice %arg7[%dma_start3A_685, %dma_start3A_686] : memref<16392x128xf32, #tpu.memory_space<hbm>> -> memref<16392x128xf32, #tpu.memory_space<hbm>>
        tpu.enqueue_indirect_dma source(%dma_start3A_684 : memref<16x128xf32, #tpu.memory_space<vmem>>) target(%dma_start3A_687 : memref<16392x128xf32, #tpu.memory_space<hbm>>) offsets(%select_n3A_680 : vector<16xi32>) semaphore(%arg18 : memref<!tpu.dma_semaphore, #tpu.memory_space<semaphore_mem>>)
        %add3A_688 = arith.constant 1 : i32
        %add3A_689 = arith.addi %while3A_200, %add3A_688 : i32
        scf.yield %add3A_689 : i32
      }
      scf.yield %while3A_198 : i32
    }
    %ge3A_122 = arith.constant 1 : i32
    %ge3A_123 = arith.cmpi sge, %while3A_121, %ge3A_122 : i32
    %convert_element_type3A_124 = arith.extui %ge3A_123 : i1 to i32
    %cond3A_125 = arith.constant 0 : i32
    %cond3A_126 = arith.cmpi ne, %convert_element_type3A_124, %cond3A_125 : i32
    scf.if %cond3A_126 {
      %dma_wait3A = arith.constant 0 : i32
      %dma_wait3A_132 = arith.constant 0 : i32
      %dma_wait3A_133 = arith.constant 0 : i32
      %dma_wait3A_134 = tpu.memref_slice %arg16[%dma_wait3A, %dma_wait3A_132, %dma_wait3A_133] : memref<2x16x128xf32, #tpu.memory_space<vmem>> -> memref<1x16x128xf32, #tpu.memory_space<vmem>>
      %dma_wait3A_135 = tpu.memref_squeeze %dma_wait3A_134 : memref<1x16x128xf32, #tpu.memory_space<vmem>> -> memref<16x128xf32, #tpu.memory_space<vmem>>
      %dma_wait3A_136 = arith.constant 0 : i32
      %dma_wait3A_137 = arith.constant 0 : i32
      %dma_wait3A_138 = tpu.memref_slice %arg7[%dma_wait3A_136, %dma_wait3A_137] : memref<16392x128xf32, #tpu.memory_space<hbm>> -> memref<16x128xf32, #tpu.memory_space<hbm>>
      %dma_wait3A_139 = arith.constant 0 : i32
      %dma_wait3A_140 = arith.constant 0 : i32
      %dma_wait3A_141 = tpu.memref_slice %arg16[%dma_wait3A, %dma_wait3A_139, %dma_wait3A_140] : memref<2x16x128xf32, #tpu.memory_space<vmem>> -> memref<1x16x128xf32, #tpu.memory_space<vmem>>
      %dma_wait3A_142 = tpu.memref_squeeze %dma_wait3A_141 : memref<1x16x128xf32, #tpu.memory_space<vmem>> -> memref<16x128xf32, #tpu.memory_space<vmem>>
      %dma_wait3A_143 = arith.constant 0 : i32
      %dma_wait3A_144 = arith.constant 0 : i32
      %dma_wait3A_145 = tpu.memref_slice %arg7[%dma_wait3A_143, %dma_wait3A_144] : memref<16392x128xf32, #tpu.memory_space<hbm>> -> memref<16x128xf32, #tpu.memory_space<hbm>>
      tpu.wait_dma2 semaphore(%arg18 : memref<!tpu.dma_semaphore, #tpu.memory_space<semaphore_mem>>) src(%dma_wait3A_145 : memref<16x128xf32, #tpu.memory_space<hbm>>) dst(%dma_wait3A_142 : memref<16x128xf32, #tpu.memory_space<vmem>>)
    } else {
    }
    %ge3A_127 = arith.constant 2 : i32
    %ge3A_128 = arith.cmpi sge, %while3A_121, %ge3A_127 : i32
    %convert_element_type3A_129 = arith.extui %ge3A_128 : i1 to i32
    %cond3A_130 = arith.constant 0 : i32
    %cond3A_131 = arith.cmpi ne, %convert_element_type3A_129, %cond3A_130 : i32
    scf.if %cond3A_131 {
      %dma_wait3A = arith.constant 0 : i32
      %dma_wait3A_132 = arith.constant 0 : i32
      %dma_wait3A_133 = arith.constant 0 : i32
      %dma_wait3A_134 = tpu.memref_slice %arg16[%dma_wait3A, %dma_wait3A_132, %dma_wait3A_133] : memref<2x16x128xf32, #tpu.memory_space<vmem>> -> memref<1x16x128xf32, #tpu.memory_space<vmem>>
      %dma_wait3A_135 = tpu.memref_squeeze %dma_wait3A_134 : memref<1x16x128xf32, #tpu.memory_space<vmem>> -> memref<16x128xf32, #tpu.memory_space<vmem>>
      %dma_wait3A_136 = arith.constant 0 : i32
      %dma_wait3A_137 = arith.constant 0 : i32
      %dma_wait3A_138 = tpu.memref_slice %arg7[%dma_wait3A_136, %dma_wait3A_137] : memref<16392x128xf32, #tpu.memory_space<hbm>> -> memref<16x128xf32, #tpu.memory_space<hbm>>
      %dma_wait3A_139 = arith.constant 0 : i32
      %dma_wait3A_140 = arith.constant 0 : i32
      %dma_wait3A_141 = tpu.memref_slice %arg16[%dma_wait3A, %dma_wait3A_139, %dma_wait3A_140] : memref<2x16x128xf32, #tpu.memory_space<vmem>> -> memref<1x16x128xf32, #tpu.memory_space<vmem>>
      %dma_wait3A_142 = tpu.memref_squeeze %dma_wait3A_141 : memref<1x16x128xf32, #tpu.memory_space<vmem>> -> memref<16x128xf32, #tpu.memory_space<vmem>>
      %dma_wait3A_143 = arith.constant 0 : i32
      %dma_wait3A_144 = arith.constant 0 : i32
      %dma_wait3A_145 = tpu.memref_slice %arg7[%dma_wait3A_143, %dma_wait3A_144] : memref<16392x128xf32, #tpu.memory_space<hbm>> -> memref<16x128xf32, #tpu.memory_space<hbm>>
      tpu.wait_dma2 semaphore(%arg18 : memref<!tpu.dma_semaphore, #tpu.memory_space<semaphore_mem>>) src(%dma_wait3A_145 : memref<16x128xf32, #tpu.memory_space<hbm>>) dst(%dma_wait3A_142 : memref<16x128xf32, #tpu.memory_space<vmem>>)
    } else {
    }
    return
  }
}

module attributes {stable_mosaic.version = 14 : i64} {
  func.func @_pass2_body(%arg0: i32, %arg1: memref<2048x128xf32, #tpu.memory_space<vmem>>, %arg2: memref<2048x128xf32, #tpu.memory_space<vmem>>, %arg3: memref<2048xf32, #tpu.memory_space<vmem>>) attributes {dimension_semantics = [#tpu.dimension_semantics<arbitrary>], iteration_bounds = array<i64: 8>, scalar_prefetch = 0 : i64, scratch_operands = 0 : i64, tpu.core_type = #tpu.core_type<tc>, window_params = [{transform_indices = @transform_0, window_bounds = array<i64: 2048, 128>}, {transform_indices = @transform_1, window_bounds = array<i64: 2048, 128>}, {transform_indices = @transform_2, window_bounds = array<i64: 2048>}]} {
    %get3A = arith.constant 0 : index
    %get3A_0 = arith.constant 0 : index
    %get3A_1 = vector.load %arg1[%get3A, %get3A_0] : memref<2048x128xf32, #tpu.memory_space<vmem>>, vector<2048x128xf32>
    %get3A_2 = arith.constant 0 : index
    %get3A_3 = arith.constant 0 : index
    %get3A_4 = vector.load %arg2[%get3A_2, %get3A_3] : memref<2048x128xf32, #tpu.memory_space<vmem>>, vector<2048x128xf32>
    %mul3A = arith.mulf %get3A_1, %get3A_4 : vector<2048x128xf32>
    %slice3A = vector.extract_strided_slice %mul3A {offsets = [0, 0], sizes = [2048, 32], strides = [1, 1]} : vector<2048x128xf32> to vector<2048x32xf32>
    %reduce_sum3A = arith.constant dense<0.000000e+00> : vector<2048xf32>
    %reduce_sum3A_5 = vector.multi_reduction <add>, %slice3A, %reduce_sum3A [1] : vector<2048x32xf32> to vector<2048xf32>
    %max3A = arith.constant 0.000000e+00 : f32
    %max3A_6 = vector.broadcast %max3A : f32 to vector<2048xf32>
    %max3A_7 = arith.maximumf %reduce_sum3A_5, %max3A_6 : vector<2048xf32>
    %swap3A = arith.constant 0 : index
    %swap3A_8 = vector.load %arg3[%swap3A] : memref<2048xf32, #tpu.memory_space<vmem>>, vector<2048xf32>
    tpu.vector_store %arg3[%swap3A], %max3A_7 {strides = array<i32>} : memref<2048xf32, #tpu.memory_space<vmem>>, vector<2048xf32>,
    return
  }
  func.func @transform_0(%arg0: i32) -> (i32, i32) {
    %c0_i32 = arith.constant 0 : i32
    %c0_i32_0 = arith.constant 0 : i32
    return %arg0, %c0_i32 : i32, i32
  }
  func.func @transform_1(%arg0: i32) -> (i32, i32) {
    %c0_i32 = arith.constant 0 : i32
    %c0_i32_0 = arith.constant 0 : i32
    return %arg0, %c0_i32 : i32, i32
  }
  func.func @transform_2(%arg0: i32) -> i32 {
    %c0_i32 = arith.constant 0 : i32
    return %arg0 : i32
  }
}

</mosaic_0001>

<sc_bundles>
// kernel: _gmf.4.cloned.1.call-start
scs
__scs_entry_jumppad:
0x0: {  	(pc) =	sbr.rel $0x88, $3  }
0x1: {  	(tag) =	ssettag $0x0;
	lr =	simm.s32 $0x1  }
0x2: {  	[smem:$0x3F9D] =	sst lr;
	_ =	strace $0xD0000000  }
0x3: {  	_ = 	snop  }
0x4: {  	_ = 	snop  }
0x5: {  	_ = 	snop  }
0x6: {  	_ = 	snop  }
0x7: {  	_ = 	snop  }
__scs_overlays_trampoline_lowered:
0x8: {  	[smem:$0x3FAC] =	sst s0  }
0x9: {  	[smem:$0x3FAD] =	sst s1  }
0xa: {  	[smem:$0x3FAE] =	sst s2  }
0xb: {  	[smem:$0x3FAF] =	sst s3  }
0xc: {  	[smem:$0x3FB0] =	sst s4  }
0xd: {  	[smem:$0x3FB1] =	sst s5  }
0xe: {  	[smem:$0x3FB2] =	sst s6  }
0xf: {  	[smem:$0x3FB3] =	sst s7  }
0x10: {  	[smem:$0x3FB4] =	sst s8  }
0x11: {  	[smem:$0x3FB5] =	sst s9;
	s0 =	simm.s32 @!p0 $0x0  }
0x12: {  	s1 =	sld [smem:$0x3F9B];
	s0 =	simm.s32 @p0 $0x1  }
0x13: {  	[smem:$0x3FB6] =	sst s0;
	s0 =	simm.s32 @!p1 $0x0  }
0x14: {  	s2 =	sld [smem:$0x3F9A];
	s0 =	simm.s32 @p1 $0x1  }
0x15: {  	[smem:$0x3FB7] =	sst s0;
	s0 =	simm.s32 @!p2 $0x0  }
0x16: {  	s3 =	sld [smem:$0x3FDB];
	s0 =	simm.s32 @p2 $0x1  }
0x17: {  	s4 =	simm.s32 $0x1BF5;
	[smem:$0x3FB9] =	sst s0  }
0x18: {  	s0 =	sld [smem:$0x3F9C];
	_ =	swait.ge [sflag:s4], $0x0  }
0x19: {  	s7 =	sld [smem:$0x3F9D]  }
0x1a: {  	s8 =	sadd.s32 $0xFFFFE003, lr  }
0x1b: {  	s9 =	sadd.s32 $0xFFFFFEF7, lr;
	s5 =	simm.s32 $0xFFFFFFFF;
	p2 =	slt.u32 s8, $0xFFFFF086  }
0x1c: {  	p1 =	slt.u32 s9, $0xF7A;
	s5 =	simm.s32 @!p2 $0x0  }
0x1d: {  	s5 =	simm.s32 @p1 $0x1;
	p0 =	seq.s32 s7, s2  }
0x1e: {  	s7 =	smul.u32 @!p0 $0xF7A, s2;
	p2 =	seq.s32 @!p0 s5, $0x0  }
0x1f: {  	s9 =	smul.u32 $0xF7A, s1;
	s8 =	simm.s32 @!p0 $0x1BF5;
	p2 =	por !p2, p0  }
0x20: {  	[sflag:s8] =	ssyncset.s32 @!p0 $0xFFFFF086;
	s6 =	sadd.s32 @!p0 s3, s7;
	s7 =	simm.s32 @!p0 $0x108  }
0x21: {  	s3 =	sadd.s32 s3, s9;
	s6 =	sadd.s32 @!p0 $0x88, s6;
	s7 =	simm.s32 @p2 $0x1082  }
0x22: {  	[simem:s7], [sflag:s8] =	dma.local @!p0 [hbm:s6], $0xF7A  }
0x23: {  	s9 =	sor.u32 $0xD0000000, s2;
	s6 =	simm.s32 $0x108;
	_ =	swait.ge @!p0 [sflag:s8], $0x0  }
0x24: {  	s3 =	sadd.s32 $0x88, s3;
	s6 =	simm.s32 @!p1 $0x1082;
	[sflag:s4] =	ssyncset.s32 $0xFFFFF086  }
0x25: {  	[simem:s6], [sflag:s4] =	dma.local [hbm:s3], $0xF7A  }
0x26: {  	[smem:$0x3F9D] =	sst s1;
	(tag) =	ssettag s2;
	_ =	strace s9  }
0x27: {  	s1 =	sld [smem:$0x3FAD]  }
0x28: {  	s2 =	sld [smem:$0x3FAE]  }
0x29: {  	s4 =	sld [smem:$0x3FB0]  }
0x2a: {  	p0 =	seq.s32 s5, $0x0;
	s5 =	sld [smem:$0x3FB1]  }
0x2b: {  	s6 =	sld [smem:$0x3FB2]  }
0x2c: {  	s7 =	sld [smem:$0x3FB3]  }
0x2d: {  	s3 =	simm.s32 $0x108;
	s8 =	sld [smem:$0x3FB4]  }
0x2e: {  	s3 =	simm.s32 @!p0 $0x1082;
	s9 =	sld [smem:$0x3FB5]  }
0x2f: {  	lr =	sadd.s32 s0, s3;
	s0 =	sld [smem:$0x3FAC]  }
0x30: {  	s3 =	sld [smem:$0x3FAF]  }
0x31: {  	[smem:$0x3FB8] =	sst s10  }
0x32: {  	s10 =	sld [smem:$0x3FB6];
	_ =	sdelay $0x3  }
0x33: {  	p0 =	seq.s32 s10, $0x1;
	s10 =	sld [smem:$0x3FB8];
	_ =	sdelay $0x3  }
0x34: {  	[smem:$0x3FB8] =	sst s10  }
0x35: {  	s10 =	sld [smem:$0x3FB7];
	_ =	sdelay $0x3  }
0x36: {  	p1 =	seq.s32 s10, $0x1;
	s10 =	sld [smem:$0x3FB8];
	_ =	sdelay $0x3  }
0x37: {  	[smem:$0x3FB8] =	sst s10  }
0x38: {  	s10 =	sld [smem:$0x3FB9]  }
0x39: {  	_ = 	snop;
	(pc) =	sbr.ind lr, $3  }
0x3a: {  	_ = 	snop  }
0x3b: {  	_ = 	snop  }
0x3c: {  	p2 =	seq.s32 s10, $0x1;
	s10 =	sld [smem:$0x3FB8]  }
0x3d: {  	_ =	shalt  }
0x3e: {  	_ =	shalt  }
0x3f: {  	_ =	shalt  }
0x40: {  	_ =	shalt  }
0x41: {  	_ =	shalt  }
0x42: {  	_ =	shalt  }
0x43: {  	_ =	shalt  }
0x44: {  	_ =	shalt  }
0x45: {  	_ =	shalt  }
0x46: {  	_ =	shalt  }
0x47: {  	_ =	shalt  }
0x48: {  	_ =	shalt  }
0x49: {  	_ =	shalt  }
0x4a: {  	_ =	shalt  }
0x4b: {  	_ =	shalt  }
0x4c: {  	_ =	shalt  }
0x4d: {  	_ =	shalt  }
0x4e: {  	_ =	shalt  }
0x4f: {  	_ =	shalt  }
0x50: {  	_ =	shalt  }
0x51: {  	_ =	shalt  }
0x52: {  	_ =	shalt  }
0x53: {  	_ =	shalt  }
0x54: {  	_ =	shalt  }
0x55: {  	_ =	shalt  }
0x56: {  	_ =	shalt  }
0x57: {  	_ =	shalt  }
0x58: {  	_ =	shalt  }
0x59: {  	_ =	shalt  }
0x5a: {  	_ =	shalt  }
0x5b: {  	_ =	shalt  }
0x5c: {  	_ =	shalt  }
0x5d: {  	_ =	shalt  }
0x5e: {  	_ =	shalt  }
0x5f: {  	_ =	shalt  }
0x60: {  	_ =	shalt  }
0x61: {  	_ =	shalt  }
0x62: {  	_ =	shalt  }
0x63: {  	_ =	shalt  }
0x64: {  	_ =	shalt  }
0x65: {  	_ =	shalt  }
0x66: {  	_ =	shalt  }
0x67: {  	_ =	shalt  }
0x68: {  	_ =	shalt  }
0x69: {  	_ =	shalt  }
0x6a: {  	_ =	shalt  }
0x6b: {  	_ =	shalt  }
0x6c: {  	_ =	shalt  }
0x6d: {  	_ =	shalt  }
0x6e: {  	_ =	shalt  }
0x6f: {  	_ =	shalt  }
0x70: {  	_ =	shalt  }
0x71: {  	_ =	shalt  }
0x72: {  	_ =	shalt  }
0x73: {  	_ =	shalt  }
0x74: {  	_ =	shalt  }
0x75: {  	_ =	shalt  }
0x76: {  	_ =	shalt  }
0x77: {  	_ =	shalt  }
0x78: {  	_ =	shalt  }
0x79: {  	_ =	shalt  }
0x7a: {  	_ =	shalt  }
0x7b: {  	_ =	shalt  }
0x7c: {  	_ =	shalt  }
0x7d: {  	_ =	shalt  }
0x7e: {  	_ =	shalt  }
0x7f: {  	_ =	shalt  }
0x80: {  	_ =	shalt  }
0x81: {  	_ =	shalt  }
0x82: {  	_ =	shalt  }
0x83: {  	_ =	shalt  }
0x84: {  	_ =	shalt  }
0x85: {  	_ =	shalt  }
0x86: {  	_ =	shalt  }
0x87: {  	_ =	shalt  }
.Lfunc_end0:
.L_simem_size_0:
called_computation_lowered:
.L_overlay_start_0:
0x88: {  	s2 =	sld [smem:$0x3FD9]  }
0x89: {  	s3 =	sld [smem:$0x3FFE];
	_ =	sdelay $0x1  }
0x8a: {  	s1 =	srdreg.scid  }
0x8b: {  	s0 =	sand.u32 $0x1, s1  }
0x8c: {  	s17 =	sshll.u32 s0, $0xA;
	s2 =	sadd.s32 s3, s2  }
0x8d: {  	s2 =	sadd.s32 s2, s17  }
0x8e: {  	[smem:$0x3FC4] =	sst s2  }
0x8f: {  	_ = 	snop  }
0x90: {  	s2 =	sld [smem:$0x3FC9]  }
0x91: {  	s18 =	sld [smem:$0x3FC8]  }
0x92: {  	s4 =	sld [smem:$0x3FC7]  }
0x93: {  	s5 =	sld [smem:$0x3FC6];
	(tm) =	ssettm $0x1  }
0x94: {  	s6 =	sld [smem:$0x3FFB];
	_ =	sdelay $0x3  }
0x95: {  	_ =	strace s6  }
0x96: {  	s6 =	sld [smem:$0x3FFC];
	_ =	sdelay $0x3  }
0x97: {  	_ =	strace s6  }
0x98: {  	s6 =	sld [smem:$0x3FFD];
	_ =	sdelay $0x3  }
0x99: {  	_ =	strace s6  }
0x9a: {  	_ =	strace $0x8FFFFFFF  }
0x9b: {  	s19 =	sld [smem:$0x3FDB];
	_ =	sdelay $0x1  }
0x9c: {  	s7 =	simm.s32 $_scs_section_size  }
0x9d: {  	s8 =	simm.s32 $_size__tile_overlayer_lowered;
	s9 =	simm.s32 $_tile_overlayer_lowered  }
0x9e: {  	s22 =	simm.s32 $0x1BFF;
	s21 =	sshll.u32 s9, $0x1;
	s6 =	sadd.s32 s7, s19  }
0x9f: {  	s10 =	simm.s32 $0x0;
	s20 =	sshll.u32 s8, $0x1;
	s8 =	sadd.s32 s21, s6  }
0xa0: {  	[timem:s10], [sflag:s22] =	dma.local [hbm:s8], s20  }
0xa1: {  	_ =	swait.ge [sflag:s22], s20  }
0xa2: {  	s7 =	ssub.s32 $0x0, s20;
	[sflag:s22] =	ssyncset.done $0x0  }
0xa3: {  	[sflag:s22] =	ssyncadd.s32 s7;
	_ =	sdelay $0x1  }
0xa4: {  	s23 =	simm.s32 $0x1B8B  }
0xa5: {  	_ =	swait.ge [sflag:s23], $0x1  }
0xa6: {  	[sflag:s23] =	ssyncset.done $0x0  }
0xa7: {  	s25 =	simm.s32 $0x1B8E;
	s24 =	sld [smem:$0x3FFE];
	[sflag:s23] =	ssyncadd.s32 $0xFFFFFFFF  }
0xa8: {  	s26 =	simm.s32 $execute0_lowered;
	[smem:$0x3FD2] =	sst s25  }
0xa9: {  	s8 =	sshll.u32 s26, $0x1;
	_ =	strace $0x80000046;
	[dreg:$0x1] =	wrdreg $0xFFFFFFFF  }
0xaa: {  	s28 =	simm.s32 $_size_execute0_lowered;
	s6 =	sadd.s32 s6, s8;
	[dreg:$0x0] =	wrdreg $0x0  }
0xab: {  	s8 =	sshll.u32 s28, $0x1;
	[dreg:$0x2] =	wrdreg s6  }
0xac: {  	[dreg:$0x3] =	wrdreg s8  }
0xad: {  	[dreg:$0x4] =	wrdreg $0xC0  }
0xae: {  	_ =	task [dreg:s10], $0x5FFFF  }
0xaf: {  	[dreg:$0x1] =	wrdreg $0xFFFFFFFF  }
0xb0: {  	[dreg:$0x0] =	wrdreg $0x60  }
0xb1: {  	[dreg:$0x2] =	wrdreg s2  }
0xb2: {  	[dreg:$0x3] =	wrdreg s18  }
0xb3: {  	[dreg:$0x4] =	wrdreg s4  }
0xb4: {  	[dreg:$0x5] =	wrdreg s5  }
0xb5: {  	[dreg:$0x6] =	wrdreg s24  }
0xb6: {  	[dreg:$0x7] =	wrdreg $0x9  }
0xb7: {  	_ =	task.clear_ibuf [dreg:s10], $0x8FFFF;
	_ =	strace $0x90000046  }
0xb8: {  	s29 =	simm.s32 $0x9;
	_ =	strace $0x80000048  }
0xb9: {  	_ =	swait.ge [sflag:s29], $0x1  }
0xba: {  	[sflag:s29] =	ssyncadd.s32 $0xFFFFFFFF  }
0xbb: {  	_ =	strace $0x90000048  }
0xbc: {  	_ =	sfence  }
0xbd: {  	s30 =	sld [smem:$0x0];
	_ =	sdelay $0x2  }
0xbe: {  	s31 =	sshll.u32 s1, $0xD;
	s1 =	sshrl.u32 s1, $0x2  }
0xbf: {  	s3 =	sand.u32 $0x4000, s31;
	s1 =	sadd.s32 s1, s30  }
0xc0: {  	s0 =	sor.u32 s3, s0;
	s1 =	sshll.u32 s1, $0x11  }
0xc1: {  	s0 =	sor.u32 s1, s0  }
0xc2: {  	s0 =	sadd.s32 $0x8F2B, s0  }
0xc3: {  	[sflag:s0] =	ssyncadd.remote.s32 $0x1  }
0xc4: {  	_ =	sfence.sel $0xFFFF  }
0xc5: {  	[dreg:$0x0] =	wrdreg $0xFFFFFFFF;
	(pc) =	sbr.abs _section_cstart, $3  }
0xc6: {  	[dreg:$0x1] =	wrdreg $0xFFFFFFFF  }
0xc7: {  	_ =	task.clear_ibuf [dreg:s10], $0x2FFFF;
	_ =	strace $0x9FFFFFFF  }
0xc8: {  	(tm) =	ssettm $0x7FFFFFFF  }
0xc9: {  	_ =	shalt  }
tec
execute0_lowered:
.L_overlay_start_1:
0x0: {  	(tag) =	ssettag $0x1  }
0x1: {  	s0 =	srdreg.scid;
	s1 =	stileid.u32  }
0x2: {  	s4 =	rddreg [dreg:$0x2];
	s0 =	sand.u32 $0x1, s0;
	s1 =	sshll.u32 s1, $0x1  }
0x3: {  	s6 =	rddreg [dreg:$0x3];
	s1 =	sor.u32 s0, s1  }
0x4: {  	v0 =	vlaneseq.u32;
	s3 =	rddreg [dreg:$0x4];
	s2 =	smul.u32 $0x7A80, s1  }
0x5: {  	s7 =	simm.s32 $0x0;
	s17 =	simm.s32 $0x4000;
	s21 =	simm.s32 $0x3;
	v1 =	vmul.u32 $0x81, v0  }
0x6: {  	v4 =	vimm.s32 $0x0;
	v5 =	vimm.s32 $0x1;
	vm0 =	vmmov $0xffff;
	s28 =	simm.s32 $0xEC00;
	s29 =	simm.s32 $0xF980;
	s1 =	smin.u32 s2, $0xEC7C0  }
0x7: {  	s30 =	simm.s32 $0x0;
	[smem:$0x7FF] =	sst s7;
	v6 =	vadd.s32 $0x1, v1;
	v7 =	vadd.s32 $0x2, v1;
	v8 =	vadd.s32 $0x3, v1;
	s1 =	sadd.s32 $0x7A80, s1  }
0x8: {  	s8 =	sadd.s32 $0xC00, s3;
	s0 =	ssub.s32 $0x2, s0;
	v9 =	vadd.s32 $0x4, v1;
	v10 =	vadd.s32 $0x5, v1;
	v11 =	vadd.s32 $0x6, v1;
	s5 =	ssub.s32 s1, s2  }
0x9: {  	s9 =	sadd.s32 $0x40E00, s3;
	v12 =	vadd.s32 $0x7, v1;
	s24 =	sshrl.u32 s0, $0x1;
	v13 =	vadd.s32 $0x8, v1;
	v14 =	vadd.s32 $0x9, v1;
	s5 =	sadd.s32 $0x1FF, s5  }
0xa: {  	_ =	strace $0x80000047;
	v15 =	vadd.s32 $0xA, v1;
	v16 =	vadd.s32 $0xB, v1;
	v17 =	vadd.s32 $0xC, v1;
	s0 =	ssub.s32 s0, s24;
	s22 =	sshra.s32 s5, $0x1F  }
0xb: {  	v18 =	vadd.s32 $0xD, v1;
	v19 =	vadd.s32 $0xE, v1;
	v20 =	vadd.s32 $0xF, v1;
	s24 =	simm.s32 $0x1;
	s13 =	sadd.s32 s6, s2;
	s10 =	sshrl.u32 s22, $0x17  }
0xc: {  	v21 =	vadd.s32 $0x10, v1;
	v22 =	vadd.s32 $0x11, v1;
	v23 =	vadd.s32 $0x12, v1;
	s0 =	smax.u32 s0, $0x1;
	s23 =	sadd.s32 s10, s5;
	s10 =	sadd.s32 s4, s2  }
.Ltmp0:
0xd: {  	v24 =	vadd.s32 $0x13, v1;
	v25 =	vadd.s32 $0x14, v1;
	v26 =	vadd.s32 $0x15, v1;
	[dreg:$0x7] =	wrdreg s0;
	s25 =	sadd.s32 $0x1E8500, s10;
	(pc) =	sbr.rel .LBB2_1-.Ltmp0, $4  }
0xe: {  	v27 =	vadd.s32 $0x16, v1;
	v28 =	vadd.s32 $0x17, v1;
	v29 =	vadd.s32 $0x18, v1;
	s3 =	sshra.s32 s23, $0x9;
	s26 =	sadd.s32 $0x2DC780, s10;
	[dreg:$0x6] =	wrdreg s25  }
0xf: {  	v30 =	vadd.s32 $0x19, v1;
	v31 =	vadd.s32 $0x1A, v1;
	v32 =	vadd.s32 $0x1B, v1;
	s31 =	sadd.s32 $0xF4280, s10;
	s23 =	simm.s32 $0xF900;
	[dreg:$0x8] =	wrdreg s26  }
0x10: {  	v33 =	vadd.s32 $0x1C, v1;
	v34 =	vadd.s32 $0x1D, v1;
	v35 =	vadd.s32 $0x1E, v1;
	s11 =	sadd.s32 s22, s3;
	[dreg:$0x9] =	wrdreg s31;
	s22 =	simm.s32 $0xF880  }
0x11: {  	v36 =	vadd.s32 $0x1F, v1;
	v2 =	vmov s2;
	v3 =	vmov s1;
	s25 =	simm.s32 $0xF800;
	s26 =	simm.s32 $0xE000;
	p0 =	sgt.s32 s11, $0x0  }
.LBB2_24:
0x12: {  	p1 =	slt.s32 s31, $0x1  }
0x13: {  	s0 =	simm.s32 @!p1 $0x2  }
0x14: {  	p2 =	seq.s32 @!p1 s31, $0x1;
	_ =	swait.ge @!p1 [sflag:s0], $0x800  }
0x15: {  	p2 =	por p2, p1;
	[sflag:s0] =	ssyncset.done @!p1 $0x0  }
0x16: {  	[sflag:s0] =	ssyncadd.s32 @!p1 $0xFFFFF800;
	s0 =	simm.s32 @!p2 $0x2  }
0x17: {  	_ =	swait.ge @!p2 [sflag:s0], $0x800  }
0x18: {  	[sflag:s0] =	ssyncset.done @!p2 $0x0  }
0x19: {  	[sflag:s0] =	ssyncadd.s32 @!p2 $0xFFFFF800  }
.LBB2_25:
0x1a: {  	s30 =	sadd.s32 $0x1, s30;
	s0 =	rddreg [dreg:$0x7]  }
0x1b: {  	p1 =	sne.s32 s30, s0  }
.Ltmp1:
0x1c: {  	_ = 	snop;
	(pc) =	sbr.rel @!p1 .LBB2_26-.Ltmp1, $1  }
0x1d: {  	_ =	sdelay $0x3  }
.LBB2_1:
0x1e: {  	[tilespmem:s17], [sflag:$0x1] =	stream.linear.gather [hbm4b:s10+s7], $0x1000, $0x38;
	[tilespmem:$0x11200] =	vst v63  }
0x1f: {  	s0 =	rddreg [dreg:$0x9];
	s1 =	simm.s32 $0x5400  }
0x20: {  	[tilespmem:s1], [sflag:$0x1] =	stream.linear.gather [hbm4b:s0+s7], $0x1000, $0x38;
	[tilespmem:$0x11200] =	vst v63  }
0x21: {  	s16 =	rddreg [dreg:$0x6];
	s18 =	simm.s32 $0x6800  }
0x22: {  	[tilespmem:s18], [sflag:$0x1] =	stream.linear.gather [hbm4b:s16+s7], $0x1000, $0x38;
	[tilespmem:$0x11200] =	vst v63  }
0x23: {  	s19 =	rddreg [dreg:$0x8];
	s20 =	simm.s32 $0x7C00  }
0x24: {  	[tilespmem:s20], [sflag:$0x1] =	stream.linear.gather [hbm4b:s19+s7], $0x1000, $0x38;
	[tilespmem:$0x11200] =	vst v63  }
0x25: {  	s31 =	rddreg [dreg:$0x0]  }
0x26: {  	[tilespmem:s7], [sflag:$0x3] =	stream.linear.gather [hbm4b:s31+s7], $0x4000, $0x38;
	[tilespmem:$0x11200] =	vst v63  }
0x27: {  	_ =	swait.ge [sflag:s21], $0x4000  }
0x28: {  	[sflag:s21] =	ssyncset.done $0x0  }
.Ltmp2:
0x29: {  	[sflag:s21] =	ssyncadd.s32 $0xFFFFC000;
	(pc) =	sbr.rel .LBB2_2-.Ltmp2, $4  }
0x2a: {  	[tilespmem:$0xF800] =	vst v4  }
0x2b: {  	[tilespmem:$0xF810] =	vst v4  }
0x2c: {  	[tilespmem:$0xF820] =	vst v4  }
0x2d: {  	s0 =	simm.s32 $0x0;
	[tilespmem:$0xF830] =	vst v4  }
.LBB2_4:
0x2e: {  	s0 =	sadd.s32 $0x1, s0  }
0x2f: {  	p1 =	seq.s32 s0, $0x400  }
.Ltmp3:
0x30: {  	_ = 	snop;
	(pc) =	sbr.rel @p1 .LBB2_5-.Ltmp3, $1  }
0x31: {  	_ =	sdelay $0x3  }
.LBB2_2:
0x32: {  	s1 =	sshll.u32 s0, $0x4  }
0x33: {  	v37 =	vld [tilespmem:s1+$0x0];
	_ =	sdelay $0x4  }
0x34: {  	vm1 =	vge.s32 v37, v2;
	vm2 =	vlt.s32 v37, v3  }
0x35: {  	vm1 =	vmand vm1, vm2  }
0x36: {  	v38 =	vmpcnt.ones.xlane vm1;
	_ =	sdelay $0x1  }
0x37: {  	(v2sf) =	vpush v38, $0x0;
	_ =	sdelay $0xe  }
0x38: {  	s3 =	spop (v2sf)  }
0x39: {  	p1 =	slt.s32 s3, $0x1  }
.Ltmp4:
0x3a: {  	_ = 	snop;
	(pc) =	sbr.rel @p1 .LBB2_4-.Ltmp4, $4  }
0x3b: {  	_ = 	snop  }
0x3c: {  	v63 =	vor.u32 s1, v0  }
0x3d: {  	[tilespmem:$0xF900] =	vst v63  }
0x3e: {  	[tilespmem:$0xF880] =	vst v37  }
.LBB2_3:
0x3f: {  	v37 =	vmctz.xlane vm1;
	_ =	sdelay $0x5  }
0x40: {  	v38 =	vld.idx.msk [tilespmem:v37+s22+$0x0], $0xffff;
	_ =	sdelay $0x4  }
0x41: {  	(v2sf) =	vpush v38, $0x0;
	_ =	sdelay $0xe  }
0x42: {  	s1 =	spop (v2sf)  }
0x43: {  	s3 =	ssub.s32 s1, s2;
	p1 =	sne.s32 s1, s2;
	s1 =	simm.s32 $0x1  }
0x44: {  	s5 =	sshra.s32 s3, $0x1F;
	s1 =	simm.s32 @!p1 $0x0  }
0x45: {  	s12 =	sand.u32 $0x1FF, s3;
	s1 =	sor.u32 s1, s5  }
0x46: {  	p2 =	sne.s32 s12, $0x0;
	p6 =	sne.s32 s1, $0x1  }
0x47: {  	s20 =	sshrl.u32 s5, $0x17;
	p1 =	por !p2, !p6  }
0x48: {  	s1 =	sadd.s32 s20, s3;
	s3 =	simm.s32 $0x1;
	p1 =	por !p1, !p1  }
0x49: {  	s1 =	sshra.s32 s1, $0x9;
	s3 =	simm.s32 @!p1 $0x0  }
0x4a: {  	s1 =	ssub.s32 s1, s3  }
0x4b: {  	v39 =	vmov s1;
	_ =	sdelay $0x4  }
0x4c: {  	v40 =	vld.idx.msk [tilespmem:v39+s25+$0x0], $0xffff;
	_ =	sdelay $0x4  }
0x4d: {  	(v2sf) =	vpush v40, $0x0  }
0x4e: {  	vm2 =	vne.s32 v37, v0  }
0x4f: {  	vm1 =	vmand vm1, vm2  }
0x50: {  	v62 =	vmpcnt.ones.xlane vm1;
	_ =	sdelay $0x1  }
0x51: {  	(v2sf) =	vpush v62, $0x0;
	_ =	sdelay $0x9  }
0x52: {  	s3 =	spop (v2sf)  }
0x53: {  	s1 =	smul.u32 $0x30, s1;
	p1 =	slt.s32 s3, $0x2F  }
0x54: {  	s3 =	simm.s32 @!p1 $0x2F  }
0x55: {  	v37 =	vld.idx.msk [tilespmem:v37+s23+$0x0], $0xffff;
	s1 =	sadd.s32 s3, s1  }
0x56: {  	v63 =	vmov s1  }
0x57: {  	s31 =	spop (v2sf)  }
0x58: {  	p1 =	sgt.s32 s31, $0x0  }
.Ltmp5:
0x59: {  	v38 =	vbroadcast v38, $0x0;
	(pc) =	sbr.rel @p1 .LBB2_3-.Ltmp5, $4  }
0x5a: {  	v37 =	vbroadcast v37, $0x0  }
0x5b: {  	[tilespmem:v63+s26+$0x0] =	vst.idx.msk $0x1, v38  }
0x5c: {  	[tilespmem:v63+s28+$0x0] =	vst.idx.msk $0x1, v37  }
0x5d: {  	[tilespmem:v39+s25+$0x0] =	vst.idx.add.s32.msk $0x1, v5  }
.Ltmp6:
0x5e: {  	_ = 	snop;
	(pc) =	sbr.rel .LBB2_4-.Ltmp6, $1  }
0x5f: {  	_ =	sdelay $0x3  }
.LBB2_5:
.Ltmp7:
0x60: {  	(pc) =	sbr.rel @!p0 .LBB2_13-.Ltmp7, $1  }
0x61: {  	_ =	sdelay $0x3  }
.Ltmp8:
0x62: {  	(pc) =	sbr.rel .LBB2_8-.Ltmp8, $3  }
0x63: {  	_ =	sdelay $0x1  }
0x64: {  	s31 =	simm.s32 $0x0  }
0x65: {  	s14 =	simm.s32 $0xE000;
	s20 =	simm.s32 $0xEC00;
	s1 =	simm.s32 $0x0  }
.LBB2_7:
0x66: {  	p1 =	seq.s32 s1, s11  }
.Ltmp9:
0x67: {  	_ = 	snop;
	(pc) =	sbr.rel @p1 .LBB2_12-.Ltmp9, $2  }
0x68: {  	_ =	sdelay $0x2  }
0x69: {  	s14 =	sadd.s32 $0x30, s14;
	s20 =	sadd.s32 $0x30, s20  }
.LBB2_8:
0x6a: {  	s0 =	smov.u32 s1;
	s1 =	sadd.s32 $0x1, s1  }
0x6b: {  	p1 =	sge.s32 s1, s11  }
0x6c: {  	s3 =	sshll.u32 @!p1 s1, $0x9  }
0x6d: {  	s5 =	sand.u32 @!p1 $0x1, s1;
	s3 =	sadd.s32 @!p1 s2, s3  }
0x6e: {  	p2 =	seq.s32 @!p1 s5, $0x1;
	p3 =	slt.s32 @!p1 s3, $0xF4080  }
0x6f: {  	s5 =	simm.s32 @!p1 $0x5000;
	p2 =	por !p2, p1;
	p3 =	por !p3, p1  }
0x70: {  	s5 =	simm.s32 @p2 $0x0;
	s3 =	simm.s32 @p3 $0xF4080  }
0x71: {  	s15 =	simm.s32 @!p1 $0x0;
	s12 =	sadd.s32 @!p1 $0x4000, s5;
	s3 =	sadd.s32 @!p1 s4, s3  }
0x72: {  	[tilespmem:s12], [sflag:$0x1] =	stream.linear.gather @!p1 [hbm4b:s3+s15], $0x1000, $0x38;
	[tilespmem:$0x11200] =	vst v63  }
0x73: {  	s18 =	sadd.s32 @!p1 $0x5400, s5;
	s12 =	sadd.s32 @!p1 $0xF4280, s3  }
0x74: {  	[tilespmem:s18], [sflag:$0x1] =	stream.linear.gather @!p1 [hbm4b:s12+s15], $0x1000, $0x38;
	[tilespmem:$0x11200] =	vst v63  }
0x75: {  	s12 =	sadd.s32 @!p1 $0x1E8500, s3;
	s18 =	sadd.s32 @!p1 $0x6800, s5  }
0x76: {  	[tilespmem:s18], [sflag:$0x1] =	stream.linear.gather @!p1 [hbm4b:s12+s15], $0x1000, $0x38;
	[tilespmem:$0x11200] =	vst v63  }
0x77: {  	v37 =	vmov s0;
	s3 =	sadd.s32 @!p1 $0x2DC780, s3;
	s5 =	sadd.s32 @!p1 $0x7C00, s5  }
0x78: {  	[tilespmem:s5], [sflag:$0x1] =	stream.linear.gather @!p1 [hbm4b:s3+s15], $0x1000, $0x38;
	[tilespmem:$0x11200] =	vst v63  }
0x79: {  	_ =	swait.ge [sflag:s24], $0x4000  }
0x7a: {  	[sflag:s24] =	ssyncset.done $0x0  }
0x7b: {  	[sflag:s24] =	ssyncadd.s32 $0xFFFFC000  }
0x7c: {  	v38 =	vld.idx.msk [tilespmem:v37+s25+$0x0], $0xffff;
	_ =	sdelay $0x4  }
0x7d: {  	(v2sf) =	vpush v38, $0x0;
	_ =	sdelay $0xe  }
0x7e: {  	s15 =	spop (v2sf)  }
0x7f: {  	s3 =	sadd.s32 $0xF, s15  }
0x80: {  	s16 =	sand.u32 $0xF, s3  }
0x81: {  	s18 =	sshra.s32 s3, $0x1F;
	p5 =	slt.s32 s3, $0x1;
	p6 =	sne.s32 s16, $0x0  }
0x82: {  	s19 =	sshrl.u32 s18, $0x1C;
	p1 =	por !p5, !p6  }
0x83: {  	s12 =	simm.s32 $0x1;
	s3 =	sadd.s32 s19, s3;
	p1 =	por !p1, !p1  }
0x84: {  	s5 =	sshra.s32 s3, $0x4;
	s12 =	simm.s32 @!p1 $0x0  }
0x85: {  	s3 =	ssub.s32 s5, s12  }
0x86: {  	p2 =	slt.s32 s3, $0x1  }
.Ltmp10:
0x87: {  	_ = 	snop;
	(pc) =	sbr.rel @p2 .LBB2_7-.Ltmp10, $1  }
0x88: {  	_ =	sdelay $0x3  }
0x89: {  	s12 =	sand.u32 $0x1, s0  }
0x8a: {  	s18 =	sshll.u32 s0, $0x9;
	v37 =	vmov s12  }
0x8b: {  	s0 =	sadd.s32 s2, s18;
	v37 =	vmul.u32 $0x5000, v37  }
0x8c: {  	p2 =	slt.s32 s0, $0xF4080  }
0x8d: {  	s15 =	simm.s32 $0xFFFFFFFF;
	s19 =	sadd.s32 s5, s31;
	s0 =	simm.s32 @!p2 $0xF4080;
	v37 =	vbroadcast v37, $0x0  }
0x8e: {  	v38 =	vbroadcast v38, $0x0;
	s5 =	smov.u32 s14;
	s15 =	simm.s32 @!p1 $0x0;
	s12 =	sshll.u32 s31, $0xB;
	v39 =	vmov s0  }
0x8f: {  	s18 =	sadd.s32 s15, s19;
	s19 =	simm.s32 $0x0;
	s0 =	smov.u32 s20;
	v40 =	vadd.s32 $0x1400, v37;
	v41 =	vadd.s32 $0x2800, v37;
	v42 =	vadd.s32 $0x3C00, v37  }
.LBB2_10:
0x90: {  	p1 =	slt.s32 s31, $0x2  }
0x91: {  	s15 =	simm.s32 @!p1 $0x2  }
0x92: {  	_ =	swait.ge @!p1 [sflag:s15], $0x800  }
0x93: {  	[sflag:s15] =	ssyncset.done @!p1 $0x0  }
0x94: {  	[sflag:s15] =	ssyncadd.s32 @!p1 $0xFFFFF800  }
0x95: {  	v43 =	vld [tilespmem:s5+$0x0];
	_ =	sdelay $0x4  }
0x96: {  	v43 =	vsub.s32 v43, v39  }
0x97: {  	vm1 =	vgt.s32 v43, $0x0  }
0x98: {  	v43 =	vnsel vm1, $0x0, v43  }
0x99: {  	v44 =	vmin.u32 v43, $0x1FF  }
0x9a: {  	v43 =	vshll.u32 v44, $0x3  }
0x9b: {  	v45 =	vand.u32 $0xC00, v43  }
0x9c: {  	v46 =	vand.u32 $0x7F, v44;
	v47 =	vor.u32 v37, v45  }
0x9d: {  	v48 =	vor.u32 v46, v47;
	_ =	sdelay $0x4  }
0x9e: {  	v49 =	vld.idx.msk [tilespmem:v48+s17+$0x0], $0xffff  }
0x9f: {  	v50 =	vor.u32 $0x80, v48;
	_ =	sdelay $0x3  }
0xa0: {  	v43 =	vld [tilespmem:s0+$0x0];
	[tilespmem:v1+s29+$0x0] =	vst.idx.msk $0xffff, v49  }
0xa1: {  	v49 =	vld.idx.msk [tilespmem:v50+s17+$0x0], $0xffff  }
0xa2: {  	v53 =	vor.u32 $0x100, v48;
	_ =	sdelay $0x3  }
0xa3: {  	[tilespmem:v6+s29+$0x0] =	vst.idx.msk $0xffff, v49  }
0xa4: {  	v47 =	vor.u32 v44, v47;
	v49 =	vld.idx.msk [tilespmem:v53+s17+$0x0], $0xffff  }
0xa5: {  	v54 =	vor.u32 $0x180, v47;
	_ =	sdelay $0x3  }
0xa6: {  	[tilespmem:v7+s29+$0x0] =	vst.idx.msk $0xffff, v49  }
0xa7: {  	v49 =	vld.idx.msk [tilespmem:v54+s17+$0x0], $0xffff  }
0xa8: {  	v55 =	vor.u32 $0x200, v48;
	_ =	sdelay $0x3  }
0xa9: {  	[tilespmem:v8+s29+$0x0] =	vst.idx.msk $0xffff, v49  }
0xaa: {  	v49 =	vld.idx.msk [tilespmem:v55+s17+$0x0], $0xffff  }
0xab: {  	v56 =	vor.u32 $0x280, v48;
	_ =	sdelay $0x3  }
0xac: {  	[tilespmem:v9+s29+$0x0] =	vst.idx.msk $0xffff, v49  }
0xad: {  	v49 =	vld.idx.msk [tilespmem:v56+s17+$0x0], $0xffff  }
0xae: {  	v48 =	vor.u32 $0x300, v48;
	_ =	sdelay $0x3  }
0xaf: {  	[tilespmem:v10+s29+$0x0] =	vst.idx.msk $0xffff, v49  }
0xb0: {  	v48 =	vld.idx.msk [tilespmem:v48+s17+$0x0], $0xffff  }
0xb1: {  	v47 =	vor.u32 $0x380, v47;
	_ =	sdelay $0x3  }
0xb2: {  	[tilespmem:v11+s29+$0x0] =	vst.idx.msk $0xffff, v48  }
0xb3: {  	v57 =	vadd.s32 v40, v45;
	v47 =	vld.idx.msk [tilespmem:v47+s17+$0x0], $0xffff  }
0xb4: {  	v58 =	vor.u32 v57, v46;
	_ =	sdelay $0x3  }
0xb5: {  	[tilespmem:v12+s29+$0x0] =	vst.idx.msk $0xffff, v47  }
0xb6: {  	v47 =	vld.idx.msk [tilespmem:v58+s17+$0x0], $0xffff  }
0xb7: {  	v59 =	vor.u32 $0x80, v58;
	_ =	sdelay $0x3  }
0xb8: {  	[tilespmem:v13+s29+$0x0] =	vst.idx.msk $0xffff, v47  }
0xb9: {  	v47 =	vld.idx.msk [tilespmem:v59+s17+$0x0], $0xffff  }
0xba: {  	v60 =	vor.u32 $0x100, v58;
	_ =	sdelay $0x3  }
0xbb: {  	[tilespmem:v14+s29+$0x0] =	vst.idx.msk $0xffff, v47  }
0xbc: {  	v48 =	vor.u32 v57, v44;
	v47 =	vld.idx.msk [tilespmem:v60+s17+$0x0], $0xffff  }
0xbd: {  	v61 =	vor.u32 $0x180, v48;
	_ =	sdelay $0x3  }
0xbe: {  	[tilespmem:v15+s29+$0x0] =	vst.idx.msk $0xffff, v47  }
0xbf: {  	v47 =	vld.idx.msk [tilespmem:v61+s17+$0x0], $0xffff  }
0xc0: {  	v62 =	vor.u32 $0x200, v58;
	_ =	sdelay $0x3  }
0xc1: {  	[tilespmem:v16+s29+$0x0] =	vst.idx.msk $0xffff, v47  }
0xc2: {  	v47 =	vld.idx.msk [tilespmem:v62+s17+$0x0], $0xffff  }
0xc3: {  	v63 =	vor.u32 $0x280, v58;
	_ =	sdelay $0x3  }
0xc4: {  	[tilespmem:v17+s29+$0x0] =	vst.idx.msk $0xffff, v47  }
0xc5: {  	v47 =	vld.idx.msk [tilespmem:v63+s17+$0x0], $0xffff  }
0xc6: {  	v49 =	vor.u32 $0x300, v58;
	_ =	sdelay $0x3  }
0xc7: {  	[tilespmem:v18+s29+$0x0] =	vst.idx.msk $0xffff, v47  }
0xc8: {  	v47 =	vld.idx.msk [tilespmem:v49+s17+$0x0], $0xffff  }
0xc9: {  	v48 =	vor.u32 $0x380, v48;
	_ =	sdelay $0x3  }
0xca: {  	[tilespmem:v19+s29+$0x0] =	vst.idx.msk $0xffff, v47  }
0xcb: {  	v52 =	vadd.s32 v41, v45;
	v47 =	vld.idx.msk [tilespmem:v48+s17+$0x0], $0xffff  }
0xcc: {  	v53 =	vor.u32 v52, v46;
	_ =	sdelay $0x3  }
0xcd: {  	[tilespmem:v20+s29+$0x0] =	vst.idx.msk $0xffff, v47  }
0xce: {  	v47 =	vld.idx.msk [tilespmem:v53+s17+$0x0], $0xffff  }
0xcf: {  	v54 =	vor.u32 $0x80, v53;
	_ =	sdelay $0x3  }
0xd0: {  	[tilespmem:v21+s29+$0x0] =	vst.idx.msk $0xffff, v47  }
0xd1: {  	v47 =	vld.idx.msk [tilespmem:v54+s17+$0x0], $0xffff  }
0xd2: {  	v55 =	vor.u32 $0x100, v53;
	_ =	sdelay $0x3  }
0xd3: {  	[tilespmem:v22+s29+$0x0] =	vst.idx.msk $0xffff, v47  }
0xd4: {  	v48 =	vor.u32 v52, v44;
	v47 =	vld.idx.msk [tilespmem:v55+s17+$0x0], $0xffff  }
0xd5: {  	v56 =	vor.u32 $0x180, v48;
	_ =	sdelay $0x3  }
0xd6: {  	[tilespmem:v23+s29+$0x0] =	vst.idx.msk $0xffff, v47  }
0xd7: {  	v47 =	vld.idx.msk [tilespmem:v56+s17+$0x0], $0xffff  }
0xd8: {  	v57 =	vor.u32 $0x200, v53;
	_ =	sdelay $0x3  }
0xd9: {  	[tilespmem:v24+s29+$0x0] =	vst.idx.msk $0xffff, v47  }
0xda: {  	v47 =	vld.idx.msk [tilespmem:v57+s17+$0x0], $0xffff  }
0xdb: {  	v58 =	vor.u32 $0x280, v53;
	_ =	sdelay $0x3  }
0xdc: {  	[tilespmem:v25+s29+$0x0] =	vst.idx.msk $0xffff, v47  }
0xdd: {  	v47 =	vld.idx.msk [tilespmem:v58+s17+$0x0], $0xffff  }
0xde: {  	v49 =	vor.u32 $0x300, v53;
	_ =	sdelay $0x3  }
0xdf: {  	[tilespmem:v26+s29+$0x0] =	vst.idx.msk $0xffff, v47  }
0xe0: {  	v47 =	vld.idx.msk [tilespmem:v49+s17+$0x0], $0xffff  }
0xe1: {  	v48 =	vor.u32 $0x380, v48;
	_ =	sdelay $0x3  }
0xe2: {  	[tilespmem:v27+s29+$0x0] =	vst.idx.msk $0xffff, v47  }
0xe3: {  	v45 =	vadd.s32 v42, v45;
	v47 =	vld.idx.msk [tilespmem:v48+s17+$0x0], $0xffff  }
0xe4: {  	v46 =	vor.u32 v45, v46;
	_ =	sdelay $0x3  }
0xe5: {  	[tilespmem:v28+s29+$0x0] =	vst.idx.msk $0xffff, v47  }
0xe6: {  	v47 =	vld.idx.msk [tilespmem:v46+s17+$0x0], $0xffff  }
0xe7: {  	v59 =	vor.u32 $0x80, v46;
	_ =	sdelay $0x3  }
0xe8: {  	[tilespmem:v29+s29+$0x0] =	vst.idx.msk $0xffff, v47  }
0xe9: {  	v47 =	vld.idx.msk [tilespmem:v59+s17+$0x0], $0xffff  }
0xea: {  	v60 =	vor.u32 $0x100, v46;
	_ =	sdelay $0x3  }
0xeb: {  	[tilespmem:v30+s29+$0x0] =	vst.idx.msk $0xffff, v47  }
0xec: {  	v44 =	vor.u32 v45, v44;
	v47 =	vld.idx.msk [tilespmem:v60+s17+$0x0], $0xffff  }
0xed: {  	v45 =	vor.u32 $0x180, v44;
	_ =	sdelay $0x3  }
0xee: {  	[tilespmem:v31+s29+$0x0] =	vst.idx.msk $0xffff, v47  }
0xef: {  	v45 =	vld.idx.msk [tilespmem:v45+s17+$0x0], $0xffff  }
0xf0: {  	v61 =	vor.u32 $0x200, v46;
	_ =	sdelay $0x3  }
0xf1: {  	[tilespmem:v32+s29+$0x0] =	vst.idx.msk $0xffff, v45  }
0xf2: {  	v45 =	vld.idx.msk [tilespmem:v61+s17+$0x0], $0xffff  }
0xf3: {  	v62 =	vor.u32 $0x280, v46;
	_ =	sdelay $0x3  }
0xf4: {  	[tilespmem:v33+s29+$0x0] =	vst.idx.msk $0xffff, v45  }
0xf5: {  	v45 =	vld.idx.msk [tilespmem:v62+s17+$0x0], $0xffff  }
0xf6: {  	v46 =	vor.u32 $0x300, v46;
	_ =	sdelay $0x3  }
0xf7: {  	[tilespmem:v34+s29+$0x0] =	vst.idx.msk $0xffff, v45  }
0xf8: {  	v45 =	vld.idx.msk [tilespmem:v46+s17+$0x0], $0xffff  }
0xf9: {  	v44 =	vor.u32 $0x380, v44;
	_ =	sdelay $0x3  }
0xfa: {  	[tilespmem:v35+s29+$0x0] =	vst.idx.msk $0xffff, v45  }
0xfb: {  	v44 =	vld.idx.msk [tilespmem:v44+s17+$0x0], $0xffff;
	_ =	sdelay $0x4  }
0xfc: {  	[tilespmem:v36+s29+$0x0] =	vst.idx.msk $0xffff, v44  }
0xfd: {  	v44 =	vld [tilespmem:$0xF980];
	_ =	sdelay $0x3  }
0xfe: {  	s15 =	sand.u32 $0x800, s12  }
0xff: {  	[tilespmem:s15+$0x10200] =	vst v44  }
0x100: {  	v44 =	vld [tilespmem:$0xF990];
	_ =	sdelay $0x4  }
0x101: {  	[tilespmem:s15+$0x10210] =	vst v44  }
0x102: {  	v44 =	vld [tilespmem:$0xFA01];
	_ =	sdelay $0x4  }
0x103: {  	[tilespmem:s15+$0x10280] =	vst v44  }
0x104: {  	v44 =	vld [tilespmem:$0xFA11];
	_ =	sdelay $0x4  }
0x105: {  	[tilespmem:s15+$0x10290] =	vst v44  }
0x106: {  	v44 =	vld [tilespmem:$0xFA82];
	_ =	sdelay $0x4  }
0x107: {  	[tilespmem:s15+$0x10300] =	vst v44  }
0x108: {  	v44 =	vld [tilespmem:$0xFA92];
	_ =	sdelay $0x4  }
0x109: {  	[tilespmem:s15+$0x10310] =	vst v44  }
0x10a: {  	v44 =	vld [tilespmem:$0xFB03];
	_ =	sdelay $0x4  }
0x10b: {  	[tilespmem:s15+$0x10380] =	vst v44  }
0x10c: {  	v44 =	vld [tilespmem:$0xFB13];
	_ =	sdelay $0x4  }
0x10d: {  	[tilespmem:s15+$0x10390] =	vst v44  }
0x10e: {  	v44 =	vld [tilespmem:$0xFB84];
	_ =	sdelay $0x4  }
0x10f: {  	[tilespmem:s15+$0x10400] =	vst v44  }
0x110: {  	v44 =	vld [tilespmem:$0xFB94];
	_ =	sdelay $0x4  }
0x111: {  	[tilespmem:s15+$0x10410] =	vst v44  }
0x112: {  	v44 =	vld [tilespmem:$0xFC05];
	_ =	sdelay $0x4  }
0x113: {  	[tilespmem:s15+$0x10480] =	vst v44  }
0x114: {  	v44 =	vld [tilespmem:$0xFC15];
	_ =	sdelay $0x4  }
0x115: {  	[tilespmem:s15+$0x10490] =	vst v44  }
0x116: {  	v44 =	vld [tilespmem:$0xFC86];
	_ =	sdelay $0x4  }
0x117: {  	[tilespmem:s15+$0x10500] =	vst v44  }
0x118: {  	v44 =	vld [tilespmem:$0xFC96];
	_ =	sdelay $0x4  }
0x119: {  	[tilespmem:s15+$0x10510] =	vst v44  }
0x11a: {  	v44 =	vld [tilespmem:$0xFD07];
	_ =	sdelay $0x4  }
0x11b: {  	[tilespmem:s15+$0x10580] =	vst v44  }
0x11c: {  	v44 =	vld [tilespmem:$0xFD17];
	_ =	sdelay $0x4  }
0x11d: {  	[tilespmem:s15+$0x10590] =	vst v44  }
0x11e: {  	v44 =	vld [tilespmem:$0xFD88];
	_ =	sdelay $0x4  }
0x11f: {  	[tilespmem:s15+$0x10600] =	vst v44  }
0x120: {  	v44 =	vld [tilespmem:$0xFD98];
	_ =	sdelay $0x4  }
0x121: {  	[tilespmem:s15+$0x10610] =	vst v44  }
0x122: {  	v44 =	vld [tilespmem:$0xFE09];
	_ =	sdelay $0x4  }
0x123: {  	[tilespmem:s15+$0x10680] =	vst v44  }
0x124: {  	v44 =	vld [tilespmem:$0xFE19];
	_ =	sdelay $0x4  }
0x125: {  	[tilespmem:s15+$0x10690] =	vst v44  }
0x126: {  	v44 =	vld [tilespmem:$0xFE8A];
	_ =	sdelay $0x4  }
0x127: {  	[tilespmem:s15+$0x10700] =	vst v44  }
0x128: {  	v44 =	vld [tilespmem:$0xFE9A];
	_ =	sdelay $0x4  }
0x129: {  	[tilespmem:s15+$0x10710] =	vst v44  }
0x12a: {  	v44 =	vld [tilespmem:$0xFF0B];
	_ =	sdelay $0x4  }
0x12b: {  	[tilespmem:s15+$0x10780] =	vst v44  }
0x12c: {  	v44 =	vld [tilespmem:$0xFF1B];
	_ =	sdelay $0x4  }
0x12d: {  	[tilespmem:s15+$0x10790] =	vst v44  }
0x12e: {  	v44 =	vld [tilespmem:$0xFF8C];
	_ =	sdelay $0x4  }
0x12f: {  	[tilespmem:s15+$0x10800] =	vst v44  }
0x130: {  	v44 =	vld [tilespmem:$0xFF9C];
	_ =	sdelay $0x4  }
0x131: {  	[tilespmem:s15+$0x10810] =	vst v44  }
0x132: {  	v44 =	vld [tilespmem:$0x1000D];
	_ =	sdelay $0x4  }
0x133: {  	[tilespmem:s15+$0x10880] =	vst v44  }
0x134: {  	v44 =	vld [tilespmem:$0x1001D];
	_ =	sdelay $0x4  }
0x135: {  	[tilespmem:s15+$0x10890] =	vst v44  }
0x136: {  	v44 =	vld [tilespmem:$0x1008E];
	_ =	sdelay $0x4  }
0x137: {  	[tilespmem:s15+$0x10900] =	vst v44  }
0x138: {  	v44 =	vld [tilespmem:$0x1009E];
	_ =	sdelay $0x4  }
0x139: {  	[tilespmem:s15+$0x10910] =	vst v44  }
0x13a: {  	v44 =	vld [tilespmem:$0x1010F];
	_ =	sdelay $0x4  }
0x13b: {  	v63 =	vor.u32 s19, v0;
	[tilespmem:s15+$0x10980] =	vst v44  }
0x13c: {  	s3 =	sadd.s32 $0xFFFFFFFF, s3;
	vm1 =	vlt.s32 v63, v38;
	v44 =	vld [tilespmem:$0x1011F]  }
0x13d: {  	p1 =	seq.s32 s3, $0x0;
	v43 =	vnsel vm1, $0x4006, v43  }
.Ltmp11:
0x13e: {  	_ = 	snop;
	(pc) =	sbr.rel @!p1 .LBB2_10-.Ltmp11, $4  }
0x13f: {  	_ = 	snop  }
0x140: {  	s31 =	sadd.s32 $0x1, s31;
	s12 =	sadd.s32 $0x800, s12;
	s16 =	sor.u32 $0x10200, s15  }
0x141: {  	s5 =	sadd.s32 $0x10, s5;
	s0 =	sadd.s32 $0x10, s0;
	s19 =	sadd.s32 $0x10, s19;
	[tilespmem:s15+$0x10990] =	vst v44  }
0x142: {  	[hbm4b:s8+s7] =	stream.indirect_vreg.scatter [tilespmem:s16], [sflag:$0x2], $0x80, v43, vm0, $0xb8;
	[tilespmem:$0x11200] =	vst v63  }
.Ltmp12:
0x143: {  	(pc) =	sbr.rel .LBB2_7-.Ltmp12, $2  }
0x144: {  	_ =	sdelay $0x2  }
0x145: {  	s31 =	smov.u32 s18  }
.LBB2_12:
0x146: {  	p1 =	slt.s32 s31, $0x1  }
0x147: {  	s0 =	simm.s32 @!p1 $0x2  }
0x148: {  	p2 =	seq.s32 @!p1 s31, $0x1;
	_ =	swait.ge @!p1 [sflag:s0], $0x800  }
0x149: {  	p2 =	por p2, p1;
	[sflag:s0] =	ssyncset.done @!p1 $0x0  }
0x14a: {  	[sflag:s0] =	ssyncadd.s32 @!p1 $0xFFFFF800;
	s0 =	simm.s32 @!p2 $0x2  }
0x14b: {  	_ =	swait.ge @!p2 [sflag:s0], $0x800  }
0x14c: {  	[sflag:s0] =	ssyncset.done @!p2 $0x0  }
0x14d: {  	[sflag:s0] =	ssyncadd.s32 @!p2 $0xFFFFF800  }
.LBB2_13:
0x14e: {  	s0 =	simm.s32 $0x0  }
0x14f: {  	[tilespmem:s17], [sflag:$0x1] =	stream.linear.gather [hbm4b:s13+s0], $0x1000, $0x38;
	[tilespmem:$0x11200] =	vst v63  }
0x150: {  	s1 =	sadd.s32 $0xF4280, s13;
	s3 =	simm.s32 $0x5400  }
0x151: {  	[tilespmem:s3], [sflag:$0x1] =	stream.linear.gather [hbm4b:s1+s0], $0x1000, $0x38;
	[tilespmem:$0x11200] =	vst v63  }
0x152: {  	s16 =	sadd.s32 $0x1E8500, s13;
	s18 =	simm.s32 $0x6800  }
0x153: {  	[tilespmem:s18], [sflag:$0x1] =	stream.linear.gather [hbm4b:s16+s0], $0x1000, $0x38;
	[tilespmem:$0x11200] =	vst v63  }
0x154: {  	s19 =	sadd.s32 $0x2DC780, s13;
	s20 =	simm.s32 $0x7C00  }
0x155: {  	[tilespmem:s20], [sflag:$0x1] =	stream.linear.gather [hbm4b:s19+s0], $0x1000, $0x38;
	[tilespmem:$0x11200] =	vst v63  }
0x156: {  	s31 =	rddreg [dreg:$0x1]  }
0x157: {  	[tilespmem:s0], [sflag:$0x3] =	stream.linear.gather [hbm4b:s31+s0], $0x4000, $0x38;
	[tilespmem:$0x11200] =	vst v63  }
0x158: {  	_ =	swait.ge [sflag:s21], $0x4000  }
0x159: {  	[sflag:s21] =	ssyncset.done $0x0  }
.Ltmp13:
0x15a: {  	[sflag:s21] =	ssyncadd.s32 $0xFFFFC000;
	(pc) =	sbr.rel .LBB2_14-.Ltmp13, $4  }
0x15b: {  	[tilespmem:$0xF800] =	vst v4  }
0x15c: {  	[tilespmem:$0xF810] =	vst v4  }
0x15d: {  	[tilespmem:$0xF820] =	vst v4  }
0x15e: {  	[tilespmem:$0xF830] =	vst v4  }
.LBB2_16:
0x15f: {  	s0 =	sadd.s32 $0x1, s0  }
0x160: {  	p1 =	seq.s32 s0, $0x400  }
.Ltmp14:
0x161: {  	_ = 	snop;
	(pc) =	sbr.rel @p1 .LBB2_17-.Ltmp14, $1  }
0x162: {  	_ =	sdelay $0x3  }
.LBB2_14:
0x163: {  	s1 =	sshll.u32 s0, $0x4  }
0x164: {  	v37 =	vld [tilespmem:s1+$0x0];
	_ =	sdelay $0x4  }
0x165: {  	vm1 =	vge.s32 v37, v2;
	vm2 =	vlt.s32 v37, v3  }
0x166: {  	vm1 =	vmand vm1, vm2  }
0x167: {  	v38 =	vmpcnt.ones.xlane vm1;
	_ =	sdelay $0x1  }
0x168: {  	(v2sf) =	vpush v38, $0x0;
	_ =	sdelay $0xe  }
0x169: {  	s3 =	spop (v2sf)  }
0x16a: {  	p1 =	slt.s32 s3, $0x1  }
.Ltmp15:
0x16b: {  	_ = 	snop;
	(pc) =	sbr.rel @p1 .LBB2_16-.Ltmp15, $4  }
0x16c: {  	_ = 	snop  }
0x16d: {  	v63 =	vor.u32 s1, v0  }
0x16e: {  	[tilespmem:$0xF900] =	vst v63  }
0x16f: {  	[tilespmem:$0xF880] =	vst v37  }
.LBB2_15:
0x170: {  	v37 =	vmctz.xlane vm1;
	_ =	sdelay $0x5  }
0x171: {  	v38 =	vld.idx.msk [tilespmem:v37+s22+$0x0], $0xffff;
	_ =	sdelay $0x4  }
0x172: {  	(v2sf) =	vpush v38, $0x0;
	_ =	sdelay $0xe  }
0x173: {  	s1 =	spop (v2sf)  }
0x174: {  	s3 =	ssub.s32 s1, s2;
	p1 =	sne.s32 s1, s2;
	s1 =	simm.s32 $0x1  }
0x175: {  	s5 =	sshra.s32 s3, $0x1F;
	s1 =	simm.s32 @!p1 $0x0  }
0x176: {  	s12 =	sand.u32 $0x1FF, s3;
	s1 =	sor.u32 s1, s5  }
0x177: {  	p2 =	sne.s32 s12, $0x0;
	p6 =	sne.s32 s1, $0x1  }
0x178: {  	s20 =	sshrl.u32 s5, $0x17;
	p1 =	por !p2, !p6  }
0x179: {  	s1 =	sadd.s32 s20, s3;
	s3 =	simm.s32 $0x1;
	p1 =	por !p1, !p1  }
0x17a: {  	s1 =	sshra.s32 s1, $0x9;
	s3 =	simm.s32 @!p1 $0x0  }
0x17b: {  	s1 =	ssub.s32 s1, s3  }
0x17c: {  	v39 =	vmov s1;
	_ =	sdelay $0x4  }
0x17d: {  	v40 =	vld.idx.msk [tilespmem:v39+s25+$0x0], $0xffff;
	_ =	sdelay $0x4  }
0x17e: {  	(v2sf) =	vpush v40, $0x0  }
0x17f: {  	vm2 =	vne.s32 v37, v0  }
0x180: {  	vm1 =	vmand vm1, vm2  }
0x181: {  	v62 =	vmpcnt.ones.xlane vm1;
	_ =	sdelay $0x1  }
0x182: {  	(v2sf) =	vpush v62, $0x0;
	_ =	sdelay $0x9  }
0x183: {  	s3 =	spop (v2sf)  }
0x184: {  	s1 =	smul.u32 $0x30, s1;
	p1 =	slt.s32 s3, $0x2F  }
0x185: {  	s3 =	simm.s32 @!p1 $0x2F  }
0x186: {  	v37 =	vld.idx.msk [tilespmem:v37+s23+$0x0], $0xffff;
	s1 =	sadd.s32 s3, s1  }
0x187: {  	v63 =	vmov s1  }
0x188: {  	s31 =	spop (v2sf)  }
0x189: {  	p1 =	sgt.s32 s31, $0x0  }
.Ltmp16:
0x18a: {  	v38 =	vbroadcast v38, $0x0;
	(pc) =	sbr.rel @p1 .LBB2_15-.Ltmp16, $4  }
0x18b: {  	v37 =	vbroadcast v37, $0x0  }
0x18c: {  	[tilespmem:v63+s26+$0x0] =	vst.idx.msk $0x1, v38  }
0x18d: {  	[tilespmem:v63+s28+$0x0] =	vst.idx.msk $0x1, v37  }
0x18e: {  	[tilespmem:v39+s25+$0x0] =	vst.idx.add.s32.msk $0x1, v5  }
.Ltmp17:
0x18f: {  	_ = 	snop;
	(pc) =	sbr.rel .LBB2_16-.Ltmp17, $1  }
0x190: {  	_ =	sdelay $0x3  }
.LBB2_17:
.Ltmp18:
0x191: {  	(pc) =	sbr.rel @!p0 .LBB2_25-.Ltmp18, $1  }
0x192: {  	_ =	sdelay $0x3  }
.Ltmp19:
0x193: {  	(pc) =	sbr.rel .LBB2_20-.Ltmp19, $3  }
0x194: {  	_ =	sdelay $0x1  }
0x195: {  	s31 =	simm.s32 $0x0  }
0x196: {  	s5 =	simm.s32 $0xE000;
	s0 =	simm.s32 $0xEC00;
	s1 =	simm.s32 $0x0  }
.LBB2_19:
0x197: {  	p1 =	seq.s32 s1, s11  }
.Ltmp20:
0x198: {  	_ = 	snop;
	(pc) =	sbr.rel @p1 .LBB2_24-.Ltmp20, $2  }
0x199: {  	_ =	sdelay $0x2  }
0x19a: {  	s5 =	sadd.s32 $0x30, s5;
	s0 =	sadd.s32 $0x30, s0  }
.LBB2_20:
0x19b: {  	s12 =	smov.u32 s1;
	s1 =	sadd.s32 $0x1, s1  }
0x19c: {  	p1 =	sge.s32 s1, s11  }
0x19d: {  	s3 =	sshll.u32 @!p1 s1, $0x9  }
0x19e: {  	s14 =	sand.u32 @!p1 $0x1, s1;
	s3 =	sadd.s32 @!p1 s2, s3  }
0x19f: {  	p2 =	seq.s32 @!p1 s14, $0x1;
	p3 =	slt.s32 @!p1 s3, $0xF4080  }
0x1a0: {  	s14 =	simm.s32 @!p1 $0x5000;
	p2 =	por !p2, p1;
	p3 =	por !p3, p1  }
0x1a1: {  	s14 =	simm.s32 @p2 $0x0;
	s3 =	simm.s32 @p3 $0xF4080  }
0x1a2: {  	s16 =	simm.s32 @!p1 $0x0;
	s15 =	sadd.s32 @!p1 $0x4000, s14;
	s3 =	sadd.s32 @!p1 s6, s3  }
0x1a3: {  	[tilespmem:s15], [sflag:$0x1] =	stream.linear.gather @!p1 [hbm4b:s3+s16], $0x1000, $0x38;
	[tilespmem:$0x11200] =	vst v63  }
0x1a4: {  	s18 =	sadd.s32 @!p1 $0x5400, s14;
	s15 =	sadd.s32 @!p1 $0xF4280, s3  }
0x1a5: {  	[tilespmem:s18], [sflag:$0x1] =	stream.linear.gather @!p1 [hbm4b:s15+s16], $0x1000, $0x38;
	[tilespmem:$0x11200] =	vst v63  }
0x1a6: {  	s15 =	sadd.s32 @!p1 $0x1E8500, s3;
	s18 =	sadd.s32 @!p1 $0x6800, s14  }
0x1a7: {  	[tilespmem:s18], [sflag:$0x1] =	stream.linear.gather @!p1 [hbm4b:s15+s16], $0x1000, $0x38;
	[tilespmem:$0x11200] =	vst v63  }
0x1a8: {  	v37 =	vmov s12;
	s3 =	sadd.s32 @!p1 $0x2DC780, s3;
	s14 =	sadd.s32 @!p1 $0x7C00, s14  }
0x1a9: {  	[tilespmem:s14], [sflag:$0x1] =	stream.linear.gather @!p1 [hbm4b:s3+s16], $0x1000, $0x38;
	[tilespmem:$0x11200] =	vst v63  }
0x1aa: {  	_ =	swait.ge [sflag:s24], $0x4000  }
0x1ab: {  	[sflag:s24] =	ssyncset.done $0x0  }
0x1ac: {  	[sflag:s24] =	ssyncadd.s32 $0xFFFFC000  }
0x1ad: {  	v38 =	vld.idx.msk [tilespmem:v37+s25+$0x0], $0xffff;
	_ =	sdelay $0x4  }
0x1ae: {  	(v2sf) =	vpush v38, $0x0;
	_ =	sdelay $0xe  }
0x1af: {  	s16 =	spop (v2sf)  }
0x1b0: {  	s3 =	sadd.s32 $0xF, s16  }
0x1b1: {  	s18 =	sand.u32 $0xF, s3  }
0x1b2: {  	s19 =	sshra.s32 s3, $0x1F;
	p5 =	slt.s32 s3, $0x1;
	p6 =	sne.s32 s18, $0x0  }
0x1b3: {  	s20 =	sshrl.u32 s19, $0x1C;
	p1 =	por !p5, !p6  }
0x1b4: {  	s15 =	simm.s32 $0x1;
	s3 =	sadd.s32 s20, s3;
	p1 =	por !p1, !p1  }
0x1b5: {  	s14 =	sshra.s32 s3, $0x4;
	s15 =	simm.s32 @!p1 $0x0  }
0x1b6: {  	s3 =	ssub.s32 s14, s15  }
0x1b7: {  	p2 =	slt.s32 s3, $0x1  }
.Ltmp21:
0x1b8: {  	_ = 	snop;
	(pc) =	sbr.rel @p2 .LBB2_19-.Ltmp21, $1  }
0x1b9: {  	_ =	sdelay $0x3  }
0x1ba: {  	s15 =	sand.u32 $0x1, s12  }
0x1bb: {  	s20 =	sshll.u32 s12, $0x9;
	v37 =	vmov s15  }
0x1bc: {  	s12 =	sadd.s32 s2, s20;
	v37 =	vmul.u32 $0x5000, v37  }
0x1bd: {  	p2 =	slt.s32 s12, $0xF4080  }
0x1be: {  	s14 =	sadd.s32 s14, s31;
	s15 =	simm.s32 $0xFFFFFFFF;
	s12 =	simm.s32 @!p2 $0xF4080;
	v37 =	vbroadcast v37, $0x0  }
0x1bf: {  	v38 =	vbroadcast v38, $0x0;
	s19 =	simm.s32 $0x0;
	s20 =	smov.u32 s0;
	s15 =	simm.s32 @!p1 $0x0;
	v39 =	vmov s12  }
0x1c0: {  	s18 =	sadd.s32 s15, s14;
	s14 =	smov.u32 s5;
	s12 =	sshll.u32 s31, $0xB;
	v40 =	vadd.s32 $0x1400, v37;
	v41 =	vadd.s32 $0x2800, v37;
	v42 =	vadd.s32 $0x3C00, v37  }
.LBB2_22:
0x1c1: {  	p1 =	slt.s32 s31, $0x2  }
0x1c2: {  	s15 =	simm.s32 @!p1 $0x2  }
0x1c3: {  	_ =	swait.ge @!p1 [sflag:s15], $0x800  }
0x1c4: {  	[sflag:s15] =	ssyncset.done @!p1 $0x0  }
0x1c5: {  	[sflag:s15] =	ssyncadd.s32 @!p1 $0xFFFFF800  }
0x1c6: {  	v43 =	vld [tilespmem:s14+$0x0];
	_ =	sdelay $0x4  }
0x1c7: {  	v43 =	vsub.s32 v43, v39  }
0x1c8: {  	vm1 =	vgt.s32 v43, $0x0  }
0x1c9: {  	v43 =	vnsel vm1, $0x0, v43  }
0x1ca: {  	v44 =	vmin.u32 v43, $0x1FF  }
0x1cb: {  	v43 =	vshll.u32 v44, $0x3  }
0x1cc: {  	v45 =	vand.u32 $0xC00, v43  }
0x1cd: {  	v46 =	vand.u32 $0x7F, v44;
	v47 =	vor.u32 v37, v45  }
0x1ce: {  	v48 =	vor.u32 v46, v47;
	_ =	sdelay $0x4  }
0x1cf: {  	v49 =	vld.idx.msk [tilespmem:v48+s17+$0x0], $0xffff  }
0x1d0: {  	v50 =	vor.u32 $0x80, v48;
	_ =	sdelay $0x3  }
0x1d1: {  	v43 =	vld [tilespmem:s20+$0x0];
	[tilespmem:v1+s29+$0x0] =	vst.idx.msk $0xffff, v49  }
0x1d2: {  	v49 =	vld.idx.msk [tilespmem:v50+s17+$0x0], $0xffff  }
0x1d3: {  	v53 =	vor.u32 $0x100, v48;
	_ =	sdelay $0x3  }
0x1d4: {  	[tilespmem:v6+s29+$0x0] =	vst.idx.msk $0xffff, v49  }
0x1d5: {  	v47 =	vor.u32 v44, v47;
	v49 =	vld.idx.msk [tilespmem:v53+s17+$0x0], $0xffff  }
0x1d6: {  	v54 =	vor.u32 $0x180, v47;
	_ =	sdelay $0x3  }
0x1d7: {  	[tilespmem:v7+s29+$0x0] =	vst.idx.msk $0xffff, v49  }
0x1d8: {  	v49 =	vld.idx.msk [tilespmem:v54+s17+$0x0], $0xffff  }
0x1d9: {  	v55 =	vor.u32 $0x200, v48;
	_ =	sdelay $0x3  }
0x1da: {  	[tilespmem:v8+s29+$0x0] =	vst.idx.msk $0xffff, v49  }
0x1db: {  	v49 =	vld.idx.msk [tilespmem:v55+s17+$0x0], $0xffff  }
0x1dc: {  	v56 =	vor.u32 $0x280, v48;
	_ =	sdelay $0x3  }
0x1dd: {  	[tilespmem:v9+s29+$0x0] =	vst.idx.msk $0xffff, v49  }
0x1de: {  	v49 =	vld.idx.msk [tilespmem:v56+s17+$0x0], $0xffff  }
0x1df: {  	v48 =	vor.u32 $0x300, v48;
	_ =	sdelay $0x3  }
0x1e0: {  	[tilespmem:v10+s29+$0x0] =	vst.idx.msk $0xffff, v49  }
0x1e1: {  	v48 =	vld.idx.msk [tilespmem:v48+s17+$0x0], $0xffff  }
0x1e2: {  	v47 =	vor.u32 $0x380, v47;
	_ =	sdelay $0x3  }
0x1e3: {  	[tilespmem:v11+s29+$0x0] =	vst.idx.msk $0xffff, v48  }
0x1e4: {  	v57 =	vadd.s32 v40, v45;
	v47 =	vld.idx.msk [tilespmem:v47+s17+$0x0], $0xffff  }
0x1e5: {  	v58 =	vor.u32 v57, v46;
	_ =	sdelay $0x3  }
0x1e6: {  	[tilespmem:v12+s29+$0x0] =	vst.idx.msk $0xffff, v47  }
0x1e7: {  	v47 =	vld.idx.msk [tilespmem:v58+s17+$0x0], $0xffff  }
0x1e8: {  	v59 =	vor.u32 $0x80, v58;
	_ =	sdelay $0x3  }
0x1e9: {  	[tilespmem:v13+s29+$0x0] =	vst.idx.msk $0xffff, v47  }
0x1ea: {  	v47 =	vld.idx.msk [tilespmem:v59+s17+$0x0], $0xffff  }
0x1eb: {  	v60 =	vor.u32 $0x100, v58;
	_ =	sdelay $0x3  }
0x1ec: {  	[tilespmem:v14+s29+$0x0] =	vst.idx.msk $0xffff, v47  }
0x1ed: {  	v48 =	vor.u32 v57, v44;
	v47 =	vld.idx.msk [tilespmem:v60+s17+$0x0], $0xffff  }
0x1ee: {  	v61 =	vor.u32 $0x180, v48;
	_ =	sdelay $0x3  }
0x1ef: {  	[tilespmem:v15+s29+$0x0] =	vst.idx.msk $0xffff, v47  }
0x1f0: {  	v47 =	vld.idx.msk [tilespmem:v61+s17+$0x0], $0xffff  }
0x1f1: {  	v62 =	vor.u32 $0x200, v58;
	_ =	sdelay $0x3  }
0x1f2: {  	[tilespmem:v16+s29+$0x0] =	vst.idx.msk $0xffff, v47  }
0x1f3: {  	v47 =	vld.idx.msk [tilespmem:v62+s17+$0x0], $0xffff  }
0x1f4: {  	v63 =	vor.u32 $0x280, v58;
	_ =	sdelay $0x3  }
0x1f5: {  	[tilespmem:v17+s29+$0x0] =	vst.idx.msk $0xffff, v47  }
0x1f6: {  	v47 =	vld.idx.msk [tilespmem:v63+s17+$0x0], $0xffff  }
0x1f7: {  	v49 =	vor.u32 $0x300, v58;
	_ =	sdelay $0x3  }
0x1f8: {  	[tilespmem:v18+s29+$0x0] =	vst.idx.msk $0xffff, v47  }
0x1f9: {  	v47 =	vld.idx.msk [tilespmem:v49+s17+$0x0], $0xffff  }
0x1fa: {  	v48 =	vor.u32 $0x380, v48;
	_ =	sdelay $0x3  }
0x1fb: {  	[tilespmem:v19+s29+$0x0] =	vst.idx.msk $0xffff, v47  }
0x1fc: {  	v52 =	vadd.s32 v41, v45;
	v47 =	vld.idx.msk [tilespmem:v48+s17+$0x0], $0xffff  }
0x1fd: {  	v53 =	vor.u32 v52, v46;
	_ =	sdelay $0x3  }
0x1fe: {  	[tilespmem:v20+s29+$0x0] =	vst.idx.msk $0xffff, v47  }
0x1ff: {  	v47 =	vld.idx.msk [tilespmem:v53+s17+$0x0], $0xffff  }
0x200: {  	v54 =	vor.u32 $0x80, v53;
	_ =	sdelay $0x3  }
0x201: {  	[tilespmem:v21+s29+$0x0] =	vst.idx.msk $0xffff, v47  }
0x202: {  	v47 =	vld.idx.msk [tilespmem:v54+s17+$0x0], $0xffff  }
0x203: {  	v55 =	vor.u32 $0x100, v53;
	_ =	sdelay $0x3  }
0x204: {  	[tilespmem:v22+s29+$0x0] =	vst.idx.msk $0xffff, v47  }
0x205: {  	v48 =	vor.u32 v52, v44;
	v47 =	vld.idx.msk [tilespmem:v55+s17+$0x0], $0xffff  }
0x206: {  	v56 =	vor.u32 $0x180, v48;
	_ =	sdelay $0x3  }
0x207: {  	[tilespmem:v23+s29+$0x0] =	vst.idx.msk $0xffff, v47  }
0x208: {  	v47 =	vld.idx.msk [tilespmem:v56+s17+$0x0], $0xffff  }
0x209: {  	v57 =	vor.u32 $0x200, v53;
	_ =	sdelay $0x3  }
0x20a: {  	[tilespmem:v24+s29+$0x0] =	vst.idx.msk $0xffff, v47  }
0x20b: {  	v47 =	vld.idx.msk [tilespmem:v57+s17+$0x0], $0xffff  }
0x20c: {  	v58 =	vor.u32 $0x280, v53;
	_ =	sdelay $0x3  }
0x20d: {  	[tilespmem:v25+s29+$0x0] =	vst.idx.msk $0xffff, v47  }
0x20e: {  	v47 =	vld.idx.msk [tilespmem:v58+s17+$0x0], $0xffff  }
0x20f: {  	v49 =	vor.u32 $0x300, v53;
	_ =	sdelay $0x3  }
0x210: {  	[tilespmem:v26+s29+$0x0] =	vst.idx.msk $0xffff, v47  }
0x211: {  	v47 =	vld.idx.msk [tilespmem:v49+s17+$0x0], $0xffff  }
0x212: {  	v48 =	vor.u32 $0x380, v48;
	_ =	sdelay $0x3  }
0x213: {  	[tilespmem:v27+s29+$0x0] =	vst.idx.msk $0xffff, v47  }
0x214: {  	v45 =	vadd.s32 v42, v45;
	v47 =	vld.idx.msk [tilespmem:v48+s17+$0x0], $0xffff  }
0x215: {  	v46 =	vor.u32 v45, v46;
	_ =	sdelay $0x3  }
0x216: {  	[tilespmem:v28+s29+$0x0] =	vst.idx.msk $0xffff, v47  }
0x217: {  	v47 =	vld.idx.msk [tilespmem:v46+s17+$0x0], $0xffff  }
0x218: {  	v59 =	vor.u32 $0x80, v46;
	_ =	sdelay $0x3  }
0x219: {  	[tilespmem:v29+s29+$0x0] =	vst.idx.msk $0xffff, v47  }
0x21a: {  	v47 =	vld.idx.msk [tilespmem:v59+s17+$0x0], $0xffff  }
0x21b: {  	v60 =	vor.u32 $0x100, v46;
	_ =	sdelay $0x3  }
0x21c: {  	[tilespmem:v30+s29+$0x0] =	vst.idx.msk $0xffff, v47  }
0x21d: {  	v44 =	vor.u32 v45, v44;
	v47 =	vld.idx.msk [tilespmem:v60+s17+$0x0], $0xffff  }
0x21e: {  	v45 =	vor.u32 $0x180, v44;
	_ =	sdelay $0x3  }
0x21f: {  	[tilespmem:v31+s29+$0x0] =	vst.idx.msk $0xffff, v47  }
0x220: {  	v45 =	vld.idx.msk [tilespmem:v45+s17+$0x0], $0xffff  }
0x221: {  	v61 =	vor.u32 $0x200, v46;
	_ =	sdelay $0x3  }
0x222: {  	[tilespmem:v32+s29+$0x0] =	vst.idx.msk $0xffff, v45  }
0x223: {  	v45 =	vld.idx.msk [tilespmem:v61+s17+$0x0], $0xffff  }
0x224: {  	v62 =	vor.u32 $0x280, v46;
	_ =	sdelay $0x3  }
0x225: {  	[tilespmem:v33+s29+$0x0] =	vst.idx.msk $0xffff, v45  }
0x226: {  	v45 =	vld.idx.msk [tilespmem:v62+s17+$0x0], $0xffff  }
0x227: {  	v46 =	vor.u32 $0x300, v46;
	_ =	sdelay $0x3  }
0x228: {  	[tilespmem:v34+s29+$0x0] =	vst.idx.msk $0xffff, v45  }
0x229: {  	v45 =	vld.idx.msk [tilespmem:v46+s17+$0x0], $0xffff  }
0x22a: {  	v44 =	vor.u32 $0x380, v44;
	_ =	sdelay $0x3  }
0x22b: {  	[tilespmem:v35+s29+$0x0] =	vst.idx.msk $0xffff, v45  }
0x22c: {  	v44 =	vld.idx.msk [tilespmem:v44+s17+$0x0], $0xffff;
	_ =	sdelay $0x4  }
0x22d: {  	[tilespmem:v36+s29+$0x0] =	vst.idx.msk $0xffff, v44  }
0x22e: {  	v44 =	vld [tilespmem:$0xF980];
	_ =	sdelay $0x3  }
0x22f: {  	s15 =	sand.u32 $0x800, s12  }
0x230: {  	[tilespmem:s15+$0x10200] =	vst v44  }
0x231: {  	v44 =	vld [tilespmem:$0xF990];
	_ =	sdelay $0x4  }
0x232: {  	[tilespmem:s15+$0x10210] =	vst v44  }
0x233: {  	v44 =	vld [tilespmem:$0xFA01];
	_ =	sdelay $0x4  }
0x234: {  	[tilespmem:s15+$0x10280] =	vst v44  }
0x235: {  	v44 =	vld [tilespmem:$0xFA11];
	_ =	sdelay $0x4  }
0x236: {  	[tilespmem:s15+$0x10290] =	vst v44  }
0x237: {  	v44 =	vld [tilespmem:$0xFA82];
	_ =	sdelay $0x4  }
0x238: {  	[tilespmem:s15+$0x10300] =	vst v44  }
0x239: {  	v44 =	vld [tilespmem:$0xFA92];
	_ =	sdelay $0x4  }
0x23a: {  	[tilespmem:s15+$0x10310] =	vst v44  }
0x23b: {  	v44 =	vld [tilespmem:$0xFB03];
	_ =	sdelay $0x4  }
0x23c: {  	[tilespmem:s15+$0x10380] =	vst v44  }
0x23d: {  	v44 =	vld [tilespmem:$0xFB13];
	_ =	sdelay $0x4  }
0x23e: {  	[tilespmem:s15+$0x10390] =	vst v44  }
0x23f: {  	v44 =	vld [tilespmem:$0xFB84];
	_ =	sdelay $0x4  }
0x240: {  	[tilespmem:s15+$0x10400] =	vst v44  }
0x241: {  	v44 =	vld [tilespmem:$0xFB94];
	_ =	sdelay $0x4  }
0x242: {  	[tilespmem:s15+$0x10410] =	vst v44  }
0x243: {  	v44 =	vld [tilespmem:$0xFC05];
	_ =	sdelay $0x4  }
0x244: {  	[tilespmem:s15+$0x10480] =	vst v44  }
0x245: {  	v44 =	vld [tilespmem:$0xFC15];
	_ =	sdelay $0x4  }
0x246: {  	[tilespmem:s15+$0x10490] =	vst v44  }
0x247: {  	v44 =	vld [tilespmem:$0xFC86];
	_ =	sdelay $0x4  }
0x248: {  	[tilespmem:s15+$0x10500] =	vst v44  }
0x249: {  	v44 =	vld [tilespmem:$0xFC96];
	_ =	sdelay $0x4  }
0x24a: {  	[tilespmem:s15+$0x10510] =	vst v44  }
0x24b: {  	v44 =	vld [tilespmem:$0xFD07];
	_ =	sdelay $0x4  }
0x24c: {  	[tilespmem:s15+$0x10580] =	vst v44  }
0x24d: {  	v44 =	vld [tilespmem:$0xFD17];
	_ =	sdelay $0x4  }
0x24e: {  	[tilespmem:s15+$0x10590] =	vst v44  }
0x24f: {  	v44 =	vld [tilespmem:$0xFD88];
	_ =	sdelay $0x4  }
0x250: {  	[tilespmem:s15+$0x10600] =	vst v44  }
0x251: {  	v44 =	vld [tilespmem:$0xFD98];
	_ =	sdelay $0x4  }
0x252: {  	[tilespmem:s15+$0x10610] =	vst v44  }
0x253: {  	v44 =	vld [tilespmem:$0xFE09];
	_ =	sdelay $0x4  }
0x254: {  	[tilespmem:s15+$0x10680] =	vst v44  }
0x255: {  	v44 =	vld [tilespmem:$0xFE19];
	_ =	sdelay $0x4  }
0x256: {  	[tilespmem:s15+$0x10690] =	vst v44  }
0x257: {  	v44 =	vld [tilespmem:$0xFE8A];
	_ =	sdelay $0x4  }
0x258: {  	[tilespmem:s15+$0x10700] =	vst v44  }
0x259: {  	v44 =	vld [tilespmem:$0xFE9A];
	_ =	sdelay $0x4  }
0x25a: {  	[tilespmem:s15+$0x10710] =	vst v44  }
0x25b: {  	v44 =	vld [tilespmem:$0xFF0B];
	_ =	sdelay $0x4  }
0x25c: {  	[tilespmem:s15+$0x10780] =	vst v44  }
0x25d: {  	v44 =	vld [tilespmem:$0xFF1B];
	_ =	sdelay $0x4  }
0x25e: {  	[tilespmem:s15+$0x10790] =	vst v44  }
0x25f: {  	v44 =	vld [tilespmem:$0xFF8C];
	_ =	sdelay $0x4  }
0x260: {  	[tilespmem:s15+$0x10800] =	vst v44  }
0x261: {  	v44 =	vld [tilespmem:$0xFF9C];
	_ =	sdelay $0x4  }
0x262: {  	[tilespmem:s15+$0x10810] =	vst v44  }
0x263: {  	v44 =	vld [tilespmem:$0x1000D];
	_ =	sdelay $0x4  }
0x264: {  	[tilespmem:s15+$0x10880] =	vst v44  }
0x265: {  	v44 =	vld [tilespmem:$0x1001D];
	_ =	sdelay $0x4  }
0x266: {  	[tilespmem:s15+$0x10890] =	vst v44  }
0x267: {  	v44 =	vld [tilespmem:$0x1008E];
	_ =	sdelay $0x4  }
0x268: {  	[tilespmem:s15+$0x10900] =	vst v44  }
0x269: {  	v44 =	vld [tilespmem:$0x1009E];
	_ =	sdelay $0x4  }
0x26a: {  	[tilespmem:s15+$0x10910] =	vst v44  }
0x26b: {  	v44 =	vld [tilespmem:$0x1010F];
	_ =	sdelay $0x4  }
0x26c: {  	v63 =	vor.u32 s19, v0;
	[tilespmem:s15+$0x10980] =	vst v44  }
0x26d: {  	s3 =	sadd.s32 $0xFFFFFFFF, s3;
	vm1 =	vlt.s32 v63, v38;
	v44 =	vld [tilespmem:$0x1011F]  }
0x26e: {  	p1 =	seq.s32 s3, $0x0;
	v43 =	vnsel vm1, $0x4006, v43  }
.Ltmp22:
0x26f: {  	_ = 	snop;
	(pc) =	sbr.rel @!p1 .LBB2_22-.Ltmp22, $4  }
0x270: {  	_ = 	snop  }
0x271: {  	s31 =	sadd.s32 $0x1, s31;
	s12 =	sadd.s32 $0x800, s12;
	s16 =	sor.u32 $0x10200, s15  }
0x272: {  	s14 =	sadd.s32 $0x10, s14;
	s20 =	sadd.s32 $0x10, s20;
	s19 =	sadd.s32 $0x10, s19;
	[tilespmem:s15+$0x10990] =	vst v44  }
0x273: {  	[hbm4b:s9+s7] =	stream.indirect_vreg.scatter [tilespmem:s16], [sflag:$0x2], $0x80, v43, vm0, $0xb8;
	[tilespmem:$0x11200] =	vst v63  }
.Ltmp23:
0x274: {  	(pc) =	sbr.rel .LBB2_19-.Ltmp23, $2  }
0x275: {  	_ =	sdelay $0x2  }
0x276: {  	s31 =	smov.u32 s18  }
.LBB2_26:
0x277: {  	_ =	sfence.sel $0x180000  }
0x278: {  	[bflag:$0x0] =	sbarrier.arrive $0xFFFF  }
0x279: {  	_ =	strace $0x90000047  }
0x27a: {  	s0 =	stileid.u32;
	[bflag:$0x2] =	sbarrier.arrive $0xFFFF  }
0x27b: {  	p0 =	sne.s32 s0, $0x0;
	s0 =	rddreg [dreg:$0x5]  }
0x27c: {  	s0 =	sadd.s32 @!p0 $0x100000, s0  }
0x27d: {  	[sflag:s0] =	ssyncadd.tile.s32 @!p0 $0x1;
	_ =	shalt  }
.Lfunc_end2:
_tile_overlayer_lowered:
.L_overlay_start_2:
0x27e: {  	(tag) =	ssettag $0x2  }
0x27f: {  	s0 =	rddreg [dreg:$0x0];
	s2 =	stileid.u32  }
0x280: {  	s1 =	rddreg [dreg:$0x1];
	p0 =	sne.s32 s2, $0x0  }
0x281: {  	s3 =	rddreg [dreg:$0x2];
	[bflag:$0x3] =	sbarrier.arrive $0xFFFF;
	s2 =	simm.s32 @!p0 $0x1C03  }
0x282: {  	[timem:s3], [sflag:s2] =	dma.local @!p0 [hbm:s0], s1  }
0x283: {  	s0 =	simm.s32 @!p0 $0x3  }
0x284: {  	_ =	swait.ge @!p0 [sflag:s0], s1  }
0x285: {  	s1 =	ssub.s32 @!p0 $0x0, s1;
	[sflag:s0] =	ssyncset.done @!p0 $0x0  }
0x286: {  	[sflag:s0] =	ssyncadd.s32 @!p0 s1  }
0x287: {  	[bflag:$0x3] =	sbarrier.arrive $0xFFFF  }
0x288: {  	_ =	shalt  }

</sc_bundles>
